<compile_context>
chip_gen: v7x
topology: tpu7x:2x2x1
jax: 0.10.2.dev20260603
libtpu: 0.0.44.dev20260713+nightly
codegen_flags: <defaults>
</compile_context>

<pallas_src>
import jax
import jax.numpy as jnp
from jax import lax
from jax.experimental import pallas as pl
from jax.experimental.pallas import tpu as pltpu
from jax.experimental.pallas import tpu_sc as plsc

N_NODES = 10000
N_EDGES = 160000
D_IN = 256
D_H = 512
D_OUT = 64
D_E = 16
D_P = 32

NC = 2
NS = 16
CHUNK = 128
NP = 10240
EP = 163840
CHUNKS_PER_TILE = EP // NS // CHUNK
ROWS_PER_TILE = NP // NS

_MESH = plsc.VectorSubcoreMesh(
    core_axis_name="c", subcore_axis_name="s", num_cores=NC, num_subcores=NS)


_CHUNKS_PER_WORKER = EP // CHUNK // (NC * NS)
_ZB = ROWS_PER_TILE // CHUNK


def _sc0_body(pay, dstp, outp, accp, dslot, pv, isem):
    c = lax.axis_index("c")
    s = lax.axis_index("s")
    r0 = s * ROWS_PER_TILE

    zv = jnp.zeros((32,), jnp.bfloat16)

    def zrow(j, carry):
        pv[0, j] = zv
        return carry

    lax.fori_loop(0, CHUNK, zrow, 0)
    for k in range(_ZB):
        pltpu.sync_copy(pv.at[0], accp.at[pl.ds(r0 + k * CHUNK, CHUNK)])
    plsc.subcore_barrier()

    wid = s * NC + c
    ch0 = wid * _CHUNKS_PER_WORKER
    pltpu.sync_copy(pay.at[pl.ds(ch0 * CHUNK, CHUNK)], pv.at[0])
    pltpu.sync_copy(dstp.at[ch0], dslot.at[0])
    pltpu.async_copy(pay.at[pl.ds((ch0 + 1) * CHUNK, CHUNK)], pv.at[1], isem)
    pltpu.async_copy(dstp.at[ch0 + 1], dslot.at[1], isem)

    def chunk_body(i, carry):
        b = lax.rem(i, 2)

        @pl.when(i >= 1)
        def _():
            pltpu.make_async_copy(pay.at[pl.ds(0, CHUNK)], pv.at[b], isem).wait()
            pltpu.make_async_copy(dstp.at[ch0], dslot.at[b], isem).wait()

        pltpu.sync_copy(pv.at[b], accp.at[dslot.at[b]], add=True)

        @pl.when(i + 2 < _CHUNKS_PER_WORKER)
        def _():
            pltpu.async_copy(pay.at[pl.ds((ch0 + i + 2) * CHUNK, CHUNK)],
                             pv.at[b], isem)
            pltpu.async_copy(dstp.at[ch0 + i + 2], dslot.at[b], isem)

        return carry

    lax.fori_loop(0, _CHUNKS_PER_WORKER, chunk_body, 0)
    plsc.subcore_barrier()
    pltpu.sync_copy(accp.at[pl.ds(r0, ROWS_PER_TILE)],
                    outp.at[pl.ds(c * NP + r0, ROWS_PER_TILE)])


_sc0 = pl.kernel(
    _sc0_body,
    out_type=jax.ShapeDtypeStruct((2 * NP, D_P), jnp.bfloat16),
    mesh=_MESH,
    scratch_types=[
        pltpu.VMEM_SHARED((NP, D_P), jnp.bfloat16),
        pltpu.VMEM((2, CHUNK), jnp.int32),
        pltpu.VMEM((2, CHUNK, D_P), jnp.bfloat16),
        pltpu.SemaphoreType.DMA,
    ],
    compiler_params=pltpu.CompilerParams(use_tc_tiling_on_sc=False),
)


_IB = 8


def _sc1_body(x, srcp, dstp, outx, accx, sslot, dslot, rows, gsem, ssem):
    c = lax.axis_index("c")
    s = lax.axis_index("s")
    r0 = s * ROWS_PER_TILE
    coff = c * 128

    zv = jnp.zeros((16,), jnp.float32)

    def zrow(j, carry):
        for k in range(8):
            rows[0, j, pl.ds(16 * k, 16)] = zv
        return carry

    lax.fori_loop(0, CHUNK, zrow, 0)
    for k in range(_ZB):
        pltpu.sync_copy(rows.at[0], accx.at[pl.ds(r0 + k * CHUNK, CHUNK)])
    plsc.subcore_barrier()

    row0 = s * CHUNKS_PER_TILE

    pltpu.sync_copy(srcp.at[pl.ds(row0, _IB)], sslot.at[0])
    pltpu.sync_copy(dstp.at[pl.ds(row0, _IB)], dslot.at[0])
    pltpu.async_copy(x.at[sslot.at[0, 0], pl.ds(coff, 128)], rows.at[0], gsem)

    def chunk_body(i, carry):
        b = lax.rem(i, 2)
        nb = 1 - b
        ib = lax.rem(i // _IB, 2)

        @pl.when((lax.rem(i, _IB) == _IB - 1) & (i < CHUNKS_PER_TILE - 1))
        def _():
            nxt = pl.multiple_of(row0 + i + 1, _IB)
            pltpu.sync_copy(srcp.at[pl.ds(nxt, _IB)], sslot.at[1 - ib])
            pltpu.sync_copy(dstp.at[pl.ds(nxt, _IB)], dslot.at[1 - ib])

        @pl.when(i < CHUNKS_PER_TILE - 1)
        def _():
            @pl.when(i >= 1)
            def _():
                pltpu.make_async_copy(x.at[pl.ds(0, CHUNK), pl.ds(0, 128)],
                                      rows.at[nb], ssem).wait()

            j1 = lax.rem(i + 1, _IB)
            ib1 = lax.rem((i + 1) // _IB, 2)
            pltpu.async_copy(x.at[sslot.at[ib1, j1], pl.ds(coff, 128)],
                             rows.at[nb], gsem)

        pltpu.make_async_copy(x.at[pl.ds(0, CHUNK), pl.ds(0, 128)],
                              rows.at[b], gsem).wait()
        pltpu.async_copy(rows.at[b], accx.at[dslot.at[ib, lax.rem(i, _IB)]],
                         ssem, add=True)
        return carry

    lax.fori_loop(0, CHUNKS_PER_TILE, chunk_body, 0)
    for _ in range(2):
        pltpu.make_async_copy(x.at[pl.ds(0, CHUNK), pl.ds(0, 128)],
                              rows.at[0], ssem).wait()
    plsc.subcore_barrier()
    pltpu.sync_copy(accx.at[pl.ds(r0, ROWS_PER_TILE)],
                    outx.at[pl.ds(c * NP + r0, ROWS_PER_TILE)])


_sc1 = pl.kernel(
    _sc1_body,
    out_type=jax.ShapeDtypeStruct((2 * NP, 128), jnp.float32),
    mesh=_MESH,
    scratch_types=[
        pltpu.VMEM_SHARED((NP, 128), jnp.float32),
        pltpu.VMEM((2, _IB, CHUNK), jnp.int32),
        pltpu.VMEM((2, _IB, CHUNK), jnp.int32),
        pltpu.VMEM((2, CHUNK, 128), jnp.float32),
        pltpu.SemaphoreType.DMA,
        pltpu.SemaphoreType.DMA,
    ],
)


def _sc2_body(z, srcp, dstp, out2, acc2, sslot, dslot, rows, gsem, ssem):
    c = lax.axis_index("c")
    s = lax.axis_index("s")
    r0 = s * ROWS_PER_TILE

    zv = jnp.zeros((16,), jnp.float32)

    def zrow(j, carry):
        for k in range(D_OUT // 16):
            rows[0, j, pl.ds(16 * k, 16)] = zv
        return carry

    lax.fori_loop(0, CHUNK, zrow, 0)
    for k in range(_ZB):
        pltpu.sync_copy(rows.at[0], acc2.at[pl.ds(r0 + k * CHUNK, CHUNK)])
    plsc.subcore_barrier()

    wid = s * NC + c
    ch0 = wid * _CHUNKS_PER_WORKER

    pltpu.sync_copy(srcp.at[pl.ds(ch0, _IB)], sslot.at[0])
    pltpu.sync_copy(dstp.at[pl.ds(ch0, _IB)], dslot.at[0])
    pltpu.async_copy(z.at[sslot.at[0, 0]], rows.at[0], gsem)

    def chunk_body(i, carry):
        b = lax.rem(i, 2)
        nb = 1 - b
        ib = lax.rem(i // _IB, 2)

        @pl.when((lax.rem(i, _IB) == _IB - 1) & (i < _CHUNKS_PER_WORKER - 1))
        def _():
            nxt = pl.multiple_of(ch0 + i + 1, _IB)
            pltpu.sync_copy(srcp.at[pl.ds(nxt, _IB)], sslot.at[1 - ib])
            pltpu.sync_copy(dstp.at[pl.ds(nxt, _IB)], dslot.at[1 - ib])

        @pl.when(i < _CHUNKS_PER_WORKER - 1)
        def _():
            @pl.when(i >= 1)
            def _():
                pltpu.make_async_copy(z.at[pl.ds(0, CHUNK)], rows.at[nb],
                                      ssem).wait()

            j1 = lax.rem(i + 1, _IB)
            ib1 = lax.rem((i + 1) // _IB, 2)
            pltpu.async_copy(z.at[sslot.at[ib1, j1]], rows.at[nb], gsem)

        pltpu.make_async_copy(z.at[pl.ds(0, CHUNK)], rows.at[b], gsem).wait()
        pltpu.async_copy(rows.at[b], acc2.at[dslot.at[ib, lax.rem(i, _IB)]],
                         ssem, add=True)
        return carry

    lax.fori_loop(0, _CHUNKS_PER_WORKER, chunk_body, 0)
    for _ in range(2):
        pltpu.make_async_copy(z.at[pl.ds(0, CHUNK)], rows.at[0], ssem).wait()
    plsc.subcore_barrier()
    pltpu.sync_copy(acc2.at[pl.ds(r0, ROWS_PER_TILE)],
                    out2.at[pl.ds(c * NP + r0, ROWS_PER_TILE)])


_sc2 = pl.kernel(
    _sc2_body,
    out_type=jax.ShapeDtypeStruct((2 * NP, D_OUT), jnp.float32),
    mesh=_MESH,
    scratch_types=[
        pltpu.VMEM_SHARED((NP, D_OUT), jnp.float32),
        pltpu.VMEM((2, _IB, CHUNK), jnp.int32),
        pltpu.VMEM((2, _IB, CHUNK), jnp.int32),
        pltpu.VMEM((2, CHUNK, D_OUT), jnp.float32),
        pltpu.SemaphoreType.DMA,
        pltpu.SemaphoreType.DMA,
    ],
    compiler_params=pltpu.CompilerParams(use_tc_tiling_on_sc=False),
)


BM = 512
_PREC = None


def _tc1_body(x_r, a0_r, a1_r, p0_r, p1_r, wl1a_r, wl1b_r, wr1_r, we_r,
              bl1_r, be_r, wl2_r, h_r, z_r):
    p = p0_r[:].astype(jnp.float32) + p1_r[:].astype(jnp.float32)
    deg = p[:, 16:17]
    inv = 1.0 / jnp.maximum(deg, 1.0)
    acc = jnp.dot(a0_r[:] * inv, wl1a_r[:], precision=_PREC)
    acc = acc + jnp.dot(a1_r[:] * inv, wl1b_r[:], precision=_PREC)
    acc = acc + jnp.dot(x_r[:], wr1_r[:], precision=_PREC)
    acc = acc + jnp.dot(p[:, :D_E], we_r[:], precision=_PREC)
    acc = acc + bl1_r[:] + deg * be_r[:]
    h = jnp.maximum(acc, 0.0)
    h_r[:] = h
    z_r[:] = jnp.dot(h, wl2_r[:], precision=_PREC)


def _tc1(xp, a0, a1, p0, p1, wl1a, wl1b, wr1, we, bl1, be, wl2):
    grid = (NP // BM,)
    return pl.pallas_call(
        _tc1_body,
        grid=grid,
        in_specs=[
            pl.BlockSpec((BM, D_IN), lambda i: (i, 0)),
            pl.BlockSpec((BM, 128), lambda i: (i, 0)),
            pl.BlockSpec((BM, 128), lambda i: (i, 0)),
            pl.BlockSpec((BM, D_P), lambda i: (i, 0)),
            pl.BlockSpec((BM, D_P), lambda i: (i, 0)),
            pl.BlockSpec((128, D_H), lambda i: (0, 0)),
            pl.BlockSpec((128, D_H), lambda i: (0, 0)),
            pl.BlockSpec((D_IN, D_H), lambda i: (0, 0)),
            pl.BlockSpec((D_E, D_H), lambda i: (0, 0)),
            pl.BlockSpec((1, D_H), lambda i: (0, 0)),
            pl.BlockSpec((1, D_H), lambda i: (0, 0)),
            pl.BlockSpec((D_H, D_OUT), lambda i: (0, 0)),
        ],
        out_specs=[
            pl.BlockSpec((BM, D_H), lambda i: (i, 0)),
            pl.BlockSpec((BM, D_OUT), lambda i: (i, 0)),
        ],
        out_shape=[
            jax.ShapeDtypeStruct((NP, D_H), jnp.float32),
            jax.ShapeDtypeStruct((NP, D_OUT), jnp.float32),
        ],
    )(xp, a0, a1, p0, p1, wl1a, wl1b, wr1, we, bl1, be, wl2)


def _tc2_body(h_r, b0_r, b1_r, p0_r, p1_r, wr2_r, bl2_r, o_r):
    p = p0_r[:].astype(jnp.float32) + p1_r[:].astype(jnp.float32)
    inv = 1.0 / jnp.maximum(p[:, 16:17], 1.0)
    o = (b0_r[:] + b1_r[:]) * inv
    o = o + jnp.dot(h_r[:], wr2_r[:], precision=_PREC)
    o_r[:] = o + bl2_r[:]


def _tc2(h, b0, b1, p0, p1, wr2, bl2):
    grid = (NP // BM,)
    return pl.pallas_call(
        _tc2_body,
        grid=grid,
        in_specs=[
            pl.BlockSpec((BM, D_H), lambda i: (i, 0)),
            pl.BlockSpec((BM, D_OUT), lambda i: (i, 0)),
            pl.BlockSpec((BM, D_OUT), lambda i: (i, 0)),
            pl.BlockSpec((BM, D_P), lambda i: (i, 0)),
            pl.BlockSpec((BM, D_P), lambda i: (i, 0)),
            pl.BlockSpec((D_H, D_OUT), lambda i: (0, 0)),
            pl.BlockSpec((1, D_OUT), lambda i: (0, 0)),
        ],
        out_specs=pl.BlockSpec((BM, D_OUT), lambda i: (i, 0)),
        out_shape=jax.ShapeDtypeStruct((NP, D_OUT), jnp.float32),
    )(h, b0, b1, p0, p1, wr2, bl2)


@jax.jit
def kernel(x, edge_index, edge_attr, Wl1, bl1, Wr1, We, be, Wl2, bl2, Wr2):
    src = edge_index[0]
    dst = edge_index[1]

    xp = jnp.pad(x, ((0, NP - N_NODES), (0, 0)))
    srcp = jnp.pad(src, (0, EP - N_EDGES)).reshape(EP // CHUNK, CHUNK)
    dstp = jnp.pad(dst, (0, EP - N_EDGES),
                   constant_values=N_NODES).reshape(EP // CHUNK, CHUNK)
    pay = jnp.concatenate(
        [edge_attr, jnp.ones((N_EDGES, 1), jnp.float32),
         jnp.zeros((N_EDGES, D_P - D_E - 1), jnp.float32)], axis=1)
    pay = jnp.pad(pay, ((0, EP - N_EDGES), (0, 0))).astype(jnp.bfloat16)
    aggp = _sc0(pay, dstp)
    aggx = _sc1(x, srcp, dstp)
    a0, a1 = aggx[:NP], aggx[NP:]
    p0, p1 = aggp[:NP], aggp[NP:]

    h, z = _tc1(xp, a0, a1, p0, p1,
                Wl1[:128], Wl1[128:], Wr1, We,
                bl1.reshape(1, D_H), be.reshape(1, D_H), Wl2)

    agg2 = _sc2(z, srcp, dstp)
    out = _tc2(h, agg2[:NP], agg2[NP:], p0, p1, Wr2, bl2.reshape(1, D_OUT))
    return out[:N_NODES]

# --- scband reference (transcript-rebuilt; emitter-appended) ---
"""Pipeline reference for scband-egraph-sage-17093969838496 (READ-ONLY COPY).

The authoritative reference and input builder live on the scoring server;
editing this copy changes nothing except your own understanding.
"""

import jax, jax.numpy as jnp
import numpy as np

N = 10000
E = 160000
D_IN = 256
D_H = 512
D_OUT = 64
D_E = 16


def setup_inputs(seed: int = 0) -> dict:
    key = jax.random.key(seed)
    ks = jax.random.split(key, 12)
    x = jax.random.normal(ks[0], (N, D_IN), dtype=jnp.float32)
    edge_index = jax.random.randint(ks[1], (2, E), 0, N).astype(jnp.int32)
    edge_attr = jax.random.normal(ks[2], (E, D_E), dtype=jnp.float32)
    # SAGEConv layer 1: lin_l (aggregated neighbors, with bias) + lin_r (root)
    Wl1 = jax.random.normal(ks[3], (D_IN, D_H), dtype=jnp.float32) / np.sqrt(D_IN)
    bl1 = jnp.zeros((D_H,), dtype=jnp.float32)
    Wr1 = jax.random.normal(ks[4], (D_IN, D_H), dtype=jnp.float32) / np.sqrt(D_IN)
    # edge residual transform
    We = jax.random.normal(ks[5], (D_E, D_H), dtype=jnp.float32) / np.sqrt(D_E)
    be = jnp.zeros((D_H,), dtype=jnp.float32)
    # SAGEConv layer 2
    Wl2 = jax.random.normal(ks[6], (D_H, D_OUT), dtype=jnp.float32) / np.sqrt(D_H)
    bl2 = jnp.zeros((D_OUT,), dtype=jnp.float32)
    Wr2 = jax.random.normal(ks[7], (D_H, D_OUT), dtype=jnp.float32) / np.sqrt(D_H)
    return {"x": x, "edge_index": edge_index, "edge_attr": edge_attr,
            "Wl1": Wl1, "bl1": bl1, "Wr1": Wr1,
            "We": We, "be": be,
            "Wl2": Wl2, "bl2": bl2, "Wr2": Wr2}


def _sage_conv(x, edge_index, Wl, bl, Wr):
    # PyG SAGEConv with mean aggregation:
    # out_i = Wl * mean_{j in N(i)} x_j + bl + Wr * x_i
    src = edge_index[0]
    dst = edge_index[1]
    msgs = jnp.take(x, src, axis=0)
    agg = jax.ops.segment_sum(msgs, dst, num_segments=x.shape[0])
    deg = jax.ops.segment_sum(jnp.ones((msgs.shape[0],), dtype=x.dtype), dst,
                              num_segments=x.shape[0])
    mean = agg / jnp.clip(deg, 1.0, None)[:, None]
    return mean @ Wl + bl + x @ Wr


def reference(x, edge_index, edge_attr, Wl1, bl1, Wr1, We, be, Wl2, bl2, Wr2):
    # layer 1
    h = _sage_conv(x, edge_index, Wl1, bl1, Wr1)
    # residual edge-feature injection: x[edge_index[1]] += edge_transform(edge_attr)
    edge_embeds = edge_attr @ We + be
    h = h.at[edge_index[1]].add(edge_embeds)
    h = jax.nn.relu(h)
    # dropout p=0.5 is identity in eval mode
    # layer 2 (final, no activation)
    out = _sage_conv(h, edge_index, Wl2, bl2, Wr2)
    return out

if __name__ == "__main__":
    import jax
    _d = setup_inputs()
    print(jax.jit(kernel)(*tuple(_d.values())))

</pallas_src>

<mosaic_0001>
#map = affine_map<(d0, d1) -> (0, 0)>
module attributes {stable_mosaic.version = 14 : i64} {
  func.func @_sc0_body(%arg0: i32, %arg1: i32, %arg2: memref<163840x32xbf16, #tpu.memory_space<hbm>>, %arg3: memref<1280x128xi32, #tpu.memory_space<hbm>>, %arg4: memref<20480x32xbf16, #tpu.memory_space<hbm>>, %arg5: memref<10240x32xbf16, #tpu.memory_space<vmem_shared>>, %arg6: memref<2x128xi32, #tpu.memory_space<vmem>>, %arg7: memref<2x128x32xbf16, #tpu.memory_space<vmem>>, %arg8: memref<!tpu.dma_semaphore, #tpu.memory_space<semaphore_mem>>) attributes {dimension_semantics = [#tpu.dimension_semantics<core_parallel>, #tpu.dimension_semantics<subcore_parallel>], iteration_bounds = array<i64: 2, 16>, scalar_prefetch = 0 : i64, scratch_operands = 4 : i64, tpu.core_type = #tpu.core_type<sc_vector_subcore>, window_params = [{transform_indices = #map}, {transform_indices = #map}, {transform_indices = #map}]} {
    %mul3A = arith.constant 640 : i32
    %mul3A_0 = arith.muli %arg1, %mul3A : i32
    %broadcast_in_dim3A = arith.constant 0.000000e+00 : bf16
    %broadcast_in_dim3A_1 = vector.broadcast %broadcast_in_dim3A : bf16 to vector<32xbf16>
    %scan3A = arith.constant 0 : i32
    %scan3A_2 = arith.constant 0 : i32
    %scan3A_3 = arith.constant 128 : i32
    %scan3A_4 = arith.addi %scan3A_2, %scan3A_3 : i32
    %scan3A_5 = arith.constant 1 : i32
    scf.for %scan3A_70 = %scan3A_2 to %scan3A_4 step %scan3A_5  : i32 {
      %swap3A = arith.constant 0 : i32
      %swap3A_71 = arith.index_cast %swap3A : i32 to index
      %swap3A_72 = arith.index_cast %scan3A_70 : i32 to index
      %swap3A_73 = arith.constant 0 : index
      %swap3A_74 = tpu.vector_load %arg7[%swap3A_71, %swap3A_72, %swap3A_73] {strides = array<i32>} : memref<2x128x32xbf16, #tpu.memory_space<vmem>>, vector<1x1x32xbf16>,
      %swap3A_75 = vector.shape_cast %swap3A_74 : vector<1x1x32xbf16> to vector<32xbf16>
      %swap3A_76 = vector.shape_cast %broadcast_in_dim3A_1 : vector<32xbf16> to vector<1x1x32xbf16>
      tpu.vector_store %arg7[%swap3A_71, %swap3A_72, %swap3A_73], %swap3A_76 {strides = array<i32>} : memref<2x128x32xbf16, #tpu.memory_space<vmem>>, vector<1x1x32xbf16>,
    }
    %scan3A_6 = arith.constant 128 : i32
    %add3A = arith.constant 0 : i32
    %add3A_7 = arith.addi %mul3A_0, %add3A : i32
    %run_scoped3A = arith.constant 0 : i32
    "tpu.region"() ({
      %run_scoped3A_70 = tpu.sem_alloc : memref<!tpu.dma_semaphore, #tpu.memory_space<semaphore_mem>>
      %dma_start3A_71 = arith.constant 0 : i32
      %dma_start3A_72 = arith.constant 0 : i32
      %dma_start3A_73 = tpu.memref_slice %arg7[%run_scoped3A, %dma_start3A_71, %dma_start3A_72] : memref<2x128x32xbf16, #tpu.memory_space<vmem>> -> memref<1x128x32xbf16, #tpu.memory_space<vmem>>
      %dma_start3A_74 = tpu.memref_squeeze %dma_start3A_73 : memref<1x128x32xbf16, #tpu.memory_space<vmem>> -> memref<128x32xbf16, #tpu.memory_space<vmem>>
      %dma_start3A_75 = arith.constant 0 : i32
      %dma_start3A_76 = tpu.memref_slice %arg5[%add3A_7, %dma_start3A_75] : memref<10240x32xbf16, #tpu.memory_space<vmem_shared>> -> memref<128x32xbf16, #tpu.memory_space<vmem_shared>>
      %dma_start3A_77 = arith.constant 0 : i32
      %dma_start3A_78 = tpu.memref_slice %arg5[%add3A_7, %dma_start3A_77] : memref<10240x32xbf16, #tpu.memory_space<vmem_shared>> -> memref<128x32xbf16, #tpu.memory_space<vmem_shared>>
      %dma_start3A_79 = arith.constant 0 : i32
      %dma_start3A_80 = arith.constant 0 : i32
      %dma_start3A_81 = tpu.memref_slice %arg7[%run_scoped3A, %dma_start3A_79, %dma_start3A_80] : memref<2x128x32xbf16, #tpu.memory_space<vmem>> -> memref<1x128x32xbf16, #tpu.memory_space<vmem>>
      %dma_start3A_82 = tpu.memref_squeeze %dma_start3A_81 : memref<1x128x32xbf16, #tpu.memory_space<vmem>> -> memref<128x32xbf16, #tpu.memory_space<vmem>>
      tpu.enqueue_dma source(%dma_start3A_82 : memref<128x32xbf16, #tpu.memory_space<vmem>>) target(%dma_start3A_78 : memref<128x32xbf16, #tpu.memory_space<vmem_shared>>) target_semaphore(%run_scoped3A_70 : memref<!tpu.dma_semaphore, #tpu.memory_space<semaphore_mem>>)
      %dma_wait3A = arith.constant 0 : i32
      %dma_wait3A_83 = arith.constant 0 : i32
      %dma_wait3A_84 = tpu.memref_slice %arg7[%run_scoped3A, %dma_wait3A, %dma_wait3A_83] : memref<2x128x32xbf16, #tpu.memory_space<vmem>> -> memref<1x128x32xbf16, #tpu.memory_space<vmem>>
      %dma_wait3A_85 = tpu.memref_squeeze %dma_wait3A_84 : memref<1x128x32xbf16, #tpu.memory_space<vmem>> -> memref<128x32xbf16, #tpu.memory_space<vmem>>
      %dma_wait3A_86 = arith.constant 0 : i32
      %dma_wait3A_87 = tpu.memref_slice %arg5[%add3A_7, %dma_wait3A_86] : memref<10240x32xbf16, #tpu.memory_space<vmem_shared>> -> memref<128x32xbf16, #tpu.memory_space<vmem_shared>>
      %dma_wait3A_88 = arith.constant 0 : i32
      %dma_wait3A_89 = tpu.memref_slice %arg5[%add3A_7, %dma_wait3A_88] : memref<10240x32xbf16, #tpu.memory_space<vmem_shared>> -> memref<128x32xbf16, #tpu.memory_space<vmem_shared>>
      %dma_wait3A_90 = arith.constant 0 : i32
      %dma_wait3A_91 = arith.constant 0 : i32
      %dma_wait3A_92 = tpu.memref_slice %arg7[%run_scoped3A, %dma_wait3A_90, %dma_wait3A_91] : memref<2x128x32xbf16, #tpu.memory_space<vmem>> -> memref<1x128x32xbf16, #tpu.memory_space<vmem>>
      %dma_wait3A_93 = tpu.memref_squeeze %dma_wait3A_92 : memref<1x128x32xbf16, #tpu.memory_space<vmem>> -> memref<128x32xbf16, #tpu.memory_space<vmem>>
      tpu.wait_dma2 semaphore(%run_scoped3A_70 : memref<!tpu.dma_semaphore, #tpu.memory_space<semaphore_mem>>) src(%dma_wait3A_93 : memref<128x32xbf16, #tpu.memory_space<vmem>>) dst(%dma_wait3A_89 : memref<128x32xbf16, #tpu.memory_space<vmem_shared>>)
      tpu.yield
    }) : () -> ()
    %add3A_8 = arith.constant 128 : i32
    %add3A_9 = arith.addi %mul3A_0, %add3A_8 : i32
    %run_scoped3A_10 = arith.constant 0 : i32
    "tpu.region"() ({
      %run_scoped3A_70 = tpu.sem_alloc : memref<!tpu.dma_semaphore, #tpu.memory_space<semaphore_mem>>
      %dma_start3A_71 = arith.constant 0 : i32
      %dma_start3A_72 = arith.constant 0 : i32
      %dma_start3A_73 = tpu.memref_slice %arg7[%run_scoped3A_10, %dma_start3A_71, %dma_start3A_72] : memref<2x128x32xbf16, #tpu.memory_space<vmem>> -> memref<1x128x32xbf16, #tpu.memory_space<vmem>>
      %dma_start3A_74 = tpu.memref_squeeze %dma_start3A_73 : memref<1x128x32xbf16, #tpu.memory_space<vmem>> -> memref<128x32xbf16, #tpu.memory_space<vmem>>
      %dma_start3A_75 = arith.constant 0 : i32
      %dma_start3A_76 = tpu.memref_slice %arg5[%add3A_9, %dma_start3A_75] : memref<10240x32xbf16, #tpu.memory_space<vmem_shared>> -> memref<128x32xbf16, #tpu.memory_space<vmem_shared>>
      %dma_start3A_77 = arith.constant 0 : i32
      %dma_start3A_78 = tpu.memref_slice %arg5[%add3A_9, %dma_start3A_77] : memref<10240x32xbf16, #tpu.memory_space<vmem_shared>> -> memref<128x32xbf16, #tpu.memory_space<vmem_shared>>
      %dma_start3A_79 = arith.constant 0 : i32
      %dma_start3A_80 = arith.constant 0 : i32
      %dma_start3A_81 = tpu.memref_slice %arg7[%run_scoped3A_10, %dma_start3A_79, %dma_start3A_80] : memref<2x128x32xbf16, #tpu.memory_space<vmem>> -> memref<1x128x32xbf16, #tpu.memory_space<vmem>>
      %dma_start3A_82 = tpu.memref_squeeze %dma_start3A_81 : memref<1x128x32xbf16, #tpu.memory_space<vmem>> -> memref<128x32xbf16, #tpu.memory_space<vmem>>
      tpu.enqueue_dma source(%dma_start3A_82 : memref<128x32xbf16, #tpu.memory_space<vmem>>) target(%dma_start3A_78 : memref<128x32xbf16, #tpu.memory_space<vmem_shared>>) target_semaphore(%run_scoped3A_70 : memref<!tpu.dma_semaphore, #tpu.memory_space<semaphore_mem>>)
      %dma_wait3A = arith.constant 0 : i32
      %dma_wait3A_83 = arith.constant 0 : i32
      %dma_wait3A_84 = tpu.memref_slice %arg7[%run_scoped3A_10, %dma_wait3A, %dma_wait3A_83] : memref<2x128x32xbf16, #tpu.memory_space<vmem>> -> memref<1x128x32xbf16, #tpu.memory_space<vmem>>
      %dma_wait3A_85 = tpu.memref_squeeze %dma_wait3A_84 : memref<1x128x32xbf16, #tpu.memory_space<vmem>> -> memref<128x32xbf16, #tpu.memory_space<vmem>>
      %dma_wait3A_86 = arith.constant 0 : i32
      %dma_wait3A_87 = tpu.memref_slice %arg5[%add3A_9, %dma_wait3A_86] : memref<10240x32xbf16, #tpu.memory_space<vmem_shared>> -> memref<128x32xbf16, #tpu.memory_space<vmem_shared>>
      %dma_wait3A_88 = arith.constant 0 : i32
      %dma_wait3A_89 = tpu.memref_slice %arg5[%add3A_9, %dma_wait3A_88] : memref<10240x32xbf16, #tpu.memory_space<vmem_shared>> -> memref<128x32xbf16, #tpu.memory_space<vmem_shared>>
      %dma_wait3A_90 = arith.constant 0 : i32
      %dma_wait3A_91 = arith.constant 0 : i32
      %dma_wait3A_92 = tpu.memref_slice %arg7[%run_scoped3A_10, %dma_wait3A_90, %dma_wait3A_91] : memref<2x128x32xbf16, #tpu.memory_space<vmem>> -> memref<1x128x32xbf16, #tpu.memory_space<vmem>>
      %dma_wait3A_93 = tpu.memref_squeeze %dma_wait3A_92 : memref<1x128x32xbf16, #tpu.memory_space<vmem>> -> memref<128x32xbf16, #tpu.memory_space<vmem>>
      tpu.wait_dma2 semaphore(%run_scoped3A_70 : memref<!tpu.dma_semaphore, #tpu.memory_space<semaphore_mem>>) src(%dma_wait3A_93 : memref<128x32xbf16, #tpu.memory_space<vmem>>) dst(%dma_wait3A_89 : memref<128x32xbf16, #tpu.memory_space<vmem_shared>>)
      tpu.yield
    }) : () -> ()
    %add3A_11 = arith.constant 256 : i32
    %add3A_12 = arith.addi %mul3A_0, %add3A_11 : i32
    %run_scoped3A_13 = arith.constant 0 : i32
    "tpu.region"() ({
      %run_scoped3A_70 = tpu.sem_alloc : memref<!tpu.dma_semaphore, #tpu.memory_space<semaphore_mem>>
      %dma_start3A_71 = arith.constant 0 : i32
      %dma_start3A_72 = arith.constant 0 : i32
      %dma_start3A_73 = tpu.memref_slice %arg7[%run_scoped3A_13, %dma_start3A_71, %dma_start3A_72] : memref<2x128x32xbf16, #tpu.memory_space<vmem>> -> memref<1x128x32xbf16, #tpu.memory_space<vmem>>
      %dma_start3A_74 = tpu.memref_squeeze %dma_start3A_73 : memref<1x128x32xbf16, #tpu.memory_space<vmem>> -> memref<128x32xbf16, #tpu.memory_space<vmem>>
      %dma_start3A_75 = arith.constant 0 : i32
      %dma_start3A_76 = tpu.memref_slice %arg5[%add3A_12, %dma_start3A_75] : memref<10240x32xbf16, #tpu.memory_space<vmem_shared>> -> memref<128x32xbf16, #tpu.memory_space<vmem_shared>>
      %dma_start3A_77 = arith.constant 0 : i32
      %dma_start3A_78 = tpu.memref_slice %arg5[%add3A_12, %dma_start3A_77] : memref<10240x32xbf16, #tpu.memory_space<vmem_shared>> -> memref<128x32xbf16, #tpu.memory_space<vmem_shared>>
      %dma_start3A_79 = arith.constant 0 : i32
      %dma_start3A_80 = arith.constant 0 : i32
      %dma_start3A_81 = tpu.memref_slice %arg7[%run_scoped3A_13, %dma_start3A_79, %dma_start3A_80] : memref<2x128x32xbf16, #tpu.memory_space<vmem>> -> memref<1x128x32xbf16, #tpu.memory_space<vmem>>
      %dma_start3A_82 = tpu.memref_squeeze %dma_start3A_81 : memref<1x128x32xbf16, #tpu.memory_space<vmem>> -> memref<128x32xbf16, #tpu.memory_space<vmem>>
      tpu.enqueue_dma source(%dma_start3A_82 : memref<128x32xbf16, #tpu.memory_space<vmem>>) target(%dma_start3A_78 : memref<128x32xbf16, #tpu.memory_space<vmem_shared>>) target_semaphore(%run_scoped3A_70 : memref<!tpu.dma_semaphore, #tpu.memory_space<semaphore_mem>>)
      %dma_wait3A = arith.constant 0 : i32
      %dma_wait3A_83 = arith.constant 0 : i32
      %dma_wait3A_84 = tpu.memref_slice %arg7[%run_scoped3A_13, %dma_wait3A, %dma_wait3A_83] : memref<2x128x32xbf16, #tpu.memory_space<vmem>> -> memref<1x128x32xbf16, #tpu.memory_space<vmem>>
      %dma_wait3A_85 = tpu.memref_squeeze %dma_wait3A_84 : memref<1x128x32xbf16, #tpu.memory_space<vmem>> -> memref<128x32xbf16, #tpu.memory_space<vmem>>
      %dma_wait3A_86 = arith.constant 0 : i32
      %dma_wait3A_87 = tpu.memref_slice %arg5[%add3A_12, %dma_wait3A_86] : memref<10240x32xbf16, #tpu.memory_space<vmem_shared>> -> memref<128x32xbf16, #tpu.memory_space<vmem_shared>>
      %dma_wait3A_88 = arith.constant 0 : i32
      %dma_wait3A_89 = tpu.memref_slice %arg5[%add3A_12, %dma_wait3A_88] : memref<10240x32xbf16, #tpu.memory_space<vmem_shared>> -> memref<128x32xbf16, #tpu.memory_space<vmem_shared>>
      %dma_wait3A_90 = arith.constant 0 : i32
      %dma_wait3A_91 = arith.constant 0 : i32
      %dma_wait3A_92 = tpu.memref_slice %arg7[%run_scoped3A_13, %dma_wait3A_90, %dma_wait3A_91] : memref<2x128x32xbf16, #tpu.memory_space<vmem>> -> memref<1x128x32xbf16, #tpu.memory_space<vmem>>
      %dma_wait3A_93 = tpu.memref_squeeze %dma_wait3A_92 : memref<1x128x32xbf16, #tpu.memory_space<vmem>> -> memref<128x32xbf16, #tpu.memory_space<vmem>>
      tpu.wait_dma2 semaphore(%run_scoped3A_70 : memref<!tpu.dma_semaphore, #tpu.memory_space<semaphore_mem>>) src(%dma_wait3A_93 : memref<128x32xbf16, #tpu.memory_space<vmem>>) dst(%dma_wait3A_89 : memref<128x32xbf16, #tpu.memory_space<vmem_shared>>)
      tpu.yield
    }) : () -> ()
    %add3A_14 = arith.constant 384 : i32
    %add3A_15 = arith.addi %mul3A_0, %add3A_14 : i32
    %run_scoped3A_16 = arith.constant 0 : i32
    "tpu.region"() ({
      %run_scoped3A_70 = tpu.sem_alloc : memref<!tpu.dma_semaphore, #tpu.memory_space<semaphore_mem>>
      %dma_start3A_71 = arith.constant 0 : i32
      %dma_start3A_72 = arith.constant 0 : i32
      %dma_start3A_73 = tpu.memref_slice %arg7[%run_scoped3A_16, %dma_start3A_71, %dma_start3A_72] : memref<2x128x32xbf16, #tpu.memory_space<vmem>> -> memref<1x128x32xbf16, #tpu.memory_space<vmem>>
      %dma_start3A_74 = tpu.memref_squeeze %dma_start3A_73 : memref<1x128x32xbf16, #tpu.memory_space<vmem>> -> memref<128x32xbf16, #tpu.memory_space<vmem>>
      %dma_start3A_75 = arith.constant 0 : i32
      %dma_start3A_76 = tpu.memref_slice %arg5[%add3A_15, %dma_start3A_75] : memref<10240x32xbf16, #tpu.memory_space<vmem_shared>> -> memref<128x32xbf16, #tpu.memory_space<vmem_shared>>
      %dma_start3A_77 = arith.constant 0 : i32
      %dma_start3A_78 = tpu.memref_slice %arg5[%add3A_15, %dma_start3A_77] : memref<10240x32xbf16, #tpu.memory_space<vmem_shared>> -> memref<128x32xbf16, #tpu.memory_space<vmem_shared>>
      %dma_start3A_79 = arith.constant 0 : i32
      %dma_start3A_80 = arith.constant 0 : i32
      %dma_start3A_81 = tpu.memref_slice %arg7[%run_scoped3A_16, %dma_start3A_79, %dma_start3A_80] : memref<2x128x32xbf16, #tpu.memory_space<vmem>> -> memref<1x128x32xbf16, #tpu.memory_space<vmem>>
      %dma_start3A_82 = tpu.memref_squeeze %dma_start3A_81 : memref<1x128x32xbf16, #tpu.memory_space<vmem>> -> memref<128x32xbf16, #tpu.memory_space<vmem>>
      tpu.enqueue_dma source(%dma_start3A_82 : memref<128x32xbf16, #tpu.memory_space<vmem>>) target(%dma_start3A_78 : memref<128x32xbf16, #tpu.memory_space<vmem_shared>>) target_semaphore(%run_scoped3A_70 : memref<!tpu.dma_semaphore, #tpu.memory_space<semaphore_mem>>)
      %dma_wait3A = arith.constant 0 : i32
      %dma_wait3A_83 = arith.constant 0 : i32
      %dma_wait3A_84 = tpu.memref_slice %arg7[%run_scoped3A_16, %dma_wait3A, %dma_wait3A_83] : memref<2x128x32xbf16, #tpu.memory_space<vmem>> -> memref<1x128x32xbf16, #tpu.memory_space<vmem>>
      %dma_wait3A_85 = tpu.memref_squeeze %dma_wait3A_84 : memref<1x128x32xbf16, #tpu.memory_space<vmem>> -> memref<128x32xbf16, #tpu.memory_space<vmem>>
      %dma_wait3A_86 = arith.constant 0 : i32
      %dma_wait3A_87 = tpu.memref_slice %arg5[%add3A_15, %dma_wait3A_86] : memref<10240x32xbf16, #tpu.memory_space<vmem_shared>> -> memref<128x32xbf16, #tpu.memory_space<vmem_shared>>
      %dma_wait3A_88 = arith.constant 0 : i32
      %dma_wait3A_89 = tpu.memref_slice %arg5[%add3A_15, %dma_wait3A_88] : memref<10240x32xbf16, #tpu.memory_space<vmem_shared>> -> memref<128x32xbf16, #tpu.memory_space<vmem_shared>>
      %dma_wait3A_90 = arith.constant 0 : i32
      %dma_wait3A_91 = arith.constant 0 : i32
      %dma_wait3A_92 = tpu.memref_slice %arg7[%run_scoped3A_16, %dma_wait3A_90, %dma_wait3A_91] : memref<2x128x32xbf16, #tpu.memory_space<vmem>> -> memref<1x128x32xbf16, #tpu.memory_space<vmem>>
      %dma_wait3A_93 = tpu.memref_squeeze %dma_wait3A_92 : memref<1x128x32xbf16, #tpu.memory_space<vmem>> -> memref<128x32xbf16, #tpu.memory_space<vmem>>
      tpu.wait_dma2 semaphore(%run_scoped3A_70 : memref<!tpu.dma_semaphore, #tpu.memory_space<semaphore_mem>>) src(%dma_wait3A_93 : memref<128x32xbf16, #tpu.memory_space<vmem>>) dst(%dma_wait3A_89 : memref<128x32xbf16, #tpu.memory_space<vmem_shared>>)
      tpu.yield
    }) : () -> ()
    %add3A_17 = arith.constant 512 : i32
    %add3A_18 = arith.addi %mul3A_0, %add3A_17 : i32
    %run_scoped3A_19 = arith.constant 0 : i32
    "tpu.region"() ({
      %run_scoped3A_70 = tpu.sem_alloc : memref<!tpu.dma_semaphore, #tpu.memory_space<semaphore_mem>>
      %dma_start3A_71 = arith.constant 0 : i32
      %dma_start3A_72 = arith.constant 0 : i32
      %dma_start3A_73 = tpu.memref_slice %arg7[%run_scoped3A_19, %dma_start3A_71, %dma_start3A_72] : memref<2x128x32xbf16, #tpu.memory_space<vmem>> -> memref<1x128x32xbf16, #tpu.memory_space<vmem>>
      %dma_start3A_74 = tpu.memref_squeeze %dma_start3A_73 : memref<1x128x32xbf16, #tpu.memory_space<vmem>> -> memref<128x32xbf16, #tpu.memory_space<vmem>>
      %dma_start3A_75 = arith.constant 0 : i32
      %dma_start3A_76 = tpu.memref_slice %arg5[%add3A_18, %dma_start3A_75] : memref<10240x32xbf16, #tpu.memory_space<vmem_shared>> -> memref<128x32xbf16, #tpu.memory_space<vmem_shared>>
      %dma_start3A_77 = arith.constant 0 : i32
      %dma_start3A_78 = tpu.memref_slice %arg5[%add3A_18, %dma_start3A_77] : memref<10240x32xbf16, #tpu.memory_space<vmem_shared>> -> memref<128x32xbf16, #tpu.memory_space<vmem_shared>>
      %dma_start3A_79 = arith.constant 0 : i32
      %dma_start3A_80 = arith.constant 0 : i32
      %dma_start3A_81 = tpu.memref_slice %arg7[%run_scoped3A_19, %dma_start3A_79, %dma_start3A_80] : memref<2x128x32xbf16, #tpu.memory_space<vmem>> -> memref<1x128x32xbf16, #tpu.memory_space<vmem>>
      %dma_start3A_82 = tpu.memref_squeeze %dma_start3A_81 : memref<1x128x32xbf16, #tpu.memory_space<vmem>> -> memref<128x32xbf16, #tpu.memory_space<vmem>>
      tpu.enqueue_dma source(%dma_start3A_82 : memref<128x32xbf16, #tpu.memory_space<vmem>>) target(%dma_start3A_78 : memref<128x32xbf16, #tpu.memory_space<vmem_shared>>) target_semaphore(%run_scoped3A_70 : memref<!tpu.dma_semaphore, #tpu.memory_space<semaphore_mem>>)
      %dma_wait3A = arith.constant 0 : i32
      %dma_wait3A_83 = arith.constant 0 : i32
      %dma_wait3A_84 = tpu.memref_slice %arg7[%run_scoped3A_19, %dma_wait3A, %dma_wait3A_83] : memref<2x128x32xbf16, #tpu.memory_space<vmem>> -> memref<1x128x32xbf16, #tpu.memory_space<vmem>>
      %dma_wait3A_85 = tpu.memref_squeeze %dma_wait3A_84 : memref<1x128x32xbf16, #tpu.memory_space<vmem>> -> memref<128x32xbf16, #tpu.memory_space<vmem>>
      %dma_wait3A_86 = arith.constant 0 : i32
      %dma_wait3A_87 = tpu.memref_slice %arg5[%add3A_18, %dma_wait3A_86] : memref<10240x32xbf16, #tpu.memory_space<vmem_shared>> -> memref<128x32xbf16, #tpu.memory_space<vmem_shared>>
      %dma_wait3A_88 = arith.constant 0 : i32
      %dma_wait3A_89 = tpu.memref_slice %arg5[%add3A_18, %dma_wait3A_88] : memref<10240x32xbf16, #tpu.memory_space<vmem_shared>> -> memref<128x32xbf16, #tpu.memory_space<vmem_shared>>
      %dma_wait3A_90 = arith.constant 0 : i32
      %dma_wait3A_91 = arith.constant 0 : i32
      %dma_wait3A_92 = tpu.memref_slice %arg7[%run_scoped3A_19, %dma_wait3A_90, %dma_wait3A_91] : memref<2x128x32xbf16, #tpu.memory_space<vmem>> -> memref<1x128x32xbf16, #tpu.memory_space<vmem>>
      %dma_wait3A_93 = tpu.memref_squeeze %dma_wait3A_92 : memref<1x128x32xbf16, #tpu.memory_space<vmem>> -> memref<128x32xbf16, #tpu.memory_space<vmem>>
      tpu.wait_dma2 semaphore(%run_scoped3A_70 : memref<!tpu.dma_semaphore, #tpu.memory_space<semaphore_mem>>) src(%dma_wait3A_93 : memref<128x32xbf16, #tpu.memory_space<vmem>>) dst(%dma_wait3A_89 : memref<128x32xbf16, #tpu.memory_space<vmem_shared>>)
      tpu.yield
    }) : () -> ()
    %barrier3A = arith.constant 0 : index
    tpu.barrier barrier_id(%barrier3A)
    %mul3A_20 = arith.constant 2 : i32
    %mul3A_21 = arith.muli %arg1, %mul3A_20 : i32
    %add3A_22 = arith.addi %mul3A_21, %arg0 : i32
    %mul3A_23 = arith.constant 40 : i32
    %mul3A_24 = arith.muli %add3A_22, %mul3A_23 : i32
    %mul3A_25 = arith.constant 128 : i32
    %mul3A_26 = arith.muli %mul3A_24, %mul3A_25 : i32
    %run_scoped3A_27 = arith.constant 0 : i32
    "tpu.region"() ({
      %run_scoped3A_70 = tpu.sem_alloc : memref<!tpu.dma_semaphore, #tpu.memory_space<semaphore_mem>>
      %dma_start3A_71 = arith.constant 0 : i32
      %dma_start3A_72 = arith.constant 0 : i32
      %dma_start3A_73 = tpu.memref_slice %arg7[%run_scoped3A_27, %dma_start3A_71, %dma_start3A_72] : memref<2x128x32xbf16, #tpu.memory_space<vmem>> -> memref<1x128x32xbf16, #tpu.memory_space<vmem>>
      %dma_start3A_74 = tpu.memref_squeeze %dma_start3A_73 : memref<1x128x32xbf16, #tpu.memory_space<vmem>> -> memref<128x32xbf16, #tpu.memory_space<vmem>>
      %dma_start3A_75 = arith.constant 0 : i32
      %dma_start3A_76 = tpu.memref_slice %arg2[%mul3A_26, %dma_start3A_75] : memref<163840x32xbf16, #tpu.memory_space<hbm>> -> memref<128x32xbf16, #tpu.memory_space<hbm>>
      %dma_start3A_77 = arith.constant 0 : i32
      %dma_start3A_78 = arith.constant 0 : i32
      %dma_start3A_79 = tpu.memref_slice %arg7[%run_scoped3A_27, %dma_start3A_77, %dma_start3A_78] : memref<2x128x32xbf16, #tpu.memory_space<vmem>> -> memref<1x128x32xbf16, #tpu.memory_space<vmem>>
      %dma_start3A_80 = tpu.memref_squeeze %dma_start3A_79 : memref<1x128x32xbf16, #tpu.memory_space<vmem>> -> memref<128x32xbf16, #tpu.memory_space<vmem>>
      %dma_start3A_81 = arith.constant 0 : i32
      %dma_start3A_82 = tpu.memref_slice %arg2[%mul3A_26, %dma_start3A_81] : memref<163840x32xbf16, #tpu.memory_space<hbm>> -> memref<128x32xbf16, #tpu.memory_space<hbm>>
      tpu.enqueue_dma source(%dma_start3A_82 : memref<128x32xbf16, #tpu.memory_space<hbm>>) target(%dma_start3A_80 : memref<128x32xbf16, #tpu.memory_space<vmem>>) target_semaphore(%run_scoped3A_70 : memref<!tpu.dma_semaphore, #tpu.memory_space<semaphore_mem>>)
      %dma_wait3A = arith.constant 0 : i32
      %dma_wait3A_83 = arith.constant 0 : i32
      %dma_wait3A_84 = tpu.memref_slice %arg7[%run_scoped3A_27, %dma_wait3A, %dma_wait3A_83] : memref<2x128x32xbf16, #tpu.memory_space<vmem>> -> memref<1x128x32xbf16, #tpu.memory_space<vmem>>
      %dma_wait3A_85 = tpu.memref_squeeze %dma_wait3A_84 : memref<1x128x32xbf16, #tpu.memory_space<vmem>> -> memref<128x32xbf16, #tpu.memory_space<vmem>>
      %dma_wait3A_86 = arith.constant 0 : i32
      %dma_wait3A_87 = tpu.memref_slice %arg2[%mul3A_26, %dma_wait3A_86] : memref<163840x32xbf16, #tpu.memory_space<hbm>> -> memref<128x32xbf16, #tpu.memory_space<hbm>>
      %dma_wait3A_88 = arith.constant 0 : i32
      %dma_wait3A_89 = arith.constant 0 : i32
      %dma_wait3A_90 = tpu.memref_slice %arg7[%run_scoped3A_27, %dma_wait3A_88, %dma_wait3A_89] : memref<2x128x32xbf16, #tpu.memory_space<vmem>> -> memref<1x128x32xbf16, #tpu.memory_space<vmem>>
      %dma_wait3A_91 = tpu.memref_squeeze %dma_wait3A_90 : memref<1x128x32xbf16, #tpu.memory_space<vmem>> -> memref<128x32xbf16, #tpu.memory_space<vmem>>
      %dma_wait3A_92 = arith.constant 0 : i32
      %dma_wait3A_93 = tpu.memref_slice %arg2[%mul3A_26, %dma_wait3A_92] : memref<163840x32xbf16, #tpu.memory_space<hbm>> -> memref<128x32xbf16, #tpu.memory_space<hbm>>
      tpu.wait_dma2 semaphore(%run_scoped3A_70 : memref<!tpu.dma_semaphore, #tpu.memory_space<semaphore_mem>>) src(%dma_wait3A_93 : memref<128x32xbf16, #tpu.memory_space<hbm>>) dst(%dma_wait3A_91 : memref<128x32xbf16, #tpu.memory_space<vmem>>)
      tpu.yield
    }) : () -> ()
    %run_scoped3A_28 = arith.constant 0 : i32
    "tpu.region"() ({
      %run_scoped3A_70 = tpu.sem_alloc : memref<!tpu.dma_semaphore, #tpu.memory_space<semaphore_mem>>
      %dma_start3A_71 = arith.constant 0 : i32
      %dma_start3A_72 = tpu.memref_slice %arg6[%run_scoped3A_28, %dma_start3A_71] : memref<2x128xi32, #tpu.memory_space<vmem>> -> memref<1x128xi32, #tpu.memory_space<vmem>>
      %dma_start3A_73 = tpu.memref_squeeze %dma_start3A_72 : memref<1x128xi32, #tpu.memory_space<vmem>> -> memref<128xi32, #tpu.memory_space<vmem>>
      %dma_start3A_74 = arith.constant 0 : i32
      %dma_start3A_75 = tpu.memref_slice %arg3[%mul3A_24, %dma_start3A_74] : memref<1280x128xi32, #tpu.memory_space<hbm>> -> memref<1x128xi32, #tpu.memory_space<hbm>>
      %dma_start3A_76 = tpu.memref_squeeze %dma_start3A_75 : memref<1x128xi32, #tpu.memory_space<hbm>> -> memref<128xi32, #tpu.memory_space<hbm>>
      %dma_start3A_77 = arith.constant 0 : i32
      %dma_start3A_78 = tpu.memref_slice %arg6[%run_scoped3A_28, %dma_start3A_77] : memref<2x128xi32, #tpu.memory_space<vmem>> -> memref<1x128xi32, #tpu.memory_space<vmem>>
      %dma_start3A_79 = tpu.memref_squeeze %dma_start3A_78 : memref<1x128xi32, #tpu.memory_space<vmem>> -> memref<128xi32, #tpu.memory_space<vmem>>
      %dma_start3A_80 = arith.constant 0 : i32
      %dma_start3A_81 = tpu.memref_slice %arg3[%mul3A_24, %dma_start3A_80] : memref<1280x128xi32, #tpu.memory_space<hbm>> -> memref<1x128xi32, #tpu.memory_space<hbm>>
      %dma_start3A_82 = tpu.memref_squeeze %dma_start3A_81 : memref<1x128xi32, #tpu.memory_space<hbm>> -> memref<128xi32, #tpu.memory_space<hbm>>
      tpu.enqueue_dma source(%dma_start3A_82 : memref<128xi32, #tpu.memory_space<hbm>>) target(%dma_start3A_79 : memref<128xi32, #tpu.memory_space<vmem>>) target_semaphore(%run_scoped3A_70 : memref<!tpu.dma_semaphore, #tpu.memory_space<semaphore_mem>>)
      %dma_wait3A = arith.constant 0 : i32
      %dma_wait3A_83 = tpu.memref_slice %arg6[%run_scoped3A_28, %dma_wait3A] : memref<2x128xi32, #tpu.memory_space<vmem>> -> memref<1x128xi32, #tpu.memory_space<vmem>>
      %dma_wait3A_84 = tpu.memref_squeeze %dma_wait3A_83 : memref<1x128xi32, #tpu.memory_space<vmem>> -> memref<128xi32, #tpu.memory_space<vmem>>
      %dma_wait3A_85 = arith.constant 0 : i32
      %dma_wait3A_86 = tpu.memref_slice %arg3[%mul3A_24, %dma_wait3A_85] : memref<1280x128xi32, #tpu.memory_space<hbm>> -> memref<1x128xi32, #tpu.memory_space<hbm>>
      %dma_wait3A_87 = tpu.memref_squeeze %dma_wait3A_86 : memref<1x128xi32, #tpu.memory_space<hbm>> -> memref<128xi32, #tpu.memory_space<hbm>>
      %dma_wait3A_88 = arith.constant 0 : i32
      %dma_wait3A_89 = tpu.memref_slice %arg6[%run_scoped3A_28, %dma_wait3A_88] : memref<2x128xi32, #tpu.memory_space<vmem>> -> memref<1x128xi32, #tpu.memory_space<vmem>>
      %dma_wait3A_90 = tpu.memref_squeeze %dma_wait3A_89 : memref<1x128xi32, #tpu.memory_space<vmem>> -> memref<128xi32, #tpu.memory_space<vmem>>
      %dma_wait3A_91 = arith.constant 0 : i32
      %dma_wait3A_92 = tpu.memref_slice %arg3[%mul3A_24, %dma_wait3A_91] : memref<1280x128xi32, #tpu.memory_space<hbm>> -> memref<1x128xi32, #tpu.memory_space<hbm>>
      %dma_wait3A_93 = tpu.memref_squeeze %dma_wait3A_92 : memref<1x128xi32, #tpu.memory_space<hbm>> -> memref<128xi32, #tpu.memory_space<hbm>>
      tpu.wait_dma2 semaphore(%run_scoped3A_70 : memref<!tpu.dma_semaphore, #tpu.memory_space<semaphore_mem>>) src(%dma_wait3A_93 : memref<128xi32, #tpu.memory_space<hbm>>) dst(%dma_wait3A_90 : memref<128xi32, #tpu.memory_space<vmem>>)
      tpu.yield
    }) : () -> ()
    %add3A_29 = arith.constant 1 : i32
    %add3A_30 = arith.addi %mul3A_24, %add3A_29 : i32
    %mul3A_31 = arith.constant 128 : i32
    %mul3A_32 = arith.muli %add3A_30, %mul3A_31 : i32
    %dma_start3A = arith.constant 1 : i32
    %dma_start3A_33 = arith.constant 0 : i32
    %dma_start3A_34 = arith.constant 0 : i32
    %dma_start3A_35 = tpu.memref_slice %arg7[%dma_start3A, %dma_start3A_33, %dma_start3A_34] : memref<2x128x32xbf16, #tpu.memory_space<vmem>> -> memref<1x128x32xbf16, #tpu.memory_space<vmem>>
    %dma_start3A_36 = tpu.memref_squeeze %dma_start3A_35 : memref<1x128x32xbf16, #tpu.memory_space<vmem>> -> memref<128x32xbf16, #tpu.memory_space<vmem>>
    %dma_start3A_37 = arith.constant 0 : i32
    %dma_start3A_38 = tpu.memref_slice %arg2[%mul3A_32, %dma_start3A_37] : memref<163840x32xbf16, #tpu.memory_space<hbm>> -> memref<128x32xbf16, #tpu.memory_space<hbm>>
    %dma_start3A_39 = arith.constant 0 : i32
    %dma_start3A_40 = arith.constant 0 : i32
    %dma_start3A_41 = tpu.memref_slice %arg7[%dma_start3A, %dma_start3A_39, %dma_start3A_40] : memref<2x128x32xbf16, #tpu.memory_space<vmem>> -> memref<1x128x32xbf16, #tpu.memory_space<vmem>>
    %dma_start3A_42 = tpu.memref_squeeze %dma_start3A_41 : memref<1x128x32xbf16, #tpu.memory_space<vmem>> -> memref<128x32xbf16, #tpu.memory_space<vmem>>
    %dma_start3A_43 = arith.constant 0 : i32
    %dma_start3A_44 = tpu.memref_slice %arg2[%mul3A_32, %dma_start3A_43] : memref<163840x32xbf16, #tpu.memory_space<hbm>> -> memref<128x32xbf16, #tpu.memory_space<hbm>>
    tpu.enqueue_dma source(%dma_start3A_44 : memref<128x32xbf16, #tpu.memory_space<hbm>>) target(%dma_start3A_42 : memref<128x32xbf16, #tpu.memory_space<vmem>>) target_semaphore(%arg8 : memref<!tpu.dma_semaphore, #tpu.memory_space<semaphore_mem>>)
    %add3A_45 = arith.constant 1 : i32
    %add3A_46 = arith.addi %mul3A_24, %add3A_45 : i32
    %dma_start3A_47 = arith.constant 1 : i32
    %dma_start3A_48 = arith.constant 0 : i32
    %dma_start3A_49 = tpu.memref_slice %arg6[%dma_start3A_47, %dma_start3A_48] : memref<2x128xi32, #tpu.memory_space<vmem>> -> memref<1x128xi32, #tpu.memory_space<vmem>>
    %dma_start3A_50 = tpu.memref_squeeze %dma_start3A_49 : memref<1x128xi32, #tpu.memory_space<vmem>> -> memref<128xi32, #tpu.memory_space<vmem>>
    %dma_start3A_51 = arith.constant 0 : i32
    %dma_start3A_52 = tpu.memref_slice %arg3[%add3A_46, %dma_start3A_51] : memref<1280x128xi32, #tpu.memory_space<hbm>> -> memref<1x128xi32, #tpu.memory_space<hbm>>
    %dma_start3A_53 = tpu.memref_squeeze %dma_start3A_52 : memref<1x128xi32, #tpu.memory_space<hbm>> -> memref<128xi32, #tpu.memory_space<hbm>>
    %dma_start3A_54 = arith.constant 0 : i32
    %dma_start3A_55 = tpu.memref_slice %arg6[%dma_start3A_47, %dma_start3A_54] : memref<2x128xi32, #tpu.memory_space<vmem>> -> memref<1x128xi32, #tpu.memory_space<vmem>>
    %dma_start3A_56 = tpu.memref_squeeze %dma_start3A_55 : memref<1x128xi32, #tpu.memory_space<vmem>> -> memref<128xi32, #tpu.memory_space<vmem>>
    %dma_start3A_57 = arith.constant 0 : i32
    %dma_start3A_58 = tpu.memref_slice %arg3[%add3A_46, %dma_start3A_57] : memref<1280x128xi32, #tpu.memory_space<hbm>> -> memref<1x128xi32, #tpu.memory_space<hbm>>
    %dma_start3A_59 = tpu.memref_squeeze %dma_start3A_58 : memref<1x128xi32, #tpu.memory_space<hbm>> -> memref<128xi32, #tpu.memory_space<hbm>>
    tpu.enqueue_dma source(%dma_start3A_59 : memref<128xi32, #tpu.memory_space<hbm>>) target(%dma_start3A_56 : memref<128xi32, #tpu.memory_space<vmem>>) target_semaphore(%arg8 : memref<!tpu.dma_semaphore, #tpu.memory_space<semaphore_mem>>)
    %scan3A_60 = arith.constant 0 : i32
    %scan3A_61 = arith.constant 0 : i32
    %scan3A_62 = arith.constant 40 : i32
    %scan3A_63 = arith.addi %scan3A_61, %scan3A_62 : i32
    %scan3A_64 = arith.constant 1 : i32
    scf.for %scan3A_70 = %scan3A_61 to %scan3A_63 step %scan3A_64  : i32 {
      %rem3A = arith.constant 2 : i32
      %rem3A_71 = arith.remsi %scan3A_70, %rem3A : i32
      %ge3A = arith.constant 1 : i32
      %ge3A_72 = arith.cmpi sge, %scan3A_70, %ge3A : i32
      %convert_element_type3A = arith.extui %ge3A_72 : i1 to i32
      %cond3A = arith.constant 0 : i32
      %cond3A_73 = arith.cmpi ne, %convert_element_type3A, %cond3A : i32
      scf.if %cond3A_73 {
        %dma_wait3A = arith.constant 0 : i32
        %dma_wait3A_80 = arith.constant 0 : i32
        %dma_wait3A_81 = tpu.memref_slice %arg7[%rem3A_71, %dma_wait3A, %dma_wait3A_80] : memref<2x128x32xbf16, #tpu.memory_space<vmem>> -> memref<1x128x32xbf16, #tpu.memory_space<vmem>>
        %dma_wait3A_82 = tpu.memref_squeeze %dma_wait3A_81 : memref<1x128x32xbf16, #tpu.memory_space<vmem>> -> memref<128x32xbf16, #tpu.memory_space<vmem>>
        %dma_wait3A_83 = arith.constant 0 : i32
        %dma_wait3A_84 = arith.constant 0 : i32
        %dma_wait3A_85 = tpu.memref_slice %arg2[%dma_wait3A_83, %dma_wait3A_84] : memref<163840x32xbf16, #tpu.memory_space<hbm>> -> memref<128x32xbf16, #tpu.memory_space<hbm>>
        %dma_wait3A_86 = arith.constant 0 : i32
        %dma_wait3A_87 = arith.constant 0 : i32
        %dma_wait3A_88 = tpu.memref_slice %arg7[%rem3A_71, %dma_wait3A_86, %dma_wait3A_87] : memref<2x128x32xbf16, #tpu.memory_space<vmem>> -> memref<1x128x32xbf16, #tpu.memory_space<vmem>>
        %dma_wait3A_89 = tpu.memref_squeeze %dma_wait3A_88 : memref<1x128x32xbf16, #tpu.memory_space<vmem>> -> memref<128x32xbf16, #tpu.memory_space<vmem>>
        %dma_wait3A_90 = arith.constant 0 : i32
        %dma_wait3A_91 = arith.constant 0 : i32
        %dma_wait3A_92 = tpu.memref_slice %arg2[%dma_wait3A_90, %dma_wait3A_91] : memref<163840x32xbf16, #tpu.memory_space<hbm>> -> memref<128x32xbf16, #tpu.memory_space<hbm>>
        tpu.wait_dma2 semaphore(%arg8 : memref<!tpu.dma_semaphore, #tpu.memory_space<semaphore_mem>>) src(%dma_wait3A_92 : memref<128x32xbf16, #tpu.memory_space<hbm>>) dst(%dma_wait3A_89 : memref<128x32xbf16, #tpu.memory_space<vmem>>)
        %dma_wait3A_93 = arith.constant 0 : i32
        %dma_wait3A_94 = tpu.memref_slice %arg6[%rem3A_71, %dma_wait3A_93] : memref<2x128xi32, #tpu.memory_space<vmem>> -> memref<1x128xi32, #tpu.memory_space<vmem>>
        %dma_wait3A_95 = tpu.memref_squeeze %dma_wait3A_94 : memref<1x128xi32, #tpu.memory_space<vmem>> -> memref<128xi32, #tpu.memory_space<vmem>>
        %dma_wait3A_96 = arith.constant 0 : i32
        %dma_wait3A_97 = tpu.memref_slice %arg3[%mul3A_24, %dma_wait3A_96] : memref<1280x128xi32, #tpu.memory_space<hbm>> -> memref<1x128xi32, #tpu.memory_space<hbm>>
        %dma_wait3A_98 = tpu.memref_squeeze %dma_wait3A_97 : memref<1x128xi32, #tpu.memory_space<hbm>> -> memref<128xi32, #tpu.memory_space<hbm>>
        %dma_wait3A_99 = arith.constant 0 : i32
        %dma_wait3A_100 = tpu.memref_slice %arg6[%rem3A_71, %dma_wait3A_99] : memref<2x128xi32, #tpu.memory_space<vmem>> -> memref<1x128xi32, #tpu.memory_space<vmem>>
        %dma_wait3A_101 = tpu.memref_squeeze %dma_wait3A_100 : memref<1x128xi32, #tpu.memory_space<vmem>> -> memref<128xi32, #tpu.memory_space<vmem>>
        %dma_wait3A_102 = arith.constant 0 : i32
        %dma_wait3A_103 = tpu.memref_slice %arg3[%mul3A_24, %dma_wait3A_102] : memref<1280x128xi32, #tpu.memory_space<hbm>> -> memref<1x128xi32, #tpu.memory_space<hbm>>
        %dma_wait3A_104 = tpu.memref_squeeze %dma_wait3A_103 : memref<1x128xi32, #tpu.memory_space<hbm>> -> memref<128xi32, #tpu.memory_space<hbm>>
        tpu.wait_dma2 semaphore(%arg8 : memref<!tpu.dma_semaphore, #tpu.memory_space<semaphore_mem>>) src(%dma_wait3A_104 : memref<128xi32, #tpu.memory_space<hbm>>) dst(%dma_wait3A_101 : memref<128xi32, #tpu.memory_space<vmem>>)
      } else {
      }
      "tpu.region"() ({
        %run_scoped3A_80 = tpu.sem_alloc : memref<!tpu.dma_semaphore, #tpu.memory_space<semaphore_mem>>
        %dma_start3A_81 = arith.constant 0 : i32
        %dma_start3A_82 = arith.constant 0 : i32
        %dma_start3A_83 = tpu.memref_slice %arg7[%rem3A_71, %dma_start3A_81, %dma_start3A_82] : memref<2x128x32xbf16, #tpu.memory_space<vmem>> -> memref<1x128x32xbf16, #tpu.memory_space<vmem>>
        %dma_start3A_84 = tpu.memref_squeeze %dma_start3A_83 : memref<1x128x32xbf16, #tpu.memory_space<vmem>> -> memref<128x32xbf16, #tpu.memory_space<vmem>>
        %dma_start3A_85 = arith.constant 0 : i32
        %dma_start3A_86 = tpu.memref_slice %arg6[%rem3A_71, %dma_start3A_85] : memref<2x128xi32, #tpu.memory_space<vmem>> -> memref<1x128xi32, #tpu.memory_space<vmem>>
        %dma_start3A_87 = tpu.memref_squeeze %dma_start3A_86 : memref<1x128xi32, #tpu.memory_space<vmem>> -> memref<128xi32, #tpu.memory_space<vmem>>
        %dma_start3A_88 = arith.constant 0 : i32
        %dma_start3A_89 = arith.constant 0 : i32
        %dma_start3A_90 = tpu.memref_slice %arg5[%dma_start3A_88, %dma_start3A_89] : memref<10240x32xbf16, #tpu.memory_space<vmem_shared>> -> memref<10240x32xbf16, #tpu.memory_space<vmem_shared>>
        tpu.enqueue_indirect_dma source(%dma_start3A_84 : memref<128x32xbf16, #tpu.memory_space<vmem>>) target(%dma_start3A_90 : memref<10240x32xbf16, #tpu.memory_space<vmem_shared>>) offsets(%dma_start3A_87 : memref<128xi32, #tpu.memory_space<vmem>>) semaphore(%run_scoped3A_80 : memref<!tpu.dma_semaphore, #tpu.memory_space<semaphore_mem>>) {add = true}
        %dma_wait3A = arith.constant 0 : i32
        %dma_wait3A_91 = arith.constant 0 : i32
        %dma_wait3A_92 = tpu.memref_slice %arg7[%rem3A_71, %dma_wait3A, %dma_wait3A_91] : memref<2x128x32xbf16, #tpu.memory_space<vmem>> -> memref<1x128x32xbf16, #tpu.memory_space<vmem>>
        %dma_wait3A_93 = tpu.memref_squeeze %dma_wait3A_92 : memref<1x128x32xbf16, #tpu.memory_space<vmem>> -> memref<128x32xbf16, #tpu.memory_space<vmem>>
        %dma_wait3A_94 = arith.constant 0 : i32
        %dma_wait3A_95 = tpu.memref_slice %arg6[%rem3A_71, %dma_wait3A_94] : memref<2x128xi32, #tpu.memory_space<vmem>> -> memref<1x128xi32, #tpu.memory_space<vmem>>
        %dma_wait3A_96 = tpu.memref_squeeze %dma_wait3A_95 : memref<1x128xi32, #tpu.memory_space<vmem>> -> memref<128xi32, #tpu.memory_space<vmem>>
        %dma_wait3A_97 = arith.constant 0 : i32
        %dma_wait3A_98 = arith.constant 0 : i32
        %dma_wait3A_99 = tpu.memref_slice %arg5[%dma_wait3A_97, %dma_wait3A_98] : memref<10240x32xbf16, #tpu.memory_space<vmem_shared>> -> memref<10240x32xbf16, #tpu.memory_space<vmem_shared>>
        tpu.wait_indirect_dma semaphore(%run_scoped3A_80 : memref<!tpu.dma_semaphore, #tpu.memory_space<semaphore_mem>>) src(%dma_wait3A_93 : memref<128x32xbf16, #tpu.memory_space<vmem>>) dst(%dma_wait3A_99 : memref<10240x32xbf16, #tpu.memory_space<vmem_shared>>)
        tpu.yield
      }) : () -> ()
      %add3A_74 = arith.constant 2 : i32
      %add3A_75 = arith.addi %scan3A_70, %add3A_74 : i32
      %lt3A = arith.constant 40 : i32
      %lt3A_76 = arith.cmpi slt, %add3A_75, %lt3A : i32
      %convert_element_type3A_77 = arith.extui %lt3A_76 : i1 to i32
      %cond3A_78 = arith.constant 0 : i32
      %cond3A_79 = arith.cmpi ne, %convert_element_type3A_77, %cond3A_78 : i32
      scf.if %cond3A_79 {
        %add3A_80 = arith.addi %mul3A_24, %scan3A_70 : i32
        %add3A_81 = arith.constant 2 : i32
        %add3A_82 = arith.addi %add3A_80, %add3A_81 : i32
        %mul3A_83 = arith.constant 128 : i32
        %mul3A_84 = arith.muli %add3A_82, %mul3A_83 : i32
        %dma_start3A_85 = arith.constant 0 : i32
        %dma_start3A_86 = arith.constant 0 : i32
        %dma_start3A_87 = tpu.memref_slice %arg7[%rem3A_71, %dma_start3A_85, %dma_start3A_86] : memref<2x128x32xbf16, #tpu.memory_space<vmem>> -> memref<1x128x32xbf16, #tpu.memory_space<vmem>>
        %dma_start3A_88 = tpu.memref_squeeze %dma_start3A_87 : memref<1x128x32xbf16, #tpu.memory_space<vmem>> -> memref<128x32xbf16, #tpu.memory_space<vmem>>
        %dma_start3A_89 = arith.constant 0 : i32
        %dma_start3A_90 = tpu.memref_slice %arg2[%mul3A_84, %dma_start3A_89] : memref<163840x32xbf16, #tpu.memory_space<hbm>> -> memref<128x32xbf16, #tpu.memory_space<hbm>>
        %dma_start3A_91 = arith.constant 0 : i32
        %dma_start3A_92 = arith.constant 0 : i32
        %dma_start3A_93 = tpu.memref_slice %arg7[%rem3A_71, %dma_start3A_91, %dma_start3A_92] : memref<2x128x32xbf16, #tpu.memory_space<vmem>> -> memref<1x128x32xbf16, #tpu.memory_space<vmem>>
        %dma_start3A_94 = tpu.memref_squeeze %dma_start3A_93 : memref<1x128x32xbf16, #tpu.memory_space<vmem>> -> memref<128x32xbf16, #tpu.memory_space<vmem>>
        %dma_start3A_95 = arith.constant 0 : i32
        %dma_start3A_96 = tpu.memref_slice %arg2[%mul3A_84, %dma_start3A_95] : memref<163840x32xbf16, #tpu.memory_space<hbm>> -> memref<128x32xbf16, #tpu.memory_space<hbm>>
        tpu.enqueue_dma source(%dma_start3A_96 : memref<128x32xbf16, #tpu.memory_space<hbm>>) target(%dma_start3A_94 : memref<128x32xbf16, #tpu.memory_space<vmem>>) target_semaphore(%arg8 : memref<!tpu.dma_semaphore, #tpu.memory_space<semaphore_mem>>)
        %add3A_97 = arith.addi %mul3A_24, %scan3A_70 : i32
        %add3A_98 = arith.constant 2 : i32
        %add3A_99 = arith.addi %add3A_97, %add3A_98 : i32
        %dma_start3A_100 = arith.constant 0 : i32
        %dma_start3A_101 = tpu.memref_slice %arg6[%rem3A_71, %dma_start3A_100] : memref<2x128xi32, #tpu.memory_space<vmem>> -> memref<1x128xi32, #tpu.memory_space<vmem>>
        %dma_start3A_102 = tpu.memref_squeeze %dma_start3A_101 : memref<1x128xi32, #tpu.memory_space<vmem>> -> memref<128xi32, #tpu.memory_space<vmem>>
        %dma_start3A_103 = arith.constant 0 : i32
        %dma_start3A_104 = tpu.memref_slice %arg3[%add3A_99, %dma_start3A_103] : memref<1280x128xi32, #tpu.memory_space<hbm>> -> memref<1x128xi32, #tpu.memory_space<hbm>>
        %dma_start3A_105 = tpu.memref_squeeze %dma_start3A_104 : memref<1x128xi32, #tpu.memory_space<hbm>> -> memref<128xi32, #tpu.memory_space<hbm>>
        %dma_start3A_106 = arith.constant 0 : i32
        %dma_start3A_107 = tpu.memref_slice %arg6[%rem3A_71, %dma_start3A_106] : memref<2x128xi32, #tpu.memory_space<vmem>> -> memref<1x128xi32, #tpu.memory_space<vmem>>
        %dma_start3A_108 = tpu.memref_squeeze %dma_start3A_107 : memref<1x128xi32, #tpu.memory_space<vmem>> -> memref<128xi32, #tpu.memory_space<vmem>>
        %dma_start3A_109 = arith.constant 0 : i32
        %dma_start3A_110 = tpu.memref_slice %arg3[%add3A_99, %dma_start3A_109] : memref<1280x128xi32, #tpu.memory_space<hbm>> -> memref<1x128xi32, #tpu.memory_space<hbm>>
        %dma_start3A_111 = tpu.memref_squeeze %dma_start3A_110 : memref<1x128xi32, #tpu.memory_space<hbm>> -> memref<128xi32, #tpu.memory_space<hbm>>
        tpu.enqueue_dma source(%dma_start3A_111 : memref<128xi32, #tpu.memory_space<hbm>>) target(%dma_start3A_108 : memref<128xi32, #tpu.memory_space<vmem>>) target_semaphore(%arg8 : memref<!tpu.dma_semaphore, #tpu.memory_space<semaphore_mem>>)
      } else {
      }
    }
    %scan3A_65 = arith.constant 40 : i32
    %barrier3A_66 = arith.constant 0 : index
    tpu.barrier barrier_id(%barrier3A_66)
    %mul3A_67 = arith.constant 10240 : i32
    %mul3A_68 = arith.muli %arg0, %mul3A_67 : i32
    %add3A_69 = arith.addi %mul3A_68, %mul3A_0 : i32
    "tpu.region"() ({
      %run_scoped3A_70 = tpu.sem_alloc : memref<!tpu.dma_semaphore, #tpu.memory_space<semaphore_mem>>
      %dma_start3A_71 = arith.constant 0 : i32
      %dma_start3A_72 = tpu.memref_slice %arg4[%add3A_69, %dma_start3A_71] : memref<20480x32xbf16, #tpu.memory_space<hbm>> -> memref<640x32xbf16, #tpu.memory_space<hbm>>
      %dma_start3A_73 = arith.constant 0 : i32
      %dma_start3A_74 = tpu.memref_slice %arg5[%mul3A_0, %dma_start3A_73] : memref<10240x32xbf16, #tpu.memory_space<vmem_shared>> -> memref<640x32xbf16, #tpu.memory_space<vmem_shared>>
      tpu.enqueue_dma source(%dma_start3A_74 : memref<640x32xbf16, #tpu.memory_space<vmem_shared>>) target(%dma_start3A_72 : memref<640x32xbf16, #tpu.memory_space<hbm>>) target_semaphore(%run_scoped3A_70 : memref<!tpu.dma_semaphore, #tpu.memory_space<semaphore_mem>>)
      %dma_wait3A = arith.constant 0 : i32
      %dma_wait3A_75 = tpu.memref_slice %arg4[%add3A_69, %dma_wait3A] : memref<20480x32xbf16, #tpu.memory_space<hbm>> -> memref<640x32xbf16, #tpu.memory_space<hbm>>
      %dma_wait3A_76 = arith.constant 0 : i32
      %dma_wait3A_77 = tpu.memref_slice %arg5[%mul3A_0, %dma_wait3A_76] : memref<10240x32xbf16, #tpu.memory_space<vmem_shared>> -> memref<640x32xbf16, #tpu.memory_space<vmem_shared>>
      tpu.wait_dma2 semaphore(%run_scoped3A_70 : memref<!tpu.dma_semaphore, #tpu.memory_space<semaphore_mem>>) src(%dma_wait3A_77 : memref<640x32xbf16, #tpu.memory_space<vmem_shared>>) dst(%dma_wait3A_75 : memref<640x32xbf16, #tpu.memory_space<hbm>>)
      tpu.yield
    }) : () -> ()
    return
  }
}

#map = affine_map<(d0, d1) -> (0, 0)>
module attributes {stable_mosaic.version = 14 : i64} {
  func.func @_sc1_body(%arg0: i32, %arg1: i32, %arg2: memref<10000x256xf32, #tpu.memory_space<hbm>>, %arg3: memref<1280x128xi32, #tpu.memory_space<hbm>>, %arg4: memref<1280x128xi32, #tpu.memory_space<hbm>>, %arg5: memref<20480x128xf32, #tpu.memory_space<hbm>>, %arg6: memref<10240x128xf32, #tpu.memory_space<vmem_shared>>, %arg7: memref<2x8x128xi32, #tpu.memory_space<vmem>>, %arg8: memref<2x8x128xi32, #tpu.memory_space<vmem>>, %arg9: memref<2x128x128xf32, #tpu.memory_space<vmem>>, %arg10: memref<!tpu.dma_semaphore, #tpu.memory_space<semaphore_mem>>, %arg11: memref<!tpu.dma_semaphore, #tpu.memory_space<semaphore_mem>>) attributes {dimension_semantics = [#tpu.dimension_semantics<core_parallel>, #tpu.dimension_semantics<subcore_parallel>], iteration_bounds = array<i64: 2, 16>, scalar_prefetch = 0 : i64, scratch_operands = 6 : i64, tpu.core_type = #tpu.core_type<sc_vector_subcore>, window_params = [{transform_indices = #map}, {transform_indices = #map}, {transform_indices = #map}, {transform_indices = #map}]} {
    %mul3A = arith.constant 640 : i32
    %mul3A_0 = arith.muli %arg1, %mul3A : i32
    %mul3A_1 = arith.constant 128 : i32
    %mul3A_2 = arith.muli %arg0, %mul3A_1 : i32
    %broadcast_in_dim3A = arith.constant 0.000000e+00 : f32
    %broadcast_in_dim3A_3 = vector.broadcast %broadcast_in_dim3A : f32 to vector<16xf32>
    %scan3A = arith.constant 0 : i32
    %scan3A_4 = arith.constant 0 : i32
    %scan3A_5 = arith.constant 128 : i32
    %scan3A_6 = arith.addi %scan3A_4, %scan3A_5 : i32
    %scan3A_7 = arith.constant 1 : i32
    scf.for %scan3A_76 = %scan3A_4 to %scan3A_6 step %scan3A_7  : i32 {
      %swap3A = arith.constant 0 : i32
      %swap3A_77 = arith.index_cast %swap3A : i32 to index
      %swap3A_78 = arith.index_cast %scan3A_76 : i32 to index
      %swap3A_79 = arith.constant 0 : index
      %swap3A_80 = tpu.vector_load %arg9[%swap3A_77, %swap3A_78, %swap3A_79] {strides = array<i32>} : memref<2x128x128xf32, #tpu.memory_space<vmem>>, vector<1x1x16xf32>,
      %swap3A_81 = vector.shape_cast %swap3A_80 : vector<1x1x16xf32> to vector<16xf32>
      %swap3A_82 = vector.shape_cast %broadcast_in_dim3A_3 : vector<16xf32> to vector<1x1x16xf32>
      tpu.vector_store %arg9[%swap3A_77, %swap3A_78, %swap3A_79], %swap3A_82 {strides = array<i32>} : memref<2x128x128xf32, #tpu.memory_space<vmem>>, vector<1x1x16xf32>,
      %swap3A_83 = arith.constant 0 : i32
      %swap3A_84 = arith.index_cast %swap3A_83 : i32 to index
      %swap3A_85 = arith.index_cast %scan3A_76 : i32 to index
      %swap3A_86 = arith.constant 16 : index
      %swap3A_87 = tpu.vector_load %arg9[%swap3A_84, %swap3A_85, %swap3A_86] {strides = array<i32>} : memref<2x128x128xf32, #tpu.memory_space<vmem>>, vector<1x1x16xf32>,
      %swap3A_88 = vector.shape_cast %swap3A_87 : vector<1x1x16xf32> to vector<16xf32>
      %swap3A_89 = vector.shape_cast %broadcast_in_dim3A_3 : vector<16xf32> to vector<1x1x16xf32>
      tpu.vector_store %arg9[%swap3A_84, %swap3A_85, %swap3A_86], %swap3A_89 {strides = array<i32>} : memref<2x128x128xf32, #tpu.memory_space<vmem>>, vector<1x1x16xf32>,
      %swap3A_90 = arith.constant 0 : i32
      %swap3A_91 = arith.index_cast %swap3A_90 : i32 to index
      %swap3A_92 = arith.index_cast %scan3A_76 : i32 to index
      %swap3A_93 = arith.constant 32 : index
      %swap3A_94 = tpu.vector_load %arg9[%swap3A_91, %swap3A_92, %swap3A_93] {strides = array<i32>} : memref<2x128x128xf32, #tpu.memory_space<vmem>>, vector<1x1x16xf32>,
      %swap3A_95 = vector.shape_cast %swap3A_94 : vector<1x1x16xf32> to vector<16xf32>
      %swap3A_96 = vector.shape_cast %broadcast_in_dim3A_3 : vector<16xf32> to vector<1x1x16xf32>
      tpu.vector_store %arg9[%swap3A_91, %swap3A_92, %swap3A_93], %swap3A_96 {strides = array<i32>} : memref<2x128x128xf32, #tpu.memory_space<vmem>>, vector<1x1x16xf32>,
      %swap3A_97 = arith.constant 0 : i32
      %swap3A_98 = arith.index_cast %swap3A_97 : i32 to index
      %swap3A_99 = arith.index_cast %scan3A_76 : i32 to index
      %swap3A_100 = arith.constant 48 : index
      %swap3A_101 = tpu.vector_load %arg9[%swap3A_98, %swap3A_99, %swap3A_100] {strides = array<i32>} : memref<2x128x128xf32, #tpu.memory_space<vmem>>, vector<1x1x16xf32>,
      %swap3A_102 = vector.shape_cast %swap3A_101 : vector<1x1x16xf32> to vector<16xf32>
      %swap3A_103 = vector.shape_cast %broadcast_in_dim3A_3 : vector<16xf32> to vector<1x1x16xf32>
      tpu.vector_store %arg9[%swap3A_98, %swap3A_99, %swap3A_100], %swap3A_103 {strides = array<i32>} : memref<2x128x128xf32, #tpu.memory_space<vmem>>, vector<1x1x16xf32>,
      %swap3A_104 = arith.constant 0 : i32
      %swap3A_105 = arith.index_cast %swap3A_104 : i32 to index
      %swap3A_106 = arith.index_cast %scan3A_76 : i32 to index
      %swap3A_107 = arith.constant 64 : index
      %swap3A_108 = tpu.vector_load %arg9[%swap3A_105, %swap3A_106, %swap3A_107] {strides = array<i32>} : memref<2x128x128xf32, #tpu.memory_space<vmem>>, vector<1x1x16xf32>,
      %swap3A_109 = vector.shape_cast %swap3A_108 : vector<1x1x16xf32> to vector<16xf32>
      %swap3A_110 = vector.shape_cast %broadcast_in_dim3A_3 : vector<16xf32> to vector<1x1x16xf32>
      tpu.vector_store %arg9[%swap3A_105, %swap3A_106, %swap3A_107], %swap3A_110 {strides = array<i32>} : memref<2x128x128xf32, #tpu.memory_space<vmem>>, vector<1x1x16xf32>,
      %swap3A_111 = arith.constant 0 : i32
      %swap3A_112 = arith.index_cast %swap3A_111 : i32 to index
      %swap3A_113 = arith.index_cast %scan3A_76 : i32 to index
      %swap3A_114 = arith.constant 80 : index
      %swap3A_115 = tpu.vector_load %arg9[%swap3A_112, %swap3A_113, %swap3A_114] {strides = array<i32>} : memref<2x128x128xf32, #tpu.memory_space<vmem>>, vector<1x1x16xf32>,
      %swap3A_116 = vector.shape_cast %swap3A_115 : vector<1x1x16xf32> to vector<16xf32>
      %swap3A_117 = vector.shape_cast %broadcast_in_dim3A_3 : vector<16xf32> to vector<1x1x16xf32>
      tpu.vector_store %arg9[%swap3A_112, %swap3A_113, %swap3A_114], %swap3A_117 {strides = array<i32>} : memref<2x128x128xf32, #tpu.memory_space<vmem>>, vector<1x1x16xf32>,
      %swap3A_118 = arith.constant 0 : i32
      %swap3A_119 = arith.index_cast %swap3A_118 : i32 to index
      %swap3A_120 = arith.index_cast %scan3A_76 : i32 to index
      %swap3A_121 = arith.constant 96 : index
      %swap3A_122 = tpu.vector_load %arg9[%swap3A_119, %swap3A_120, %swap3A_121] {strides = array<i32>} : memref<2x128x128xf32, #tpu.memory_space<vmem>>, vector<1x1x16xf32>,
      %swap3A_123 = vector.shape_cast %swap3A_122 : vector<1x1x16xf32> to vector<16xf32>
      %swap3A_124 = vector.shape_cast %broadcast_in_dim3A_3 : vector<16xf32> to vector<1x1x16xf32>
      tpu.vector_store %arg9[%swap3A_119, %swap3A_120, %swap3A_121], %swap3A_124 {strides = array<i32>} : memref<2x128x128xf32, #tpu.memory_space<vmem>>, vector<1x1x16xf32>,
      %swap3A_125 = arith.constant 0 : i32
      %swap3A_126 = arith.index_cast %swap3A_125 : i32 to index
      %swap3A_127 = arith.index_cast %scan3A_76 : i32 to index
      %swap3A_128 = arith.constant 112 : index
      %swap3A_129 = tpu.vector_load %arg9[%swap3A_126, %swap3A_127, %swap3A_128] {strides = array<i32>} : memref<2x128x128xf32, #tpu.memory_space<vmem>>, vector<1x1x16xf32>,
      %swap3A_130 = vector.shape_cast %swap3A_129 : vector<1x1x16xf32> to vector<16xf32>
      %swap3A_131 = vector.shape_cast %broadcast_in_dim3A_3 : vector<16xf32> to vector<1x1x16xf32>
      tpu.vector_store %arg9[%swap3A_126, %swap3A_127, %swap3A_128], %swap3A_131 {strides = array<i32>} : memref<2x128x128xf32, #tpu.memory_space<vmem>>, vector<1x1x16xf32>,
    }
    %scan3A_8 = arith.constant 128 : i32
    %add3A = arith.constant 0 : i32
    %add3A_9 = arith.addi %mul3A_0, %add3A : i32
    %run_scoped3A = arith.constant 0 : i32
    "tpu.region"() ({
      %run_scoped3A_76 = tpu.sem_alloc : memref<!tpu.dma_semaphore, #tpu.memory_space<semaphore_mem>>
      %dma_start3A_77 = arith.constant 0 : i32
      %dma_start3A_78 = arith.constant 0 : i32
      %dma_start3A_79 = tpu.memref_slice %arg9[%run_scoped3A, %dma_start3A_77, %dma_start3A_78] : memref<2x128x128xf32, #tpu.memory_space<vmem>> -> memref<1x128x128xf32, #tpu.memory_space<vmem>>
      %dma_start3A_80 = tpu.memref_squeeze %dma_start3A_79 : memref<1x128x128xf32, #tpu.memory_space<vmem>> -> memref<128x128xf32, #tpu.memory_space<vmem>>
      %dma_start3A_81 = arith.constant 0 : i32
      %dma_start3A_82 = tpu.memref_slice %arg6[%add3A_9, %dma_start3A_81] : memref<10240x128xf32, #tpu.memory_space<vmem_shared>> -> memref<128x128xf32, #tpu.memory_space<vmem_shared>>
      %dma_start3A_83 = arith.constant 0 : i32
      %dma_start3A_84 = tpu.memref_slice %arg6[%add3A_9, %dma_start3A_83] : memref<10240x128xf32, #tpu.memory_space<vmem_shared>> -> memref<128x128xf32, #tpu.memory_space<vmem_shared>>
      %dma_start3A_85 = arith.constant 0 : i32
      %dma_start3A_86 = arith.constant 0 : i32
      %dma_start3A_87 = tpu.memref_slice %arg9[%run_scoped3A, %dma_start3A_85, %dma_start3A_86] : memref<2x128x128xf32, #tpu.memory_space<vmem>> -> memref<1x128x128xf32, #tpu.memory_space<vmem>>
      %dma_start3A_88 = tpu.memref_squeeze %dma_start3A_87 : memref<1x128x128xf32, #tpu.memory_space<vmem>> -> memref<128x128xf32, #tpu.memory_space<vmem>>
      tpu.enqueue_dma source(%dma_start3A_88 : memref<128x128xf32, #tpu.memory_space<vmem>>) target(%dma_start3A_84 : memref<128x128xf32, #tpu.memory_space<vmem_shared>>) target_semaphore(%run_scoped3A_76 : memref<!tpu.dma_semaphore, #tpu.memory_space<semaphore_mem>>)
      %dma_wait3A_89 = arith.constant 0 : i32
      %dma_wait3A_90 = arith.constant 0 : i32
      %dma_wait3A_91 = tpu.memref_slice %arg9[%run_scoped3A, %dma_wait3A_89, %dma_wait3A_90] : memref<2x128x128xf32, #tpu.memory_space<vmem>> -> memref<1x128x128xf32, #tpu.memory_space<vmem>>
      %dma_wait3A_92 = tpu.memref_squeeze %dma_wait3A_91 : memref<1x128x128xf32, #tpu.memory_space<vmem>> -> memref<128x128xf32, #tpu.memory_space<vmem>>
      %dma_wait3A_93 = arith.constant 0 : i32
      %dma_wait3A_94 = tpu.memref_slice %arg6[%add3A_9, %dma_wait3A_93] : memref<10240x128xf32, #tpu.memory_space<vmem_shared>> -> memref<128x128xf32, #tpu.memory_space<vmem_shared>>
      %dma_wait3A_95 = arith.constant 0 : i32
      %dma_wait3A_96 = tpu.memref_slice %arg6[%add3A_9, %dma_wait3A_95] : memref<10240x128xf32, #tpu.memory_space<vmem_shared>> -> memref<128x128xf32, #tpu.memory_space<vmem_shared>>
      %dma_wait3A_97 = arith.constant 0 : i32
      %dma_wait3A_98 = arith.constant 0 : i32
      %dma_wait3A_99 = tpu.memref_slice %arg9[%run_scoped3A, %dma_wait3A_97, %dma_wait3A_98] : memref<2x128x128xf32, #tpu.memory_space<vmem>> -> memref<1x128x128xf32, #tpu.memory_space<vmem>>
      %dma_wait3A_100 = tpu.memref_squeeze %dma_wait3A_99 : memref<1x128x128xf32, #tpu.memory_space<vmem>> -> memref<128x128xf32, #tpu.memory_space<vmem>>
      tpu.wait_dma2 semaphore(%run_scoped3A_76 : memref<!tpu.dma_semaphore, #tpu.memory_space<semaphore_mem>>) src(%dma_wait3A_100 : memref<128x128xf32, #tpu.memory_space<vmem>>) dst(%dma_wait3A_96 : memref<128x128xf32, #tpu.memory_space<vmem_shared>>)
      tpu.yield
    }) : () -> ()
    %add3A_10 = arith.constant 128 : i32
    %add3A_11 = arith.addi %mul3A_0, %add3A_10 : i32
    %run_scoped3A_12 = arith.constant 0 : i32
    "tpu.region"() ({
      %run_scoped3A_76 = tpu.sem_alloc : memref<!tpu.dma_semaphore, #tpu.memory_space<semaphore_mem>>
      %dma_start3A_77 = arith.constant 0 : i32
      %dma_start3A_78 = arith.constant 0 : i32
      %dma_start3A_79 = tpu.memref_slice %arg9[%run_scoped3A_12, %dma_start3A_77, %dma_start3A_78] : memref<2x128x128xf32, #tpu.memory_space<vmem>> -> memref<1x128x128xf32, #tpu.memory_space<vmem>>
      %dma_start3A_80 = tpu.memref_squeeze %dma_start3A_79 : memref<1x128x128xf32, #tpu.memory_space<vmem>> -> memref<128x128xf32, #tpu.memory_space<vmem>>
      %dma_start3A_81 = arith.constant 0 : i32
      %dma_start3A_82 = tpu.memref_slice %arg6[%add3A_11, %dma_start3A_81] : memref<10240x128xf32, #tpu.memory_space<vmem_shared>> -> memref<128x128xf32, #tpu.memory_space<vmem_shared>>
      %dma_start3A_83 = arith.constant 0 : i32
      %dma_start3A_84 = tpu.memref_slice %arg6[%add3A_11, %dma_start3A_83] : memref<10240x128xf32, #tpu.memory_space<vmem_shared>> -> memref<128x128xf32, #tpu.memory_space<vmem_shared>>
      %dma_start3A_85 = arith.constant 0 : i32
      %dma_start3A_86 = arith.constant 0 : i32
      %dma_start3A_87 = tpu.memref_slice %arg9[%run_scoped3A_12, %dma_start3A_85, %dma_start3A_86] : memref<2x128x128xf32, #tpu.memory_space<vmem>> -> memref<1x128x128xf32, #tpu.memory_space<vmem>>
      %dma_start3A_88 = tpu.memref_squeeze %dma_start3A_87 : memref<1x128x128xf32, #tpu.memory_space<vmem>> -> memref<128x128xf32, #tpu.memory_space<vmem>>
      tpu.enqueue_dma source(%dma_start3A_88 : memref<128x128xf32, #tpu.memory_space<vmem>>) target(%dma_start3A_84 : memref<128x128xf32, #tpu.memory_space<vmem_shared>>) target_semaphore(%run_scoped3A_76 : memref<!tpu.dma_semaphore, #tpu.memory_space<semaphore_mem>>)
      %dma_wait3A_89 = arith.constant 0 : i32
      %dma_wait3A_90 = arith.constant 0 : i32
      %dma_wait3A_91 = tpu.memref_slice %arg9[%run_scoped3A_12, %dma_wait3A_89, %dma_wait3A_90] : memref<2x128x128xf32, #tpu.memory_space<vmem>> -> memref<1x128x128xf32, #tpu.memory_space<vmem>>
      %dma_wait3A_92 = tpu.memref_squeeze %dma_wait3A_91 : memref<1x128x128xf32, #tpu.memory_space<vmem>> -> memref<128x128xf32, #tpu.memory_space<vmem>>
      %dma_wait3A_93 = arith.constant 0 : i32
      %dma_wait3A_94 = tpu.memref_slice %arg6[%add3A_11, %dma_wait3A_93] : memref<10240x128xf32, #tpu.memory_space<vmem_shared>> -> memref<128x128xf32, #tpu.memory_space<vmem_shared>>
      %dma_wait3A_95 = arith.constant 0 : i32
      %dma_wait3A_96 = tpu.memref_slice %arg6[%add3A_11, %dma_wait3A_95] : memref<10240x128xf32, #tpu.memory_space<vmem_shared>> -> memref<128x128xf32, #tpu.memory_space<vmem_shared>>
      %dma_wait3A_97 = arith.constant 0 : i32
      %dma_wait3A_98 = arith.constant 0 : i32
      %dma_wait3A_99 = tpu.memref_slice %arg9[%run_scoped3A_12, %dma_wait3A_97, %dma_wait3A_98] : memref<2x128x128xf32, #tpu.memory_space<vmem>> -> memref<1x128x128xf32, #tpu.memory_space<vmem>>
      %dma_wait3A_100 = tpu.memref_squeeze %dma_wait3A_99 : memref<1x128x128xf32, #tpu.memory_space<vmem>> -> memref<128x128xf32, #tpu.memory_space<vmem>>
      tpu.wait_dma2 semaphore(%run_scoped3A_76 : memref<!tpu.dma_semaphore, #tpu.memory_space<semaphore_mem>>) src(%dma_wait3A_100 : memref<128x128xf32, #tpu.memory_space<vmem>>) dst(%dma_wait3A_96 : memref<128x128xf32, #tpu.memory_space<vmem_shared>>)
      tpu.yield
    }) : () -> ()
    %add3A_13 = arith.constant 256 : i32
    %add3A_14 = arith.addi %mul3A_0, %add3A_13 : i32
    %run_scoped3A_15 = arith.constant 0 : i32
    "tpu.region"() ({
      %run_scoped3A_76 = tpu.sem_alloc : memref<!tpu.dma_semaphore, #tpu.memory_space<semaphore_mem>>
      %dma_start3A_77 = arith.constant 0 : i32
      %dma_start3A_78 = arith.constant 0 : i32
      %dma_start3A_79 = tpu.memref_slice %arg9[%run_scoped3A_15, %dma_start3A_77, %dma_start3A_78] : memref<2x128x128xf32, #tpu.memory_space<vmem>> -> memref<1x128x128xf32, #tpu.memory_space<vmem>>
      %dma_start3A_80 = tpu.memref_squeeze %dma_start3A_79 : memref<1x128x128xf32, #tpu.memory_space<vmem>> -> memref<128x128xf32, #tpu.memory_space<vmem>>
      %dma_start3A_81 = arith.constant 0 : i32
      %dma_start3A_82 = tpu.memref_slice %arg6[%add3A_14, %dma_start3A_81] : memref<10240x128xf32, #tpu.memory_space<vmem_shared>> -> memref<128x128xf32, #tpu.memory_space<vmem_shared>>
      %dma_start3A_83 = arith.constant 0 : i32
      %dma_start3A_84 = tpu.memref_slice %arg6[%add3A_14, %dma_start3A_83] : memref<10240x128xf32, #tpu.memory_space<vmem_shared>> -> memref<128x128xf32, #tpu.memory_space<vmem_shared>>
      %dma_start3A_85 = arith.constant 0 : i32
      %dma_start3A_86 = arith.constant 0 : i32
      %dma_start3A_87 = tpu.memref_slice %arg9[%run_scoped3A_15, %dma_start3A_85, %dma_start3A_86] : memref<2x128x128xf32, #tpu.memory_space<vmem>> -> memref<1x128x128xf32, #tpu.memory_space<vmem>>
      %dma_start3A_88 = tpu.memref_squeeze %dma_start3A_87 : memref<1x128x128xf32, #tpu.memory_space<vmem>> -> memref<128x128xf32, #tpu.memory_space<vmem>>
      tpu.enqueue_dma source(%dma_start3A_88 : memref<128x128xf32, #tpu.memory_space<vmem>>) target(%dma_start3A_84 : memref<128x128xf32, #tpu.memory_space<vmem_shared>>) target_semaphore(%run_scoped3A_76 : memref<!tpu.dma_semaphore, #tpu.memory_space<semaphore_mem>>)
      %dma_wait3A_89 = arith.constant 0 : i32
      %dma_wait3A_90 = arith.constant 0 : i32
      %dma_wait3A_91 = tpu.memref_slice %arg9[%run_scoped3A_15, %dma_wait3A_89, %dma_wait3A_90] : memref<2x128x128xf32, #tpu.memory_space<vmem>> -> memref<1x128x128xf32, #tpu.memory_space<vmem>>
      %dma_wait3A_92 = tpu.memref_squeeze %dma_wait3A_91 : memref<1x128x128xf32, #tpu.memory_space<vmem>> -> memref<128x128xf32, #tpu.memory_space<vmem>>
      %dma_wait3A_93 = arith.constant 0 : i32
      %dma_wait3A_94 = tpu.memref_slice %arg6[%add3A_14, %dma_wait3A_93] : memref<10240x128xf32, #tpu.memory_space<vmem_shared>> -> memref<128x128xf32, #tpu.memory_space<vmem_shared>>
      %dma_wait3A_95 = arith.constant 0 : i32
      %dma_wait3A_96 = tpu.memref_slice %arg6[%add3A_14, %dma_wait3A_95] : memref<10240x128xf32, #tpu.memory_space<vmem_shared>> -> memref<128x128xf32, #tpu.memory_space<vmem_shared>>
      %dma_wait3A_97 = arith.constant 0 : i32
      %dma_wait3A_98 = arith.constant 0 : i32
      %dma_wait3A_99 = tpu.memref_slice %arg9[%run_scoped3A_15, %dma_wait3A_97, %dma_wait3A_98] : memref<2x128x128xf32, #tpu.memory_space<vmem>> -> memref<1x128x128xf32, #tpu.memory_space<vmem>>
      %dma_wait3A_100 = tpu.memref_squeeze %dma_wait3A_99 : memref<1x128x128xf32, #tpu.memory_space<vmem>> -> memref<128x128xf32, #tpu.memory_space<vmem>>
      tpu.wait_dma2 semaphore(%run_scoped3A_76 : memref<!tpu.dma_semaphore, #tpu.memory_space<semaphore_mem>>) src(%dma_wait3A_100 : memref<128x128xf32, #tpu.memory_space<vmem>>) dst(%dma_wait3A_96 : memref<128x128xf32, #tpu.memory_space<vmem_shared>>)
      tpu.yield
    }) : () -> ()
    %add3A_16 = arith.constant 384 : i32
    %add3A_17 = arith.addi %mul3A_0, %add3A_16 : i32
    %run_scoped3A_18 = arith.constant 0 : i32
    "tpu.region"() ({
      %run_scoped3A_76 = tpu.sem_alloc : memref<!tpu.dma_semaphore, #tpu.memory_space<semaphore_mem>>
      %dma_start3A_77 = arith.constant 0 : i32
      %dma_start3A_78 = arith.constant 0 : i32
      %dma_start3A_79 = tpu.memref_slice %arg9[%run_scoped3A_18, %dma_start3A_77, %dma_start3A_78] : memref<2x128x128xf32, #tpu.memory_space<vmem>> -> memref<1x128x128xf32, #tpu.memory_space<vmem>>
      %dma_start3A_80 = tpu.memref_squeeze %dma_start3A_79 : memref<1x128x128xf32, #tpu.memory_space<vmem>> -> memref<128x128xf32, #tpu.memory_space<vmem>>
      %dma_start3A_81 = arith.constant 0 : i32
      %dma_start3A_82 = tpu.memref_slice %arg6[%add3A_17, %dma_start3A_81] : memref<10240x128xf32, #tpu.memory_space<vmem_shared>> -> memref<128x128xf32, #tpu.memory_space<vmem_shared>>
      %dma_start3A_83 = arith.constant 0 : i32
      %dma_start3A_84 = tpu.memref_slice %arg6[%add3A_17, %dma_start3A_83] : memref<10240x128xf32, #tpu.memory_space<vmem_shared>> -> memref<128x128xf32, #tpu.memory_space<vmem_shared>>
      %dma_start3A_85 = arith.constant 0 : i32
      %dma_start3A_86 = arith.constant 0 : i32
      %dma_start3A_87 = tpu.memref_slice %arg9[%run_scoped3A_18, %dma_start3A_85, %dma_start3A_86] : memref<2x128x128xf32, #tpu.memory_space<vmem>> -> memref<1x128x128xf32, #tpu.memory_space<vmem>>
      %dma_start3A_88 = tpu.memref_squeeze %dma_start3A_87 : memref<1x128x128xf32, #tpu.memory_space<vmem>> -> memref<128x128xf32, #tpu.memory_space<vmem>>
      tpu.enqueue_dma source(%dma_start3A_88 : memref<128x128xf32, #tpu.memory_space<vmem>>) target(%dma_start3A_84 : memref<128x128xf32, #tpu.memory_space<vmem_shared>>) target_semaphore(%run_scoped3A_76 : memref<!tpu.dma_semaphore, #tpu.memory_space<semaphore_mem>>)
      %dma_wait3A_89 = arith.constant 0 : i32
      %dma_wait3A_90 = arith.constant 0 : i32
      %dma_wait3A_91 = tpu.memref_slice %arg9[%run_scoped3A_18, %dma_wait3A_89, %dma_wait3A_90] : memref<2x128x128xf32, #tpu.memory_space<vmem>> -> memref<1x128x128xf32, #tpu.memory_space<vmem>>
      %dma_wait3A_92 = tpu.memref_squeeze %dma_wait3A_91 : memref<1x128x128xf32, #tpu.memory_space<vmem>> -> memref<128x128xf32, #tpu.memory_space<vmem>>
      %dma_wait3A_93 = arith.constant 0 : i32
      %dma_wait3A_94 = tpu.memref_slice %arg6[%add3A_17, %dma_wait3A_93] : memref<10240x128xf32, #tpu.memory_space<vmem_shared>> -> memref<128x128xf32, #tpu.memory_space<vmem_shared>>
      %dma_wait3A_95 = arith.constant 0 : i32
      %dma_wait3A_96 = tpu.memref_slice %arg6[%add3A_17, %dma_wait3A_95] : memref<10240x128xf32, #tpu.memory_space<vmem_shared>> -> memref<128x128xf32, #tpu.memory_space<vmem_shared>>
      %dma_wait3A_97 = arith.constant 0 : i32
      %dma_wait3A_98 = arith.constant 0 : i32
      %dma_wait3A_99 = tpu.memref_slice %arg9[%run_scoped3A_18, %dma_wait3A_97, %dma_wait3A_98] : memref<2x128x128xf32, #tpu.memory_space<vmem>> -> memref<1x128x128xf32, #tpu.memory_space<vmem>>
      %dma_wait3A_100 = tpu.memref_squeeze %dma_wait3A_99 : memref<1x128x128xf32, #tpu.memory_space<vmem>> -> memref<128x128xf32, #tpu.memory_space<vmem>>
      tpu.wait_dma2 semaphore(%run_scoped3A_76 : memref<!tpu.dma_semaphore, #tpu.memory_space<semaphore_mem>>) src(%dma_wait3A_100 : memref<128x128xf32, #tpu.memory_space<vmem>>) dst(%dma_wait3A_96 : memref<128x128xf32, #tpu.memory_space<vmem_shared>>)
      tpu.yield
    }) : () -> ()
    %add3A_19 = arith.constant 512 : i32
    %add3A_20 = arith.addi %mul3A_0, %add3A_19 : i32
    %run_scoped3A_21 = arith.constant 0 : i32
    "tpu.region"() ({
      %run_scoped3A_76 = tpu.sem_alloc : memref<!tpu.dma_semaphore, #tpu.memory_space<semaphore_mem>>
      %dma_start3A_77 = arith.constant 0 : i32
      %dma_start3A_78 = arith.constant 0 : i32
      %dma_start3A_79 = tpu.memref_slice %arg9[%run_scoped3A_21, %dma_start3A_77, %dma_start3A_78] : memref<2x128x128xf32, #tpu.memory_space<vmem>> -> memref<1x128x128xf32, #tpu.memory_space<vmem>>
      %dma_start3A_80 = tpu.memref_squeeze %dma_start3A_79 : memref<1x128x128xf32, #tpu.memory_space<vmem>> -> memref<128x128xf32, #tpu.memory_space<vmem>>
      %dma_start3A_81 = arith.constant 0 : i32
      %dma_start3A_82 = tpu.memref_slice %arg6[%add3A_20, %dma_start3A_81] : memref<10240x128xf32, #tpu.memory_space<vmem_shared>> -> memref<128x128xf32, #tpu.memory_space<vmem_shared>>
      %dma_start3A_83 = arith.constant 0 : i32
      %dma_start3A_84 = tpu.memref_slice %arg6[%add3A_20, %dma_start3A_83] : memref<10240x128xf32, #tpu.memory_space<vmem_shared>> -> memref<128x128xf32, #tpu.memory_space<vmem_shared>>
      %dma_start3A_85 = arith.constant 0 : i32
      %dma_start3A_86 = arith.constant 0 : i32
      %dma_start3A_87 = tpu.memref_slice %arg9[%run_scoped3A_21, %dma_start3A_85, %dma_start3A_86] : memref<2x128x128xf32, #tpu.memory_space<vmem>> -> memref<1x128x128xf32, #tpu.memory_space<vmem>>
      %dma_start3A_88 = tpu.memref_squeeze %dma_start3A_87 : memref<1x128x128xf32, #tpu.memory_space<vmem>> -> memref<128x128xf32, #tpu.memory_space<vmem>>
      tpu.enqueue_dma source(%dma_start3A_88 : memref<128x128xf32, #tpu.memory_space<vmem>>) target(%dma_start3A_84 : memref<128x128xf32, #tpu.memory_space<vmem_shared>>) target_semaphore(%run_scoped3A_76 : memref<!tpu.dma_semaphore, #tpu.memory_space<semaphore_mem>>)
      %dma_wait3A_89 = arith.constant 0 : i32
      %dma_wait3A_90 = arith.constant 0 : i32
      %dma_wait3A_91 = tpu.memref_slice %arg9[%run_scoped3A_21, %dma_wait3A_89, %dma_wait3A_90] : memref<2x128x128xf32, #tpu.memory_space<vmem>> -> memref<1x128x128xf32, #tpu.memory_space<vmem>>
      %dma_wait3A_92 = tpu.memref_squeeze %dma_wait3A_91 : memref<1x128x128xf32, #tpu.memory_space<vmem>> -> memref<128x128xf32, #tpu.memory_space<vmem>>
      %dma_wait3A_93 = arith.constant 0 : i32
      %dma_wait3A_94 = tpu.memref_slice %arg6[%add3A_20, %dma_wait3A_93] : memref<10240x128xf32, #tpu.memory_space<vmem_shared>> -> memref<128x128xf32, #tpu.memory_space<vmem_shared>>
      %dma_wait3A_95 = arith.constant 0 : i32
      %dma_wait3A_96 = tpu.memref_slice %arg6[%add3A_20, %dma_wait3A_95] : memref<10240x128xf32, #tpu.memory_space<vmem_shared>> -> memref<128x128xf32, #tpu.memory_space<vmem_shared>>
      %dma_wait3A_97 = arith.constant 0 : i32
      %dma_wait3A_98 = arith.constant 0 : i32
      %dma_wait3A_99 = tpu.memref_slice %arg9[%run_scoped3A_21, %dma_wait3A_97, %dma_wait3A_98] : memref<2x128x128xf32, #tpu.memory_space<vmem>> -> memref<1x128x128xf32, #tpu.memory_space<vmem>>
      %dma_wait3A_100 = tpu.memref_squeeze %dma_wait3A_99 : memref<1x128x128xf32, #tpu.memory_space<vmem>> -> memref<128x128xf32, #tpu.memory_space<vmem>>
      tpu.wait_dma2 semaphore(%run_scoped3A_76 : memref<!tpu.dma_semaphore, #tpu.memory_space<semaphore_mem>>) src(%dma_wait3A_100 : memref<128x128xf32, #tpu.memory_space<vmem>>) dst(%dma_wait3A_96 : memref<128x128xf32, #tpu.memory_space<vmem_shared>>)
      tpu.yield
    }) : () -> ()
    %barrier3A = arith.constant 0 : index
    tpu.barrier barrier_id(%barrier3A)
    %mul3A_22 = arith.constant 80 : i32
    %mul3A_23 = arith.muli %arg1, %mul3A_22 : i32
    %run_scoped3A_24 = arith.constant 0 : i32
    "tpu.region"() ({
      %run_scoped3A_76 = tpu.sem_alloc : memref<!tpu.dma_semaphore, #tpu.memory_space<semaphore_mem>>
      %dma_start3A_77 = arith.constant 0 : i32
      %dma_start3A_78 = arith.constant 0 : i32
      %dma_start3A_79 = tpu.memref_slice %arg7[%run_scoped3A_24, %dma_start3A_77, %dma_start3A_78] : memref<2x8x128xi32, #tpu.memory_space<vmem>> -> memref<1x8x128xi32, #tpu.memory_space<vmem>>
      %dma_start3A_80 = tpu.memref_squeeze %dma_start3A_79 : memref<1x8x128xi32, #tpu.memory_space<vmem>> -> memref<8x128xi32, #tpu.memory_space<vmem>>
      %dma_start3A_81 = arith.constant 0 : i32
      %dma_start3A_82 = tpu.memref_slice %arg3[%mul3A_23, %dma_start3A_81] : memref<1280x128xi32, #tpu.memory_space<hbm>> -> memref<8x128xi32, #tpu.memory_space<hbm>>
      %dma_start3A_83 = arith.constant 0 : i32
      %dma_start3A_84 = arith.constant 0 : i32
      %dma_start3A_85 = tpu.memref_slice %arg7[%run_scoped3A_24, %dma_start3A_83, %dma_start3A_84] : memref<2x8x128xi32, #tpu.memory_space<vmem>> -> memref<1x8x128xi32, #tpu.memory_space<vmem>>
      %dma_start3A_86 = tpu.memref_squeeze %dma_start3A_85 : memref<1x8x128xi32, #tpu.memory_space<vmem>> -> memref<8x128xi32, #tpu.memory_space<vmem>>
      %dma_start3A_87 = arith.constant 0 : i32
      %dma_start3A_88 = tpu.memref_slice %arg3[%mul3A_23, %dma_start3A_87] : memref<1280x128xi32, #tpu.memory_space<hbm>> -> memref<8x128xi32, #tpu.memory_space<hbm>>
      tpu.enqueue_dma source(%dma_start3A_88 : memref<8x128xi32, #tpu.memory_space<hbm>>) target(%dma_start3A_86 : memref<8x128xi32, #tpu.memory_space<vmem>>) target_semaphore(%run_scoped3A_76 : memref<!tpu.dma_semaphore, #tpu.memory_space<semaphore_mem>>)
      %dma_wait3A_89 = arith.constant 0 : i32
      %dma_wait3A_90 = arith.constant 0 : i32
      %dma_wait3A_91 = tpu.memref_slice %arg7[%run_scoped3A_24, %dma_wait3A_89, %dma_wait3A_90] : memref<2x8x128xi32, #tpu.memory_space<vmem>> -> memref<1x8x128xi32, #tpu.memory_space<vmem>>
      %dma_wait3A_92 = tpu.memref_squeeze %dma_wait3A_91 : memref<1x8x128xi32, #tpu.memory_space<vmem>> -> memref<8x128xi32, #tpu.memory_space<vmem>>
      %dma_wait3A_93 = arith.constant 0 : i32
      %dma_wait3A_94 = tpu.memref_slice %arg3[%mul3A_23, %dma_wait3A_93] : memref<1280x128xi32, #tpu.memory_space<hbm>> -> memref<8x128xi32, #tpu.memory_space<hbm>>
      %dma_wait3A_95 = arith.constant 0 : i32
      %dma_wait3A_96 = arith.constant 0 : i32
      %dma_wait3A_97 = tpu.memref_slice %arg7[%run_scoped3A_24, %dma_wait3A_95, %dma_wait3A_96] : memref<2x8x128xi32, #tpu.memory_space<vmem>> -> memref<1x8x128xi32, #tpu.memory_space<vmem>>
      %dma_wait3A_98 = tpu.memref_squeeze %dma_wait3A_97 : memref<1x8x128xi32, #tpu.memory_space<vmem>> -> memref<8x128xi32, #tpu.memory_space<vmem>>
      %dma_wait3A_99 = arith.constant 0 : i32
      %dma_wait3A_100 = tpu.memref_slice %arg3[%mul3A_23, %dma_wait3A_99] : memref<1280x128xi32, #tpu.memory_space<hbm>> -> memref<8x128xi32, #tpu.memory_space<hbm>>
      tpu.wait_dma2 semaphore(%run_scoped3A_76 : memref<!tpu.dma_semaphore, #tpu.memory_space<semaphore_mem>>) src(%dma_wait3A_100 : memref<8x128xi32, #tpu.memory_space<hbm>>) dst(%dma_wait3A_98 : memref<8x128xi32, #tpu.memory_space<vmem>>)
      tpu.yield
    }) : () -> ()
    %run_scoped3A_25 = arith.constant 0 : i32
    "tpu.region"() ({
      %run_scoped3A_76 = tpu.sem_alloc : memref<!tpu.dma_semaphore, #tpu.memory_space<semaphore_mem>>
      %dma_start3A_77 = arith.constant 0 : i32
      %dma_start3A_78 = arith.constant 0 : i32
      %dma_start3A_79 = tpu.memref_slice %arg8[%run_scoped3A_25, %dma_start3A_77, %dma_start3A_78] : memref<2x8x128xi32, #tpu.memory_space<vmem>> -> memref<1x8x128xi32, #tpu.memory_space<vmem>>
      %dma_start3A_80 = tpu.memref_squeeze %dma_start3A_79 : memref<1x8x128xi32, #tpu.memory_space<vmem>> -> memref<8x128xi32, #tpu.memory_space<vmem>>
      %dma_start3A_81 = arith.constant 0 : i32
      %dma_start3A_82 = tpu.memref_slice %arg4[%mul3A_23, %dma_start3A_81] : memref<1280x128xi32, #tpu.memory_space<hbm>> -> memref<8x128xi32, #tpu.memory_space<hbm>>
      %dma_start3A_83 = arith.constant 0 : i32
      %dma_start3A_84 = arith.constant 0 : i32
      %dma_start3A_85 = tpu.memref_slice %arg8[%run_scoped3A_25, %dma_start3A_83, %dma_start3A_84] : memref<2x8x128xi32, #tpu.memory_space<vmem>> -> memref<1x8x128xi32, #tpu.memory_space<vmem>>
      %dma_start3A_86 = tpu.memref_squeeze %dma_start3A_85 : memref<1x8x128xi32, #tpu.memory_space<vmem>> -> memref<8x128xi32, #tpu.memory_space<vmem>>
      %dma_start3A_87 = arith.constant 0 : i32
      %dma_start3A_88 = tpu.memref_slice %arg4[%mul3A_23, %dma_start3A_87] : memref<1280x128xi32, #tpu.memory_space<hbm>> -> memref<8x128xi32, #tpu.memory_space<hbm>>
      tpu.enqueue_dma source(%dma_start3A_88 : memref<8x128xi32, #tpu.memory_space<hbm>>) target(%dma_start3A_86 : memref<8x128xi32, #tpu.memory_space<vmem>>) target_semaphore(%run_scoped3A_76 : memref<!tpu.dma_semaphore, #tpu.memory_space<semaphore_mem>>)
      %dma_wait3A_89 = arith.constant 0 : i32
      %dma_wait3A_90 = arith.constant 0 : i32
      %dma_wait3A_91 = tpu.memref_slice %arg8[%run_scoped3A_25, %dma_wait3A_89, %dma_wait3A_90] : memref<2x8x128xi32, #tpu.memory_space<vmem>> -> memref<1x8x128xi32, #tpu.memory_space<vmem>>
      %dma_wait3A_92 = tpu.memref_squeeze %dma_wait3A_91 : memref<1x8x128xi32, #tpu.memory_space<vmem>> -> memref<8x128xi32, #tpu.memory_space<vmem>>
      %dma_wait3A_93 = arith.constant 0 : i32
      %dma_wait3A_94 = tpu.memref_slice %arg4[%mul3A_23, %dma_wait3A_93] : memref<1280x128xi32, #tpu.memory_space<hbm>> -> memref<8x128xi32, #tpu.memory_space<hbm>>
      %dma_wait3A_95 = arith.constant 0 : i32
      %dma_wait3A_96 = arith.constant 0 : i32
      %dma_wait3A_97 = tpu.memref_slice %arg8[%run_scoped3A_25, %dma_wait3A_95, %dma_wait3A_96] : memref<2x8x128xi32, #tpu.memory_space<vmem>> -> memref<1x8x128xi32, #tpu.memory_space<vmem>>
      %dma_wait3A_98 = tpu.memref_squeeze %dma_wait3A_97 : memref<1x8x128xi32, #tpu.memory_space<vmem>> -> memref<8x128xi32, #tpu.memory_space<vmem>>
      %dma_wait3A_99 = arith.constant 0 : i32
      %dma_wait3A_100 = tpu.memref_slice %arg4[%mul3A_23, %dma_wait3A_99] : memref<1280x128xi32, #tpu.memory_space<hbm>> -> memref<8x128xi32, #tpu.memory_space<hbm>>
      tpu.wait_dma2 semaphore(%run_scoped3A_76 : memref<!tpu.dma_semaphore, #tpu.memory_space<semaphore_mem>>) src(%dma_wait3A_100 : memref<8x128xi32, #tpu.memory_space<hbm>>) dst(%dma_wait3A_98 : memref<8x128xi32, #tpu.memory_space<vmem>>)
      tpu.yield
    }) : () -> ()
    %dma_start3A = arith.constant 0 : i32
    %dma_start3A_26 = arith.constant 0 : i32
    %dma_start3A_27 = arith.constant 0 : i32
    %dma_start3A_28 = arith.constant 0 : i32
    %dma_start3A_29 = arith.constant 0 : i32
    %dma_start3A_30 = tpu.memref_slice %arg9[%dma_start3A_27, %dma_start3A_28, %dma_start3A_29] : memref<2x128x128xf32, #tpu.memory_space<vmem>> -> memref<1x128x128xf32, #tpu.memory_space<vmem>>
    %dma_start3A_31 = tpu.memref_squeeze %dma_start3A_30 : memref<1x128x128xf32, #tpu.memory_space<vmem>> -> memref<128x128xf32, #tpu.memory_space<vmem>>
    %dma_start3A_32 = arith.constant 0 : i32
    %dma_start3A_33 = tpu.memref_slice %arg7[%dma_start3A, %dma_start3A_26, %dma_start3A_32] : memref<2x8x128xi32, #tpu.memory_space<vmem>> -> memref<1x1x128xi32, #tpu.memory_space<vmem>>
    %dma_start3A_34 = tpu.memref_squeeze %dma_start3A_33 : memref<1x1x128xi32, #tpu.memory_space<vmem>> -> memref<128xi32, #tpu.memory_space<vmem>>
    %dma_start3A_35 = arith.constant 0 : i32
    %dma_start3A_36 = tpu.memref_slice %arg2[%dma_start3A_35, %mul3A_2] : memref<10000x256xf32, #tpu.memory_space<hbm>> -> memref<10000x128xf32, #tpu.memory_space<hbm>>
    tpu.enqueue_indirect_dma source(%dma_start3A_36 : memref<10000x128xf32, #tpu.memory_space<hbm>>) target(%dma_start3A_31 : memref<128x128xf32, #tpu.memory_space<vmem>>) offsets(%dma_start3A_34 : memref<128xi32, #tpu.memory_space<vmem>>) semaphore(%arg10 : memref<!tpu.dma_semaphore, #tpu.memory_space<semaphore_mem>>)
    %scan3A_37 = arith.constant 0 : i32
    %scan3A_38 = arith.constant 0 : i32
    %scan3A_39 = arith.constant 80 : i32
    %scan3A_40 = arith.addi %scan3A_38, %scan3A_39 : i32
    %scan3A_41 = arith.constant 1 : i32
    scf.for %scan3A_76 = %scan3A_38 to %scan3A_40 step %scan3A_41  : i32 {
      %rem3A = arith.constant 2 : i32
      %rem3A_77 = arith.remsi %scan3A_76, %rem3A : i32
      %sub3A = arith.constant 1 : i32
      %sub3A_78 = arith.subi %sub3A, %rem3A_77 : i32
      %jit3A = arith.constant 8 : i32
      %div3A = arith.divsi %scan3A_76, %jit3A : i32
      %sign3A = arith.constant 0 : i32
      %sign3A_79 = arith.cmpi sgt, %scan3A_76, %sign3A : i32
      %sign3A_80 = arith.extui %sign3A_79 : i1 to i32
      %sign3A_81 = arith.constant 0 : i32
      %sign3A_82 = arith.cmpi slt, %scan3A_76, %sign3A_81 : i32
      %sign3A_83 = arith.extui %sign3A_82 : i1 to i32
      %sign3A_84 = arith.subi %sign3A_80, %sign3A_83 : i32
      %sign3A_85 = arith.constant 0 : i32
      %sign3A_86 = arith.cmpi sgt, %jit3A, %sign3A_85 : i32
      %sign3A_87 = arith.extui %sign3A_86 : i1 to i32
      %sign3A_88 = arith.constant 0 : i32
      %sign3A_89 = arith.cmpi slt, %jit3A, %sign3A_88 : i32
      %sign3A_90 = arith.extui %sign3A_89 : i1 to i32
      %sign3A_91 = arith.subi %sign3A_87, %sign3A_90 : i32
      %ne3A = arith.cmpi ne, %sign3A_84, %sign3A_91 : i32
      %rem3A_92 = arith.remsi %scan3A_76, %jit3A : i32
      %ne3A_93 = arith.constant 0 : i32
      %ne3A_94 = arith.cmpi ne, %rem3A_92, %ne3A_93 : i32
      %and3A = arith.andi %ne3A, %ne3A_94 : i1
      %sub3A_95 = arith.constant 1 : i32
      %sub3A_96 = arith.subi %div3A, %sub3A_95 : i32
      %select_n3A = arith.select %and3A, %sub3A_96, %div3A : i32
      %rem3A_97 = arith.constant 2 : i32
      %rem3A_98 = arith.remsi %select_n3A, %rem3A_97 : i32
      %rem3A_99 = arith.constant 8 : i32
      %rem3A_100 = arith.remsi %scan3A_76, %rem3A_99 : i32
      %eq3A = arith.constant 7 : i32
      %eq3A_101 = arith.cmpi eq, %rem3A_100, %eq3A : i32
      %lt3A = arith.constant 79 : i32
      %lt3A_102 = arith.cmpi slt, %scan3A_76, %lt3A : i32
      %and3A_103 = arith.andi %eq3A_101, %lt3A_102 : i1
      %convert_element_type3A = arith.extui %and3A_103 : i1 to i32
      %cond3A = arith.constant 0 : i32
      %cond3A_104 = arith.cmpi ne, %convert_element_type3A, %cond3A : i32
      scf.if %cond3A_104 {
        %add3A_136 = arith.addi %mul3A_23, %scan3A_76 : i32
        %add3A_137 = arith.constant 1 : i32
        %add3A_138 = arith.addi %add3A_136, %add3A_137 : i32
        %multiple_of3A = tpu.assume_multiple %add3A_138, 8 : i32
        %sub3A_139 = arith.constant 1 : i32
        %sub3A_140 = arith.subi %sub3A_139, %rem3A_98 : i32
        "tpu.region"() ({
          %run_scoped3A_143 = tpu.sem_alloc : memref<!tpu.dma_semaphore, #tpu.memory_space<semaphore_mem>>
          %dma_start3A_144 = arith.constant 0 : i32
          %dma_start3A_145 = arith.constant 0 : i32
          %dma_start3A_146 = tpu.memref_slice %arg7[%sub3A_140, %dma_start3A_144, %dma_start3A_145] : memref<2x8x128xi32, #tpu.memory_space<vmem>> -> memref<1x8x128xi32, #tpu.memory_space<vmem>>
          %dma_start3A_147 = tpu.memref_squeeze %dma_start3A_146 : memref<1x8x128xi32, #tpu.memory_space<vmem>> -> memref<8x128xi32, #tpu.memory_space<vmem>>
          %dma_start3A_148 = arith.constant 0 : i32
          %dma_start3A_149 = tpu.memref_slice %arg3[%multiple_of3A, %dma_start3A_148] : memref<1280x128xi32, #tpu.memory_space<hbm>> -> memref<8x128xi32, #tpu.memory_space<hbm>>
          %dma_start3A_150 = arith.constant 0 : i32
          %dma_start3A_151 = arith.constant 0 : i32
          %dma_start3A_152 = tpu.memref_slice %arg7[%sub3A_140, %dma_start3A_150, %dma_start3A_151] : memref<2x8x128xi32, #tpu.memory_space<vmem>> -> memref<1x8x128xi32, #tpu.memory_space<vmem>>
          %dma_start3A_153 = tpu.memref_squeeze %dma_start3A_152 : memref<1x8x128xi32, #tpu.memory_space<vmem>> -> memref<8x128xi32, #tpu.memory_space<vmem>>
          %dma_start3A_154 = arith.constant 0 : i32
          %dma_start3A_155 = tpu.memref_slice %arg3[%multiple_of3A, %dma_start3A_154] : memref<1280x128xi32, #tpu.memory_space<hbm>> -> memref<8x128xi32, #tpu.memory_space<hbm>>
          tpu.enqueue_dma source(%dma_start3A_155 : memref<8x128xi32, #tpu.memory_space<hbm>>) target(%dma_start3A_153 : memref<8x128xi32, #tpu.memory_space<vmem>>) target_semaphore(%run_scoped3A_143 : memref<!tpu.dma_semaphore, #tpu.memory_space<semaphore_mem>>)
          %dma_wait3A_156 = arith.constant 0 : i32
          %dma_wait3A_157 = arith.constant 0 : i32
          %dma_wait3A_158 = tpu.memref_slice %arg7[%sub3A_140, %dma_wait3A_156, %dma_wait3A_157] : memref<2x8x128xi32, #tpu.memory_space<vmem>> -> memref<1x8x128xi32, #tpu.memory_space<vmem>>
          %dma_wait3A_159 = tpu.memref_squeeze %dma_wait3A_158 : memref<1x8x128xi32, #tpu.memory_space<vmem>> -> memref<8x128xi32, #tpu.memory_space<vmem>>
          %dma_wait3A_160 = arith.constant 0 : i32
          %dma_wait3A_161 = tpu.memref_slice %arg3[%multiple_of3A, %dma_wait3A_160] : memref<1280x128xi32, #tpu.memory_space<hbm>> -> memref<8x128xi32, #tpu.memory_space<hbm>>
          %dma_wait3A_162 = arith.constant 0 : i32
          %dma_wait3A_163 = arith.constant 0 : i32
          %dma_wait3A_164 = tpu.memref_slice %arg7[%sub3A_140, %dma_wait3A_162, %dma_wait3A_163] : memref<2x8x128xi32, #tpu.memory_space<vmem>> -> memref<1x8x128xi32, #tpu.memory_space<vmem>>
          %dma_wait3A_165 = tpu.memref_squeeze %dma_wait3A_164 : memref<1x8x128xi32, #tpu.memory_space<vmem>> -> memref<8x128xi32, #tpu.memory_space<vmem>>
          %dma_wait3A_166 = arith.constant 0 : i32
          %dma_wait3A_167 = tpu.memref_slice %arg3[%multiple_of3A, %dma_wait3A_166] : memref<1280x128xi32, #tpu.memory_space<hbm>> -> memref<8x128xi32, #tpu.memory_space<hbm>>
          tpu.wait_dma2 semaphore(%run_scoped3A_143 : memref<!tpu.dma_semaphore, #tpu.memory_space<semaphore_mem>>) src(%dma_wait3A_167 : memref<8x128xi32, #tpu.memory_space<hbm>>) dst(%dma_wait3A_165 : memref<8x128xi32, #tpu.memory_space<vmem>>)
          tpu.yield
        }) : () -> ()
        %sub3A_141 = arith.constant 1 : i32
        %sub3A_142 = arith.subi %sub3A_141, %rem3A_98 : i32
        "tpu.region"() ({
          %run_scoped3A_143 = tpu.sem_alloc : memref<!tpu.dma_semaphore, #tpu.memory_space<semaphore_mem>>
          %dma_start3A_144 = arith.constant 0 : i32
          %dma_start3A_145 = arith.constant 0 : i32
          %dma_start3A_146 = tpu.memref_slice %arg8[%sub3A_142, %dma_start3A_144, %dma_start3A_145] : memref<2x8x128xi32, #tpu.memory_space<vmem>> -> memref<1x8x128xi32, #tpu.memory_space<vmem>>
          %dma_start3A_147 = tpu.memref_squeeze %dma_start3A_146 : memref<1x8x128xi32, #tpu.memory_space<vmem>> -> memref<8x128xi32, #tpu.memory_space<vmem>>
          %dma_start3A_148 = arith.constant 0 : i32
          %dma_start3A_149 = tpu.memref_slice %arg4[%multiple_of3A, %dma_start3A_148] : memref<1280x128xi32, #tpu.memory_space<hbm>> -> memref<8x128xi32, #tpu.memory_space<hbm>>
          %dma_start3A_150 = arith.constant 0 : i32
          %dma_start3A_151 = arith.constant 0 : i32
          %dma_start3A_152 = tpu.memref_slice %arg8[%sub3A_142, %dma_start3A_150, %dma_start3A_151] : memref<2x8x128xi32, #tpu.memory_space<vmem>> -> memref<1x8x128xi32, #tpu.memory_space<vmem>>
          %dma_start3A_153 = tpu.memref_squeeze %dma_start3A_152 : memref<1x8x128xi32, #tpu.memory_space<vmem>> -> memref<8x128xi32, #tpu.memory_space<vmem>>
          %dma_start3A_154 = arith.constant 0 : i32
          %dma_start3A_155 = tpu.memref_slice %arg4[%multiple_of3A, %dma_start3A_154] : memref<1280x128xi32, #tpu.memory_space<hbm>> -> memref<8x128xi32, #tpu.memory_space<hbm>>
          tpu.enqueue_dma source(%dma_start3A_155 : memref<8x128xi32, #tpu.memory_space<hbm>>) target(%dma_start3A_153 : memref<8x128xi32, #tpu.memory_space<vmem>>) target_semaphore(%run_scoped3A_143 : memref<!tpu.dma_semaphore, #tpu.memory_space<semaphore_mem>>)
          %dma_wait3A_156 = arith.constant 0 : i32
          %dma_wait3A_157 = arith.constant 0 : i32
          %dma_wait3A_158 = tpu.memref_slice %arg8[%sub3A_142, %dma_wait3A_156, %dma_wait3A_157] : memref<2x8x128xi32, #tpu.memory_space<vmem>> -> memref<1x8x128xi32, #tpu.memory_space<vmem>>
          %dma_wait3A_159 = tpu.memref_squeeze %dma_wait3A_158 : memref<1x8x128xi32, #tpu.memory_space<vmem>> -> memref<8x128xi32, #tpu.memory_space<vmem>>
          %dma_wait3A_160 = arith.constant 0 : i32
          %dma_wait3A_161 = tpu.memref_slice %arg4[%multiple_of3A, %dma_wait3A_160] : memref<1280x128xi32, #tpu.memory_space<hbm>> -> memref<8x128xi32, #tpu.memory_space<hbm>>
          %dma_wait3A_162 = arith.constant 0 : i32
          %dma_wait3A_163 = arith.constant 0 : i32
          %dma_wait3A_164 = tpu.memref_slice %arg8[%sub3A_142, %dma_wait3A_162, %dma_wait3A_163] : memref<2x8x128xi32, #tpu.memory_space<vmem>> -> memref<1x8x128xi32, #tpu.memory_space<vmem>>
          %dma_wait3A_165 = tpu.memref_squeeze %dma_wait3A_164 : memref<1x8x128xi32, #tpu.memory_space<vmem>> -> memref<8x128xi32, #tpu.memory_space<vmem>>
          %dma_wait3A_166 = arith.constant 0 : i32
          %dma_wait3A_167 = tpu.memref_slice %arg4[%multiple_of3A, %dma_wait3A_166] : memref<1280x128xi32, #tpu.memory_space<hbm>> -> memref<8x128xi32, #tpu.memory_space<hbm>>
          tpu.wait_dma2 semaphore(%run_scoped3A_143 : memref<!tpu.dma_semaphore, #tpu.memory_space<semaphore_mem>>) src(%dma_wait3A_167 : memref<8x128xi32, #tpu.memory_space<hbm>>) dst(%dma_wait3A_165 : memref<8x128xi32, #tpu.memory_space<vmem>>)
          tpu.yield
        }) : () -> ()
      } else {
      }
      %lt3A_105 = arith.constant 79 : i32
      %lt3A_106 = arith.cmpi slt, %scan3A_76, %lt3A_105 : i32
      %convert_element_type3A_107 = arith.extui %lt3A_106 : i1 to i32
      %cond3A_108 = arith.constant 0 : i32
      %cond3A_109 = arith.cmpi ne, %convert_element_type3A_107, %cond3A_108 : i32
      scf.if %cond3A_109 {
        %ge3A = arith.constant 1 : i32
        %ge3A_136 = arith.cmpi sge, %scan3A_76, %ge3A : i32
        %convert_element_type3A_137 = arith.extui %ge3A_136 : i1 to i32
        %cond3A_138 = arith.constant 0 : i32
        %cond3A_139 = arith.cmpi ne, %convert_element_type3A_137, %cond3A_138 : i32
        scf.if %cond3A_139 {
          %dma_wait3A_181 = arith.constant 0 : i32
          %dma_wait3A_182 = arith.constant 0 : i32
          %dma_wait3A_183 = tpu.memref_slice %arg9[%sub3A_78, %dma_wait3A_181, %dma_wait3A_182] : memref<2x128x128xf32, #tpu.memory_space<vmem>> -> memref<1x128x128xf32, #tpu.memory_space<vmem>>
          %dma_wait3A_184 = tpu.memref_squeeze %dma_wait3A_183 : memref<1x128x128xf32, #tpu.memory_space<vmem>> -> memref<128x128xf32, #tpu.memory_space<vmem>>
          %dma_wait3A_185 = arith.constant 0 : i32
          %dma_wait3A_186 = arith.constant 0 : i32
          %dma_wait3A_187 = tpu.memref_slice %arg2[%dma_wait3A_185, %dma_wait3A_186] : memref<10000x256xf32, #tpu.memory_space<hbm>> -> memref<128x128xf32, #tpu.memory_space<hbm>>
          %dma_wait3A_188 = arith.constant 0 : i32
          %dma_wait3A_189 = arith.constant 0 : i32
          %dma_wait3A_190 = tpu.memref_slice %arg9[%sub3A_78, %dma_wait3A_188, %dma_wait3A_189] : memref<2x128x128xf32, #tpu.memory_space<vmem>> -> memref<1x128x128xf32, #tpu.memory_space<vmem>>
          %dma_wait3A_191 = tpu.memref_squeeze %dma_wait3A_190 : memref<1x128x128xf32, #tpu.memory_space<vmem>> -> memref<128x128xf32, #tpu.memory_space<vmem>>
          %dma_wait3A_192 = arith.constant 0 : i32
          %dma_wait3A_193 = arith.constant 0 : i32
          %dma_wait3A_194 = tpu.memref_slice %arg2[%dma_wait3A_192, %dma_wait3A_193] : memref<10000x256xf32, #tpu.memory_space<hbm>> -> memref<128x128xf32, #tpu.memory_space<hbm>>
          tpu.wait_dma2 semaphore(%arg11 : memref<!tpu.dma_semaphore, #tpu.memory_space<semaphore_mem>>) src(%dma_wait3A_194 : memref<128x128xf32, #tpu.memory_space<hbm>>) dst(%dma_wait3A_191 : memref<128x128xf32, #tpu.memory_space<vmem>>)
        } else {
        }
        %add3A_140 = arith.constant 1 : i32
        %add3A_141 = arith.addi %scan3A_76, %add3A_140 : i32
        %rem3A_142 = arith.constant 8 : i32
        %rem3A_143 = arith.remsi %add3A_141, %rem3A_142 : i32
        %add3A_144 = arith.constant 1 : i32
        %add3A_145 = arith.addi %scan3A_76, %add3A_144 : i32
        %jit3A_146 = arith.constant 8 : i32
        %div3A_147 = arith.divsi %add3A_145, %jit3A_146 : i32
        %sign3A_148 = arith.constant 0 : i32
        %sign3A_149 = arith.cmpi sgt, %add3A_145, %sign3A_148 : i32
        %sign3A_150 = arith.extui %sign3A_149 : i1 to i32
        %sign3A_151 = arith.constant 0 : i32
        %sign3A_152 = arith.cmpi slt, %add3A_145, %sign3A_151 : i32
        %sign3A_153 = arith.extui %sign3A_152 : i1 to i32
        %sign3A_154 = arith.subi %sign3A_150, %sign3A_153 : i32
        %sign3A_155 = arith.constant 0 : i32
        %sign3A_156 = arith.cmpi sgt, %jit3A_146, %sign3A_155 : i32
        %sign3A_157 = arith.extui %sign3A_156 : i1 to i32
        %sign3A_158 = arith.constant 0 : i32
        %sign3A_159 = arith.cmpi slt, %jit3A_146, %sign3A_158 : i32
        %sign3A_160 = arith.extui %sign3A_159 : i1 to i32
        %sign3A_161 = arith.subi %sign3A_157, %sign3A_160 : i32
        %ne3A_162 = arith.cmpi ne, %sign3A_154, %sign3A_161 : i32
        %rem3A_163 = arith.remsi %add3A_145, %jit3A_146 : i32
        %ne3A_164 = arith.constant 0 : i32
        %ne3A_165 = arith.cmpi ne, %rem3A_163, %ne3A_164 : i32
        %and3A_166 = arith.andi %ne3A_162, %ne3A_165 : i1
        %sub3A_167 = arith.constant 1 : i32
        %sub3A_168 = arith.subi %div3A_147, %sub3A_167 : i32
        %select_n3A_169 = arith.select %and3A_166, %sub3A_168, %div3A_147 : i32
        %rem3A_170 = arith.constant 2 : i32
        %rem3A_171 = arith.remsi %select_n3A_169, %rem3A_170 : i32
        %dma_start3A_172 = arith.constant 0 : i32
        %dma_start3A_173 = arith.constant 0 : i32
        %dma_start3A_174 = tpu.memref_slice %arg9[%sub3A_78, %dma_start3A_172, %dma_start3A_173] : memref<2x128x128xf32, #tpu.memory_space<vmem>> -> memref<1x128x128xf32, #tpu.memory_space<vmem>>
        %dma_start3A_175 = tpu.memref_squeeze %dma_start3A_174 : memref<1x128x128xf32, #tpu.memory_space<vmem>> -> memref<128x128xf32, #tpu.memory_space<vmem>>
        %dma_start3A_176 = arith.constant 0 : i32
        %dma_start3A_177 = tpu.memref_slice %arg7[%rem3A_171, %rem3A_143, %dma_start3A_176] : memref<2x8x128xi32, #tpu.memory_space<vmem>> -> memref<1x1x128xi32, #tpu.memory_space<vmem>>
        %dma_start3A_178 = tpu.memref_squeeze %dma_start3A_177 : memref<1x1x128xi32, #tpu.memory_space<vmem>> -> memref<128xi32, #tpu.memory_space<vmem>>
        %dma_start3A_179 = arith.constant 0 : i32
        %dma_start3A_180 = tpu.memref_slice %arg2[%dma_start3A_179, %mul3A_2] : memref<10000x256xf32, #tpu.memory_space<hbm>> -> memref<10000x128xf32, #tpu.memory_space<hbm>>
        tpu.enqueue_indirect_dma source(%dma_start3A_180 : memref<10000x128xf32, #tpu.memory_space<hbm>>) target(%dma_start3A_175 : memref<128x128xf32, #tpu.memory_space<vmem>>) offsets(%dma_start3A_178 : memref<128xi32, #tpu.memory_space<vmem>>) semaphore(%arg10 : memref<!tpu.dma_semaphore, #tpu.memory_space<semaphore_mem>>)
      } else {
      }
      %dma_wait3A_110 = arith.constant 0 : i32
      %dma_wait3A_111 = arith.constant 0 : i32
      %dma_wait3A_112 = tpu.memref_slice %arg9[%rem3A_77, %dma_wait3A_110, %dma_wait3A_111] : memref<2x128x128xf32, #tpu.memory_space<vmem>> -> memref<1x128x128xf32, #tpu.memory_space<vmem>>
      %dma_wait3A_113 = tpu.memref_squeeze %dma_wait3A_112 : memref<1x128x128xf32, #tpu.memory_space<vmem>> -> memref<128x128xf32, #tpu.memory_space<vmem>>
      %dma_wait3A_114 = arith.constant 0 : i32
      %dma_wait3A_115 = arith.constant 0 : i32
      %dma_wait3A_116 = tpu.memref_slice %arg2[%dma_wait3A_114, %dma_wait3A_115] : memref<10000x256xf32, #tpu.memory_space<hbm>> -> memref<128x128xf32, #tpu.memory_space<hbm>>
      %dma_wait3A_117 = arith.constant 0 : i32
      %dma_wait3A_118 = arith.constant 0 : i32
      %dma_wait3A_119 = tpu.memref_slice %arg9[%rem3A_77, %dma_wait3A_117, %dma_wait3A_118] : memref<2x128x128xf32, #tpu.memory_space<vmem>> -> memref<1x128x128xf32, #tpu.memory_space<vmem>>
      %dma_wait3A_120 = tpu.memref_squeeze %dma_wait3A_119 : memref<1x128x128xf32, #tpu.memory_space<vmem>> -> memref<128x128xf32, #tpu.memory_space<vmem>>
      %dma_wait3A_121 = arith.constant 0 : i32
      %dma_wait3A_122 = arith.constant 0 : i32
      %dma_wait3A_123 = tpu.memref_slice %arg2[%dma_wait3A_121, %dma_wait3A_122] : memref<10000x256xf32, #tpu.memory_space<hbm>> -> memref<128x128xf32, #tpu.memory_space<hbm>>
      tpu.wait_dma2 semaphore(%arg10 : memref<!tpu.dma_semaphore, #tpu.memory_space<semaphore_mem>>) src(%dma_wait3A_123 : memref<128x128xf32, #tpu.memory_space<hbm>>) dst(%dma_wait3A_120 : memref<128x128xf32, #tpu.memory_space<vmem>>)
      %rem3A_124 = arith.constant 8 : i32
      %rem3A_125 = arith.remsi %scan3A_76, %rem3A_124 : i32
      %dma_start3A_126 = arith.constant 0 : i32
      %dma_start3A_127 = arith.constant 0 : i32
      %dma_start3A_128 = tpu.memref_slice %arg9[%rem3A_77, %dma_start3A_126, %dma_start3A_127] : memref<2x128x128xf32, #tpu.memory_space<vmem>> -> memref<1x128x128xf32, #tpu.memory_space<vmem>>
      %dma_start3A_129 = tpu.memref_squeeze %dma_start3A_128 : memref<1x128x128xf32, #tpu.memory_space<vmem>> -> memref<128x128xf32, #tpu.memory_space<vmem>>
      %dma_start3A_130 = arith.constant 0 : i32
      %dma_start3A_131 = tpu.memref_slice %arg8[%rem3A_98, %rem3A_125, %dma_start3A_130] : memref<2x8x128xi32, #tpu.memory_space<vmem>> -> memref<1x1x128xi32, #tpu.memory_space<vmem>>
      %dma_start3A_132 = tpu.memref_squeeze %dma_start3A_131 : memref<1x1x128xi32, #tpu.memory_space<vmem>> -> memref<128xi32, #tpu.memory_space<vmem>>
      %dma_start3A_133 = arith.constant 0 : i32
      %dma_start3A_134 = arith.constant 0 : i32
      %dma_start3A_135 = tpu.memref_slice %arg6[%dma_start3A_133, %dma_start3A_134] : memref<10240x128xf32, #tpu.memory_space<vmem_shared>> -> memref<10240x128xf32, #tpu.memory_space<vmem_shared>>
      tpu.enqueue_indirect_dma source(%dma_start3A_129 : memref<128x128xf32, #tpu.memory_space<vmem>>) target(%dma_start3A_135 : memref<10240x128xf32, #tpu.memory_space<vmem_shared>>) offsets(%dma_start3A_132 : memref<128xi32, #tpu.memory_space<vmem>>) semaphore(%arg11 : memref<!tpu.dma_semaphore, #tpu.memory_space<semaphore_mem>>) {add = true}
    }
    %scan3A_42 = arith.constant 80 : i32
    %dma_wait3A = arith.constant 0 : i32
    %dma_wait3A_43 = arith.constant 0 : i32
    %dma_wait3A_44 = arith.constant 0 : i32
    %dma_wait3A_45 = tpu.memref_slice %arg9[%dma_wait3A, %dma_wait3A_43, %dma_wait3A_44] : memref<2x128x128xf32, #tpu.memory_space<vmem>> -> memref<1x128x128xf32, #tpu.memory_space<vmem>>
    %dma_wait3A_46 = tpu.memref_squeeze %dma_wait3A_45 : memref<1x128x128xf32, #tpu.memory_space<vmem>> -> memref<128x128xf32, #tpu.memory_space<vmem>>
    %dma_wait3A_47 = arith.constant 0 : i32
    %dma_wait3A_48 = arith.constant 0 : i32
    %dma_wait3A_49 = tpu.memref_slice %arg2[%dma_wait3A_47, %dma_wait3A_48] : memref<10000x256xf32, #tpu.memory_space<hbm>> -> memref<128x128xf32, #tpu.memory_space<hbm>>
    %dma_wait3A_50 = arith.constant 0 : i32
    %dma_wait3A_51 = arith.constant 0 : i32
    %dma_wait3A_52 = tpu.memref_slice %arg9[%dma_wait3A, %dma_wait3A_50, %dma_wait3A_51] : memref<2x128x128xf32, #tpu.memory_space<vmem>> -> memref<1x128x128xf32, #tpu.memory_space<vmem>>
    %dma_wait3A_53 = tpu.memref_squeeze %dma_wait3A_52 : memref<1x128x128xf32, #tpu.memory_space<vmem>> -> memref<128x128xf32, #tpu.memory_space<vmem>>
    %dma_wait3A_54 = arith.constant 0 : i32
    %dma_wait3A_55 = arith.constant 0 : i32
    %dma_wait3A_56 = tpu.memref_slice %arg2[%dma_wait3A_54, %dma_wait3A_55] : memref<10000x256xf32, #tpu.memory_space<hbm>> -> memref<128x128xf32, #tpu.memory_space<hbm>>
    tpu.wait_dma2 semaphore(%arg11 : memref<!tpu.dma_semaphore, #tpu.memory_space<semaphore_mem>>) src(%dma_wait3A_56 : memref<128x128xf32, #tpu.memory_space<hbm>>) dst(%dma_wait3A_53 : memref<128x128xf32, #tpu.memory_space<vmem>>)
    %dma_wait3A_57 = arith.constant 0 : i32
    %dma_wait3A_58 = arith.constant 0 : i32
    %dma_wait3A_59 = arith.constant 0 : i32
    %dma_wait3A_60 = tpu.memref_slice %arg9[%dma_wait3A_57, %dma_wait3A_58, %dma_wait3A_59] : memref<2x128x128xf32, #tpu.memory_space<vmem>> -> memref<1x128x128xf32, #tpu.memory_space<vmem>>
    %dma_wait3A_61 = tpu.memref_squeeze %dma_wait3A_60 : memref<1x128x128xf32, #tpu.memory_space<vmem>> -> memref<128x128xf32, #tpu.memory_space<vmem>>
    %dma_wait3A_62 = arith.constant 0 : i32
    %dma_wait3A_63 = arith.constant 0 : i32
    %dma_wait3A_64 = tpu.memref_slice %arg2[%dma_wait3A_62, %dma_wait3A_63] : memref<10000x256xf32, #tpu.memory_space<hbm>> -> memref<128x128xf32, #tpu.memory_space<hbm>>
    %dma_wait3A_65 = arith.constant 0 : i32
    %dma_wait3A_66 = arith.constant 0 : i32
    %dma_wait3A_67 = tpu.memref_slice %arg9[%dma_wait3A_57, %dma_wait3A_65, %dma_wait3A_66] : memref<2x128x128xf32, #tpu.memory_space<vmem>> -> memref<1x128x128xf32, #tpu.memory_space<vmem>>
    %dma_wait3A_68 = tpu.memref_squeeze %dma_wait3A_67 : memref<1x128x128xf32, #tpu.memory_space<vmem>> -> memref<128x128xf32, #tpu.memory_space<vmem>>
    %dma_wait3A_69 = arith.constant 0 : i32
    %dma_wait3A_70 = arith.constant 0 : i32
    %dma_wait3A_71 = tpu.memref_slice %arg2[%dma_wait3A_69, %dma_wait3A_70] : memref<10000x256xf32, #tpu.memory_space<hbm>> -> memref<128x128xf32, #tpu.memory_space<hbm>>
    tpu.wait_dma2 semaphore(%arg11 : memref<!tpu.dma_semaphore, #tpu.memory_space<semaphore_mem>>) src(%dma_wait3A_71 : memref<128x128xf32, #tpu.memory_space<hbm>>) dst(%dma_wait3A_68 : memref<128x128xf32, #tpu.memory_space<vmem>>)
    %barrier3A_72 = arith.constant 0 : index
    tpu.barrier barrier_id(%barrier3A_72)
    %mul3A_73 = arith.constant 10240 : i32
    %mul3A_74 = arith.muli %arg0, %mul3A_73 : i32
    %add3A_75 = arith.addi %mul3A_74, %mul3A_0 : i32
    "tpu.region"() ({
      %run_scoped3A_76 = tpu.sem_alloc : memref<!tpu.dma_semaphore, #tpu.memory_space<semaphore_mem>>
      %dma_start3A_77 = arith.constant 0 : i32
      %dma_start3A_78 = tpu.memref_slice %arg5[%add3A_75, %dma_start3A_77] : memref<20480x128xf32, #tpu.memory_space<hbm>> -> memref<640x128xf32, #tpu.memory_space<hbm>>
      %dma_start3A_79 = arith.constant 0 : i32
      %dma_start3A_80 = tpu.memref_slice %arg6[%mul3A_0, %dma_start3A_79] : memref<10240x128xf32, #tpu.memory_space<vmem_shared>> -> memref<640x128xf32, #tpu.memory_space<vmem_shared>>
      tpu.enqueue_dma source(%dma_start3A_80 : memref<640x128xf32, #tpu.memory_space<vmem_shared>>) target(%dma_start3A_78 : memref<640x128xf32, #tpu.memory_space<hbm>>) target_semaphore(%run_scoped3A_76 : memref<!tpu.dma_semaphore, #tpu.memory_space<semaphore_mem>>)
      %dma_wait3A_81 = arith.constant 0 : i32
      %dma_wait3A_82 = tpu.memref_slice %arg5[%add3A_75, %dma_wait3A_81] : memref<20480x128xf32, #tpu.memory_space<hbm>> -> memref<640x128xf32, #tpu.memory_space<hbm>>
      %dma_wait3A_83 = arith.constant 0 : i32
      %dma_wait3A_84 = tpu.memref_slice %arg6[%mul3A_0, %dma_wait3A_83] : memref<10240x128xf32, #tpu.memory_space<vmem_shared>> -> memref<640x128xf32, #tpu.memory_space<vmem_shared>>
      tpu.wait_dma2 semaphore(%run_scoped3A_76 : memref<!tpu.dma_semaphore, #tpu.memory_space<semaphore_mem>>) src(%dma_wait3A_84 : memref<640x128xf32, #tpu.memory_space<vmem_shared>>) dst(%dma_wait3A_82 : memref<640x128xf32, #tpu.memory_space<hbm>>)
      tpu.yield
    }) : () -> ()
    return
  }
}

#map = affine_map<(d0, d1) -> (0, 0)>
module attributes {stable_mosaic.version = 14 : i64} {
  func.func @_sc2_body(%arg0: i32, %arg1: i32, %arg2: memref<10240x64xf32, #tpu.memory_space<hbm>>, %arg3: memref<1280x128xi32, #tpu.memory_space<hbm>>, %arg4: memref<1280x128xi32, #tpu.memory_space<hbm>>, %arg5: memref<20480x64xf32, #tpu.memory_space<hbm>>, %arg6: memref<10240x64xf32, #tpu.memory_space<vmem_shared>>, %arg7: memref<2x8x128xi32, #tpu.memory_space<vmem>>, %arg8: memref<2x8x128xi32, #tpu.memory_space<vmem>>, %arg9: memref<2x128x64xf32, #tpu.memory_space<vmem>>, %arg10: memref<!tpu.dma_semaphore, #tpu.memory_space<semaphore_mem>>, %arg11: memref<!tpu.dma_semaphore, #tpu.memory_space<semaphore_mem>>) attributes {dimension_semantics = [#tpu.dimension_semantics<core_parallel>, #tpu.dimension_semantics<subcore_parallel>], iteration_bounds = array<i64: 2, 16>, scalar_prefetch = 0 : i64, scratch_operands = 6 : i64, tpu.core_type = #tpu.core_type<sc_vector_subcore>, window_params = [{transform_indices = #map}, {transform_indices = #map}, {transform_indices = #map}, {transform_indices = #map}]} {
    %mul3A = arith.constant 640 : i32
    %mul3A_0 = arith.muli %arg1, %mul3A : i32
    %broadcast_in_dim3A = arith.constant 0.000000e+00 : f32
    %broadcast_in_dim3A_1 = vector.broadcast %broadcast_in_dim3A : f32 to vector<16xf32>
    %scan3A = arith.constant 0 : i32
    %scan3A_2 = arith.constant 0 : i32
    %scan3A_3 = arith.constant 128 : i32
    %scan3A_4 = arith.addi %scan3A_2, %scan3A_3 : i32
    %scan3A_5 = arith.constant 1 : i32
    scf.for %scan3A_78 = %scan3A_2 to %scan3A_4 step %scan3A_5  : i32 {
      %swap3A = arith.constant 0 : i32
      %swap3A_79 = arith.index_cast %swap3A : i32 to index
      %swap3A_80 = arith.index_cast %scan3A_78 : i32 to index
      %swap3A_81 = arith.constant 0 : index
      %swap3A_82 = tpu.vector_load %arg9[%swap3A_79, %swap3A_80, %swap3A_81] {strides = array<i32>} : memref<2x128x64xf32, #tpu.memory_space<vmem>>, vector<1x1x16xf32>,
      %swap3A_83 = vector.shape_cast %swap3A_82 : vector<1x1x16xf32> to vector<16xf32>
      %swap3A_84 = vector.shape_cast %broadcast_in_dim3A_1 : vector<16xf32> to vector<1x1x16xf32>
      tpu.vector_store %arg9[%swap3A_79, %swap3A_80, %swap3A_81], %swap3A_84 {strides = array<i32>} : memref<2x128x64xf32, #tpu.memory_space<vmem>>, vector<1x1x16xf32>,
      %swap3A_85 = arith.constant 0 : i32
      %swap3A_86 = arith.index_cast %swap3A_85 : i32 to index
      %swap3A_87 = arith.index_cast %scan3A_78 : i32 to index
      %swap3A_88 = arith.constant 16 : index
      %swap3A_89 = tpu.vector_load %arg9[%swap3A_86, %swap3A_87, %swap3A_88] {strides = array<i32>} : memref<2x128x64xf32, #tpu.memory_space<vmem>>, vector<1x1x16xf32>,
      %swap3A_90 = vector.shape_cast %swap3A_89 : vector<1x1x16xf32> to vector<16xf32>
      %swap3A_91 = vector.shape_cast %broadcast_in_dim3A_1 : vector<16xf32> to vector<1x1x16xf32>
      tpu.vector_store %arg9[%swap3A_86, %swap3A_87, %swap3A_88], %swap3A_91 {strides = array<i32>} : memref<2x128x64xf32, #tpu.memory_space<vmem>>, vector<1x1x16xf32>,
      %swap3A_92 = arith.constant 0 : i32
      %swap3A_93 = arith.index_cast %swap3A_92 : i32 to index
      %swap3A_94 = arith.index_cast %scan3A_78 : i32 to index
      %swap3A_95 = arith.constant 32 : index
      %swap3A_96 = tpu.vector_load %arg9[%swap3A_93, %swap3A_94, %swap3A_95] {strides = array<i32>} : memref<2x128x64xf32, #tpu.memory_space<vmem>>, vector<1x1x16xf32>,
      %swap3A_97 = vector.shape_cast %swap3A_96 : vector<1x1x16xf32> to vector<16xf32>
      %swap3A_98 = vector.shape_cast %broadcast_in_dim3A_1 : vector<16xf32> to vector<1x1x16xf32>
      tpu.vector_store %arg9[%swap3A_93, %swap3A_94, %swap3A_95], %swap3A_98 {strides = array<i32>} : memref<2x128x64xf32, #tpu.memory_space<vmem>>, vector<1x1x16xf32>,
      %swap3A_99 = arith.constant 0 : i32
      %swap3A_100 = arith.index_cast %swap3A_99 : i32 to index
      %swap3A_101 = arith.index_cast %scan3A_78 : i32 to index
      %swap3A_102 = arith.constant 48 : index
      %swap3A_103 = tpu.vector_load %arg9[%swap3A_100, %swap3A_101, %swap3A_102] {strides = array<i32>} : memref<2x128x64xf32, #tpu.memory_space<vmem>>, vector<1x1x16xf32>,
      %swap3A_104 = vector.shape_cast %swap3A_103 : vector<1x1x16xf32> to vector<16xf32>
      %swap3A_105 = vector.shape_cast %broadcast_in_dim3A_1 : vector<16xf32> to vector<1x1x16xf32>
      tpu.vector_store %arg9[%swap3A_100, %swap3A_101, %swap3A_102], %swap3A_105 {strides = array<i32>} : memref<2x128x64xf32, #tpu.memory_space<vmem>>, vector<1x1x16xf32>,
    }
    %scan3A_6 = arith.constant 128 : i32
    %add3A = arith.constant 0 : i32
    %add3A_7 = arith.addi %mul3A_0, %add3A : i32
    %run_scoped3A = arith.constant 0 : i32
    "tpu.region"() ({
      %run_scoped3A_78 = tpu.sem_alloc : memref<!tpu.dma_semaphore, #tpu.memory_space<semaphore_mem>>
      %dma_start3A_79 = arith.constant 0 : i32
      %dma_start3A_80 = arith.constant 0 : i32
      %dma_start3A_81 = tpu.memref_slice %arg9[%run_scoped3A, %dma_start3A_79, %dma_start3A_80] : memref<2x128x64xf32, #tpu.memory_space<vmem>> -> memref<1x128x64xf32, #tpu.memory_space<vmem>>
      %dma_start3A_82 = tpu.memref_squeeze %dma_start3A_81 : memref<1x128x64xf32, #tpu.memory_space<vmem>> -> memref<128x64xf32, #tpu.memory_space<vmem>>
      %dma_start3A_83 = arith.constant 0 : i32
      %dma_start3A_84 = tpu.memref_slice %arg6[%add3A_7, %dma_start3A_83] : memref<10240x64xf32, #tpu.memory_space<vmem_shared>> -> memref<128x64xf32, #tpu.memory_space<vmem_shared>>
      %dma_start3A_85 = arith.constant 0 : i32
      %dma_start3A_86 = tpu.memref_slice %arg6[%add3A_7, %dma_start3A_85] : memref<10240x64xf32, #tpu.memory_space<vmem_shared>> -> memref<128x64xf32, #tpu.memory_space<vmem_shared>>
      %dma_start3A_87 = arith.constant 0 : i32
      %dma_start3A_88 = arith.constant 0 : i32
      %dma_start3A_89 = tpu.memref_slice %arg9[%run_scoped3A, %dma_start3A_87, %dma_start3A_88] : memref<2x128x64xf32, #tpu.memory_space<vmem>> -> memref<1x128x64xf32, #tpu.memory_space<vmem>>
      %dma_start3A_90 = tpu.memref_squeeze %dma_start3A_89 : memref<1x128x64xf32, #tpu.memory_space<vmem>> -> memref<128x64xf32, #tpu.memory_space<vmem>>
      tpu.enqueue_dma source(%dma_start3A_90 : memref<128x64xf32, #tpu.memory_space<vmem>>) target(%dma_start3A_86 : memref<128x64xf32, #tpu.memory_space<vmem_shared>>) target_semaphore(%run_scoped3A_78 : memref<!tpu.dma_semaphore, #tpu.memory_space<semaphore_mem>>)
      %dma_wait3A_91 = arith.constant 0 : i32
      %dma_wait3A_92 = arith.constant 0 : i32
      %dma_wait3A_93 = tpu.memref_slice %arg9[%run_scoped3A, %dma_wait3A_91, %dma_wait3A_92] : memref<2x128x64xf32, #tpu.memory_space<vmem>> -> memref<1x128x64xf32, #tpu.memory_space<vmem>>
      %dma_wait3A_94 = tpu.memref_squeeze %dma_wait3A_93 : memref<1x128x64xf32, #tpu.memory_space<vmem>> -> memref<128x64xf32, #tpu.memory_space<vmem>>
      %dma_wait3A_95 = arith.constant 0 : i32
      %dma_wait3A_96 = tpu.memref_slice %arg6[%add3A_7, %dma_wait3A_95] : memref<10240x64xf32, #tpu.memory_space<vmem_shared>> -> memref<128x64xf32, #tpu.memory_space<vmem_shared>>
      %dma_wait3A_97 = arith.constant 0 : i32
      %dma_wait3A_98 = tpu.memref_slice %arg6[%add3A_7, %dma_wait3A_97] : memref<10240x64xf32, #tpu.memory_space<vmem_shared>> -> memref<128x64xf32, #tpu.memory_space<vmem_shared>>
      %dma_wait3A_99 = arith.constant 0 : i32
      %dma_wait3A_100 = arith.constant 0 : i32
      %dma_wait3A_101 = tpu.memref_slice %arg9[%run_scoped3A, %dma_wait3A_99, %dma_wait3A_100] : memref<2x128x64xf32, #tpu.memory_space<vmem>> -> memref<1x128x64xf32, #tpu.memory_space<vmem>>
      %dma_wait3A_102 = tpu.memref_squeeze %dma_wait3A_101 : memref<1x128x64xf32, #tpu.memory_space<vmem>> -> memref<128x64xf32, #tpu.memory_space<vmem>>
      tpu.wait_dma2 semaphore(%run_scoped3A_78 : memref<!tpu.dma_semaphore, #tpu.memory_space<semaphore_mem>>) src(%dma_wait3A_102 : memref<128x64xf32, #tpu.memory_space<vmem>>) dst(%dma_wait3A_98 : memref<128x64xf32, #tpu.memory_space<vmem_shared>>)
      tpu.yield
    }) : () -> ()
    %add3A_8 = arith.constant 128 : i32
    %add3A_9 = arith.addi %mul3A_0, %add3A_8 : i32
    %run_scoped3A_10 = arith.constant 0 : i32
    "tpu.region"() ({
      %run_scoped3A_78 = tpu.sem_alloc : memref<!tpu.dma_semaphore, #tpu.memory_space<semaphore_mem>>
      %dma_start3A_79 = arith.constant 0 : i32
      %dma_start3A_80 = arith.constant 0 : i32
      %dma_start3A_81 = tpu.memref_slice %arg9[%run_scoped3A_10, %dma_start3A_79, %dma_start3A_80] : memref<2x128x64xf32, #tpu.memory_space<vmem>> -> memref<1x128x64xf32, #tpu.memory_space<vmem>>
      %dma_start3A_82 = tpu.memref_squeeze %dma_start3A_81 : memref<1x128x64xf32, #tpu.memory_space<vmem>> -> memref<128x64xf32, #tpu.memory_space<vmem>>
      %dma_start3A_83 = arith.constant 0 : i32
      %dma_start3A_84 = tpu.memref_slice %arg6[%add3A_9, %dma_start3A_83] : memref<10240x64xf32, #tpu.memory_space<vmem_shared>> -> memref<128x64xf32, #tpu.memory_space<vmem_shared>>
      %dma_start3A_85 = arith.constant 0 : i32
      %dma_start3A_86 = tpu.memref_slice %arg6[%add3A_9, %dma_start3A_85] : memref<10240x64xf32, #tpu.memory_space<vmem_shared>> -> memref<128x64xf32, #tpu.memory_space<vmem_shared>>
      %dma_start3A_87 = arith.constant 0 : i32
      %dma_start3A_88 = arith.constant 0 : i32
      %dma_start3A_89 = tpu.memref_slice %arg9[%run_scoped3A_10, %dma_start3A_87, %dma_start3A_88] : memref<2x128x64xf32, #tpu.memory_space<vmem>> -> memref<1x128x64xf32, #tpu.memory_space<vmem>>
      %dma_start3A_90 = tpu.memref_squeeze %dma_start3A_89 : memref<1x128x64xf32, #tpu.memory_space<vmem>> -> memref<128x64xf32, #tpu.memory_space<vmem>>
      tpu.enqueue_dma source(%dma_start3A_90 : memref<128x64xf32, #tpu.memory_space<vmem>>) target(%dma_start3A_86 : memref<128x64xf32, #tpu.memory_space<vmem_shared>>) target_semaphore(%run_scoped3A_78 : memref<!tpu.dma_semaphore, #tpu.memory_space<semaphore_mem>>)
      %dma_wait3A_91 = arith.constant 0 : i32
      %dma_wait3A_92 = arith.constant 0 : i32
      %dma_wait3A_93 = tpu.memref_slice %arg9[%run_scoped3A_10, %dma_wait3A_91, %dma_wait3A_92] : memref<2x128x64xf32, #tpu.memory_space<vmem>> -> memref<1x128x64xf32, #tpu.memory_space<vmem>>
      %dma_wait3A_94 = tpu.memref_squeeze %dma_wait3A_93 : memref<1x128x64xf32, #tpu.memory_space<vmem>> -> memref<128x64xf32, #tpu.memory_space<vmem>>
      %dma_wait3A_95 = arith.constant 0 : i32
      %dma_wait3A_96 = tpu.memref_slice %arg6[%add3A_9, %dma_wait3A_95] : memref<10240x64xf32, #tpu.memory_space<vmem_shared>> -> memref<128x64xf32, #tpu.memory_space<vmem_shared>>
      %dma_wait3A_97 = arith.constant 0 : i32
      %dma_wait3A_98 = tpu.memref_slice %arg6[%add3A_9, %dma_wait3A_97] : memref<10240x64xf32, #tpu.memory_space<vmem_shared>> -> memref<128x64xf32, #tpu.memory_space<vmem_shared>>
      %dma_wait3A_99 = arith.constant 0 : i32
      %dma_wait3A_100 = arith.constant 0 : i32
      %dma_wait3A_101 = tpu.memref_slice %arg9[%run_scoped3A_10, %dma_wait3A_99, %dma_wait3A_100] : memref<2x128x64xf32, #tpu.memory_space<vmem>> -> memref<1x128x64xf32, #tpu.memory_space<vmem>>
      %dma_wait3A_102 = tpu.memref_squeeze %dma_wait3A_101 : memref<1x128x64xf32, #tpu.memory_space<vmem>> -> memref<128x64xf32, #tpu.memory_space<vmem>>
      tpu.wait_dma2 semaphore(%run_scoped3A_78 : memref<!tpu.dma_semaphore, #tpu.memory_space<semaphore_mem>>) src(%dma_wait3A_102 : memref<128x64xf32, #tpu.memory_space<vmem>>) dst(%dma_wait3A_98 : memref<128x64xf32, #tpu.memory_space<vmem_shared>>)
      tpu.yield
    }) : () -> ()
    %add3A_11 = arith.constant 256 : i32
    %add3A_12 = arith.addi %mul3A_0, %add3A_11 : i32
    %run_scoped3A_13 = arith.constant 0 : i32
    "tpu.region"() ({
      %run_scoped3A_78 = tpu.sem_alloc : memref<!tpu.dma_semaphore, #tpu.memory_space<semaphore_mem>>
      %dma_start3A_79 = arith.constant 0 : i32
      %dma_start3A_80 = arith.constant 0 : i32
      %dma_start3A_81 = tpu.memref_slice %arg9[%run_scoped3A_13, %dma_start3A_79, %dma_start3A_80] : memref<2x128x64xf32, #tpu.memory_space<vmem>> -> memref<1x128x64xf32, #tpu.memory_space<vmem>>
      %dma_start3A_82 = tpu.memref_squeeze %dma_start3A_81 : memref<1x128x64xf32, #tpu.memory_space<vmem>> -> memref<128x64xf32, #tpu.memory_space<vmem>>
      %dma_start3A_83 = arith.constant 0 : i32
      %dma_start3A_84 = tpu.memref_slice %arg6[%add3A_12, %dma_start3A_83] : memref<10240x64xf32, #tpu.memory_space<vmem_shared>> -> memref<128x64xf32, #tpu.memory_space<vmem_shared>>
      %dma_start3A_85 = arith.constant 0 : i32
      %dma_start3A_86 = tpu.memref_slice %arg6[%add3A_12, %dma_start3A_85] : memref<10240x64xf32, #tpu.memory_space<vmem_shared>> -> memref<128x64xf32, #tpu.memory_space<vmem_shared>>
      %dma_start3A_87 = arith.constant 0 : i32
      %dma_start3A_88 = arith.constant 0 : i32
      %dma_start3A_89 = tpu.memref_slice %arg9[%run_scoped3A_13, %dma_start3A_87, %dma_start3A_88] : memref<2x128x64xf32, #tpu.memory_space<vmem>> -> memref<1x128x64xf32, #tpu.memory_space<vmem>>
      %dma_start3A_90 = tpu.memref_squeeze %dma_start3A_89 : memref<1x128x64xf32, #tpu.memory_space<vmem>> -> memref<128x64xf32, #tpu.memory_space<vmem>>
      tpu.enqueue_dma source(%dma_start3A_90 : memref<128x64xf32, #tpu.memory_space<vmem>>) target(%dma_start3A_86 : memref<128x64xf32, #tpu.memory_space<vmem_shared>>) target_semaphore(%run_scoped3A_78 : memref<!tpu.dma_semaphore, #tpu.memory_space<semaphore_mem>>)
      %dma_wait3A_91 = arith.constant 0 : i32
      %dma_wait3A_92 = arith.constant 0 : i32
      %dma_wait3A_93 = tpu.memref_slice %arg9[%run_scoped3A_13, %dma_wait3A_91, %dma_wait3A_92] : memref<2x128x64xf32, #tpu.memory_space<vmem>> -> memref<1x128x64xf32, #tpu.memory_space<vmem>>
      %dma_wait3A_94 = tpu.memref_squeeze %dma_wait3A_93 : memref<1x128x64xf32, #tpu.memory_space<vmem>> -> memref<128x64xf32, #tpu.memory_space<vmem>>
      %dma_wait3A_95 = arith.constant 0 : i32
      %dma_wait3A_96 = tpu.memref_slice %arg6[%add3A_12, %dma_wait3A_95] : memref<10240x64xf32, #tpu.memory_space<vmem_shared>> -> memref<128x64xf32, #tpu.memory_space<vmem_shared>>
      %dma_wait3A_97 = arith.constant 0 : i32
      %dma_wait3A_98 = tpu.memref_slice %arg6[%add3A_12, %dma_wait3A_97] : memref<10240x64xf32, #tpu.memory_space<vmem_shared>> -> memref<128x64xf32, #tpu.memory_space<vmem_shared>>
      %dma_wait3A_99 = arith.constant 0 : i32
      %dma_wait3A_100 = arith.constant 0 : i32
      %dma_wait3A_101 = tpu.memref_slice %arg9[%run_scoped3A_13, %dma_wait3A_99, %dma_wait3A_100] : memref<2x128x64xf32, #tpu.memory_space<vmem>> -> memref<1x128x64xf32, #tpu.memory_space<vmem>>
      %dma_wait3A_102 = tpu.memref_squeeze %dma_wait3A_101 : memref<1x128x64xf32, #tpu.memory_space<vmem>> -> memref<128x64xf32, #tpu.memory_space<vmem>>
      tpu.wait_dma2 semaphore(%run_scoped3A_78 : memref<!tpu.dma_semaphore, #tpu.memory_space<semaphore_mem>>) src(%dma_wait3A_102 : memref<128x64xf32, #tpu.memory_space<vmem>>) dst(%dma_wait3A_98 : memref<128x64xf32, #tpu.memory_space<vmem_shared>>)
      tpu.yield
    }) : () -> ()
    %add3A_14 = arith.constant 384 : i32
    %add3A_15 = arith.addi %mul3A_0, %add3A_14 : i32
    %run_scoped3A_16 = arith.constant 0 : i32
    "tpu.region"() ({
      %run_scoped3A_78 = tpu.sem_alloc : memref<!tpu.dma_semaphore, #tpu.memory_space<semaphore_mem>>
      %dma_start3A_79 = arith.constant 0 : i32
      %dma_start3A_80 = arith.constant 0 : i32
      %dma_start3A_81 = tpu.memref_slice %arg9[%run_scoped3A_16, %dma_start3A_79, %dma_start3A_80] : memref<2x128x64xf32, #tpu.memory_space<vmem>> -> memref<1x128x64xf32, #tpu.memory_space<vmem>>
      %dma_start3A_82 = tpu.memref_squeeze %dma_start3A_81 : memref<1x128x64xf32, #tpu.memory_space<vmem>> -> memref<128x64xf32, #tpu.memory_space<vmem>>
      %dma_start3A_83 = arith.constant 0 : i32
      %dma_start3A_84 = tpu.memref_slice %arg6[%add3A_15, %dma_start3A_83] : memref<10240x64xf32, #tpu.memory_space<vmem_shared>> -> memref<128x64xf32, #tpu.memory_space<vmem_shared>>
      %dma_start3A_85 = arith.constant 0 : i32
      %dma_start3A_86 = tpu.memref_slice %arg6[%add3A_15, %dma_start3A_85] : memref<10240x64xf32, #tpu.memory_space<vmem_shared>> -> memref<128x64xf32, #tpu.memory_space<vmem_shared>>
      %dma_start3A_87 = arith.constant 0 : i32
      %dma_start3A_88 = arith.constant 0 : i32
      %dma_start3A_89 = tpu.memref_slice %arg9[%run_scoped3A_16, %dma_start3A_87, %dma_start3A_88] : memref<2x128x64xf32, #tpu.memory_space<vmem>> -> memref<1x128x64xf32, #tpu.memory_space<vmem>>
      %dma_start3A_90 = tpu.memref_squeeze %dma_start3A_89 : memref<1x128x64xf32, #tpu.memory_space<vmem>> -> memref<128x64xf32, #tpu.memory_space<vmem>>
      tpu.enqueue_dma source(%dma_start3A_90 : memref<128x64xf32, #tpu.memory_space<vmem>>) target(%dma_start3A_86 : memref<128x64xf32, #tpu.memory_space<vmem_shared>>) target_semaphore(%run_scoped3A_78 : memref<!tpu.dma_semaphore, #tpu.memory_space<semaphore_mem>>)
      %dma_wait3A_91 = arith.constant 0 : i32
      %dma_wait3A_92 = arith.constant 0 : i32
      %dma_wait3A_93 = tpu.memref_slice %arg9[%run_scoped3A_16, %dma_wait3A_91, %dma_wait3A_92] : memref<2x128x64xf32, #tpu.memory_space<vmem>> -> memref<1x128x64xf32, #tpu.memory_space<vmem>>
      %dma_wait3A_94 = tpu.memref_squeeze %dma_wait3A_93 : memref<1x128x64xf32, #tpu.memory_space<vmem>> -> memref<128x64xf32, #tpu.memory_space<vmem>>
      %dma_wait3A_95 = arith.constant 0 : i32
      %dma_wait3A_96 = tpu.memref_slice %arg6[%add3A_15, %dma_wait3A_95] : memref<10240x64xf32, #tpu.memory_space<vmem_shared>> -> memref<128x64xf32, #tpu.memory_space<vmem_shared>>
      %dma_wait3A_97 = arith.constant 0 : i32
      %dma_wait3A_98 = tpu.memref_slice %arg6[%add3A_15, %dma_wait3A_97] : memref<10240x64xf32, #tpu.memory_space<vmem_shared>> -> memref<128x64xf32, #tpu.memory_space<vmem_shared>>
      %dma_wait3A_99 = arith.constant 0 : i32
      %dma_wait3A_100 = arith.constant 0 : i32
      %dma_wait3A_101 = tpu.memref_slice %arg9[%run_scoped3A_16, %dma_wait3A_99, %dma_wait3A_100] : memref<2x128x64xf32, #tpu.memory_space<vmem>> -> memref<1x128x64xf32, #tpu.memory_space<vmem>>
      %dma_wait3A_102 = tpu.memref_squeeze %dma_wait3A_101 : memref<1x128x64xf32, #tpu.memory_space<vmem>> -> memref<128x64xf32, #tpu.memory_space<vmem>>
      tpu.wait_dma2 semaphore(%run_scoped3A_78 : memref<!tpu.dma_semaphore, #tpu.memory_space<semaphore_mem>>) src(%dma_wait3A_102 : memref<128x64xf32, #tpu.memory_space<vmem>>) dst(%dma_wait3A_98 : memref<128x64xf32, #tpu.memory_space<vmem_shared>>)
      tpu.yield
    }) : () -> ()
    %add3A_17 = arith.constant 512 : i32
    %add3A_18 = arith.addi %mul3A_0, %add3A_17 : i32
    %run_scoped3A_19 = arith.constant 0 : i32
    "tpu.region"() ({
      %run_scoped3A_78 = tpu.sem_alloc : memref<!tpu.dma_semaphore, #tpu.memory_space<semaphore_mem>>
      %dma_start3A_79 = arith.constant 0 : i32
      %dma_start3A_80 = arith.constant 0 : i32
      %dma_start3A_81 = tpu.memref_slice %arg9[%run_scoped3A_19, %dma_start3A_79, %dma_start3A_80] : memref<2x128x64xf32, #tpu.memory_space<vmem>> -> memref<1x128x64xf32, #tpu.memory_space<vmem>>
      %dma_start3A_82 = tpu.memref_squeeze %dma_start3A_81 : memref<1x128x64xf32, #tpu.memory_space<vmem>> -> memref<128x64xf32, #tpu.memory_space<vmem>>
      %dma_start3A_83 = arith.constant 0 : i32
      %dma_start3A_84 = tpu.memref_slice %arg6[%add3A_18, %dma_start3A_83] : memref<10240x64xf32, #tpu.memory_space<vmem_shared>> -> memref<128x64xf32, #tpu.memory_space<vmem_shared>>
      %dma_start3A_85 = arith.constant 0 : i32
      %dma_start3A_86 = tpu.memref_slice %arg6[%add3A_18, %dma_start3A_85] : memref<10240x64xf32, #tpu.memory_space<vmem_shared>> -> memref<128x64xf32, #tpu.memory_space<vmem_shared>>
      %dma_start3A_87 = arith.constant 0 : i32
      %dma_start3A_88 = arith.constant 0 : i32
      %dma_start3A_89 = tpu.memref_slice %arg9[%run_scoped3A_19, %dma_start3A_87, %dma_start3A_88] : memref<2x128x64xf32, #tpu.memory_space<vmem>> -> memref<1x128x64xf32, #tpu.memory_space<vmem>>
      %dma_start3A_90 = tpu.memref_squeeze %dma_start3A_89 : memref<1x128x64xf32, #tpu.memory_space<vmem>> -> memref<128x64xf32, #tpu.memory_space<vmem>>
      tpu.enqueue_dma source(%dma_start3A_90 : memref<128x64xf32, #tpu.memory_space<vmem>>) target(%dma_start3A_86 : memref<128x64xf32, #tpu.memory_space<vmem_shared>>) target_semaphore(%run_scoped3A_78 : memref<!tpu.dma_semaphore, #tpu.memory_space<semaphore_mem>>)
      %dma_wait3A_91 = arith.constant 0 : i32
      %dma_wait3A_92 = arith.constant 0 : i32
      %dma_wait3A_93 = tpu.memref_slice %arg9[%run_scoped3A_19, %dma_wait3A_91, %dma_wait3A_92] : memref<2x128x64xf32, #tpu.memory_space<vmem>> -> memref<1x128x64xf32, #tpu.memory_space<vmem>>
      %dma_wait3A_94 = tpu.memref_squeeze %dma_wait3A_93 : memref<1x128x64xf32, #tpu.memory_space<vmem>> -> memref<128x64xf32, #tpu.memory_space<vmem>>
      %dma_wait3A_95 = arith.constant 0 : i32
      %dma_wait3A_96 = tpu.memref_slice %arg6[%add3A_18, %dma_wait3A_95] : memref<10240x64xf32, #tpu.memory_space<vmem_shared>> -> memref<128x64xf32, #tpu.memory_space<vmem_shared>>
      %dma_wait3A_97 = arith.constant 0 : i32
      %dma_wait3A_98 = tpu.memref_slice %arg6[%add3A_18, %dma_wait3A_97] : memref<10240x64xf32, #tpu.memory_space<vmem_shared>> -> memref<128x64xf32, #tpu.memory_space<vmem_shared>>
      %dma_wait3A_99 = arith.constant 0 : i32
      %dma_wait3A_100 = arith.constant 0 : i32
      %dma_wait3A_101 = tpu.memref_slice %arg9[%run_scoped3A_19, %dma_wait3A_99, %dma_wait3A_100] : memref<2x128x64xf32, #tpu.memory_space<vmem>> -> memref<1x128x64xf32, #tpu.memory_space<vmem>>
      %dma_wait3A_102 = tpu.memref_squeeze %dma_wait3A_101 : memref<1x128x64xf32, #tpu.memory_space<vmem>> -> memref<128x64xf32, #tpu.memory_space<vmem>>
      tpu.wait_dma2 semaphore(%run_scoped3A_78 : memref<!tpu.dma_semaphore, #tpu.memory_space<semaphore_mem>>) src(%dma_wait3A_102 : memref<128x64xf32, #tpu.memory_space<vmem>>) dst(%dma_wait3A_98 : memref<128x64xf32, #tpu.memory_space<vmem_shared>>)
      tpu.yield
    }) : () -> ()
    %barrier3A = arith.constant 0 : index
    tpu.barrier barrier_id(%barrier3A)
    %mul3A_20 = arith.constant 2 : i32
    %mul3A_21 = arith.muli %arg1, %mul3A_20 : i32
    %add3A_22 = arith.addi %mul3A_21, %arg0 : i32
    %mul3A_23 = arith.constant 40 : i32
    %mul3A_24 = arith.muli %add3A_22, %mul3A_23 : i32
    %run_scoped3A_25 = arith.constant 0 : i32
    "tpu.region"() ({
      %run_scoped3A_78 = tpu.sem_alloc : memref<!tpu.dma_semaphore, #tpu.memory_space<semaphore_mem>>
      %dma_start3A_79 = arith.constant 0 : i32
      %dma_start3A_80 = arith.constant 0 : i32
      %dma_start3A_81 = tpu.memref_slice %arg7[%run_scoped3A_25, %dma_start3A_79, %dma_start3A_80] : memref<2x8x128xi32, #tpu.memory_space<vmem>> -> memref<1x8x128xi32, #tpu.memory_space<vmem>>
      %dma_start3A_82 = tpu.memref_squeeze %dma_start3A_81 : memref<1x8x128xi32, #tpu.memory_space<vmem>> -> memref<8x128xi32, #tpu.memory_space<vmem>>
      %dma_start3A_83 = arith.constant 0 : i32
      %dma_start3A_84 = tpu.memref_slice %arg3[%mul3A_24, %dma_start3A_83] : memref<1280x128xi32, #tpu.memory_space<hbm>> -> memref<8x128xi32, #tpu.memory_space<hbm>>
      %dma_start3A_85 = arith.constant 0 : i32
      %dma_start3A_86 = arith.constant 0 : i32
      %dma_start3A_87 = tpu.memref_slice %arg7[%run_scoped3A_25, %dma_start3A_85, %dma_start3A_86] : memref<2x8x128xi32, #tpu.memory_space<vmem>> -> memref<1x8x128xi32, #tpu.memory_space<vmem>>
      %dma_start3A_88 = tpu.memref_squeeze %dma_start3A_87 : memref<1x8x128xi32, #tpu.memory_space<vmem>> -> memref<8x128xi32, #tpu.memory_space<vmem>>
      %dma_start3A_89 = arith.constant 0 : i32
      %dma_start3A_90 = tpu.memref_slice %arg3[%mul3A_24, %dma_start3A_89] : memref<1280x128xi32, #tpu.memory_space<hbm>> -> memref<8x128xi32, #tpu.memory_space<hbm>>
      tpu.enqueue_dma source(%dma_start3A_90 : memref<8x128xi32, #tpu.memory_space<hbm>>) target(%dma_start3A_88 : memref<8x128xi32, #tpu.memory_space<vmem>>) target_semaphore(%run_scoped3A_78 : memref<!tpu.dma_semaphore, #tpu.memory_space<semaphore_mem>>)
      %dma_wait3A_91 = arith.constant 0 : i32
      %dma_wait3A_92 = arith.constant 0 : i32
      %dma_wait3A_93 = tpu.memref_slice %arg7[%run_scoped3A_25, %dma_wait3A_91, %dma_wait3A_92] : memref<2x8x128xi32, #tpu.memory_space<vmem>> -> memref<1x8x128xi32, #tpu.memory_space<vmem>>
      %dma_wait3A_94 = tpu.memref_squeeze %dma_wait3A_93 : memref<1x8x128xi32, #tpu.memory_space<vmem>> -> memref<8x128xi32, #tpu.memory_space<vmem>>
      %dma_wait3A_95 = arith.constant 0 : i32
      %dma_wait3A_96 = tpu.memref_slice %arg3[%mul3A_24, %dma_wait3A_95] : memref<1280x128xi32, #tpu.memory_space<hbm>> -> memref<8x128xi32, #tpu.memory_space<hbm>>
      %dma_wait3A_97 = arith.constant 0 : i32
      %dma_wait3A_98 = arith.constant 0 : i32
      %dma_wait3A_99 = tpu.memref_slice %arg7[%run_scoped3A_25, %dma_wait3A_97, %dma_wait3A_98] : memref<2x8x128xi32, #tpu.memory_space<vmem>> -> memref<1x8x128xi32, #tpu.memory_space<vmem>>
      %dma_wait3A_100 = tpu.memref_squeeze %dma_wait3A_99 : memref<1x8x128xi32, #tpu.memory_space<vmem>> -> memref<8x128xi32, #tpu.memory_space<vmem>>
      %dma_wait3A_101 = arith.constant 0 : i32
      %dma_wait3A_102 = tpu.memref_slice %arg3[%mul3A_24, %dma_wait3A_101] : memref<1280x128xi32, #tpu.memory_space<hbm>> -> memref<8x128xi32, #tpu.memory_space<hbm>>
      tpu.wait_dma2 semaphore(%run_scoped3A_78 : memref<!tpu.dma_semaphore, #tpu.memory_space<semaphore_mem>>) src(%dma_wait3A_102 : memref<8x128xi32, #tpu.memory_space<hbm>>) dst(%dma_wait3A_100 : memref<8x128xi32, #tpu.memory_space<vmem>>)
      tpu.yield
    }) : () -> ()
    %run_scoped3A_26 = arith.constant 0 : i32
    "tpu.region"() ({
      %run_scoped3A_78 = tpu.sem_alloc : memref<!tpu.dma_semaphore, #tpu.memory_space<semaphore_mem>>
      %dma_start3A_79 = arith.constant 0 : i32
      %dma_start3A_80 = arith.constant 0 : i32
      %dma_start3A_81 = tpu.memref_slice %arg8[%run_scoped3A_26, %dma_start3A_79, %dma_start3A_80] : memref<2x8x128xi32, #tpu.memory_space<vmem>> -> memref<1x8x128xi32, #tpu.memory_space<vmem>>
      %dma_start3A_82 = tpu.memref_squeeze %dma_start3A_81 : memref<1x8x128xi32, #tpu.memory_space<vmem>> -> memref<8x128xi32, #tpu.memory_space<vmem>>
      %dma_start3A_83 = arith.constant 0 : i32
      %dma_start3A_84 = tpu.memref_slice %arg4[%mul3A_24, %dma_start3A_83] : memref<1280x128xi32, #tpu.memory_space<hbm>> -> memref<8x128xi32, #tpu.memory_space<hbm>>
      %dma_start3A_85 = arith.constant 0 : i32
      %dma_start3A_86 = arith.constant 0 : i32
      %dma_start3A_87 = tpu.memref_slice %arg8[%run_scoped3A_26, %dma_start3A_85, %dma_start3A_86] : memref<2x8x128xi32, #tpu.memory_space<vmem>> -> memref<1x8x128xi32, #tpu.memory_space<vmem>>
      %dma_start3A_88 = tpu.memref_squeeze %dma_start3A_87 : memref<1x8x128xi32, #tpu.memory_space<vmem>> -> memref<8x128xi32, #tpu.memory_space<vmem>>
      %dma_start3A_89 = arith.constant 0 : i32
      %dma_start3A_90 = tpu.memref_slice %arg4[%mul3A_24, %dma_start3A_89] : memref<1280x128xi32, #tpu.memory_space<hbm>> -> memref<8x128xi32, #tpu.memory_space<hbm>>
      tpu.enqueue_dma source(%dma_start3A_90 : memref<8x128xi32, #tpu.memory_space<hbm>>) target(%dma_start3A_88 : memref<8x128xi32, #tpu.memory_space<vmem>>) target_semaphore(%run_scoped3A_78 : memref<!tpu.dma_semaphore, #tpu.memory_space<semaphore_mem>>)
      %dma_wait3A_91 = arith.constant 0 : i32
      %dma_wait3A_92 = arith.constant 0 : i32
      %dma_wait3A_93 = tpu.memref_slice %arg8[%run_scoped3A_26, %dma_wait3A_91, %dma_wait3A_92] : memref<2x8x128xi32, #tpu.memory_space<vmem>> -> memref<1x8x128xi32, #tpu.memory_space<vmem>>
      %dma_wait3A_94 = tpu.memref_squeeze %dma_wait3A_93 : memref<1x8x128xi32, #tpu.memory_space<vmem>> -> memref<8x128xi32, #tpu.memory_space<vmem>>
      %dma_wait3A_95 = arith.constant 0 : i32
      %dma_wait3A_96 = tpu.memref_slice %arg4[%mul3A_24, %dma_wait3A_95] : memref<1280x128xi32, #tpu.memory_space<hbm>> -> memref<8x128xi32, #tpu.memory_space<hbm>>
      %dma_wait3A_97 = arith.constant 0 : i32
      %dma_wait3A_98 = arith.constant 0 : i32
      %dma_wait3A_99 = tpu.memref_slice %arg8[%run_scoped3A_26, %dma_wait3A_97, %dma_wait3A_98] : memref<2x8x128xi32, #tpu.memory_space<vmem>> -> memref<1x8x128xi32, #tpu.memory_space<vmem>>
      %dma_wait3A_100 = tpu.memref_squeeze %dma_wait3A_99 : memref<1x8x128xi32, #tpu.memory_space<vmem>> -> memref<8x128xi32, #tpu.memory_space<vmem>>
      %dma_wait3A_101 = arith.constant 0 : i32
      %dma_wait3A_102 = tpu.memref_slice %arg4[%mul3A_24, %dma_wait3A_101] : memref<1280x128xi32, #tpu.memory_space<hbm>> -> memref<8x128xi32, #tpu.memory_space<hbm>>
      tpu.wait_dma2 semaphore(%run_scoped3A_78 : memref<!tpu.dma_semaphore, #tpu.memory_space<semaphore_mem>>) src(%dma_wait3A_102 : memref<8x128xi32, #tpu.memory_space<hbm>>) dst(%dma_wait3A_100 : memref<8x128xi32, #tpu.memory_space<vmem>>)
      tpu.yield
    }) : () -> ()
    %dma_start3A = arith.constant 0 : i32
    %dma_start3A_27 = arith.constant 0 : i32
    %dma_start3A_28 = arith.constant 0 : i32
    %dma_start3A_29 = arith.constant 0 : i32
    %dma_start3A_30 = arith.constant 0 : i32
    %dma_start3A_31 = tpu.memref_slice %arg9[%dma_start3A_28, %dma_start3A_29, %dma_start3A_30] : memref<2x128x64xf32, #tpu.memory_space<vmem>> -> memref<1x128x64xf32, #tpu.memory_space<vmem>>
    %dma_start3A_32 = tpu.memref_squeeze %dma_start3A_31 : memref<1x128x64xf32, #tpu.memory_space<vmem>> -> memref<128x64xf32, #tpu.memory_space<vmem>>
    %dma_start3A_33 = arith.constant 0 : i32
    %dma_start3A_34 = tpu.memref_slice %arg7[%dma_start3A, %dma_start3A_27, %dma_start3A_33] : memref<2x8x128xi32, #tpu.memory_space<vmem>> -> memref<1x1x128xi32, #tpu.memory_space<vmem>>
    %dma_start3A_35 = tpu.memref_squeeze %dma_start3A_34 : memref<1x1x128xi32, #tpu.memory_space<vmem>> -> memref<128xi32, #tpu.memory_space<vmem>>
    %dma_start3A_36 = arith.constant 0 : i32
    %dma_start3A_37 = arith.constant 0 : i32
    %dma_start3A_38 = tpu.memref_slice %arg2[%dma_start3A_36, %dma_start3A_37] : memref<10240x64xf32, #tpu.memory_space<hbm>> -> memref<10240x64xf32, #tpu.memory_space<hbm>>
    tpu.enqueue_indirect_dma source(%dma_start3A_38 : memref<10240x64xf32, #tpu.memory_space<hbm>>) target(%dma_start3A_32 : memref<128x64xf32, #tpu.memory_space<vmem>>) offsets(%dma_start3A_35 : memref<128xi32, #tpu.memory_space<vmem>>) semaphore(%arg10 : memref<!tpu.dma_semaphore, #tpu.memory_space<semaphore_mem>>)
    %scan3A_39 = arith.constant 0 : i32
    %scan3A_40 = arith.constant 0 : i32
    %scan3A_41 = arith.constant 40 : i32
    %scan3A_42 = arith.addi %scan3A_40, %scan3A_41 : i32
    %scan3A_43 = arith.constant 1 : i32
    scf.for %scan3A_78 = %scan3A_40 to %scan3A_42 step %scan3A_43  : i32 {
      %rem3A = arith.constant 2 : i32
      %rem3A_79 = arith.remsi %scan3A_78, %rem3A : i32
      %sub3A = arith.constant 1 : i32
      %sub3A_80 = arith.subi %sub3A, %rem3A_79 : i32
      %jit3A = arith.constant 8 : i32
      %div3A = arith.divsi %scan3A_78, %jit3A : i32
      %sign3A = arith.constant 0 : i32
      %sign3A_81 = arith.cmpi sgt, %scan3A_78, %sign3A : i32
      %sign3A_82 = arith.extui %sign3A_81 : i1 to i32
      %sign3A_83 = arith.constant 0 : i32
      %sign3A_84 = arith.cmpi slt, %scan3A_78, %sign3A_83 : i32
      %sign3A_85 = arith.extui %sign3A_84 : i1 to i32
      %sign3A_86 = arith.subi %sign3A_82, %sign3A_85 : i32
      %sign3A_87 = arith.constant 0 : i32
      %sign3A_88 = arith.cmpi sgt, %jit3A, %sign3A_87 : i32
      %sign3A_89 = arith.extui %sign3A_88 : i1 to i32
      %sign3A_90 = arith.constant 0 : i32
      %sign3A_91 = arith.cmpi slt, %jit3A, %sign3A_90 : i32
      %sign3A_92 = arith.extui %sign3A_91 : i1 to i32
      %sign3A_93 = arith.subi %sign3A_89, %sign3A_92 : i32
      %ne3A = arith.cmpi ne, %sign3A_86, %sign3A_93 : i32
      %rem3A_94 = arith.remsi %scan3A_78, %jit3A : i32
      %ne3A_95 = arith.constant 0 : i32
      %ne3A_96 = arith.cmpi ne, %rem3A_94, %ne3A_95 : i32
      %and3A = arith.andi %ne3A, %ne3A_96 : i1
      %sub3A_97 = arith.constant 1 : i32
      %sub3A_98 = arith.subi %div3A, %sub3A_97 : i32
      %select_n3A = arith.select %and3A, %sub3A_98, %div3A : i32
      %rem3A_99 = arith.constant 2 : i32
      %rem3A_100 = arith.remsi %select_n3A, %rem3A_99 : i32
      %rem3A_101 = arith.constant 8 : i32
      %rem3A_102 = arith.remsi %scan3A_78, %rem3A_101 : i32
      %eq3A = arith.constant 7 : i32
      %eq3A_103 = arith.cmpi eq, %rem3A_102, %eq3A : i32
      %lt3A = arith.constant 39 : i32
      %lt3A_104 = arith.cmpi slt, %scan3A_78, %lt3A : i32
      %and3A_105 = arith.andi %eq3A_103, %lt3A_104 : i1
      %convert_element_type3A = arith.extui %and3A_105 : i1 to i32
      %cond3A = arith.constant 0 : i32
      %cond3A_106 = arith.cmpi ne, %convert_element_type3A, %cond3A : i32
      scf.if %cond3A_106 {
        %add3A_138 = arith.addi %mul3A_24, %scan3A_78 : i32
        %add3A_139 = arith.constant 1 : i32
        %add3A_140 = arith.addi %add3A_138, %add3A_139 : i32
        %multiple_of3A = tpu.assume_multiple %add3A_140, 8 : i32
        %sub3A_141 = arith.constant 1 : i32
        %sub3A_142 = arith.subi %sub3A_141, %rem3A_100 : i32
        "tpu.region"() ({
          %run_scoped3A_145 = tpu.sem_alloc : memref<!tpu.dma_semaphore, #tpu.memory_space<semaphore_mem>>
          %dma_start3A_146 = arith.constant 0 : i32
          %dma_start3A_147 = arith.constant 0 : i32
          %dma_start3A_148 = tpu.memref_slice %arg7[%sub3A_142, %dma_start3A_146, %dma_start3A_147] : memref<2x8x128xi32, #tpu.memory_space<vmem>> -> memref<1x8x128xi32, #tpu.memory_space<vmem>>
          %dma_start3A_149 = tpu.memref_squeeze %dma_start3A_148 : memref<1x8x128xi32, #tpu.memory_space<vmem>> -> memref<8x128xi32, #tpu.memory_space<vmem>>
          %dma_start3A_150 = arith.constant 0 : i32
          %dma_start3A_151 = tpu.memref_slice %arg3[%multiple_of3A, %dma_start3A_150] : memref<1280x128xi32, #tpu.memory_space<hbm>> -> memref<8x128xi32, #tpu.memory_space<hbm>>
          %dma_start3A_152 = arith.constant 0 : i32
          %dma_start3A_153 = arith.constant 0 : i32
          %dma_start3A_154 = tpu.memref_slice %arg7[%sub3A_142, %dma_start3A_152, %dma_start3A_153] : memref<2x8x128xi32, #tpu.memory_space<vmem>> -> memref<1x8x128xi32, #tpu.memory_space<vmem>>
          %dma_start3A_155 = tpu.memref_squeeze %dma_start3A_154 : memref<1x8x128xi32, #tpu.memory_space<vmem>> -> memref<8x128xi32, #tpu.memory_space<vmem>>
          %dma_start3A_156 = arith.constant 0 : i32
          %dma_start3A_157 = tpu.memref_slice %arg3[%multiple_of3A, %dma_start3A_156] : memref<1280x128xi32, #tpu.memory_space<hbm>> -> memref<8x128xi32, #tpu.memory_space<hbm>>
          tpu.enqueue_dma source(%dma_start3A_157 : memref<8x128xi32, #tpu.memory_space<hbm>>) target(%dma_start3A_155 : memref<8x128xi32, #tpu.memory_space<vmem>>) target_semaphore(%run_scoped3A_145 : memref<!tpu.dma_semaphore, #tpu.memory_space<semaphore_mem>>)
          %dma_wait3A_158 = arith.constant 0 : i32
          %dma_wait3A_159 = arith.constant 0 : i32
          %dma_wait3A_160 = tpu.memref_slice %arg7[%sub3A_142, %dma_wait3A_158, %dma_wait3A_159] : memref<2x8x128xi32, #tpu.memory_space<vmem>> -> memref<1x8x128xi32, #tpu.memory_space<vmem>>
          %dma_wait3A_161 = tpu.memref_squeeze %dma_wait3A_160 : memref<1x8x128xi32, #tpu.memory_space<vmem>> -> memref<8x128xi32, #tpu.memory_space<vmem>>
          %dma_wait3A_162 = arith.constant 0 : i32
          %dma_wait3A_163 = tpu.memref_slice %arg3[%multiple_of3A, %dma_wait3A_162] : memref<1280x128xi32, #tpu.memory_space<hbm>> -> memref<8x128xi32, #tpu.memory_space<hbm>>
          %dma_wait3A_164 = arith.constant 0 : i32
          %dma_wait3A_165 = arith.constant 0 : i32
          %dma_wait3A_166 = tpu.memref_slice %arg7[%sub3A_142, %dma_wait3A_164, %dma_wait3A_165] : memref<2x8x128xi32, #tpu.memory_space<vmem>> -> memref<1x8x128xi32, #tpu.memory_space<vmem>>
          %dma_wait3A_167 = tpu.memref_squeeze %dma_wait3A_166 : memref<1x8x128xi32, #tpu.memory_space<vmem>> -> memref<8x128xi32, #tpu.memory_space<vmem>>
          %dma_wait3A_168 = arith.constant 0 : i32
          %dma_wait3A_169 = tpu.memref_slice %arg3[%multiple_of3A, %dma_wait3A_168] : memref<1280x128xi32, #tpu.memory_space<hbm>> -> memref<8x128xi32, #tpu.memory_space<hbm>>
          tpu.wait_dma2 semaphore(%run_scoped3A_145 : memref<!tpu.dma_semaphore, #tpu.memory_space<semaphore_mem>>) src(%dma_wait3A_169 : memref<8x128xi32, #tpu.memory_space<hbm>>) dst(%dma_wait3A_167 : memref<8x128xi32, #tpu.memory_space<vmem>>)
          tpu.yield
        }) : () -> ()
        %sub3A_143 = arith.constant 1 : i32
        %sub3A_144 = arith.subi %sub3A_143, %rem3A_100 : i32
        "tpu.region"() ({
          %run_scoped3A_145 = tpu.sem_alloc : memref<!tpu.dma_semaphore, #tpu.memory_space<semaphore_mem>>
          %dma_start3A_146 = arith.constant 0 : i32
          %dma_start3A_147 = arith.constant 0 : i32
          %dma_start3A_148 = tpu.memref_slice %arg8[%sub3A_144, %dma_start3A_146, %dma_start3A_147] : memref<2x8x128xi32, #tpu.memory_space<vmem>> -> memref<1x8x128xi32, #tpu.memory_space<vmem>>
          %dma_start3A_149 = tpu.memref_squeeze %dma_start3A_148 : memref<1x8x128xi32, #tpu.memory_space<vmem>> -> memref<8x128xi32, #tpu.memory_space<vmem>>
          %dma_start3A_150 = arith.constant 0 : i32
          %dma_start3A_151 = tpu.memref_slice %arg4[%multiple_of3A, %dma_start3A_150] : memref<1280x128xi32, #tpu.memory_space<hbm>> -> memref<8x128xi32, #tpu.memory_space<hbm>>
          %dma_start3A_152 = arith.constant 0 : i32
          %dma_start3A_153 = arith.constant 0 : i32
          %dma_start3A_154 = tpu.memref_slice %arg8[%sub3A_144, %dma_start3A_152, %dma_start3A_153] : memref<2x8x128xi32, #tpu.memory_space<vmem>> -> memref<1x8x128xi32, #tpu.memory_space<vmem>>
          %dma_start3A_155 = tpu.memref_squeeze %dma_start3A_154 : memref<1x8x128xi32, #tpu.memory_space<vmem>> -> memref<8x128xi32, #tpu.memory_space<vmem>>
          %dma_start3A_156 = arith.constant 0 : i32
          %dma_start3A_157 = tpu.memref_slice %arg4[%multiple_of3A, %dma_start3A_156] : memref<1280x128xi32, #tpu.memory_space<hbm>> -> memref<8x128xi32, #tpu.memory_space<hbm>>
          tpu.enqueue_dma source(%dma_start3A_157 : memref<8x128xi32, #tpu.memory_space<hbm>>) target(%dma_start3A_155 : memref<8x128xi32, #tpu.memory_space<vmem>>) target_semaphore(%run_scoped3A_145 : memref<!tpu.dma_semaphore, #tpu.memory_space<semaphore_mem>>)
          %dma_wait3A_158 = arith.constant 0 : i32
          %dma_wait3A_159 = arith.constant 0 : i32
          %dma_wait3A_160 = tpu.memref_slice %arg8[%sub3A_144, %dma_wait3A_158, %dma_wait3A_159] : memref<2x8x128xi32, #tpu.memory_space<vmem>> -> memref<1x8x128xi32, #tpu.memory_space<vmem>>
          %dma_wait3A_161 = tpu.memref_squeeze %dma_wait3A_160 : memref<1x8x128xi32, #tpu.memory_space<vmem>> -> memref<8x128xi32, #tpu.memory_space<vmem>>
          %dma_wait3A_162 = arith.constant 0 : i32
          %dma_wait3A_163 = tpu.memref_slice %arg4[%multiple_of3A, %dma_wait3A_162] : memref<1280x128xi32, #tpu.memory_space<hbm>> -> memref<8x128xi32, #tpu.memory_space<hbm>>
          %dma_wait3A_164 = arith.constant 0 : i32
          %dma_wait3A_165 = arith.constant 0 : i32
          %dma_wait3A_166 = tpu.memref_slice %arg8[%sub3A_144, %dma_wait3A_164, %dma_wait3A_165] : memref<2x8x128xi32, #tpu.memory_space<vmem>> -> memref<1x8x128xi32, #tpu.memory_space<vmem>>
          %dma_wait3A_167 = tpu.memref_squeeze %dma_wait3A_166 : memref<1x8x128xi32, #tpu.memory_space<vmem>> -> memref<8x128xi32, #tpu.memory_space<vmem>>
          %dma_wait3A_168 = arith.constant 0 : i32
          %dma_wait3A_169 = tpu.memref_slice %arg4[%multiple_of3A, %dma_wait3A_168] : memref<1280x128xi32, #tpu.memory_space<hbm>> -> memref<8x128xi32, #tpu.memory_space<hbm>>
          tpu.wait_dma2 semaphore(%run_scoped3A_145 : memref<!tpu.dma_semaphore, #tpu.memory_space<semaphore_mem>>) src(%dma_wait3A_169 : memref<8x128xi32, #tpu.memory_space<hbm>>) dst(%dma_wait3A_167 : memref<8x128xi32, #tpu.memory_space<vmem>>)
          tpu.yield
        }) : () -> ()
      } else {
      }
      %lt3A_107 = arith.constant 39 : i32
      %lt3A_108 = arith.cmpi slt, %scan3A_78, %lt3A_107 : i32
      %convert_element_type3A_109 = arith.extui %lt3A_108 : i1 to i32
      %cond3A_110 = arith.constant 0 : i32
      %cond3A_111 = arith.cmpi ne, %convert_element_type3A_109, %cond3A_110 : i32
      scf.if %cond3A_111 {
        %ge3A = arith.constant 1 : i32
        %ge3A_138 = arith.cmpi sge, %scan3A_78, %ge3A : i32
        %convert_element_type3A_139 = arith.extui %ge3A_138 : i1 to i32
        %cond3A_140 = arith.constant 0 : i32
        %cond3A_141 = arith.cmpi ne, %convert_element_type3A_139, %cond3A_140 : i32
        scf.if %cond3A_141 {
          %dma_wait3A_184 = arith.constant 0 : i32
          %dma_wait3A_185 = arith.constant 0 : i32
          %dma_wait3A_186 = tpu.memref_slice %arg9[%sub3A_80, %dma_wait3A_184, %dma_wait3A_185] : memref<2x128x64xf32, #tpu.memory_space<vmem>> -> memref<1x128x64xf32, #tpu.memory_space<vmem>>
          %dma_wait3A_187 = tpu.memref_squeeze %dma_wait3A_186 : memref<1x128x64xf32, #tpu.memory_space<vmem>> -> memref<128x64xf32, #tpu.memory_space<vmem>>
          %dma_wait3A_188 = arith.constant 0 : i32
          %dma_wait3A_189 = arith.constant 0 : i32
          %dma_wait3A_190 = tpu.memref_slice %arg2[%dma_wait3A_188, %dma_wait3A_189] : memref<10240x64xf32, #tpu.memory_space<hbm>> -> memref<128x64xf32, #tpu.memory_space<hbm>>
          %dma_wait3A_191 = arith.constant 0 : i32
          %dma_wait3A_192 = arith.constant 0 : i32
          %dma_wait3A_193 = tpu.memref_slice %arg9[%sub3A_80, %dma_wait3A_191, %dma_wait3A_192] : memref<2x128x64xf32, #tpu.memory_space<vmem>> -> memref<1x128x64xf32, #tpu.memory_space<vmem>>
          %dma_wait3A_194 = tpu.memref_squeeze %dma_wait3A_193 : memref<1x128x64xf32, #tpu.memory_space<vmem>> -> memref<128x64xf32, #tpu.memory_space<vmem>>
          %dma_wait3A_195 = arith.constant 0 : i32
          %dma_wait3A_196 = arith.constant 0 : i32
          %dma_wait3A_197 = tpu.memref_slice %arg2[%dma_wait3A_195, %dma_wait3A_196] : memref<10240x64xf32, #tpu.memory_space<hbm>> -> memref<128x64xf32, #tpu.memory_space<hbm>>
          tpu.wait_dma2 semaphore(%arg11 : memref<!tpu.dma_semaphore, #tpu.memory_space<semaphore_mem>>) src(%dma_wait3A_197 : memref<128x64xf32, #tpu.memory_space<hbm>>) dst(%dma_wait3A_194 : memref<128x64xf32, #tpu.memory_space<vmem>>)
        } else {
        }
        %add3A_142 = arith.constant 1 : i32
        %add3A_143 = arith.addi %scan3A_78, %add3A_142 : i32
        %rem3A_144 = arith.constant 8 : i32
        %rem3A_145 = arith.remsi %add3A_143, %rem3A_144 : i32
        %add3A_146 = arith.constant 1 : i32
        %add3A_147 = arith.addi %scan3A_78, %add3A_146 : i32
        %jit3A_148 = arith.constant 8 : i32
        %div3A_149 = arith.divsi %add3A_147, %jit3A_148 : i32
        %sign3A_150 = arith.constant 0 : i32
        %sign3A_151 = arith.cmpi sgt, %add3A_147, %sign3A_150 : i32
        %sign3A_152 = arith.extui %sign3A_151 : i1 to i32
        %sign3A_153 = arith.constant 0 : i32
        %sign3A_154 = arith.cmpi slt, %add3A_147, %sign3A_153 : i32
        %sign3A_155 = arith.extui %sign3A_154 : i1 to i32
        %sign3A_156 = arith.subi %sign3A_152, %sign3A_155 : i32
        %sign3A_157 = arith.constant 0 : i32
        %sign3A_158 = arith.cmpi sgt, %jit3A_148, %sign3A_157 : i32
        %sign3A_159 = arith.extui %sign3A_158 : i1 to i32
        %sign3A_160 = arith.constant 0 : i32
        %sign3A_161 = arith.cmpi slt, %jit3A_148, %sign3A_160 : i32
        %sign3A_162 = arith.extui %sign3A_161 : i1 to i32
        %sign3A_163 = arith.subi %sign3A_159, %sign3A_162 : i32
        %ne3A_164 = arith.cmpi ne, %sign3A_156, %sign3A_163 : i32
        %rem3A_165 = arith.remsi %add3A_147, %jit3A_148 : i32
        %ne3A_166 = arith.constant 0 : i32
        %ne3A_167 = arith.cmpi ne, %rem3A_165, %ne3A_166 : i32
        %and3A_168 = arith.andi %ne3A_164, %ne3A_167 : i1
        %sub3A_169 = arith.constant 1 : i32
        %sub3A_170 = arith.subi %div3A_149, %sub3A_169 : i32
        %select_n3A_171 = arith.select %and3A_168, %sub3A_170, %div3A_149 : i32
        %rem3A_172 = arith.constant 2 : i32
        %rem3A_173 = arith.remsi %select_n3A_171, %rem3A_172 : i32
        %dma_start3A_174 = arith.constant 0 : i32
        %dma_start3A_175 = arith.constant 0 : i32
        %dma_start3A_176 = tpu.memref_slice %arg9[%sub3A_80, %dma_start3A_174, %dma_start3A_175] : memref<2x128x64xf32, #tpu.memory_space<vmem>> -> memref<1x128x64xf32, #tpu.memory_space<vmem>>
        %dma_start3A_177 = tpu.memref_squeeze %dma_start3A_176 : memref<1x128x64xf32, #tpu.memory_space<vmem>> -> memref<128x64xf32, #tpu.memory_space<vmem>>
        %dma_start3A_178 = arith.constant 0 : i32
        %dma_start3A_179 = tpu.memref_slice %arg7[%rem3A_173, %rem3A_145, %dma_start3A_178] : memref<2x8x128xi32, #tpu.memory_space<vmem>> -> memref<1x1x128xi32, #tpu.memory_space<vmem>>
        %dma_start3A_180 = tpu.memref_squeeze %dma_start3A_179 : memref<1x1x128xi32, #tpu.memory_space<vmem>> -> memref<128xi32, #tpu.memory_space<vmem>>
        %dma_start3A_181 = arith.constant 0 : i32
        %dma_start3A_182 = arith.constant 0 : i32
        %dma_start3A_183 = tpu.memref_slice %arg2[%dma_start3A_181, %dma_start3A_182] : memref<10240x64xf32, #tpu.memory_space<hbm>> -> memref<10240x64xf32, #tpu.memory_space<hbm>>
        tpu.enqueue_indirect_dma source(%dma_start3A_183 : memref<10240x64xf32, #tpu.memory_space<hbm>>) target(%dma_start3A_177 : memref<128x64xf32, #tpu.memory_space<vmem>>) offsets(%dma_start3A_180 : memref<128xi32, #tpu.memory_space<vmem>>) semaphore(%arg10 : memref<!tpu.dma_semaphore, #tpu.memory_space<semaphore_mem>>)
      } else {
      }
      %dma_wait3A_112 = arith.constant 0 : i32
      %dma_wait3A_113 = arith.constant 0 : i32
      %dma_wait3A_114 = tpu.memref_slice %arg9[%rem3A_79, %dma_wait3A_112, %dma_wait3A_113] : memref<2x128x64xf32, #tpu.memory_space<vmem>> -> memref<1x128x64xf32, #tpu.memory_space<vmem>>
      %dma_wait3A_115 = tpu.memref_squeeze %dma_wait3A_114 : memref<1x128x64xf32, #tpu.memory_space<vmem>> -> memref<128x64xf32, #tpu.memory_space<vmem>>
      %dma_wait3A_116 = arith.constant 0 : i32
      %dma_wait3A_117 = arith.constant 0 : i32
      %dma_wait3A_118 = tpu.memref_slice %arg2[%dma_wait3A_116, %dma_wait3A_117] : memref<10240x64xf32, #tpu.memory_space<hbm>> -> memref<128x64xf32, #tpu.memory_space<hbm>>
      %dma_wait3A_119 = arith.constant 0 : i32
      %dma_wait3A_120 = arith.constant 0 : i32
      %dma_wait3A_121 = tpu.memref_slice %arg9[%rem3A_79, %dma_wait3A_119, %dma_wait3A_120] : memref<2x128x64xf32, #tpu.memory_space<vmem>> -> memref<1x128x64xf32, #tpu.memory_space<vmem>>
      %dma_wait3A_122 = tpu.memref_squeeze %dma_wait3A_121 : memref<1x128x64xf32, #tpu.memory_space<vmem>> -> memref<128x64xf32, #tpu.memory_space<vmem>>
      %dma_wait3A_123 = arith.constant 0 : i32
      %dma_wait3A_124 = arith.constant 0 : i32
      %dma_wait3A_125 = tpu.memref_slice %arg2[%dma_wait3A_123, %dma_wait3A_124] : memref<10240x64xf32, #tpu.memory_space<hbm>> -> memref<128x64xf32, #tpu.memory_space<hbm>>
      tpu.wait_dma2 semaphore(%arg10 : memref<!tpu.dma_semaphore, #tpu.memory_space<semaphore_mem>>) src(%dma_wait3A_125 : memref<128x64xf32, #tpu.memory_space<hbm>>) dst(%dma_wait3A_122 : memref<128x64xf32, #tpu.memory_space<vmem>>)
      %rem3A_126 = arith.constant 8 : i32
      %rem3A_127 = arith.remsi %scan3A_78, %rem3A_126 : i32
      %dma_start3A_128 = arith.constant 0 : i32
      %dma_start3A_129 = arith.constant 0 : i32
      %dma_start3A_130 = tpu.memref_slice %arg9[%rem3A_79, %dma_start3A_128, %dma_start3A_129] : memref<2x128x64xf32, #tpu.memory_space<vmem>> -> memref<1x128x64xf32, #tpu.memory_space<vmem>>
      %dma_start3A_131 = tpu.memref_squeeze %dma_start3A_130 : memref<1x128x64xf32, #tpu.memory_space<vmem>> -> memref<128x64xf32, #tpu.memory_space<vmem>>
      %dma_start3A_132 = arith.constant 0 : i32
      %dma_start3A_133 = tpu.memref_slice %arg8[%rem3A_100, %rem3A_127, %dma_start3A_132] : memref<2x8x128xi32, #tpu.memory_space<vmem>> -> memref<1x1x128xi32, #tpu.memory_space<vmem>>
      %dma_start3A_134 = tpu.memref_squeeze %dma_start3A_133 : memref<1x1x128xi32, #tpu.memory_space<vmem>> -> memref<128xi32, #tpu.memory_space<vmem>>
      %dma_start3A_135 = arith.constant 0 : i32
      %dma_start3A_136 = arith.constant 0 : i32
      %dma_start3A_137 = tpu.memref_slice %arg6[%dma_start3A_135, %dma_start3A_136] : memref<10240x64xf32, #tpu.memory_space<vmem_shared>> -> memref<10240x64xf32, #tpu.memory_space<vmem_shared>>
      tpu.enqueue_indirect_dma source(%dma_start3A_131 : memref<128x64xf32, #tpu.memory_space<vmem>>) target(%dma_start3A_137 : memref<10240x64xf32, #tpu.memory_space<vmem_shared>>) offsets(%dma_start3A_134 : memref<128xi32, #tpu.memory_space<vmem>>) semaphore(%arg11 : memref<!tpu.dma_semaphore, #tpu.memory_space<semaphore_mem>>) {add = true}
    }
    %scan3A_44 = arith.constant 40 : i32
    %dma_wait3A = arith.constant 0 : i32
    %dma_wait3A_45 = arith.constant 0 : i32
    %dma_wait3A_46 = arith.constant 0 : i32
    %dma_wait3A_47 = tpu.memref_slice %arg9[%dma_wait3A, %dma_wait3A_45, %dma_wait3A_46] : memref<2x128x64xf32, #tpu.memory_space<vmem>> -> memref<1x128x64xf32, #tpu.memory_space<vmem>>
    %dma_wait3A_48 = tpu.memref_squeeze %dma_wait3A_47 : memref<1x128x64xf32, #tpu.memory_space<vmem>> -> memref<128x64xf32, #tpu.memory_space<vmem>>
    %dma_wait3A_49 = arith.constant 0 : i32
    %dma_wait3A_50 = arith.constant 0 : i32
    %dma_wait3A_51 = tpu.memref_slice %arg2[%dma_wait3A_49, %dma_wait3A_50] : memref<10240x64xf32, #tpu.memory_space<hbm>> -> memref<128x64xf32, #tpu.memory_space<hbm>>
    %dma_wait3A_52 = arith.constant 0 : i32
    %dma_wait3A_53 = arith.constant 0 : i32
    %dma_wait3A_54 = tpu.memref_slice %arg9[%dma_wait3A, %dma_wait3A_52, %dma_wait3A_53] : memref<2x128x64xf32, #tpu.memory_space<vmem>> -> memref<1x128x64xf32, #tpu.memory_space<vmem>>
    %dma_wait3A_55 = tpu.memref_squeeze %dma_wait3A_54 : memref<1x128x64xf32, #tpu.memory_space<vmem>> -> memref<128x64xf32, #tpu.memory_space<vmem>>
    %dma_wait3A_56 = arith.constant 0 : i32
    %dma_wait3A_57 = arith.constant 0 : i32
    %dma_wait3A_58 = tpu.memref_slice %arg2[%dma_wait3A_56, %dma_wait3A_57] : memref<10240x64xf32, #tpu.memory_space<hbm>> -> memref<128x64xf32, #tpu.memory_space<hbm>>
    tpu.wait_dma2 semaphore(%arg11 : memref<!tpu.dma_semaphore, #tpu.memory_space<semaphore_mem>>) src(%dma_wait3A_58 : memref<128x64xf32, #tpu.memory_space<hbm>>) dst(%dma_wait3A_55 : memref<128x64xf32, #tpu.memory_space<vmem>>)
    %dma_wait3A_59 = arith.constant 0 : i32
    %dma_wait3A_60 = arith.constant 0 : i32
    %dma_wait3A_61 = arith.constant 0 : i32
    %dma_wait3A_62 = tpu.memref_slice %arg9[%dma_wait3A_59, %dma_wait3A_60, %dma_wait3A_61] : memref<2x128x64xf32, #tpu.memory_space<vmem>> -> memref<1x128x64xf32, #tpu.memory_space<vmem>>
    %dma_wait3A_63 = tpu.memref_squeeze %dma_wait3A_62 : memref<1x128x64xf32, #tpu.memory_space<vmem>> -> memref<128x64xf32, #tpu.memory_space<vmem>>
    %dma_wait3A_64 = arith.constant 0 : i32
    %dma_wait3A_65 = arith.constant 0 : i32
    %dma_wait3A_66 = tpu.memref_slice %arg2[%dma_wait3A_64, %dma_wait3A_65] : memref<10240x64xf32, #tpu.memory_space<hbm>> -> memref<128x64xf32, #tpu.memory_space<hbm>>
    %dma_wait3A_67 = arith.constant 0 : i32
    %dma_wait3A_68 = arith.constant 0 : i32
    %dma_wait3A_69 = tpu.memref_slice %arg9[%dma_wait3A_59, %dma_wait3A_67, %dma_wait3A_68] : memref<2x128x64xf32, #tpu.memory_space<vmem>> -> memref<1x128x64xf32, #tpu.memory_space<vmem>>
    %dma_wait3A_70 = tpu.memref_squeeze %dma_wait3A_69 : memref<1x128x64xf32, #tpu.memory_space<vmem>> -> memref<128x64xf32, #tpu.memory_space<vmem>>
    %dma_wait3A_71 = arith.constant 0 : i32
    %dma_wait3A_72 = arith.constant 0 : i32
    %dma_wait3A_73 = tpu.memref_slice %arg2[%dma_wait3A_71, %dma_wait3A_72] : memref<10240x64xf32, #tpu.memory_space<hbm>> -> memref<128x64xf32, #tpu.memory_space<hbm>>
    tpu.wait_dma2 semaphore(%arg11 : memref<!tpu.dma_semaphore, #tpu.memory_space<semaphore_mem>>) src(%dma_wait3A_73 : memref<128x64xf32, #tpu.memory_space<hbm>>) dst(%dma_wait3A_70 : memref<128x64xf32, #tpu.memory_space<vmem>>)
    %barrier3A_74 = arith.constant 0 : index
    tpu.barrier barrier_id(%barrier3A_74)
    %mul3A_75 = arith.constant 10240 : i32
    %mul3A_76 = arith.muli %arg0, %mul3A_75 : i32
    %add3A_77 = arith.addi %mul3A_76, %mul3A_0 : i32
    "tpu.region"() ({
      %run_scoped3A_78 = tpu.sem_alloc : memref<!tpu.dma_semaphore, #tpu.memory_space<semaphore_mem>>
      %dma_start3A_79 = arith.constant 0 : i32
      %dma_start3A_80 = tpu.memref_slice %arg5[%add3A_77, %dma_start3A_79] : memref<20480x64xf32, #tpu.memory_space<hbm>> -> memref<640x64xf32, #tpu.memory_space<hbm>>
      %dma_start3A_81 = arith.constant 0 : i32
      %dma_start3A_82 = tpu.memref_slice %arg6[%mul3A_0, %dma_start3A_81] : memref<10240x64xf32, #tpu.memory_space<vmem_shared>> -> memref<640x64xf32, #tpu.memory_space<vmem_shared>>
      tpu.enqueue_dma source(%dma_start3A_82 : memref<640x64xf32, #tpu.memory_space<vmem_shared>>) target(%dma_start3A_80 : memref<640x64xf32, #tpu.memory_space<hbm>>) target_semaphore(%run_scoped3A_78 : memref<!tpu.dma_semaphore, #tpu.memory_space<semaphore_mem>>)
      %dma_wait3A_83 = arith.constant 0 : i32
      %dma_wait3A_84 = tpu.memref_slice %arg5[%add3A_77, %dma_wait3A_83] : memref<20480x64xf32, #tpu.memory_space<hbm>> -> memref<640x64xf32, #tpu.memory_space<hbm>>
      %dma_wait3A_85 = arith.constant 0 : i32
      %dma_wait3A_86 = tpu.memref_slice %arg6[%mul3A_0, %dma_wait3A_85] : memref<10240x64xf32, #tpu.memory_space<vmem_shared>> -> memref<640x64xf32, #tpu.memory_space<vmem_shared>>
      tpu.wait_dma2 semaphore(%run_scoped3A_78 : memref<!tpu.dma_semaphore, #tpu.memory_space<semaphore_mem>>) src(%dma_wait3A_86 : memref<640x64xf32, #tpu.memory_space<vmem_shared>>) dst(%dma_wait3A_84 : memref<640x64xf32, #tpu.memory_space<hbm>>)
      tpu.yield
    }) : () -> ()
    return
  }
}

module attributes {stable_mosaic.version = 14 : i64} {
  func.func @_tc1_body(%arg0: i32, %arg1: memref<512x256xf32, #tpu.memory_space<vmem>>, %arg2: memref<512x128xf32, #tpu.memory_space<vmem>>, %arg3: memref<512x128xf32, #tpu.memory_space<vmem>>, %arg4: memref<512x32xbf16, #tpu.memory_space<vmem>>, %arg5: memref<512x32xbf16, #tpu.memory_space<vmem>>, %arg6: memref<128x512xf32, #tpu.memory_space<vmem>>, %arg7: memref<128x512xf32, #tpu.memory_space<vmem>>, %arg8: memref<256x512xf32, #tpu.memory_space<vmem>>, %arg9: memref<16x512xf32, #tpu.memory_space<vmem>>, %arg10: memref<1x512xf32, #tpu.memory_space<vmem>>, %arg11: memref<1x512xf32, #tpu.memory_space<vmem>>, %arg12: memref<512x64xf32, #tpu.memory_space<vmem>>, %arg13: memref<512x512xf32, #tpu.memory_space<vmem>>, %arg14: memref<512x64xf32, #tpu.memory_space<vmem>>) attributes {dimension_semantics = [#tpu.dimension_semantics<arbitrary>], iteration_bounds = array<i64: 20>, scalar_prefetch = 0 : i64, scratch_operands = 0 : i64, tpu.core_type = #tpu.core_type<tc>, window_params = [{transform_indices = @transform_0, window_bounds = array<i64: 512, 256>}, {transform_indices = @transform_1, window_bounds = array<i64: 512, 128>}, {transform_indices = @transform_2, window_bounds = array<i64: 512, 128>}, {transform_indices = @transform_3, window_bounds = array<i64: 512, 32>}, {transform_indices = @transform_4, window_bounds = array<i64: 512, 32>}, {pipeline_mode = #tpu.pipeline_mode<synchronous>, transform_indices = @transform_5, window_bounds = array<i64: 128, 512>}, {pipeline_mode = #tpu.pipeline_mode<synchronous>, transform_indices = @transform_6, window_bounds = array<i64: 128, 512>}, {pipeline_mode = #tpu.pipeline_mode<synchronous>, transform_indices = @transform_7, window_bounds = array<i64: 256, 512>}, {pipeline_mode = #tpu.pipeline_mode<synchronous>, transform_indices = @transform_8, window_bounds = array<i64: 16, 512>}, {pipeline_mode = #tpu.pipeline_mode<synchronous>, transform_indices = @transform_9, window_bounds = array<i64: 1, 512>}, {pipeline_mode = #tpu.pipeline_mode<synchronous>, transform_indices = @transform_10, window_bounds = array<i64: 1, 512>}, {pipeline_mode = #tpu.pipeline_mode<synchronous>, transform_indices = @transform_11, window_bounds = array<i64: 512, 64>}, {transform_indices = @transform_12, window_bounds = array<i64: 512, 512>}, {transform_indices = @transform_13, window_bounds = array<i64: 512, 64>}]} {
    %get3A = arith.constant 0 : index
    %get3A_0 = arith.constant 0 : index
    %get3A_1 = vector.load %arg4[%get3A, %get3A_0] : memref<512x32xbf16, #tpu.memory_space<vmem>>, vector<512x32xbf16>
    %convert_element_type3A = arith.extf %get3A_1 : vector<512x32xbf16> to vector<512x32xf32>
    %get3A_2 = arith.constant 0 : index
    %get3A_3 = arith.constant 0 : index
    %get3A_4 = vector.load %arg5[%get3A_2, %get3A_3] : memref<512x32xbf16, #tpu.memory_space<vmem>>, vector<512x32xbf16>
    %convert_element_type3A_5 = arith.extf %get3A_4 : vector<512x32xbf16> to vector<512x32xf32>
    %add3A = arith.addf %convert_element_type3A, %convert_element_type3A_5 : vector<512x32xf32>
    %slice3A = vector.extract_strided_slice %add3A {offsets = [0, 16], sizes = [512, 1], strides = [1, 1]} : vector<512x32xf32> to vector<512x1xf32>
    %max3A = arith.constant 1.000000e+00 : f32
    %max3A_6 = vector.broadcast %max3A : f32 to vector<512x1xf32>
    %max3A_7 = arith.maximumf %slice3A, %max3A_6 : vector<512x1xf32>
    %div3A = arith.constant 1.000000e+00 : f32
    %div3A_8 = vector.broadcast %div3A : f32 to vector<512x1xf32>
    %div3A_9 = arith.divf %div3A_8, %max3A_7 : vector<512x1xf32>
    %get3A_10 = arith.constant 0 : index
    %get3A_11 = arith.constant 0 : index
    %get3A_12 = vector.load %arg2[%get3A_10, %get3A_11] : memref<512x128xf32, #tpu.memory_space<vmem>>, vector<512x128xf32>
    %mul3A = vector.broadcast %div3A_9 : vector<512x1xf32> to vector<512x128xf32>
    %mul3A_13 = arith.mulf %get3A_12, %mul3A : vector<512x128xf32>
    %get3A_14 = arith.constant 0 : index
    %get3A_15 = arith.constant 0 : index
    %get3A_16 = vector.load %arg6[%get3A_14, %get3A_15] : memref<128x512xf32, #tpu.memory_space<vmem>>, vector<128x512xf32>
    %dot_general3A = arith.constant dense<0.000000e+00> : vector<512x512xf32>
    %dot_general3A_17 = tpu.matmul %mul3A_13, %get3A_16, %dot_general3A {dimension_numbers = #tpu.dot_dimension_numbers<[1], [0], [0], [1], [0, 0, 1, 1], [], []>, transpose_lhs_hint = false} : vector<512x128xf32>, vector<128x512xf32>, vector<512x512xf32> -> vector<512x512xf32>
    %get3A_18 = arith.constant 0 : index
    %get3A_19 = arith.constant 0 : index
    %get3A_20 = vector.load %arg3[%get3A_18, %get3A_19] : memref<512x128xf32, #tpu.memory_space<vmem>>, vector<512x128xf32>
    %mul3A_21 = vector.broadcast %div3A_9 : vector<512x1xf32> to vector<512x128xf32>
    %mul3A_22 = arith.mulf %get3A_20, %mul3A_21 : vector<512x128xf32>
    %get3A_23 = arith.constant 0 : index
    %get3A_24 = arith.constant 0 : index
    %get3A_25 = vector.load %arg7[%get3A_23, %get3A_24] : memref<128x512xf32, #tpu.memory_space<vmem>>, vector<128x512xf32>
    %dot_general3A_26 = arith.constant dense<0.000000e+00> : vector<512x512xf32>
    %dot_general3A_27 = tpu.matmul %mul3A_22, %get3A_25, %dot_general3A_26 {dimension_numbers = #tpu.dot_dimension_numbers<[1], [0], [0], [1], [0, 0, 1, 1], [], []>, transpose_lhs_hint = false} : vector<512x128xf32>, vector<128x512xf32>, vector<512x512xf32> -> vector<512x512xf32>
    %add3A_28 = arith.addf %dot_general3A_17, %dot_general3A_27 : vector<512x512xf32>
    %get3A_29 = arith.constant 0 : index
    %get3A_30 = arith.constant 0 : index
    %get3A_31 = vector.load %arg1[%get3A_29, %get3A_30] : memref<512x256xf32, #tpu.memory_space<vmem>>, vector<512x256xf32>
    %get3A_32 = arith.constant 0 : index
    %get3A_33 = arith.constant 0 : index
    %get3A_34 = vector.load %arg8[%get3A_32, %get3A_33] : memref<256x512xf32, #tpu.memory_space<vmem>>, vector<256x512xf32>
    %dot_general3A_35 = arith.constant dense<0.000000e+00> : vector<512x512xf32>
    %dot_general3A_36 = tpu.matmul %get3A_31, %get3A_34, %dot_general3A_35 {dimension_numbers = #tpu.dot_dimension_numbers<[1], [0], [0], [1], [0, 0, 1, 1], [], []>, transpose_lhs_hint = false} : vector<512x256xf32>, vector<256x512xf32>, vector<512x512xf32> -> vector<512x512xf32>
    %add3A_37 = arith.addf %add3A_28, %dot_general3A_36 : vector<512x512xf32>
    %slice3A_38 = vector.extract_strided_slice %add3A {offsets = [0, 0], sizes = [512, 16], strides = [1, 1]} : vector<512x32xf32> to vector<512x16xf32>
    %get3A_39 = arith.constant 0 : index
    %get3A_40 = arith.constant 0 : index
    %get3A_41 = vector.load %arg9[%get3A_39, %get3A_40] : memref<16x512xf32, #tpu.memory_space<vmem>>, vector<16x512xf32>
    %dot_general3A_42 = arith.constant dense<0.000000e+00> : vector<512x512xf32>
    %dot_general3A_43 = tpu.matmul %slice3A_38, %get3A_41, %dot_general3A_42 {dimension_numbers = #tpu.dot_dimension_numbers<[1], [0], [0], [1], [0, 0, 1, 1], [], []>, transpose_lhs_hint = false} : vector<512x16xf32>, vector<16x512xf32>, vector<512x512xf32> -> vector<512x512xf32>
    %add3A_44 = arith.addf %add3A_37, %dot_general3A_43 : vector<512x512xf32>
    %get3A_45 = arith.constant 0 : index
    %get3A_46 = arith.constant 0 : index
    %get3A_47 = vector.load %arg10[%get3A_45, %get3A_46] : memref<1x512xf32, #tpu.memory_space<vmem>>, vector<1x512xf32>
    %add3A_48 = vector.broadcast %get3A_47 : vector<1x512xf32> to vector<512x512xf32>
    %add3A_49 = arith.addf %add3A_44, %add3A_48 : vector<512x512xf32>
    %get3A_50 = arith.constant 0 : index
    %get3A_51 = arith.constant 0 : index
    %get3A_52 = vector.load %arg11[%get3A_50, %get3A_51] : memref<1x512xf32, #tpu.memory_space<vmem>>, vector<1x512xf32>
    %mul3A_53 = vector.broadcast %slice3A : vector<512x1xf32> to vector<512x512xf32>
    %mul3A_54 = vector.broadcast %get3A_52 : vector<1x512xf32> to vector<512x512xf32>
    %mul3A_55 = arith.mulf %mul3A_53, %mul3A_54 : vector<512x512xf32>
    %add3A_56 = arith.addf %add3A_49, %mul3A_55 : vector<512x512xf32>
    %max3A_57 = arith.constant 0.000000e+00 : f32
    %max3A_58 = vector.broadcast %max3A_57 : f32 to vector<512x512xf32>
    %max3A_59 = arith.maximumf %add3A_56, %max3A_58 : vector<512x512xf32>
    %swap3A = arith.constant 0 : index
    %swap3A_60 = arith.constant 0 : index
    %swap3A_61 = vector.load %arg13[%swap3A, %swap3A_60] : memref<512x512xf32, #tpu.memory_space<vmem>>, vector<512x512xf32>
    tpu.vector_store %arg13[%swap3A, %swap3A_60], %max3A_59 {strides = array<i32>} : memref<512x512xf32, #tpu.memory_space<vmem>>, vector<512x512xf32>,
    %get3A_62 = arith.constant 0 : index
    %get3A_63 = arith.constant 0 : index
    %get3A_64 = vector.load %arg12[%get3A_62, %get3A_63] : memref<512x64xf32, #tpu.memory_space<vmem>>, vector<512x64xf32>
    %dot_general3A_65 = arith.constant dense<0.000000e+00> : vector<512x64xf32>
    %dot_general3A_66 = tpu.matmul %max3A_59, %get3A_64, %dot_general3A_65 {dimension_numbers = #tpu.dot_dimension_numbers<[1], [0], [0], [1], [0, 0, 1, 1], [], []>, transpose_lhs_hint = false} : vector<512x512xf32>, vector<512x64xf32>, vector<512x64xf32> -> vector<512x64xf32>
    %swap3A_67 = arith.constant 0 : index
    %swap3A_68 = arith.constant 0 : index
    %swap3A_69 = vector.load %arg14[%swap3A_67, %swap3A_68] : memref<512x64xf32, #tpu.memory_space<vmem>>, vector<512x64xf32>
    tpu.vector_store %arg14[%swap3A_67, %swap3A_68], %dot_general3A_66 {strides = array<i32>} : memref<512x64xf32, #tpu.memory_space<vmem>>, vector<512x64xf32>,
    return
  }
  func.func @transform_0(%arg0: i32) -> (i32, i32) {
    %c0_i32 = arith.constant 0 : i32
    %c0_i32_0 = arith.constant 0 : i32
    return %arg0, %c0_i32 : i32, i32
  }
  func.func @transform_1(%arg0: i32) -> (i32, i32) {
    %c0_i32 = arith.constant 0 : i32
    %c0_i32_0 = arith.constant 0 : i32
    return %arg0, %c0_i32 : i32, i32
  }
  func.func @transform_2(%arg0: i32) -> (i32, i32) {
    %c0_i32 = arith.constant 0 : i32
    %c0_i32_0 = arith.constant 0 : i32
    return %arg0, %c0_i32 : i32, i32
  }
  func.func @transform_3(%arg0: i32) -> (i32, i32) {
    %c0_i32 = arith.constant 0 : i32
    %c0_i32_0 = arith.constant 0 : i32
    return %arg0, %c0_i32 : i32, i32
  }
  func.func @transform_4(%arg0: i32) -> (i32, i32) {
    %c0_i32 = arith.constant 0 : i32
    %c0_i32_0 = arith.constant 0 : i32
    return %arg0, %c0_i32 : i32, i32
  }
  func.func @transform_5(%arg0: i32) -> (i32, i32) {
    %c0_i32 = arith.constant 0 : i32
    %c0_i32_0 = arith.constant 0 : i32
    %c0_i32_1 = arith.constant 0 : i32
    return %c0_i32, %c0_i32_0 : i32, i32
  }
  func.func @transform_6(%arg0: i32) -> (i32, i32) {
    %c0_i32 = arith.constant 0 : i32
    %c0_i32_0 = arith.constant 0 : i32
    %c0_i32_1 = arith.constant 0 : i32
    return %c0_i32, %c0_i32_0 : i32, i32
  }
  func.func @transform_7(%arg0: i32) -> (i32, i32) {
    %c0_i32 = arith.constant 0 : i32
    %c0_i32_0 = arith.constant 0 : i32
    %c0_i32_1 = arith.constant 0 : i32
    return %c0_i32, %c0_i32_0 : i32, i32
  }
  func.func @transform_8(%arg0: i32) -> (i32, i32) {
    %c0_i32 = arith.constant 0 : i32
    %c0_i32_0 = arith.constant 0 : i32
    %c0_i32_1 = arith.constant 0 : i32
    return %c0_i32, %c0_i32_0 : i32, i32
  }
  func.func @transform_9(%arg0: i32) -> (i32, i32) {
    %c0_i32 = arith.constant 0 : i32
    %c0_i32_0 = arith.constant 0 : i32
    %c0_i32_1 = arith.constant 0 : i32
    return %c0_i32, %c0_i32_0 : i32, i32
  }
  func.func @transform_10(%arg0: i32) -> (i32, i32) {
    %c0_i32 = arith.constant 0 : i32
    %c0_i32_0 = arith.constant 0 : i32
    %c0_i32_1 = arith.constant 0 : i32
    return %c0_i32, %c0_i32_0 : i32, i32
  }
  func.func @transform_11(%arg0: i32) -> (i32, i32) {
    %c0_i32 = arith.constant 0 : i32
    %c0_i32_0 = arith.constant 0 : i32
    %c0_i32_1 = arith.constant 0 : i32
    return %c0_i32, %c0_i32_0 : i32, i32
  }
  func.func @transform_12(%arg0: i32) -> (i32, i32) {
    %c0_i32 = arith.constant 0 : i32
    %c0_i32_0 = arith.constant 0 : i32
    return %arg0, %c0_i32 : i32, i32
  }
  func.func @transform_13(%arg0: i32) -> (i32, i32) {
    %c0_i32 = arith.constant 0 : i32
    %c0_i32_0 = arith.constant 0 : i32
    return %arg0, %c0_i32 : i32, i32
  }
}

module attributes {stable_mosaic.version = 14 : i64} {
  func.func @_tc2_body(%arg0: i32, %arg1: memref<512x512xf32, #tpu.memory_space<vmem>>, %arg2: memref<512x64xf32, #tpu.memory_space<vmem>>, %arg3: memref<512x64xf32, #tpu.memory_space<vmem>>, %arg4: memref<512x32xbf16, #tpu.memory_space<vmem>>, %arg5: memref<512x32xbf16, #tpu.memory_space<vmem>>, %arg6: memref<512x64xf32, #tpu.memory_space<vmem>>, %arg7: memref<1x64xf32, #tpu.memory_space<vmem>>, %arg8: memref<512x64xf32, #tpu.memory_space<vmem>>) attributes {dimension_semantics = [#tpu.dimension_semantics<arbitrary>], iteration_bounds = array<i64: 20>, scalar_prefetch = 0 : i64, scratch_operands = 0 : i64, tpu.core_type = #tpu.core_type<tc>, window_params = [{transform_indices = @transform_0, window_bounds = array<i64: 512, 512>}, {transform_indices = @transform_1, window_bounds = array<i64: 512, 64>}, {transform_indices = @transform_2, window_bounds = array<i64: 512, 64>}, {transform_indices = @transform_3, window_bounds = array<i64: 512, 32>}, {transform_indices = @transform_4, window_bounds = array<i64: 512, 32>}, {pipeline_mode = #tpu.pipeline_mode<synchronous>, transform_indices = @transform_5, window_bounds = array<i64: 512, 64>}, {pipeline_mode = #tpu.pipeline_mode<synchronous>, transform_indices = @transform_6, window_bounds = array<i64: 1, 64>}, {transform_indices = @transform_7, window_bounds = array<i64: 512, 64>}]} {
    %get3A = arith.constant 0 : index
    %get3A_0 = arith.constant 0 : index
    %get3A_1 = vector.load %arg4[%get3A, %get3A_0] : memref<512x32xbf16, #tpu.memory_space<vmem>>, vector<512x32xbf16>
    %convert_element_type3A = arith.extf %get3A_1 : vector<512x32xbf16> to vector<512x32xf32>
    %get3A_2 = arith.constant 0 : index
    %get3A_3 = arith.constant 0 : index
    %get3A_4 = vector.load %arg5[%get3A_2, %get3A_3] : memref<512x32xbf16, #tpu.memory_space<vmem>>, vector<512x32xbf16>
    %convert_element_type3A_5 = arith.extf %get3A_4 : vector<512x32xbf16> to vector<512x32xf32>
    %add3A = arith.addf %convert_element_type3A, %convert_element_type3A_5 : vector<512x32xf32>
    %slice3A = vector.extract_strided_slice %add3A {offsets = [0, 16], sizes = [512, 1], strides = [1, 1]} : vector<512x32xf32> to vector<512x1xf32>
    %max3A = arith.constant 1.000000e+00 : f32
    %max3A_6 = vector.broadcast %max3A : f32 to vector<512x1xf32>
    %max3A_7 = arith.maximumf %slice3A, %max3A_6 : vector<512x1xf32>
    %div3A = arith.constant 1.000000e+00 : f32
    %div3A_8 = vector.broadcast %div3A : f32 to vector<512x1xf32>
    %div3A_9 = arith.divf %div3A_8, %max3A_7 : vector<512x1xf32>
    %get3A_10 = arith.constant 0 : index
    %get3A_11 = arith.constant 0 : index
    %get3A_12 = vector.load %arg2[%get3A_10, %get3A_11] : memref<512x64xf32, #tpu.memory_space<vmem>>, vector<512x64xf32>
    %get3A_13 = arith.constant 0 : index
    %get3A_14 = arith.constant 0 : index
    %get3A_15 = vector.load %arg3[%get3A_13, %get3A_14] : memref<512x64xf32, #tpu.memory_space<vmem>>, vector<512x64xf32>
    %add3A_16 = arith.addf %get3A_12, %get3A_15 : vector<512x64xf32>
    %mul3A = vector.broadcast %div3A_9 : vector<512x1xf32> to vector<512x64xf32>
    %mul3A_17 = arith.mulf %add3A_16, %mul3A : vector<512x64xf32>
    %get3A_18 = arith.constant 0 : index
    %get3A_19 = arith.constant 0 : index
    %get3A_20 = vector.load %arg1[%get3A_18, %get3A_19] : memref<512x512xf32, #tpu.memory_space<vmem>>, vector<512x512xf32>
    %get3A_21 = arith.constant 0 : index
    %get3A_22 = arith.constant 0 : index
    %get3A_23 = vector.load %arg6[%get3A_21, %get3A_22] : memref<512x64xf32, #tpu.memory_space<vmem>>, vector<512x64xf32>
    %dot_general3A = arith.constant dense<0.000000e+00> : vector<512x64xf32>
    %dot_general3A_24 = tpu.matmul %get3A_20, %get3A_23, %dot_general3A {dimension_numbers = #tpu.dot_dimension_numbers<[1], [0], [0], [1], [0, 0, 1, 1], [], []>, transpose_lhs_hint = false} : vector<512x512xf32>, vector<512x64xf32>, vector<512x64xf32> -> vector<512x64xf32>
    %add3A_25 = arith.addf %mul3A_17, %dot_general3A_24 : vector<512x64xf32>
    %get3A_26 = arith.constant 0 : index
    %get3A_27 = arith.constant 0 : index
    %get3A_28 = vector.load %arg7[%get3A_26, %get3A_27] : memref<1x64xf32, #tpu.memory_space<vmem>>, vector<1x64xf32>
    %add3A_29 = vector.broadcast %get3A_28 : vector<1x64xf32> to vector<512x64xf32>
    %add3A_30 = arith.addf %add3A_25, %add3A_29 : vector<512x64xf32>
    %swap3A = arith.constant 0 : index
    %swap3A_31 = arith.constant 0 : index
    %swap3A_32 = vector.load %arg8[%swap3A, %swap3A_31] : memref<512x64xf32, #tpu.memory_space<vmem>>, vector<512x64xf32>
    tpu.vector_store %arg8[%swap3A, %swap3A_31], %add3A_30 {strides = array<i32>} : memref<512x64xf32, #tpu.memory_space<vmem>>, vector<512x64xf32>,
    return
  }
  func.func @transform_0(%arg0: i32) -> (i32, i32) {
    %c0_i32 = arith.constant 0 : i32
    %c0_i32_0 = arith.constant 0 : i32
    return %arg0, %c0_i32 : i32, i32
  }
  func.func @transform_1(%arg0: i32) -> (i32, i32) {
    %c0_i32 = arith.constant 0 : i32
    %c0_i32_0 = arith.constant 0 : i32
    return %arg0, %c0_i32 : i32, i32
  }
  func.func @transform_2(%arg0: i32) -> (i32, i32) {
    %c0_i32 = arith.constant 0 : i32
    %c0_i32_0 = arith.constant 0 : i32
    return %arg0, %c0_i32 : i32, i32
  }
  func.func @transform_3(%arg0: i32) -> (i32, i32) {
    %c0_i32 = arith.constant 0 : i32
    %c0_i32_0 = arith.constant 0 : i32
    return %arg0, %c0_i32 : i32, i32
  }
  func.func @transform_4(%arg0: i32) -> (i32, i32) {
    %c0_i32 = arith.constant 0 : i32
    %c0_i32_0 = arith.constant 0 : i32
    return %arg0, %c0_i32 : i32, i32
  }
  func.func @transform_5(%arg0: i32) -> (i32, i32) {
    %c0_i32 = arith.constant 0 : i32
    %c0_i32_0 = arith.constant 0 : i32
    %c0_i32_1 = arith.constant 0 : i32
    return %c0_i32, %c0_i32_0 : i32, i32
  }
  func.func @transform_6(%arg0: i32) -> (i32, i32) {
    %c0_i32 = arith.constant 0 : i32
    %c0_i32_0 = arith.constant 0 : i32
    %c0_i32_1 = arith.constant 0 : i32
    return %c0_i32, %c0_i32_0 : i32, i32
  }
  func.func @transform_7(%arg0: i32) -> (i32, i32) {
    %c0_i32 = arith.constant 0 : i32
    %c0_i32_0 = arith.constant 0 : i32
    return %arg0, %c0_i32 : i32, i32
  }
}

</mosaic_0001>

<sc_bundles>
// kernel: kernel.10.cloned.1.call-start
scs
__scs_entry_jumppad:
0x0: {  	(pc) =	sbr.rel $0x88, $3  }
0x1: {  	(tag) =	ssettag $0x0;
	lr =	simm.s32 $0x1  }
0x2: {  	[smem:$0x3F96] =	sst lr;
	_ =	strace $0xD0000000  }
0x3: {  	_ = 	snop  }
0x4: {  	_ = 	snop  }
0x5: {  	_ = 	snop  }
0x6: {  	_ = 	snop  }
0x7: {  	_ = 	snop  }
__scs_overlays_trampoline_lowered:
0x8: {  	[smem:$0x3FA5] =	sst s0  }
0x9: {  	[smem:$0x3FA6] =	sst s1  }
0xa: {  	[smem:$0x3FA7] =	sst s2  }
0xb: {  	[smem:$0x3FA8] =	sst s3  }
0xc: {  	[smem:$0x3FA9] =	sst s4  }
0xd: {  	[smem:$0x3FAA] =	sst s5  }
0xe: {  	[smem:$0x3FAB] =	sst s6  }
0xf: {  	[smem:$0x3FAC] =	sst s7  }
0x10: {  	[smem:$0x3FAD] =	sst s8  }
0x11: {  	[smem:$0x3FAE] =	sst s9;
	s0 =	simm.s32 @!p0 $0x0  }
0x12: {  	s1 =	sld [smem:$0x3F94];
	s0 =	simm.s32 @p0 $0x1  }
0x13: {  	[smem:$0x3FAF] =	sst s0;
	s0 =	simm.s32 @!p1 $0x0  }
0x14: {  	s2 =	sld [smem:$0x3F93];
	s0 =	simm.s32 @p1 $0x1  }
0x15: {  	[smem:$0x3FB0] =	sst s0;
	s0 =	simm.s32 @!p2 $0x0  }
0x16: {  	s3 =	sld [smem:$0x3FDB];
	s0 =	simm.s32 @p2 $0x1  }
0x17: {  	s4 =	simm.s32 $0x1BF5;
	[smem:$0x3FB2] =	sst s0  }
0x18: {  	s0 =	sld [smem:$0x3F95];
	_ =	swait.ge [sflag:s4], $0x0  }
0x19: {  	s7 =	sld [smem:$0x3F96]  }
0x1a: {  	s8 =	sadd.s32 $0xFFFFE003, lr  }
0x1b: {  	s9 =	sadd.s32 $0xFFFFFEF7, lr;
	s5 =	simm.s32 $0xFFFFFFFF;
	p2 =	slt.u32 s8, $0xFFFFF086  }
0x1c: {  	p1 =	slt.u32 s9, $0xF7A;
	s5 =	simm.s32 @!p2 $0x0  }
0x1d: {  	s5 =	simm.s32 @p1 $0x1;
	p0 =	seq.s32 s7, s2  }
0x1e: {  	s7 =	smul.u32 @!p0 $0xF7A, s2;
	p2 =	seq.s32 @!p0 s5, $0x0  }
0x1f: {  	s9 =	smul.u32 $0xF7A, s1;
	s8 =	simm.s32 @!p0 $0x1BF5;
	p2 =	por !p2, p0  }
0x20: {  	[sflag:s8] =	ssyncset.s32 @!p0 $0xFFFFF086;
	s6 =	sadd.s32 @!p0 s3, s7;
	s7 =	simm.s32 @!p0 $0x108  }
0x21: {  	s3 =	sadd.s32 s3, s9;
	s6 =	sadd.s32 @!p0 $0x88, s6;
	s7 =	simm.s32 @p2 $0x1082  }
0x22: {  	[simem:s7], [sflag:s8] =	dma.local @!p0 [hbm:s6], $0xF7A  }
0x23: {  	s9 =	sor.u32 $0xD0000000, s2;
	s6 =	simm.s32 $0x108;
	_ =	swait.ge @!p0 [sflag:s8], $0x0  }
0x24: {  	s3 =	sadd.s32 $0x88, s3;
	s6 =	simm.s32 @!p1 $0x1082;
	[sflag:s4] =	ssyncset.s32 $0xFFFFF086  }
0x25: {  	[simem:s6], [sflag:s4] =	dma.local [hbm:s3], $0xF7A  }
0x26: {  	[smem:$0x3F96] =	sst s1;
	(tag) =	ssettag s2;
	_ =	strace s9  }
0x27: {  	s1 =	sld [smem:$0x3FA6]  }
0x28: {  	s2 =	sld [smem:$0x3FA7]  }
0x29: {  	s4 =	sld [smem:$0x3FA9]  }
0x2a: {  	p0 =	seq.s32 s5, $0x0;
	s5 =	sld [smem:$0x3FAA]  }
0x2b: {  	s6 =	sld [smem:$0x3FAB]  }
0x2c: {  	s7 =	sld [smem:$0x3FAC]  }
0x2d: {  	s3 =	simm.s32 $0x108;
	s8 =	sld [smem:$0x3FAD]  }
0x2e: {  	s3 =	simm.s32 @!p0 $0x1082;
	s9 =	sld [smem:$0x3FAE]  }
0x2f: {  	lr =	sadd.s32 s0, s3;
	s0 =	sld [smem:$0x3FA5]  }
0x30: {  	s3 =	sld [smem:$0x3FA8]  }
0x31: {  	[smem:$0x3FB1] =	sst s10  }
0x32: {  	s10 =	sld [smem:$0x3FAF];
	_ =	sdelay $0x3  }
0x33: {  	p0 =	seq.s32 s10, $0x1;
	s10 =	sld [smem:$0x3FB1];
	_ =	sdelay $0x3  }
0x34: {  	[smem:$0x3FB1] =	sst s10  }
0x35: {  	s10 =	sld [smem:$0x3FB0];
	_ =	sdelay $0x3  }
0x36: {  	p1 =	seq.s32 s10, $0x1;
	s10 =	sld [smem:$0x3FB1];
	_ =	sdelay $0x3  }
0x37: {  	[smem:$0x3FB1] =	sst s10  }
0x38: {  	s10 =	sld [smem:$0x3FB2]  }
0x39: {  	_ = 	snop;
	(pc) =	sbr.ind lr, $3  }
0x3a: {  	_ = 	snop  }
0x3b: {  	_ = 	snop  }
0x3c: {  	p2 =	seq.s32 s10, $0x1;
	s10 =	sld [smem:$0x3FB1]  }
0x3d: {  	_ =	shalt  }
0x3e: {  	_ =	shalt  }
0x3f: {  	_ =	shalt  }
0x40: {  	_ =	shalt  }
0x41: {  	_ =	shalt  }
0x42: {  	_ =	shalt  }
0x43: {  	_ =	shalt  }
0x44: {  	_ =	shalt  }
0x45: {  	_ =	shalt  }
0x46: {  	_ =	shalt  }
0x47: {  	_ =	shalt  }
0x48: {  	_ =	shalt  }
0x49: {  	_ =	shalt  }
0x4a: {  	_ =	shalt  }
0x4b: {  	_ =	shalt  }
0x4c: {  	_ =	shalt  }
0x4d: {  	_ =	shalt  }
0x4e: {  	_ =	shalt  }
0x4f: {  	_ =	shalt  }
0x50: {  	_ =	shalt  }
0x51: {  	_ =	shalt  }
0x52: {  	_ =	shalt  }
0x53: {  	_ =	shalt  }
0x54: {  	_ =	shalt  }
0x55: {  	_ =	shalt  }
0x56: {  	_ =	shalt  }
0x57: {  	_ =	shalt  }
0x58: {  	_ =	shalt  }
0x59: {  	_ =	shalt  }
0x5a: {  	_ =	shalt  }
0x5b: {  	_ =	shalt  }
0x5c: {  	_ =	shalt  }
0x5d: {  	_ =	shalt  }
0x5e: {  	_ =	shalt  }
0x5f: {  	_ =	shalt  }
0x60: {  	_ =	shalt  }
0x61: {  	_ =	shalt  }
0x62: {  	_ =	shalt  }
0x63: {  	_ =	shalt  }
0x64: {  	_ =	shalt  }
0x65: {  	_ =	shalt  }
0x66: {  	_ =	shalt  }
0x67: {  	_ =	shalt  }
0x68: {  	_ =	shalt  }
0x69: {  	_ =	shalt  }
0x6a: {  	_ =	shalt  }
0x6b: {  	_ =	shalt  }
0x6c: {  	_ =	shalt  }
0x6d: {  	_ =	shalt  }
0x6e: {  	_ =	shalt  }
0x6f: {  	_ =	shalt  }
0x70: {  	_ =	shalt  }
0x71: {  	_ =	shalt  }
0x72: {  	_ =	shalt  }
0x73: {  	_ =	shalt  }
0x74: {  	_ =	shalt  }
0x75: {  	_ =	shalt  }
0x76: {  	_ =	shalt  }
0x77: {  	_ =	shalt  }
0x78: {  	_ =	shalt  }
0x79: {  	_ =	shalt  }
0x7a: {  	_ =	shalt  }
0x7b: {  	_ =	shalt  }
0x7c: {  	_ =	shalt  }
0x7d: {  	_ =	shalt  }
0x7e: {  	_ =	shalt  }
0x7f: {  	_ =	shalt  }
0x80: {  	_ =	shalt  }
0x81: {  	_ =	shalt  }
0x82: {  	_ =	shalt  }
0x83: {  	_ =	shalt  }
0x84: {  	_ =	shalt  }
0x85: {  	_ =	shalt  }
0x86: {  	_ =	shalt  }
0x87: {  	_ =	shalt  }
.Lfunc_end0:
.L_simem_size_0:
called_computation.1_lowered:
.L_overlay_start_0:
0x88: {  	s2 =	sld [smem:$0x3FD9]  }
0x89: {  	s3 =	sld [smem:$0x3FFE];
	_ =	sdelay $0x1  }
0x8a: {  	s1 =	srdreg.scid  }
0x8b: {  	s0 =	sand.u32 $0x1, s1  }
0x8c: {  	s17 =	sshll.u32 s0, $0xA;
	s2 =	sadd.s32 s3, s2  }
0x8d: {  	s2 =	sadd.s32 s2, s17  }
0x8e: {  	[smem:$0x3FBD] =	sst s2  }
0x8f: {  	_ = 	snop  }
0x90: {  	s18 =	sld [smem:$0x3FC9];
	(tm) =	ssettm $0x1  }
0x91: {  	s19 =	sld [smem:$0x3FFB];
	_ =	sdelay $0x3  }
0x92: {  	_ =	strace s19  }
0x93: {  	s2 =	sld [smem:$0x3FFC];
	_ =	sdelay $0x3  }
0x94: {  	_ =	strace s2  }
0x95: {  	s2 =	sld [smem:$0x3FFD];
	_ =	sdelay $0x3  }
0x96: {  	_ =	strace s2  }
0x97: {  	_ =	strace $0x8FFFFFFF  }
0x98: {  	s20 =	sld [smem:$0x3FDB];
	_ =	sdelay $0x1  }
0x99: {  	s4 =	simm.s32 $_scs_section_size  }
0x9a: {  	s5 =	simm.s32 $_size__tile_overlayer_lowered;
	s6 =	simm.s32 $_tile_overlayer_lowered  }
0x9b: {  	s7 =	simm.s32 $0x1BFF;
	s21 =	sshll.u32 s6, $0x1;
	s4 =	sadd.s32 s4, s20  }
0x9c: {  	s22 =	simm.s32 $0x0;
	s5 =	sshll.u32 s5, $0x1;
	s6 =	sadd.s32 s21, s4  }
0x9d: {  	[timem:s22], [sflag:s7] =	dma.local [hbm:s6], s5  }
0x9e: {  	_ =	swait.ge [sflag:s7], s5  }
0x9f: {  	s5 =	ssub.s32 $0x0, s5;
	[sflag:s7] =	ssyncset.done $0x0  }
0xa0: {  	[sflag:s7] =	ssyncadd.s32 s5;
	_ =	sdelay $0x1  }
0xa1: {  	s23 =	simm.s32 $0x1B8B  }
0xa2: {  	_ =	swait.ge [sflag:s23], $0x1  }
0xa3: {  	[sflag:s23] =	ssyncset.done $0x0  }
0xa4: {  	[sflag:s23] =	ssyncadd.s32 $0xFFFFFFFF  }
0xa5: {  	s5 =	sld [smem:$0x0]  }
0xa6: {  	s6 =	sand.u32 $0xFFFFFFFE, s1  }
0xa7: {  	p0 =	sne.s32 s1, s6  }
0xa8: {  	s6 =	sshll.u32 @p0 s6, $0xE  }
0xa9: {  	s6 =	sadd.s32 @p0 $0x11B8D, s6;
	s7 =	sshll.u32 @p0 s5, $0x11  }
0xaa: {  	s6 =	sor.u32 @p0 s7, s6  }
0xab: {  	[sflag:s6] =	ssyncadd.remote.s32 @p0 $0x1;
	_ =	sdelay $0x1  }
0xac: {  	s6 =	simm.s32 @p0 $0x1B8D  }
0xad: {  	_ =	swait.eq @p0 [sflag:s6], $0x1  }
0xae: {  	[sflag:s6] =	ssyncadd.s32 @p0 $0xFFFFFFFF  }
0xaf: {  	s7 =	sshll.u32 @!p0 s1, $0xE  }
0xb0: {  	s7 =	sor.u32 @!p0 $0x4000, s7;
	s6 =	simm.s32 @!p0 $0x1B8D  }
0xb1: {  	s5 =	sshll.u32 @!p0 s5, $0x11;
	s7 =	sadd.s32 @!p0 $0x11B8D, s7;
	_ =	swait.eq @!p0 [sflag:s6], $0x1  }
0xb2: {  	s5 =	sor.u32 @!p0 s5, s7;
	[sflag:s6] =	ssyncadd.s32 @!p0 $0xFFFFFFFF  }
0xb3: {  	s25 =	simm.s32 $0x1B8E;
	s24 =	sld [smem:$0x3FFE];
	[sflag:s5] =	ssyncadd.remote.s32 @!p0 $0x1  }
0xb4: {  	s26 =	simm.s32 $execute0_lowered;
	[smem:$0x3FD2] =	sst s25  }
0xb5: {  	s6 =	sshll.u32 s26, $0x1;
	_ =	strace $0x80000049;
	[dreg:$0x1] =	wrdreg $0xFFFFFFFF  }
0xb6: {  	s28 =	simm.s32 $_size_execute0_lowered;
	s4 =	sadd.s32 s4, s6;
	[dreg:$0x0] =	wrdreg $0x0  }
0xb7: {  	s6 =	sshll.u32 s28, $0x1;
	[dreg:$0x2] =	wrdreg s4  }
0xb8: {  	[dreg:$0x3] =	wrdreg s6  }
0xb9: {  	[dreg:$0x4] =	wrdreg $0xC0  }
0xba: {  	_ =	task [dreg:s22], $0x5FFFF  }
0xbb: {  	[dreg:$0x1] =	wrdreg $0xFFFFFFFF  }
0xbc: {  	[dreg:$0x0] =	wrdreg $0x60  }
0xbd: {  	[dreg:$0x2] =	wrdreg s18  }
0xbe: {  	[dreg:$0x3] =	wrdreg s24  }
0xbf: {  	[dreg:$0x4] =	wrdreg $0x0  }
0xc0: {  	[dreg:$0x5] =	wrdreg $0xA  }
0xc1: {  	_ =	task.clear_ibuf [dreg:s22], $0x6FFFF;
	_ =	strace $0x90000049  }
0xc2: {  	s29 =	simm.s32 $0xA;
	_ =	strace $0x8000004B  }
0xc3: {  	_ =	swait.ge [sflag:s29], $0x1  }
0xc4: {  	[sflag:s29] =	ssyncadd.s32 $0xFFFFFFFF  }
0xc5: {  	_ =	strace $0x9000004B  }
0xc6: {  	_ =	sfence  }
0xc7: {  	s30 =	sld [smem:$0x0];
	_ =	sdelay $0x2  }
0xc8: {  	s31 =	sshll.u32 s1, $0xD;
	s1 =	sshrl.u32 s1, $0x2  }
0xc9: {  	s4 =	sand.u32 $0x4000, s31;
	s1 =	sadd.s32 s1, s30  }
0xca: {  	s0 =	sor.u32 s4, s0;
	s1 =	sshll.u32 s1, $0x11  }
0xcb: {  	s0 =	sor.u32 s1, s0  }
0xcc: {  	s0 =	sadd.s32 $0x8F2B, s0  }
0xcd: {  	[sflag:s0] =	ssyncadd.remote.s32 $0x1  }
0xce: {  	_ =	sfence.sel $0xFFFF  }
0xcf: {  	[dreg:$0x0] =	wrdreg $0xFFFFFFFF;
	(pc) =	sbr.abs _section_cstart, $3  }
0xd0: {  	[dreg:$0x1] =	wrdreg $0xFFFFFFFF  }
0xd1: {  	_ =	task.clear_ibuf [dreg:s22], $0x2FFFF;
	_ =	strace $0x9FFFFFFF  }
0xd2: {  	(tm) =	ssettm $0x7FFFFFFF  }
0xd3: {  	_ =	shalt  }
tec
execute0_lowered:
.L_overlay_start_1:
0x0: {  	(tag) =	ssettag $0x1  }
0x1: {  	s0 =	rddreg [dreg:$0x0]  }
0x2: {  	s1 =	rddreg [dreg:$0x1];
	s7 =	stileid.u32  }
0x3: {  	s3 =	srdreg.scid;
	s2 =	rddreg [dreg:$0x2];
	s16 =	simm.s32 $0x15000  }
0x4: {  	s17 =	simm.s32 $0x3;
	s18 =	simm.s32 $0x18F00;
	s19 =	simm.s32 $0x18F80  }
0x5: {  	s20 =	simm.s32 $0x1;
	s21 =	simm.s32 $0x80;
	s4 =	smul.u32 $0x500, s7  }
0x6: {  	s22 =	simm.s32 $0x2;
	s23 =	simm.s32 $0x0;
	s5 =	smul.u32 $0x2800, s7  }
0x7: {  	s10 =	sand.u32 $0x1, s3;
	s3 =	simm.s32 $0x0;
	s7 =	smul.u32 $0x50000, s7  }
0x8: {  	s6 =	smul.u32 $0x28000, s10;
	[smem:$0x7FF] =	sst s3;
	s30 =	ssub.s32 $0x2, s10  }
0x9: {  	v0 =	vimm.f32 $0.0e+00;
	v1 =	vimm.s32 $0x7;
	s11 =	sshll.u32 s10, $0x7;
	_ =	strace $0x8000004A;
	s15 =	sadd.s32 s4, s1  }
0xa: {  	v2 =	vimm.s32 $0x1;
	v3 =	vimm.s32 $0x0;
	v4 =	vlaneseq.u32;
	s31 =	sshrl.u32 s30, $0x1;
	s7 =	sshrl.u32 s7, $0x2;
	s11 =	sadd.s32 s0, s11  }
.Ltmp0:
0xb: {  	vm0 =	vmmov $0x1;
	v5 =	vimm.s32 $0x2;
	v6 =	vimm.s32 $0x3;
	s5 =	sadd.s32 s5, s6;
	s13 =	ssub.s32 s30, s31;
	(pc) =	sbr.rel .LBB2_1-.Ltmp0, $4  }
0xc: {  	v7 =	vimm.s32 $0x4;
	v8 =	vimm.s32 $0x5;
	v9 =	vimm.s32 $0x6;
	s4 =	sadd.s32 s7, s2;
	s9 =	sadd.s32 $0x52C00, s15;
	s10 =	sadd.s32 $0x57C00, s15  }
0xd: {  	v10 =	vimm.s32 $0x8;
	v11 =	vimm.s32 $0x9;
	v12 =	vimm.s32 $0xA;
	s14 =	sadd.s32 $0x57C10, s15;
	s15 =	sadd.s32 $0x52C10, s15;
	s1 =	sadd.s32 s5, s1  }
0xe: {  	v13 =	vimm.s32 $0xB;
	v14 =	vimm.s32 $0xC;
	v15 =	vimm.s32 $0xD;
	s5 =	sadd.s32 $0x4000, s4;
	s6 =	sadd.s32 $0x8000, s4;
	s7 =	sadd.s32 $0xC000, s4  }
0xf: {  	v16 =	vimm.s32 $0xE;
	v17 =	vimm.s32 $0xF;
	v4 =	vmul.u32 $0x8, v4;
	s8 =	sadd.s32 $0x10000, s4;
	s13 =	smax.u32 s13, $0x1;
	s12 =	sadd.s32 $0x66C00, s1  }
.LBB2_9:
0x10: {  	_ =	swait.ge [sflag:s22], $0x4000  }
0x11: {  	[sflag:s22] =	ssyncset.done $0x0  }
0x12: {  	[sflag:s22] =	ssyncadd.s32 $0xFFFFC000  }
0x13: {  	s0 =	stileid.u32;
	_ =	swait.ge [sflag:s22], $0x4000  }
0x14: {  	s1 =	sshrl.u32 s4, $0x3;
	s23 =	sadd.s32 $0x1, s23;
	[sflag:s22] =	ssyncset.done $0x0  }
0x15: {  	s0 =	sshll.u32 s0, $0x6;
	p0 =	sne.s32 s23, s13;
	[sflag:s22] =	ssyncadd.s32 $0xFFFFC000  }
.Ltmp1:
0x16: {  	s0 =	sor.u32 $0x1C03, s0;
	[bflag:$0x0] =	sbarrier.arrive $0xFFFF;
	(pc) =	sbr.rel @!p0 .LBB2_10-.Ltmp1, $4  }
0x17: {  	[hbm:s12], [sflag:s0] =	dma.local [spmem:s1], $0x2800  }
0x18: {  	_ =	swait.ge [sflag:s17], $0x2800  }
0x19: {  	[sflag:s17] =	ssyncset.done $0x0  }
0x1a: {  	[sflag:s17] =	ssyncadd.s32 $0xFFFFD800  }
.LBB2_1:
0x1b: {  	s0 =	simm.s32 $0x0;
	s24 =	simm.s32 $0x200  }
.LBB2_2:
0x1c: {  	p0 =	sne.s32 s24, $0xFE00;
	[tilespmem:s0+$0x15070] =	vst v0  }
0x1d: {  	[tilespmem:s0+$0x15000] =	vst v0  }
0x1e: {  	[tilespmem:s0+$0x15010] =	vst v0  }
.Ltmp2:
0x1f: {  	[tilespmem:s0+$0x15020] =	vst v0;
	(pc) =	sbr.rel @p0 .LBB2_2-.Ltmp2, $4  }
0x20: {  	[tilespmem:s0+$0x15030] =	vst v0  }
0x21: {  	[tilespmem:s0+$0x15040] =	vst v0  }
0x22: {  	[tilespmem:s0+$0x15050] =	vst v0  }
0x23: {  	[tilespmem:s0+$0x15060] =	vst v0;
	s0 =	sshra.s32 s24, $0x2;
	s24 =	sadd.s32 $0x200, s24  }
0x24: {  	[tilespmem:s0+$0x15070] =	vst v0  }
0x25: {  	[tilespmem:s0+$0x15000] =	vst v0  }
0x26: {  	[tilespmem:s0+$0x15010] =	vst v0  }
0x27: {  	[tilespmem:s0+$0x15020] =	vst v0  }
0x28: {  	[tilespmem:s0+$0x15030] =	vst v0  }
0x29: {  	[tilespmem:s0+$0x15040] =	vst v0  }
0x2a: {  	[tilespmem:s0+$0x15050] =	vst v0  }
0x2b: {  	[tilespmem:s0+$0x15060] =	vst v0  }
0x2c: {  	[spmem:s4] =	stream.linear.scatter [tilespmem:s16], [sflag:$0x3], $0x4000, $0x38;
	[tilespmem:$0x1D000] =	vst v63  }
0x2d: {  	_ =	swait.ge [sflag:s17], $0x4000  }
0x2e: {  	[sflag:s17] =	ssyncset.done $0x0  }
0x2f: {  	[sflag:s17] =	ssyncadd.s32 $0xFFFFC000  }
0x30: {  	[spmem:s5] =	stream.linear.scatter [tilespmem:s16], [sflag:$0x3], $0x4000, $0x38;
	[tilespmem:$0x1D000] =	vst v63  }
0x31: {  	_ =	swait.ge [sflag:s17], $0x4000  }
0x32: {  	[sflag:s17] =	ssyncset.done $0x0  }
0x33: {  	[sflag:s17] =	ssyncadd.s32 $0xFFFFC000  }
0x34: {  	[spmem:s6] =	stream.linear.scatter [tilespmem:s16], [sflag:$0x3], $0x4000, $0x38;
	[tilespmem:$0x1D000] =	vst v63  }
0x35: {  	_ =	swait.ge [sflag:s17], $0x4000  }
0x36: {  	[sflag:s17] =	ssyncset.done $0x0  }
0x37: {  	[sflag:s17] =	ssyncadd.s32 $0xFFFFC000  }
0x38: {  	[spmem:s7] =	stream.linear.scatter [tilespmem:s16], [sflag:$0x3], $0x4000, $0x38;
	[tilespmem:$0x1D000] =	vst v63  }
0x39: {  	_ =	swait.ge [sflag:s17], $0x4000  }
0x3a: {  	[sflag:s17] =	ssyncset.done $0x0  }
0x3b: {  	[sflag:s17] =	ssyncadd.s32 $0xFFFFC000  }
0x3c: {  	[spmem:s8] =	stream.linear.scatter [tilespmem:s16], [sflag:$0x3], $0x4000, $0x38;
	[tilespmem:$0x1D000] =	vst v63  }
0x3d: {  	_ =	swait.ge [sflag:s17], $0x4000  }
0x3e: {  	[sflag:s17] =	ssyncset.done $0x0  }
0x3f: {  	[sflag:s17] =	ssyncadd.s32 $0xFFFFC000  }
0x40: {  	s24 =	simm.s32 $0x0;
	s31 =	simm.s32 $0x14000;
	[bflag:$0x0] =	sbarrier.arrive $0xFFFF  }
0x41: {  	[tilespmem:s31], [sflag:$0x3] =	stream.linear.gather [hbm4b:s9+s24], $0x400, $0x38;
	[tilespmem:$0x1D000] =	vst v63  }
0x42: {  	_ =	swait.ge [sflag:s17], $0x400  }
0x43: {  	[sflag:s17] =	ssyncset.done $0x0  }
0x44: {  	s1 =	simm.s32 $0x14800;
	[sflag:s17] =	ssyncadd.s32 $0xFFFFFC00  }
0x45: {  	[tilespmem:s1], [sflag:$0x3] =	stream.linear.gather [hbm4b:s10+s24], $0x400, $0x38;
	[tilespmem:$0x1D000] =	vst v63  }
0x46: {  	_ =	swait.ge [sflag:s17], $0x400  }
0x47: {  	[sflag:s17] =	ssyncset.done $0x0  }
0x48: {  	[sflag:s17] =	ssyncadd.s32 $0xFFFFFC00  }
0x49: {  	v18 =	vld [tilespmem:$0x14000];
	_ =	sdelay $0x4  }
0x4a: {  	v19 =	vshll.u32 v18, $0x1  }
0x4b: {  	v18 =	vand.u32 $0x7, v18;
	v19 =	vand.u32 $0xFFFFFFF0, v19  }
0x4c: {  	v18 =	vor.u32 v18, v19  }
0x4d: {  	v19 =	vperm.xlane v18, v3;
	_ =	sdelay $0x1  }
0x4e: {  	v20 =	vperm.xlane v18, v2;
	v19 =	vadd.s32 v4, v19;
	_ =	sdelay $0x1  }
0x4f: {  	v21 =	vperm.xlane v18, v5;
	v20 =	vadd.s32 v4, v20;
	_ =	sdelay $0x1  }
0x50: {  	v22 =	vperm.xlane v18, v6;
	v21 =	vadd.s32 v4, v21  }
0x51: {  	[tilespmem:s16], [sflag:$0x1] =	stream.indirect_vreg.gather [hbm4b:s11+s24], $0x80, v19, vm0, $0xb8;
	[tilespmem:$0x1D000] =	vst v63  }
0x52: {  	s25 =	simm.s32 $0x15080;
	v51 =	vperm.xlane v18, v7;
	v19 =	vadd.s32 v4, v22  }
0x53: {  	[tilespmem:s25], [sflag:$0x1] =	stream.indirect_vreg.gather [hbm4b:s11+s24], $0x80, v20, vm0, $0xb8;
	[tilespmem:$0x1D000] =	vst v63  }
0x54: {  	s26 =	simm.s32 $0x15100;
	v53 =	vperm.xlane v18, v8;
	v52 =	vadd.s32 v4, v51  }
0x55: {  	[tilespmem:s26], [sflag:$0x1] =	stream.indirect_vreg.gather [hbm4b:s11+s24], $0x80, v21, vm0, $0xb8;
	[tilespmem:$0x1D000] =	vst v63  }
0x56: {  	s28 =	simm.s32 $0x15180;
	v55 =	vperm.xlane v18, v9;
	v54 =	vadd.s32 v4, v53  }
0x57: {  	[tilespmem:s28], [sflag:$0x1] =	stream.indirect_vreg.gather [hbm4b:s11+s24], $0x80, v19, vm0, $0xb8;
	[tilespmem:$0x1D000] =	vst v63  }
0x58: {  	s29 =	simm.s32 $0x15200;
	v56 =	vperm.xlane v18, v1;
	v19 =	vadd.s32 v4, v55  }
0x59: {  	[tilespmem:s29], [sflag:$0x1] =	stream.indirect_vreg.gather [hbm4b:s11+s24], $0x80, v52, vm0, $0xb8;
	[tilespmem:$0x1D000] =	vst v63  }
0x5a: {  	s30 =	simm.s32 $0x15280;
	v58 =	vperm.xlane v18, v10;
	v57 =	vadd.s32 v4, v56  }
0x5b: {  	[tilespmem:s30], [sflag:$0x1] =	stream.indirect_vreg.gather [hbm4b:s11+s24], $0x80, v54, vm0, $0xb8;
	[tilespmem:$0x1D000] =	vst v63  }
0x5c: {  	s31 =	simm.s32 $0x15300;
	v60 =	vperm.xlane v18, v11;
	v59 =	vadd.s32 v4, v58  }
0x5d: {  	[tilespmem:s31], [sflag:$0x1] =	stream.indirect_vreg.gather [hbm4b:s11+s24], $0x80, v19, vm0, $0xb8;
	[tilespmem:$0x1D000] =	vst v63  }
0x5e: {  	s1 =	simm.s32 $0x15380;
	v61 =	vperm.xlane v18, v12;
	v19 =	vadd.s32 v4, v60  }
0x5f: {  	[tilespmem:s1], [sflag:$0x1] =	stream.indirect_vreg.gather [hbm4b:s11+s24], $0x80, v57, vm0, $0xb8;
	[tilespmem:$0x1D000] =	vst v63  }
0x60: {  	v63 =	vperm.xlane v18, v13;
	v62 =	vadd.s32 v4, v61;
	s25 =	simm.s32 $0x15400  }
0x61: {  	[tilespmem:s25], [sflag:$0x1] =	stream.indirect_vreg.gather [hbm4b:s11+s24], $0x80, v59, vm0, $0xb8;
	[tilespmem:$0x1D000] =	vst v63  }
0x62: {  	v25 =	vperm.xlane v18, v14;
	v24 =	vadd.s32 v4, v63;
	s26 =	simm.s32 $0x15480  }
0x63: {  	[tilespmem:s26], [sflag:$0x1] =	stream.indirect_vreg.gather [hbm4b:s11+s24], $0x80, v19, vm0, $0xb8;
	[tilespmem:$0x1D000] =	vst v63  }
0x64: {  	v26 =	vperm.xlane v18, v15;
	s28 =	simm.s32 $0x15500;
	v19 =	vadd.s32 v4, v25  }
0x65: {  	[tilespmem:s28], [sflag:$0x1] =	stream.indirect_vreg.gather [hbm4b:s11+s24], $0x80, v62, vm0, $0xb8;
	[tilespmem:$0x1D000] =	vst v63  }
0x66: {  	v28 =	vperm.xlane v18, v16;
	v27 =	vadd.s32 v4, v26;
	s29 =	simm.s32 $0x15580  }
0x67: {  	[tilespmem:s29], [sflag:$0x1] =	stream.indirect_vreg.gather [hbm4b:s11+s24], $0x80, v24, vm0, $0xb8;
	[tilespmem:$0x1D000] =	vst v63  }
0x68: {  	v18 =	vperm.xlane v18, v17;
	v29 =	vadd.s32 v4, v28;
	s30 =	simm.s32 $0x15600  }
0x69: {  	[tilespmem:s30], [sflag:$0x1] =	stream.indirect_vreg.gather [hbm4b:s11+s24], $0x80, v19, vm0, $0xb8;
	[tilespmem:$0x1D000] =	vst v63  }
0x6a: {  	v18 =	vadd.s32 v4, v18;
	s31 =	simm.s32 $0x15680  }
0x6b: {  	[tilespmem:s31], [sflag:$0x1] =	stream.indirect_vreg.gather [hbm4b:s11+s24], $0x80, v27, vm0, $0xb8;
	[tilespmem:$0x1D000] =	vst v63  }
0x6c: {  	s1 =	simm.s32 $0x15700  }
0x6d: {  	[tilespmem:s1], [sflag:$0x1] =	stream.indirect_vreg.gather [hbm4b:s11+s24], $0x80, v29, vm0, $0xb8;
	[tilespmem:$0x1D000] =	vst v63  }
0x6e: {  	s25 =	simm.s32 $0x15780  }
0x6f: {  	[tilespmem:s25], [sflag:$0x1] =	stream.indirect_vreg.gather [hbm4b:s11+s24], $0x80, v18, vm0, $0xb8;
	[tilespmem:$0x1D000] =	vst v63  }
0x70: {  	v18 =	vld [tilespmem:$0x14010];
	_ =	sdelay $0x4  }
0x71: {  	v19 =	vshll.u32 v18, $0x1  }
0x72: {  	v18 =	vand.u32 $0x7, v18;
	v19 =	vand.u32 $0xFFFFFFF0, v19  }
0x73: {  	v18 =	vor.u32 v18, v19  }
0x74: {  	v19 =	vperm.xlane v18, v3;
	_ =	sdelay $0x1  }
0x75: {  	v30 =	vperm.xlane v18, v2;
	v19 =	vadd.s32 v4, v19;
	_ =	sdelay $0x1  }
0x76: {  	v31 =	vperm.xlane v18, v5;
	v20 =	vadd.s32 v4, v30;
	_ =	sdelay $0x1  }
0x77: {  	s26 =	simm.s32 $0x15800;
	v32 =	vperm.xlane v18, v6;
	v21 =	vadd.s32 v4, v31  }
0x78: {  	[tilespmem:s26], [sflag:$0x1] =	stream.indirect_vreg.gather [hbm4b:s11+s24], $0x80, v19, vm0, $0xb8;
	[tilespmem:$0x1D000] =	vst v63  }
0x79: {  	s28 =	simm.s32 $0x15880;
	v33 =	vperm.xlane v18, v7;
	v19 =	vadd.s32 v4, v32  }
0x7a: {  	[tilespmem:s28], [sflag:$0x1] =	stream.indirect_vreg.gather [hbm4b:s11+s24], $0x80, v20, vm0, $0xb8;
	[tilespmem:$0x1D000] =	vst v63  }
0x7b: {  	s29 =	simm.s32 $0x15900;
	v35 =	vperm.xlane v18, v8;
	v34 =	vadd.s32 v4, v33  }
0x7c: {  	[tilespmem:s29], [sflag:$0x1] =	stream.indirect_vreg.gather [hbm4b:s11+s24], $0x80, v21, vm0, $0xb8;
	[tilespmem:$0x1D000] =	vst v63  }
0x7d: {  	s30 =	simm.s32 $0x15980;
	v37 =	vperm.xlane v18, v9;
	v36 =	vadd.s32 v4, v35  }
0x7e: {  	[tilespmem:s30], [sflag:$0x1] =	stream.indirect_vreg.gather [hbm4b:s11+s24], $0x80, v19, vm0, $0xb8;
	[tilespmem:$0x1D000] =	vst v63  }
0x7f: {  	s31 =	simm.s32 $0x15A00;
	v38 =	vperm.xlane v18, v1;
	v19 =	vadd.s32 v4, v37  }
0x80: {  	[tilespmem:s31], [sflag:$0x1] =	stream.indirect_vreg.gather [hbm4b:s11+s24], $0x80, v34, vm0, $0xb8;
	[tilespmem:$0x1D000] =	vst v63  }
0x81: {  	s1 =	simm.s32 $0x15A80;
	v40 =	vperm.xlane v18, v10;
	v39 =	vadd.s32 v4, v38  }
0x82: {  	[tilespmem:s1], [sflag:$0x1] =	stream.indirect_vreg.gather [hbm4b:s11+s24], $0x80, v36, vm0, $0xb8;
	[tilespmem:$0x1D000] =	vst v63  }
0x83: {  	s25 =	simm.s32 $0x15B00;
	v42 =	vperm.xlane v18, v11;
	v41 =	vadd.s32 v4, v40  }
0x84: {  	[tilespmem:s25], [sflag:$0x1] =	stream.indirect_vreg.gather [hbm4b:s11+s24], $0x80, v19, vm0, $0xb8;
	[tilespmem:$0x1D000] =	vst v63  }
0x85: {  	v43 =	vperm.xlane v18, v12;
	s26 =	simm.s32 $0x15B80;
	v19 =	vadd.s32 v4, v42  }
0x86: {  	[tilespmem:s26], [sflag:$0x1] =	stream.indirect_vreg.gather [hbm4b:s11+s24], $0x80, v39, vm0, $0xb8;
	[tilespmem:$0x1D000] =	vst v63  }
0x87: {  	v45 =	vperm.xlane v18, v13;
	v44 =	vadd.s32 v4, v43;
	s28 =	simm.s32 $0x15C00  }
0x88: {  	[tilespmem:s28], [sflag:$0x1] =	stream.indirect_vreg.gather [hbm4b:s11+s24], $0x80, v41, vm0, $0xb8;
	[tilespmem:$0x1D000] =	vst v63  }
0x89: {  	v47 =	vperm.xlane v18, v14;
	v46 =	vadd.s32 v4, v45;
	s29 =	simm.s32 $0x15C80  }
0x8a: {  	[tilespmem:s29], [sflag:$0x1] =	stream.indirect_vreg.gather [hbm4b:s11+s24], $0x80, v19, vm0, $0xb8;
	[tilespmem:$0x1D000] =	vst v63  }
0x8b: {  	v48 =	vperm.xlane v18, v15;
	s30 =	simm.s32 $0x15D00;
	v19 =	vadd.s32 v4, v47  }
0x8c: {  	[tilespmem:s30], [sflag:$0x1] =	stream.indirect_vreg.gather [hbm4b:s11+s24], $0x80, v44, vm0, $0xb8;
	[tilespmem:$0x1D000] =	vst v63  }
0x8d: {  	v50 =	vperm.xlane v18, v16;
	v49 =	vadd.s32 v4, v48;
	s31 =	simm.s32 $0x15D80  }
0x8e: {  	[tilespmem:s31], [sflag:$0x1] =	stream.indirect_vreg.gather [hbm4b:s11+s24], $0x80, v46, vm0, $0xb8;
	[tilespmem:$0x1D000] =	vst v63  }
0x8f: {  	v18 =	vperm.xlane v18, v17;
	v51 =	vadd.s32 v4, v50;
	s1 =	simm.s32 $0x15E00  }
0x90: {  	[tilespmem:s1], [sflag:$0x1] =	stream.indirect_vreg.gather [hbm4b:s11+s24], $0x80, v19, vm0, $0xb8;
	[tilespmem:$0x1D000] =	vst v63  }
0x91: {  	v18 =	vadd.s32 v4, v18;
	s25 =	simm.s32 $0x15E80  }
0x92: {  	[tilespmem:s25], [sflag:$0x1] =	stream.indirect_vreg.gather [hbm4b:s11+s24], $0x80, v49, vm0, $0xb8;
	[tilespmem:$0x1D000] =	vst v63  }
0x93: {  	s26 =	simm.s32 $0x15F00  }
0x94: {  	[tilespmem:s26], [sflag:$0x1] =	stream.indirect_vreg.gather [hbm4b:s11+s24], $0x80, v51, vm0, $0xb8;
	[tilespmem:$0x1D000] =	vst v63  }
0x95: {  	s28 =	simm.s32 $0x15F80  }
0x96: {  	[tilespmem:s28], [sflag:$0x1] =	stream.indirect_vreg.gather [hbm4b:s11+s24], $0x80, v18, vm0, $0xb8;
	[tilespmem:$0x1D000] =	vst v63  }
0x97: {  	v18 =	vld [tilespmem:$0x14020];
	_ =	sdelay $0x4  }
0x98: {  	v19 =	vshll.u32 v18, $0x1  }
0x99: {  	v18 =	vand.u32 $0x7, v18;
	v19 =	vand.u32 $0xFFFFFFF0, v19  }
0x9a: {  	v18 =	vor.u32 v18, v19  }
0x9b: {  	v19 =	vperm.xlane v18, v3;
	_ =	sdelay $0x1  }
0x9c: {  	v52 =	vperm.xlane v18, v2;
	v19 =	vadd.s32 v4, v19;
	_ =	sdelay $0x1  }
0x9d: {  	v53 =	vperm.xlane v18, v5;
	v20 =	vadd.s32 v4, v52;
	_ =	sdelay $0x1  }
0x9e: {  	s29 =	simm.s32 $0x16000;
	v54 =	vperm.xlane v18, v6;
	v21 =	vadd.s32 v4, v53  }
0x9f: {  	[tilespmem:s29], [sflag:$0x1] =	stream.indirect_vreg.gather [hbm4b:s11+s24], $0x80, v19, vm0, $0xb8;
	[tilespmem:$0x1D000] =	vst v63  }
0xa0: {  	s30 =	simm.s32 $0x16080;
	v55 =	vperm.xlane v18, v7;
	v19 =	vadd.s32 v4, v54  }
0xa1: {  	[tilespmem:s30], [sflag:$0x1] =	stream.indirect_vreg.gather [hbm4b:s11+s24], $0x80, v20, vm0, $0xb8;
	[tilespmem:$0x1D000] =	vst v63  }
0xa2: {  	s31 =	simm.s32 $0x16100;
	v57 =	vperm.xlane v18, v8;
	v56 =	vadd.s32 v4, v55  }
0xa3: {  	[tilespmem:s31], [sflag:$0x1] =	stream.indirect_vreg.gather [hbm4b:s11+s24], $0x80, v21, vm0, $0xb8;
	[tilespmem:$0x1D000] =	vst v63  }
0xa4: {  	s1 =	simm.s32 $0x16180;
	v59 =	vperm.xlane v18, v9;
	v58 =	vadd.s32 v4, v57  }
0xa5: {  	[tilespmem:s1], [sflag:$0x1] =	stream.indirect_vreg.gather [hbm4b:s11+s24], $0x80, v19, vm0, $0xb8;
	[tilespmem:$0x1D000] =	vst v63  }
0xa6: {  	s25 =	simm.s32 $0x16200;
	v60 =	vperm.xlane v18, v1;
	v19 =	vadd.s32 v4, v59  }
0xa7: {  	[tilespmem:s25], [sflag:$0x1] =	stream.indirect_vreg.gather [hbm4b:s11+s24], $0x80, v56, vm0, $0xb8;
	[tilespmem:$0x1D000] =	vst v63  }
0xa8: {  	s26 =	simm.s32 $0x16280;
	v62 =	vperm.xlane v18, v10;
	v61 =	vadd.s32 v4, v60  }
0xa9: {  	[tilespmem:s26], [sflag:$0x1] =	stream.indirect_vreg.gather [hbm4b:s11+s24], $0x80, v58, vm0, $0xb8;
	[tilespmem:$0x1D000] =	vst v63  }
0xaa: {  	s28 =	simm.s32 $0x16300;
	v24 =	vperm.xlane v18, v11;
	v63 =	vadd.s32 v4, v62  }
0xab: {  	[tilespmem:s28], [sflag:$0x1] =	stream.indirect_vreg.gather [hbm4b:s11+s24], $0x80, v19, vm0, $0xb8;
	[tilespmem:$0x1D000] =	vst v63  }
0xac: {  	v25 =	vperm.xlane v18, v12;
	s29 =	simm.s32 $0x16380;
	v19 =	vadd.s32 v4, v24  }
0xad: {  	[tilespmem:s29], [sflag:$0x1] =	stream.indirect_vreg.gather [hbm4b:s11+s24], $0x80, v61, vm0, $0xb8;
	[tilespmem:$0x1D000] =	vst v63  }
0xae: {  	v27 =	vperm.xlane v18, v13;
	v26 =	vadd.s32 v4, v25;
	s30 =	simm.s32 $0x16400  }
0xaf: {  	[tilespmem:s30], [sflag:$0x1] =	stream.indirect_vreg.gather [hbm4b:s11+s24], $0x80, v63, vm0, $0xb8;
	[tilespmem:$0x1D000] =	vst v63  }
0xb0: {  	v29 =	vperm.xlane v18, v14;
	v28 =	vadd.s32 v4, v27;
	s31 =	simm.s32 $0x16480  }
0xb1: {  	[tilespmem:s31], [sflag:$0x1] =	stream.indirect_vreg.gather [hbm4b:s11+s24], $0x80, v19, vm0, $0xb8;
	[tilespmem:$0x1D000] =	vst v63  }
0xb2: {  	v30 =	vperm.xlane v18, v15;
	s1 =	simm.s32 $0x16500;
	v19 =	vadd.s32 v4, v29  }
0xb3: {  	[tilespmem:s1], [sflag:$0x1] =	stream.indirect_vreg.gather [hbm4b:s11+s24], $0x80, v26, vm0, $0xb8;
	[tilespmem:$0x1D000] =	vst v63  }
0xb4: {  	v32 =	vperm.xlane v18, v16;
	v31 =	vadd.s32 v4, v30;
	s25 =	simm.s32 $0x16580  }
0xb5: {  	[tilespmem:s25], [sflag:$0x1] =	stream.indirect_vreg.gather [hbm4b:s11+s24], $0x80, v28, vm0, $0xb8;
	[tilespmem:$0x1D000] =	vst v63  }
0xb6: {  	v18 =	vperm.xlane v18, v17;
	v33 =	vadd.s32 v4, v32;
	s26 =	simm.s32 $0x16600  }
0xb7: {  	[tilespmem:s26], [sflag:$0x1] =	stream.indirect_vreg.gather [hbm4b:s11+s24], $0x80, v19, vm0, $0xb8;
	[tilespmem:$0x1D000] =	vst v63  }
0xb8: {  	v18 =	vadd.s32 v4, v18;
	s28 =	simm.s32 $0x16680  }
0xb9: {  	[tilespmem:s28], [sflag:$0x1] =	stream.indirect_vreg.gather [hbm4b:s11+s24], $0x80, v31, vm0, $0xb8;
	[tilespmem:$0x1D000] =	vst v63  }
0xba: {  	s29 =	simm.s32 $0x16700  }
0xbb: {  	[tilespmem:s29], [sflag:$0x1] =	stream.indirect_vreg.gather [hbm4b:s11+s24], $0x80, v33, vm0, $0xb8;
	[tilespmem:$0x1D000] =	vst v63  }
0xbc: {  	s30 =	simm.s32 $0x16780  }
0xbd: {  	[tilespmem:s30], [sflag:$0x1] =	stream.indirect_vreg.gather [hbm4b:s11+s24], $0x80, v18, vm0, $0xb8;
	[tilespmem:$0x1D000] =	vst v63  }
0xbe: {  	v18 =	vld [tilespmem:$0x14030];
	_ =	sdelay $0x4  }
0xbf: {  	v19 =	vshll.u32 v18, $0x1  }
0xc0: {  	v18 =	vand.u32 $0x7, v18;
	v19 =	vand.u32 $0xFFFFFFF0, v19  }
0xc1: {  	v18 =	vor.u32 v18, v19  }
0xc2: {  	v19 =	vperm.xlane v18, v3;
	_ =	sdelay $0x1  }
0xc3: {  	v34 =	vperm.xlane v18, v2;
	v19 =	vadd.s32 v4, v19;
	_ =	sdelay $0x1  }
0xc4: {  	v35 =	vperm.xlane v18, v5;
	v20 =	vadd.s32 v4, v34;
	_ =	sdelay $0x1  }
0xc5: {  	s31 =	simm.s32 $0x16800;
	v36 =	vperm.xlane v18, v6;
	v21 =	vadd.s32 v4, v35  }
0xc6: {  	[tilespmem:s31], [sflag:$0x1] =	stream.indirect_vreg.gather [hbm4b:s11+s24], $0x80, v19, vm0, $0xb8;
	[tilespmem:$0x1D000] =	vst v63  }
0xc7: {  	s1 =	simm.s32 $0x16880;
	v37 =	vperm.xlane v18, v7;
	v19 =	vadd.s32 v4, v36  }
0xc8: {  	[tilespmem:s1], [sflag:$0x1] =	stream.indirect_vreg.gather [hbm4b:s11+s24], $0x80, v20, vm0, $0xb8;
	[tilespmem:$0x1D000] =	vst v63  }
0xc9: {  	s25 =	simm.s32 $0x16900;
	v39 =	vperm.xlane v18, v8;
	v38 =	vadd.s32 v4, v37  }
0xca: {  	[tilespmem:s25], [sflag:$0x1] =	stream.indirect_vreg.gather [hbm4b:s11+s24], $0x80, v21, vm0, $0xb8;
	[tilespmem:$0x1D000] =	vst v63  }
0xcb: {  	s26 =	simm.s32 $0x16980;
	v41 =	vperm.xlane v18, v9;
	v40 =	vadd.s32 v4, v39  }
0xcc: {  	[tilespmem:s26], [sflag:$0x1] =	stream.indirect_vreg.gather [hbm4b:s11+s24], $0x80, v19, vm0, $0xb8;
	[tilespmem:$0x1D000] =	vst v63  }
0xcd: {  	s28 =	simm.s32 $0x16A00;
	v42 =	vperm.xlane v18, v1;
	v19 =	vadd.s32 v4, v41  }
0xce: {  	[tilespmem:s28], [sflag:$0x1] =	stream.indirect_vreg.gather [hbm4b:s11+s24], $0x80, v38, vm0, $0xb8;
	[tilespmem:$0x1D000] =	vst v63  }
0xcf: {  	s29 =	simm.s32 $0x16A80;
	v44 =	vperm.xlane v18, v10;
	v43 =	vadd.s32 v4, v42  }
0xd0: {  	[tilespmem:s29], [sflag:$0x1] =	stream.indirect_vreg.gather [hbm4b:s11+s24], $0x80, v40, vm0, $0xb8;
	[tilespmem:$0x1D000] =	vst v63  }
0xd1: {  	s30 =	simm.s32 $0x16B00;
	v46 =	vperm.xlane v18, v11;
	v45 =	vadd.s32 v4, v44  }
0xd2: {  	[tilespmem:s30], [sflag:$0x1] =	stream.indirect_vreg.gather [hbm4b:s11+s24], $0x80, v19, vm0, $0xb8;
	[tilespmem:$0x1D000] =	vst v63  }
0xd3: {  	v47 =	vperm.xlane v18, v12;
	s31 =	simm.s32 $0x16B80;
	v19 =	vadd.s32 v4, v46  }
0xd4: {  	[tilespmem:s31], [sflag:$0x1] =	stream.indirect_vreg.gather [hbm4b:s11+s24], $0x80, v43, vm0, $0xb8;
	[tilespmem:$0x1D000] =	vst v63  }
0xd5: {  	v49 =	vperm.xlane v18, v13;
	v48 =	vadd.s32 v4, v47;
	s1 =	simm.s32 $0x16C00  }
0xd6: {  	[tilespmem:s1], [sflag:$0x1] =	stream.indirect_vreg.gather [hbm4b:s11+s24], $0x80, v45, vm0, $0xb8;
	[tilespmem:$0x1D000] =	vst v63  }
0xd7: {  	v51 =	vperm.xlane v18, v14;
	v50 =	vadd.s32 v4, v49;
	s25 =	simm.s32 $0x16C80  }
0xd8: {  	[tilespmem:s25], [sflag:$0x1] =	stream.indirect_vreg.gather [hbm4b:s11+s24], $0x80, v19, vm0, $0xb8;
	[tilespmem:$0x1D000] =	vst v63  }
0xd9: {  	v52 =	vperm.xlane v18, v15;
	s26 =	simm.s32 $0x16D00;
	v19 =	vadd.s32 v4, v51  }
0xda: {  	[tilespmem:s26], [sflag:$0x1] =	stream.indirect_vreg.gather [hbm4b:s11+s24], $0x80, v48, vm0, $0xb8;
	[tilespmem:$0x1D000] =	vst v63  }
0xdb: {  	v54 =	vperm.xlane v18, v16;
	v53 =	vadd.s32 v4, v52;
	s28 =	simm.s32 $0x16D80  }
0xdc: {  	[tilespmem:s28], [sflag:$0x1] =	stream.indirect_vreg.gather [hbm4b:s11+s24], $0x80, v50, vm0, $0xb8;
	[tilespmem:$0x1D000] =	vst v63  }
0xdd: {  	v18 =	vperm.xlane v18, v17;
	v55 =	vadd.s32 v4, v54;
	s29 =	simm.s32 $0x16E00  }
0xde: {  	[tilespmem:s29], [sflag:$0x1] =	stream.indirect_vreg.gather [hbm4b:s11+s24], $0x80, v19, vm0, $0xb8;
	[tilespmem:$0x1D000] =	vst v63  }
0xdf: {  	v18 =	vadd.s32 v4, v18;
	s30 =	simm.s32 $0x16E80  }
0xe0: {  	[tilespmem:s30], [sflag:$0x1] =	stream.indirect_vreg.gather [hbm4b:s11+s24], $0x80, v53, vm0, $0xb8;
	[tilespmem:$0x1D000] =	vst v63  }
0xe1: {  	s31 =	simm.s32 $0x16F00  }
0xe2: {  	[tilespmem:s31], [sflag:$0x1] =	stream.indirect_vreg.gather [hbm4b:s11+s24], $0x80, v55, vm0, $0xb8;
	[tilespmem:$0x1D000] =	vst v63  }
0xe3: {  	s1 =	simm.s32 $0x16F80  }
0xe4: {  	[tilespmem:s1], [sflag:$0x1] =	stream.indirect_vreg.gather [hbm4b:s11+s24], $0x80, v18, vm0, $0xb8;
	[tilespmem:$0x1D000] =	vst v63  }
0xe5: {  	v18 =	vld [tilespmem:$0x14040];
	_ =	sdelay $0x4  }
0xe6: {  	v19 =	vshll.u32 v18, $0x1  }
0xe7: {  	v18 =	vand.u32 $0x7, v18;
	v19 =	vand.u32 $0xFFFFFFF0, v19  }
0xe8: {  	v18 =	vor.u32 v18, v19  }
0xe9: {  	v19 =	vperm.xlane v18, v3;
	_ =	sdelay $0x1  }
0xea: {  	v56 =	vperm.xlane v18, v2;
	v19 =	vadd.s32 v4, v19;
	_ =	sdelay $0x1  }
0xeb: {  	v57 =	vperm.xlane v18, v5;
	v20 =	vadd.s32 v4, v56;
	_ =	sdelay $0x1  }
0xec: {  	s25 =	simm.s32 $0x17000;
	v58 =	vperm.xlane v18, v6;
	v21 =	vadd.s32 v4, v57  }
0xed: {  	[tilespmem:s25], [sflag:$0x1] =	stream.indirect_vreg.gather [hbm4b:s11+s24], $0x80, v19, vm0, $0xb8;
	[tilespmem:$0x1D000] =	vst v63  }
0xee: {  	s26 =	simm.s32 $0x17080;
	v59 =	vperm.xlane v18, v7;
	v19 =	vadd.s32 v4, v58  }
0xef: {  	[tilespmem:s26], [sflag:$0x1] =	stream.indirect_vreg.gather [hbm4b:s11+s24], $0x80, v20, vm0, $0xb8;
	[tilespmem:$0x1D000] =	vst v63  }
0xf0: {  	s28 =	simm.s32 $0x17100;
	v61 =	vperm.xlane v18, v8;
	v60 =	vadd.s32 v4, v59  }
0xf1: {  	[tilespmem:s28], [sflag:$0x1] =	stream.indirect_vreg.gather [hbm4b:s11+s24], $0x80, v21, vm0, $0xb8;
	[tilespmem:$0x1D000] =	vst v63  }
0xf2: {  	s29 =	simm.s32 $0x17180;
	v63 =	vperm.xlane v18, v9;
	v62 =	vadd.s32 v4, v61  }
0xf3: {  	[tilespmem:s29], [sflag:$0x1] =	stream.indirect_vreg.gather [hbm4b:s11+s24], $0x80, v19, vm0, $0xb8;
	[tilespmem:$0x1D000] =	vst v63  }
0xf4: {  	s30 =	simm.s32 $0x17200;
	v24 =	vperm.xlane v18, v1;
	v19 =	vadd.s32 v4, v63  }
0xf5: {  	[tilespmem:s30], [sflag:$0x1] =	stream.indirect_vreg.gather [hbm4b:s11+s24], $0x80, v60, vm0, $0xb8;
	[tilespmem:$0x1D000] =	vst v63  }
0xf6: {  	s31 =	simm.s32 $0x17280;
	v26 =	vperm.xlane v18, v10;
	v25 =	vadd.s32 v4, v24  }
0xf7: {  	[tilespmem:s31], [sflag:$0x1] =	stream.indirect_vreg.gather [hbm4b:s11+s24], $0x80, v62, vm0, $0xb8;
	[tilespmem:$0x1D000] =	vst v63  }
0xf8: {  	s1 =	simm.s32 $0x17300;
	v28 =	vperm.xlane v18, v11;
	v27 =	vadd.s32 v4, v26  }
0xf9: {  	[tilespmem:s1], [sflag:$0x1] =	stream.indirect_vreg.gather [hbm4b:s11+s24], $0x80, v19, vm0, $0xb8;
	[tilespmem:$0x1D000] =	vst v63  }
0xfa: {  	v29 =	vperm.xlane v18, v12;
	s25 =	simm.s32 $0x17380;
	v19 =	vadd.s32 v4, v28  }
0xfb: {  	[tilespmem:s25], [sflag:$0x1] =	stream.indirect_vreg.gather [hbm4b:s11+s24], $0x80, v25, vm0, $0xb8;
	[tilespmem:$0x1D000] =	vst v63  }
0xfc: {  	v31 =	vperm.xlane v18, v13;
	v30 =	vadd.s32 v4, v29;
	s26 =	simm.s32 $0x17400  }
0xfd: {  	[tilespmem:s26], [sflag:$0x1] =	stream.indirect_vreg.gather [hbm4b:s11+s24], $0x80, v27, vm0, $0xb8;
	[tilespmem:$0x1D000] =	vst v63  }
0xfe: {  	v33 =	vperm.xlane v18, v14;
	v32 =	vadd.s32 v4, v31;
	s28 =	simm.s32 $0x17480  }
0xff: {  	[tilespmem:s28], [sflag:$0x1] =	stream.indirect_vreg.gather [hbm4b:s11+s24], $0x80, v19, vm0, $0xb8;
	[tilespmem:$0x1D000] =	vst v63  }
0x100: {  	v34 =	vperm.xlane v18, v15;
	s29 =	simm.s32 $0x17500;
	v19 =	vadd.s32 v4, v33  }
0x101: {  	[tilespmem:s29], [sflag:$0x1] =	stream.indirect_vreg.gather [hbm4b:s11+s24], $0x80, v30, vm0, $0xb8;
	[tilespmem:$0x1D000] =	vst v63  }
0x102: {  	v36 =	vperm.xlane v18, v16;
	v35 =	vadd.s32 v4, v34;
	s30 =	simm.s32 $0x17580  }
0x103: {  	[tilespmem:s30], [sflag:$0x1] =	stream.indirect_vreg.gather [hbm4b:s11+s24], $0x80, v32, vm0, $0xb8;
	[tilespmem:$0x1D000] =	vst v63  }
0x104: {  	v18 =	vperm.xlane v18, v17;
	v37 =	vadd.s32 v4, v36;
	s31 =	simm.s32 $0x17600  }
0x105: {  	[tilespmem:s31], [sflag:$0x1] =	stream.indirect_vreg.gather [hbm4b:s11+s24], $0x80, v19, vm0, $0xb8;
	[tilespmem:$0x1D000] =	vst v63  }
0x106: {  	v18 =	vadd.s32 v4, v18;
	s1 =	simm.s32 $0x17680  }
0x107: {  	[tilespmem:s1], [sflag:$0x1] =	stream.indirect_vreg.gather [hbm4b:s11+s24], $0x80, v35, vm0, $0xb8;
	[tilespmem:$0x1D000] =	vst v63  }
0x108: {  	s25 =	simm.s32 $0x17700  }
0x109: {  	[tilespmem:s25], [sflag:$0x1] =	stream.indirect_vreg.gather [hbm4b:s11+s24], $0x80, v37, vm0, $0xb8;
	[tilespmem:$0x1D000] =	vst v63  }
0x10a: {  	s26 =	simm.s32 $0x17780  }
0x10b: {  	[tilespmem:s26], [sflag:$0x1] =	stream.indirect_vreg.gather [hbm4b:s11+s24], $0x80, v18, vm0, $0xb8;
	[tilespmem:$0x1D000] =	vst v63  }
0x10c: {  	v18 =	vld [tilespmem:$0x14050];
	_ =	sdelay $0x4  }
0x10d: {  	v19 =	vshll.u32 v18, $0x1  }
0x10e: {  	v18 =	vand.u32 $0x7, v18;
	v19 =	vand.u32 $0xFFFFFFF0, v19  }
0x10f: {  	v18 =	vor.u32 v18, v19  }
0x110: {  	v19 =	vperm.xlane v18, v3;
	_ =	sdelay $0x1  }
0x111: {  	v38 =	vperm.xlane v18, v2;
	v19 =	vadd.s32 v4, v19;
	_ =	sdelay $0x1  }
0x112: {  	v39 =	vperm.xlane v18, v5;
	v20 =	vadd.s32 v4, v38;
	_ =	sdelay $0x1  }
0x113: {  	s28 =	simm.s32 $0x17800;
	v40 =	vperm.xlane v18, v6;
	v21 =	vadd.s32 v4, v39  }
0x114: {  	[tilespmem:s28], [sflag:$0x1] =	stream.indirect_vreg.gather [hbm4b:s11+s24], $0x80, v19, vm0, $0xb8;
	[tilespmem:$0x1D000] =	vst v63  }
0x115: {  	s29 =	simm.s32 $0x17880;
	v41 =	vperm.xlane v18, v7;
	v19 =	vadd.s32 v4, v40  }
0x116: {  	[tilespmem:s29], [sflag:$0x1] =	stream.indirect_vreg.gather [hbm4b:s11+s24], $0x80, v20, vm0, $0xb8;
	[tilespmem:$0x1D000] =	vst v63  }
0x117: {  	s30 =	simm.s32 $0x17900;
	v43 =	vperm.xlane v18, v8;
	v42 =	vadd.s32 v4, v41  }
0x118: {  	[tilespmem:s30], [sflag:$0x1] =	stream.indirect_vreg.gather [hbm4b:s11+s24], $0x80, v21, vm0, $0xb8;
	[tilespmem:$0x1D000] =	vst v63  }
0x119: {  	s31 =	simm.s32 $0x17980;
	v45 =	vperm.xlane v18, v9;
	v44 =	vadd.s32 v4, v43  }
0x11a: {  	[tilespmem:s31], [sflag:$0x1] =	stream.indirect_vreg.gather [hbm4b:s11+s24], $0x80, v19, vm0, $0xb8;
	[tilespmem:$0x1D000] =	vst v63  }
0x11b: {  	s1 =	simm.s32 $0x17A00;
	v46 =	vperm.xlane v18, v1;
	v19 =	vadd.s32 v4, v45  }
0x11c: {  	[tilespmem:s1], [sflag:$0x1] =	stream.indirect_vreg.gather [hbm4b:s11+s24], $0x80, v42, vm0, $0xb8;
	[tilespmem:$0x1D000] =	vst v63  }
0x11d: {  	s25 =	simm.s32 $0x17A80;
	v48 =	vperm.xlane v18, v10;
	v47 =	vadd.s32 v4, v46  }
0x11e: {  	[tilespmem:s25], [sflag:$0x1] =	stream.indirect_vreg.gather [hbm4b:s11+s24], $0x80, v44, vm0, $0xb8;
	[tilespmem:$0x1D000] =	vst v63  }
0x11f: {  	s26 =	simm.s32 $0x17B00;
	v50 =	vperm.xlane v18, v11;
	v49 =	vadd.s32 v4, v48  }
0x120: {  	[tilespmem:s26], [sflag:$0x1] =	stream.indirect_vreg.gather [hbm4b:s11+s24], $0x80, v19, vm0, $0xb8;
	[tilespmem:$0x1D000] =	vst v63  }
0x121: {  	v51 =	vperm.xlane v18, v12;
	s28 =	simm.s32 $0x17B80;
	v19 =	vadd.s32 v4, v50  }
0x122: {  	[tilespmem:s28], [sflag:$0x1] =	stream.indirect_vreg.gather [hbm4b:s11+s24], $0x80, v47, vm0, $0xb8;
	[tilespmem:$0x1D000] =	vst v63  }
0x123: {  	v53 =	vperm.xlane v18, v13;
	v52 =	vadd.s32 v4, v51;
	s29 =	simm.s32 $0x17C00  }
0x124: {  	[tilespmem:s29], [sflag:$0x1] =	stream.indirect_vreg.gather [hbm4b:s11+s24], $0x80, v49, vm0, $0xb8;
	[tilespmem:$0x1D000] =	vst v63  }
0x125: {  	v55 =	vperm.xlane v18, v14;
	v54 =	vadd.s32 v4, v53;
	s30 =	simm.s32 $0x17C80  }
0x126: {  	[tilespmem:s30], [sflag:$0x1] =	stream.indirect_vreg.gather [hbm4b:s11+s24], $0x80, v19, vm0, $0xb8;
	[tilespmem:$0x1D000] =	vst v63  }
0x127: {  	v56 =	vperm.xlane v18, v15;
	s31 =	simm.s32 $0x17D00;
	v19 =	vadd.s32 v4, v55  }
0x128: {  	[tilespmem:s31], [sflag:$0x1] =	stream.indirect_vreg.gather [hbm4b:s11+s24], $0x80, v52, vm0, $0xb8;
	[tilespmem:$0x1D000] =	vst v63  }
0x129: {  	v58 =	vperm.xlane v18, v16;
	v57 =	vadd.s32 v4, v56;
	s1 =	simm.s32 $0x17D80  }
0x12a: {  	[tilespmem:s1], [sflag:$0x1] =	stream.indirect_vreg.gather [hbm4b:s11+s24], $0x80, v54, vm0, $0xb8;
	[tilespmem:$0x1D000] =	vst v63  }
0x12b: {  	v18 =	vperm.xlane v18, v17;
	v59 =	vadd.s32 v4, v58;
	s25 =	simm.s32 $0x17E00  }
0x12c: {  	[tilespmem:s25], [sflag:$0x1] =	stream.indirect_vreg.gather [hbm4b:s11+s24], $0x80, v19, vm0, $0xb8;
	[tilespmem:$0x1D000] =	vst v63  }
0x12d: {  	v18 =	vadd.s32 v4, v18;
	s26 =	simm.s32 $0x17E80  }
0x12e: {  	[tilespmem:s26], [sflag:$0x1] =	stream.indirect_vreg.gather [hbm4b:s11+s24], $0x80, v57, vm0, $0xb8;
	[tilespmem:$0x1D000] =	vst v63  }
0x12f: {  	s28 =	simm.s32 $0x17F00  }
0x130: {  	[tilespmem:s28], [sflag:$0x1] =	stream.indirect_vreg.gather [hbm4b:s11+s24], $0x80, v59, vm0, $0xb8;
	[tilespmem:$0x1D000] =	vst v63  }
0x131: {  	s29 =	simm.s32 $0x17F80  }
0x132: {  	[tilespmem:s29], [sflag:$0x1] =	stream.indirect_vreg.gather [hbm4b:s11+s24], $0x80, v18, vm0, $0xb8;
	[tilespmem:$0x1D000] =	vst v63  }
0x133: {  	v18 =	vld [tilespmem:$0x14060];
	_ =	sdelay $0x4  }
0x134: {  	v19 =	vshll.u32 v18, $0x1  }
0x135: {  	v18 =	vand.u32 $0x7, v18;
	v19 =	vand.u32 $0xFFFFFFF0, v19  }
0x136: {  	v18 =	vor.u32 v18, v19  }
0x137: {  	v19 =	vperm.xlane v18, v3;
	_ =	sdelay $0x1  }
0x138: {  	v60 =	vperm.xlane v18, v2;
	v19 =	vadd.s32 v4, v19;
	_ =	sdelay $0x1  }
0x139: {  	v61 =	vperm.xlane v18, v5;
	v20 =	vadd.s32 v4, v60;
	_ =	sdelay $0x1  }
0x13a: {  	s30 =	simm.s32 $0x18000;
	v62 =	vperm.xlane v18, v6;
	v21 =	vadd.s32 v4, v61  }
0x13b: {  	[tilespmem:s30], [sflag:$0x1] =	stream.indirect_vreg.gather [hbm4b:s11+s24], $0x80, v19, vm0, $0xb8;
	[tilespmem:$0x1D000] =	vst v63  }
0x13c: {  	s31 =	simm.s32 $0x18080;
	v63 =	vperm.xlane v18, v7;
	v19 =	vadd.s32 v4, v62  }
0x13d: {  	[tilespmem:s31], [sflag:$0x1] =	stream.indirect_vreg.gather [hbm4b:s11+s24], $0x80, v20, vm0, $0xb8;
	[tilespmem:$0x1D000] =	vst v63  }
0x13e: {  	s1 =	simm.s32 $0x18100;
	v25 =	vperm.xlane v18, v8;
	v24 =	vadd.s32 v4, v63  }
0x13f: {  	[tilespmem:s1], [sflag:$0x1] =	stream.indirect_vreg.gather [hbm4b:s11+s24], $0x80, v21, vm0, $0xb8;
	[tilespmem:$0x1D000] =	vst v63  }
0x140: {  	s25 =	simm.s32 $0x18180;
	v27 =	vperm.xlane v18, v9;
	v26 =	vadd.s32 v4, v25  }
0x141: {  	[tilespmem:s25], [sflag:$0x1] =	stream.indirect_vreg.gather [hbm4b:s11+s24], $0x80, v19, vm0, $0xb8;
	[tilespmem:$0x1D000] =	vst v63  }
0x142: {  	s26 =	simm.s32 $0x18200;
	v28 =	vperm.xlane v18, v1;
	v19 =	vadd.s32 v4, v27  }
0x143: {  	[tilespmem:s26], [sflag:$0x1] =	stream.indirect_vreg.gather [hbm4b:s11+s24], $0x80, v24, vm0, $0xb8;
	[tilespmem:$0x1D000] =	vst v63  }
0x144: {  	s28 =	simm.s32 $0x18280;
	v30 =	vperm.xlane v18, v10;
	v29 =	vadd.s32 v4, v28  }
0x145: {  	[tilespmem:s28], [sflag:$0x1] =	stream.indirect_vreg.gather [hbm4b:s11+s24], $0x80, v26, vm0, $0xb8;
	[tilespmem:$0x1D000] =	vst v63  }
0x146: {  	s29 =	simm.s32 $0x18300;
	v32 =	vperm.xlane v18, v11;
	v31 =	vadd.s32 v4, v30  }
0x147: {  	[tilespmem:s29], [sflag:$0x1] =	stream.indirect_vreg.gather [hbm4b:s11+s24], $0x80, v19, vm0, $0xb8;
	[tilespmem:$0x1D000] =	vst v63  }
0x148: {  	v33 =	vperm.xlane v18, v12;
	s30 =	simm.s32 $0x18380;
	v19 =	vadd.s32 v4, v32  }
0x149: {  	[tilespmem:s30], [sflag:$0x1] =	stream.indirect_vreg.gather [hbm4b:s11+s24], $0x80, v29, vm0, $0xb8;
	[tilespmem:$0x1D000] =	vst v63  }
0x14a: {  	v35 =	vperm.xlane v18, v13;
	v34 =	vadd.s32 v4, v33;
	s31 =	simm.s32 $0x18400  }
0x14b: {  	[tilespmem:s31], [sflag:$0x1] =	stream.indirect_vreg.gather [hbm4b:s11+s24], $0x80, v31, vm0, $0xb8;
	[tilespmem:$0x1D000] =	vst v63  }
0x14c: {  	v37 =	vperm.xlane v18, v14;
	v36 =	vadd.s32 v4, v35;
	s1 =	simm.s32 $0x18480  }
0x14d: {  	[tilespmem:s1], [sflag:$0x1] =	stream.indirect_vreg.gather [hbm4b:s11+s24], $0x80, v19, vm0, $0xb8;
	[tilespmem:$0x1D000] =	vst v63  }
0x14e: {  	v38 =	vperm.xlane v18, v15;
	s25 =	simm.s32 $0x18500;
	v19 =	vadd.s32 v4, v37  }
0x14f: {  	[tilespmem:s25], [sflag:$0x1] =	stream.indirect_vreg.gather [hbm4b:s11+s24], $0x80, v34, vm0, $0xb8;
	[tilespmem:$0x1D000] =	vst v63  }
0x150: {  	v40 =	vperm.xlane v18, v16;
	v39 =	vadd.s32 v4, v38;
	s26 =	simm.s32 $0x18580  }
0x151: {  	[tilespmem:s26], [sflag:$0x1] =	stream.indirect_vreg.gather [hbm4b:s11+s24], $0x80, v36, vm0, $0xb8;
	[tilespmem:$0x1D000] =	vst v63  }
0x152: {  	v18 =	vperm.xlane v18, v17;
	v41 =	vadd.s32 v4, v40;
	s28 =	simm.s32 $0x18600  }
0x153: {  	[tilespmem:s28], [sflag:$0x1] =	stream.indirect_vreg.gather [hbm4b:s11+s24], $0x80, v19, vm0, $0xb8;
	[tilespmem:$0x1D000] =	vst v63  }
0x154: {  	v18 =	vadd.s32 v4, v18;
	s29 =	simm.s32 $0x18680  }
0x155: {  	[tilespmem:s29], [sflag:$0x1] =	stream.indirect_vreg.gather [hbm4b:s11+s24], $0x80, v39, vm0, $0xb8;
	[tilespmem:$0x1D000] =	vst v63  }
0x156: {  	s30 =	simm.s32 $0x18700  }
0x157: {  	[tilespmem:s30], [sflag:$0x1] =	stream.indirect_vreg.gather [hbm4b:s11+s24], $0x80, v41, vm0, $0xb8;
	[tilespmem:$0x1D000] =	vst v63  }
0x158: {  	s31 =	simm.s32 $0x18780  }
0x159: {  	[tilespmem:s31], [sflag:$0x1] =	stream.indirect_vreg.gather [hbm4b:s11+s24], $0x80, v18, vm0, $0xb8;
	[tilespmem:$0x1D000] =	vst v63  }
0x15a: {  	v18 =	vld [tilespmem:$0x14070];
	_ =	sdelay $0x4  }
0x15b: {  	v19 =	vshll.u32 v18, $0x1  }
0x15c: {  	v18 =	vand.u32 $0x7, v18;
	v19 =	vand.u32 $0xFFFFFFF0, v19  }
0x15d: {  	v18 =	vor.u32 v18, v19  }
0x15e: {  	v19 =	vperm.xlane v18, v3;
	_ =	sdelay $0x1  }
0x15f: {  	v42 =	vperm.xlane v18, v2;
	v19 =	vadd.s32 v4, v19;
	_ =	sdelay $0x1  }
0x160: {  	v43 =	vperm.xlane v18, v5;
	v20 =	vadd.s32 v4, v42;
	_ =	sdelay $0x1  }
0x161: {  	s1 =	simm.s32 $0x18800;
	v44 =	vperm.xlane v18, v6;
	v21 =	vadd.s32 v4, v43  }
0x162: {  	[tilespmem:s1], [sflag:$0x1] =	stream.indirect_vreg.gather [hbm4b:s11+s24], $0x80, v19, vm0, $0xb8;
	[tilespmem:$0x1D000] =	vst v63  }
0x163: {  	s25 =	simm.s32 $0x18880;
	v45 =	vperm.xlane v18, v7;
	v19 =	vadd.s32 v4, v44  }
0x164: {  	[tilespmem:s25], [sflag:$0x1] =	stream.indirect_vreg.gather [hbm4b:s11+s24], $0x80, v20, vm0, $0xb8;
	[tilespmem:$0x1D000] =	vst v63  }
0x165: {  	s26 =	simm.s32 $0x18900;
	v47 =	vperm.xlane v18, v8;
	v46 =	vadd.s32 v4, v45  }
0x166: {  	[tilespmem:s26], [sflag:$0x1] =	stream.indirect_vreg.gather [hbm4b:s11+s24], $0x80, v21, vm0, $0xb8;
	[tilespmem:$0x1D000] =	vst v63  }
0x167: {  	s28 =	simm.s32 $0x18980;
	v49 =	vperm.xlane v18, v9;
	v48 =	vadd.s32 v4, v47  }
0x168: {  	[tilespmem:s28], [sflag:$0x1] =	stream.indirect_vreg.gather [hbm4b:s11+s24], $0x80, v19, vm0, $0xb8;
	[tilespmem:$0x1D000] =	vst v63  }
0x169: {  	s29 =	simm.s32 $0x18A00;
	v50 =	vperm.xlane v18, v1;
	v19 =	vadd.s32 v4, v49  }
0x16a: {  	[tilespmem:s29], [sflag:$0x1] =	stream.indirect_vreg.gather [hbm4b:s11+s24], $0x80, v46, vm0, $0xb8;
	[tilespmem:$0x1D000] =	vst v63  }
0x16b: {  	s30 =	simm.s32 $0x18A80;
	v52 =	vperm.xlane v18, v10;
	v51 =	vadd.s32 v4, v50  }
0x16c: {  	[tilespmem:s30], [sflag:$0x1] =	stream.indirect_vreg.gather [hbm4b:s11+s24], $0x80, v48, vm0, $0xb8;
	[tilespmem:$0x1D000] =	vst v63  }
0x16d: {  	s31 =	simm.s32 $0x18B00;
	v54 =	vperm.xlane v18, v11;
	v53 =	vadd.s32 v4, v52  }
0x16e: {  	[tilespmem:s31], [sflag:$0x1] =	stream.indirect_vreg.gather [hbm4b:s11+s24], $0x80, v19, vm0, $0xb8;
	[tilespmem:$0x1D000] =	vst v63  }
0x16f: {  	v55 =	vperm.xlane v18, v12;
	s1 =	simm.s32 $0x18B80;
	v19 =	vadd.s32 v4, v54  }
0x170: {  	[tilespmem:s1], [sflag:$0x1] =	stream.indirect_vreg.gather [hbm4b:s11+s24], $0x80, v51, vm0, $0xb8;
	[tilespmem:$0x1D000] =	vst v63  }
0x171: {  	v57 =	vperm.xlane v18, v13;
	v56 =	vadd.s32 v4, v55;
	s25 =	simm.s32 $0x18C00  }
0x172: {  	[tilespmem:s25], [sflag:$0x1] =	stream.indirect_vreg.gather [hbm4b:s11+s24], $0x80, v53, vm0, $0xb8;
	[tilespmem:$0x1D000] =	vst v63  }
0x173: {  	v59 =	vperm.xlane v18, v14;
	v58 =	vadd.s32 v4, v57;
	s26 =	simm.s32 $0x18C80  }
0x174: {  	[tilespmem:s26], [sflag:$0x1] =	stream.indirect_vreg.gather [hbm4b:s11+s24], $0x80, v19, vm0, $0xb8;
	[tilespmem:$0x1D000] =	vst v63  }
0x175: {  	v60 =	vperm.xlane v18, v15;
	s28 =	simm.s32 $0x18D00;
	v19 =	vadd.s32 v4, v59  }
0x176: {  	[tilespmem:s28], [sflag:$0x1] =	stream.indirect_vreg.gather [hbm4b:s11+s24], $0x80, v56, vm0, $0xb8;
	[tilespmem:$0x1D000] =	vst v63  }
0x177: {  	v61 =	vadd.s32 v4, v60;
	s29 =	simm.s32 $0x18D80  }
0x178: {  	v62 =	vperm.xlane v18, v16;
	[tilespmem:s29], [sflag:$0x1] =	stream.indirect_vreg.gather [hbm4b:s11+s24], $0x80, v58, vm0, $0xb8;
	[tilespmem:$0x1D000] =	vst v63  }
0x179: {  	s30 =	simm.s32 $0x18E00  }
0x17a: {  	v18 =	vperm.xlane v18, v17;
	v63 =	vadd.s32 v4, v62;
	[tilespmem:s30], [sflag:$0x1] =	stream.indirect_vreg.gather [hbm4b:s11+s24], $0x80, v19, vm0, $0xb8;
	[tilespmem:$0x1D000] =	vst v63  }
0x17b: {  	s31 =	simm.s32 $0x18E80  }
0x17c: {  	v18 =	vadd.s32 v4, v18;
	[tilespmem:s31], [sflag:$0x1] =	stream.indirect_vreg.gather [hbm4b:s11+s24], $0x80, v61, vm0, $0xb8;
	[tilespmem:$0x1D000] =	vst v63  }
.Ltmp3:
0x17d: {  	_ = 	snop;
	(pc) =	sbr.rel .LBB2_4-.Ltmp3, $4  }
0x17e: {  	_ = 	snop  }
0x17f: {  	[tilespmem:s18], [sflag:$0x1] =	stream.indirect_vreg.gather [hbm4b:s11+s24], $0x80, v63, vm0, $0xb8;
	[tilespmem:$0x1D000] =	vst v63  }
0x180: {  	s0 =	simm.s32 $0x0;
	s25 =	simm.s32 $0x200  }
0x181: {  	[tilespmem:s19], [sflag:$0x1] =	stream.indirect_vreg.gather [hbm4b:s11+s24], $0x80, v18, vm0, $0xb8;
	[tilespmem:$0x1D000] =	vst v63  }
.LBB2_7:
0x182: {  	s1 =	sshrl.u32 s25, $0x2  }
0x183: {  	s31 =	sand.u32 $0x780, s1  }
0x184: {  	v18 =	vld [tilespmem:s31+$0x14000];
	_ =	sdelay $0x4  }
0x185: {  	v19 =	vshll.u32 v18, $0x1  }
0x186: {  	v18 =	vand.u32 $0x7, v18;
	v19 =	vand.u32 $0xFFFFFFF0, v19  }
0x187: {  	v18 =	vor.u32 v18, v19  }
0x188: {  	v19 =	vperm.xlane v18, v3;
	_ =	sdelay $0x1  }
0x189: {  	v20 =	vperm.xlane v18, v2;
	v19 =	vadd.s32 v4, v19;
	_ =	sdelay $0x1  }
0x18a: {  	v21 =	vperm.xlane v18, v5;
	v20 =	vadd.s32 v4, v20  }
0x18b: {  	s30 =	sshll.u32 s29, $0xE  }
0x18c: {  	s1 =	ssub.s32 $0x19000, s30;
	v22 =	vperm.xlane v18, v6;
	v21 =	vadd.s32 v4, v21  }
0x18d: {  	[tilespmem:s1], [sflag:$0x1] =	stream.indirect_vreg.gather [hbm4b:s11+s3], $0x80, v19, vm0, $0xb8;
	[tilespmem:$0x1D000] =	vst v63  }
0x18e: {  	v51 =	vperm.xlane v18, v7;
	s1 =	ssub.s32 $0x19080, s30;
	v19 =	vadd.s32 v4, v22  }
0x18f: {  	[tilespmem:s1], [sflag:$0x1] =	stream.indirect_vreg.gather [hbm4b:s11+s3], $0x80, v20, vm0, $0xb8;
	[tilespmem:$0x1D000] =	vst v63  }
0x190: {  	v53 =	vperm.xlane v18, v8;
	v52 =	vadd.s32 v4, v51;
	s1 =	ssub.s32 $0x19100, s30  }
0x191: {  	[tilespmem:s1], [sflag:$0x1] =	stream.indirect_vreg.gather [hbm4b:s11+s3], $0x80, v21, vm0, $0xb8;
	[tilespmem:$0x1D000] =	vst v63  }
0x192: {  	v55 =	vperm.xlane v18, v9;
	v54 =	vadd.s32 v4, v53;
	s1 =	ssub.s32 $0x19180, s30  }
0x193: {  	[tilespmem:s1], [sflag:$0x1] =	stream.indirect_vreg.gather [hbm4b:s11+s3], $0x80, v19, vm0, $0xb8;
	[tilespmem:$0x1D000] =	vst v63  }
0x194: {  	v56 =	vperm.xlane v18, v1;
	s1 =	ssub.s32 $0x19200, s30;
	v19 =	vadd.s32 v4, v55  }
0x195: {  	[tilespmem:s1], [sflag:$0x1] =	stream.indirect_vreg.gather [hbm4b:s11+s3], $0x80, v52, vm0, $0xb8;
	[tilespmem:$0x1D000] =	vst v63  }
0x196: {  	v58 =	vperm.xlane v18, v10;
	v57 =	vadd.s32 v4, v56;
	s1 =	ssub.s32 $0x19280, s30  }
0x197: {  	[tilespmem:s1], [sflag:$0x1] =	stream.indirect_vreg.gather [hbm4b:s11+s3], $0x80, v54, vm0, $0xb8;
	[tilespmem:$0x1D000] =	vst v63  }
0x198: {  	v60 =	vperm.xlane v18, v11;
	v59 =	vadd.s32 v4, v58;
	s1 =	ssub.s32 $0x19300, s30  }
0x199: {  	[tilespmem:s1], [sflag:$0x1] =	stream.indirect_vreg.gather [hbm4b:s11+s3], $0x80, v19, vm0, $0xb8;
	[tilespmem:$0x1D000] =	vst v63  }
0x19a: {  	v61 =	vperm.xlane v18, v12;
	s1 =	ssub.s32 $0x19380, s30;
	v19 =	vadd.s32 v4, v60  }
0x19b: {  	[tilespmem:s1], [sflag:$0x1] =	stream.indirect_vreg.gather [hbm4b:s11+s3], $0x80, v57, vm0, $0xb8;
	[tilespmem:$0x1D000] =	vst v63  }
0x19c: {  	v63 =	vperm.xlane v18, v13;
	v62 =	vadd.s32 v4, v61;
	s1 =	ssub.s32 $0x19400, s30  }
0x19d: {  	[tilespmem:s1], [sflag:$0x1] =	stream.indirect_vreg.gather [hbm4b:s11+s3], $0x80, v59, vm0, $0xb8;
	[tilespmem:$0x1D000] =	vst v63  }
0x19e: {  	v25 =	vperm.xlane v18, v14;
	v24 =	vadd.s32 v4, v63;
	s1 =	ssub.s32 $0x19480, s30  }
0x19f: {  	[tilespmem:s1], [sflag:$0x1] =	stream.indirect_vreg.gather [hbm4b:s11+s3], $0x80, v19, vm0, $0xb8;
	[tilespmem:$0x1D000] =	vst v63  }
0x1a0: {  	v26 =	vperm.xlane v18, v15;
	s1 =	ssub.s32 $0x19500, s30;
	v19 =	vadd.s32 v4, v25  }
0x1a1: {  	[tilespmem:s1], [sflag:$0x1] =	stream.indirect_vreg.gather [hbm4b:s11+s3], $0x80, v62, vm0, $0xb8;
	[tilespmem:$0x1D000] =	vst v63  }
0x1a2: {  	v28 =	vperm.xlane v18, v16;
	v27 =	vadd.s32 v4, v26;
	s1 =	ssub.s32 $0x19580, s30  }
0x1a3: {  	[tilespmem:s1], [sflag:$0x1] =	stream.indirect_vreg.gather [hbm4b:s11+s3], $0x80, v24, vm0, $0xb8;
	[tilespmem:$0x1D000] =	vst v63  }
0x1a4: {  	v18 =	vperm.xlane v18, v17;
	v29 =	vadd.s32 v4, v28;
	s1 =	ssub.s32 $0x19600, s30  }
0x1a5: {  	[tilespmem:s1], [sflag:$0x1] =	stream.indirect_vreg.gather [hbm4b:s11+s3], $0x80, v19, vm0, $0xb8;
	[tilespmem:$0x1D000] =	vst v63  }
0x1a6: {  	v18 =	vadd.s32 v4, v18;
	s1 =	ssub.s32 $0x19680, s30  }
0x1a7: {  	[tilespmem:s1], [sflag:$0x1] =	stream.indirect_vreg.gather [hbm4b:s11+s3], $0x80, v27, vm0, $0xb8;
	[tilespmem:$0x1D000] =	vst v63  }
0x1a8: {  	s1 =	ssub.s32 $0x19700, s30  }
0x1a9: {  	[tilespmem:s1], [sflag:$0x1] =	stream.indirect_vreg.gather [hbm4b:s11+s3], $0x80, v29, vm0, $0xb8;
	[tilespmem:$0x1D000] =	vst v63  }
0x1aa: {  	s1 =	ssub.s32 $0x19780, s30  }
0x1ab: {  	[tilespmem:s1], [sflag:$0x1] =	stream.indirect_vreg.gather [hbm4b:s11+s3], $0x80, v18, vm0, $0xb8;
	[tilespmem:$0x1D000] =	vst v63  }
0x1ac: {  	v18 =	vld [tilespmem:s31+$0x14010];
	_ =	sdelay $0x4  }
0x1ad: {  	v19 =	vshll.u32 v18, $0x1  }
0x1ae: {  	v18 =	vand.u32 $0x7, v18;
	v19 =	vand.u32 $0xFFFFFFF0, v19  }
0x1af: {  	v18 =	vor.u32 v18, v19  }
0x1b0: {  	v19 =	vperm.xlane v18, v3;
	_ =	sdelay $0x1  }
0x1b1: {  	v30 =	vperm.xlane v18, v2;
	v19 =	vadd.s32 v4, v19;
	_ =	sdelay $0x1  }
0x1b2: {  	v31 =	vperm.xlane v18, v5;
	v20 =	vadd.s32 v4, v30;
	_ =	sdelay $0x1  }
0x1b3: {  	s1 =	ssub.s32 $0x19800, s30;
	v32 =	vperm.xlane v18, v6;
	v21 =	vadd.s32 v4, v31  }
0x1b4: {  	[tilespmem:s1], [sflag:$0x1] =	stream.indirect_vreg.gather [hbm4b:s11+s3], $0x80, v19, vm0, $0xb8;
	[tilespmem:$0x1D000] =	vst v63  }
0x1b5: {  	v33 =	vperm.xlane v18, v7;
	s1 =	ssub.s32 $0x19880, s30;
	v19 =	vadd.s32 v4, v32  }
0x1b6: {  	[tilespmem:s1], [sflag:$0x1] =	stream.indirect_vreg.gather [hbm4b:s11+s3], $0x80, v20, vm0, $0xb8;
	[tilespmem:$0x1D000] =	vst v63  }
0x1b7: {  	v35 =	vperm.xlane v18, v8;
	v34 =	vadd.s32 v4, v33;
	s1 =	ssub.s32 $0x19900, s30  }
0x1b8: {  	[tilespmem:s1], [sflag:$0x1] =	stream.indirect_vreg.gather [hbm4b:s11+s3], $0x80, v21, vm0, $0xb8;
	[tilespmem:$0x1D000] =	vst v63  }
0x1b9: {  	v37 =	vperm.xlane v18, v9;
	v36 =	vadd.s32 v4, v35;
	s1 =	ssub.s32 $0x19980, s30  }
0x1ba: {  	[tilespmem:s1], [sflag:$0x1] =	stream.indirect_vreg.gather [hbm4b:s11+s3], $0x80, v19, vm0, $0xb8;
	[tilespmem:$0x1D000] =	vst v63  }
0x1bb: {  	v38 =	vperm.xlane v18, v1;
	s1 =	ssub.s32 $0x19A00, s30;
	v19 =	vadd.s32 v4, v37  }
0x1bc: {  	[tilespmem:s1], [sflag:$0x1] =	stream.indirect_vreg.gather [hbm4b:s11+s3], $0x80, v34, vm0, $0xb8;
	[tilespmem:$0x1D000] =	vst v63  }
0x1bd: {  	v40 =	vperm.xlane v18, v10;
	v39 =	vadd.s32 v4, v38;
	s1 =	ssub.s32 $0x19A80, s30  }
0x1be: {  	[tilespmem:s1], [sflag:$0x1] =	stream.indirect_vreg.gather [hbm4b:s11+s3], $0x80, v36, vm0, $0xb8;
	[tilespmem:$0x1D000] =	vst v63  }
0x1bf: {  	v42 =	vperm.xlane v18, v11;
	v41 =	vadd.s32 v4, v40;
	s1 =	ssub.s32 $0x19B00, s30  }
0x1c0: {  	[tilespmem:s1], [sflag:$0x1] =	stream.indirect_vreg.gather [hbm4b:s11+s3], $0x80, v19, vm0, $0xb8;
	[tilespmem:$0x1D000] =	vst v63  }
0x1c1: {  	v43 =	vperm.xlane v18, v12;
	s1 =	ssub.s32 $0x19B80, s30;
	v19 =	vadd.s32 v4, v42  }
0x1c2: {  	[tilespmem:s1], [sflag:$0x1] =	stream.indirect_vreg.gather [hbm4b:s11+s3], $0x80, v39, vm0, $0xb8;
	[tilespmem:$0x1D000] =	vst v63  }
0x1c3: {  	v45 =	vperm.xlane v18, v13;
	v44 =	vadd.s32 v4, v43;
	s1 =	ssub.s32 $0x19C00, s30  }
0x1c4: {  	[tilespmem:s1], [sflag:$0x1] =	stream.indirect_vreg.gather [hbm4b:s11+s3], $0x80, v41, vm0, $0xb8;
	[tilespmem:$0x1D000] =	vst v63  }
0x1c5: {  	v47 =	vperm.xlane v18, v14;
	v46 =	vadd.s32 v4, v45;
	s1 =	ssub.s32 $0x19C80, s30  }
0x1c6: {  	[tilespmem:s1], [sflag:$0x1] =	stream.indirect_vreg.gather [hbm4b:s11+s3], $0x80, v19, vm0, $0xb8;
	[tilespmem:$0x1D000] =	vst v63  }
0x1c7: {  	v48 =	vperm.xlane v18, v15;
	s1 =	ssub.s32 $0x19D00, s30;
	v19 =	vadd.s32 v4, v47  }
0x1c8: {  	[tilespmem:s1], [sflag:$0x1] =	stream.indirect_vreg.gather [hbm4b:s11+s3], $0x80, v44, vm0, $0xb8;
	[tilespmem:$0x1D000] =	vst v63  }
0x1c9: {  	v50 =	vperm.xlane v18, v16;
	v49 =	vadd.s32 v4, v48;
	s1 =	ssub.s32 $0x19D80, s30  }
0x1ca: {  	[tilespmem:s1], [sflag:$0x1] =	stream.indirect_vreg.gather [hbm4b:s11+s3], $0x80, v46, vm0, $0xb8;
	[tilespmem:$0x1D000] =	vst v63  }
0x1cb: {  	v18 =	vperm.xlane v18, v17;
	v51 =	vadd.s32 v4, v50;
	s1 =	ssub.s32 $0x19E00, s30  }
0x1cc: {  	[tilespmem:s1], [sflag:$0x1] =	stream.indirect_vreg.gather [hbm4b:s11+s3], $0x80, v19, vm0, $0xb8;
	[tilespmem:$0x1D000] =	vst v63  }
0x1cd: {  	v18 =	vadd.s32 v4, v18;
	s1 =	ssub.s32 $0x19E80, s30  }
0x1ce: {  	[tilespmem:s1], [sflag:$0x1] =	stream.indirect_vreg.gather [hbm4b:s11+s3], $0x80, v49, vm0, $0xb8;
	[tilespmem:$0x1D000] =	vst v63  }
0x1cf: {  	s1 =	ssub.s32 $0x19F00, s30  }
0x1d0: {  	[tilespmem:s1], [sflag:$0x1] =	stream.indirect_vreg.gather [hbm4b:s11+s3], $0x80, v51, vm0, $0xb8;
	[tilespmem:$0x1D000] =	vst v63  }
0x1d1: {  	s1 =	ssub.s32 $0x19F80, s30  }
0x1d2: {  	[tilespmem:s1], [sflag:$0x1] =	stream.indirect_vreg.gather [hbm4b:s11+s3], $0x80, v18, vm0, $0xb8;
	[tilespmem:$0x1D000] =	vst v63  }
0x1d3: {  	v18 =	vld [tilespmem:s31+$0x14020];
	_ =	sdelay $0x4  }
0x1d4: {  	v19 =	vshll.u32 v18, $0x1  }
0x1d5: {  	v18 =	vand.u32 $0x7, v18;
	v19 =	vand.u32 $0xFFFFFFF0, v19  }
0x1d6: {  	v18 =	vor.u32 v18, v19  }
0x1d7: {  	v19 =	vperm.xlane v18, v3;
	_ =	sdelay $0x1  }
0x1d8: {  	v52 =	vperm.xlane v18, v2;
	v19 =	vadd.s32 v4, v19;
	_ =	sdelay $0x1  }
0x1d9: {  	v53 =	vperm.xlane v18, v5;
	v20 =	vadd.s32 v4, v52;
	_ =	sdelay $0x1  }
0x1da: {  	s1 =	ssub.s32 $0x1A000, s30;
	v54 =	vperm.xlane v18, v6;
	v21 =	vadd.s32 v4, v53  }
0x1db: {  	[tilespmem:s1], [sflag:$0x1] =	stream.indirect_vreg.gather [hbm4b:s11+s3], $0x80, v19, vm0, $0xb8;
	[tilespmem:$0x1D000] =	vst v63  }
0x1dc: {  	v55 =	vperm.xlane v18, v7;
	s1 =	ssub.s32 $0x1A080, s30;
	v19 =	vadd.s32 v4, v54  }
0x1dd: {  	[tilespmem:s1], [sflag:$0x1] =	stream.indirect_vreg.gather [hbm4b:s11+s3], $0x80, v20, vm0, $0xb8;
	[tilespmem:$0x1D000] =	vst v63  }
0x1de: {  	v57 =	vperm.xlane v18, v8;
	v56 =	vadd.s32 v4, v55;
	s1 =	ssub.s32 $0x1A100, s30  }
0x1df: {  	[tilespmem:s1], [sflag:$0x1] =	stream.indirect_vreg.gather [hbm4b:s11+s3], $0x80, v21, vm0, $0xb8;
	[tilespmem:$0x1D000] =	vst v63  }
0x1e0: {  	v59 =	vperm.xlane v18, v9;
	v58 =	vadd.s32 v4, v57;
	s1 =	ssub.s32 $0x1A180, s30  }
0x1e1: {  	[tilespmem:s1], [sflag:$0x1] =	stream.indirect_vreg.gather [hbm4b:s11+s3], $0x80, v19, vm0, $0xb8;
	[tilespmem:$0x1D000] =	vst v63  }
0x1e2: {  	v60 =	vperm.xlane v18, v1;
	s1 =	ssub.s32 $0x1A200, s30;
	v19 =	vadd.s32 v4, v59  }
0x1e3: {  	[tilespmem:s1], [sflag:$0x1] =	stream.indirect_vreg.gather [hbm4b:s11+s3], $0x80, v56, vm0, $0xb8;
	[tilespmem:$0x1D000] =	vst v63  }
0x1e4: {  	v62 =	vperm.xlane v18, v10;
	v61 =	vadd.s32 v4, v60;
	s1 =	ssub.s32 $0x1A280, s30  }
0x1e5: {  	[tilespmem:s1], [sflag:$0x1] =	stream.indirect_vreg.gather [hbm4b:s11+s3], $0x80, v58, vm0, $0xb8;
	[tilespmem:$0x1D000] =	vst v63  }
0x1e6: {  	v24 =	vperm.xlane v18, v11;
	v63 =	vadd.s32 v4, v62;
	s1 =	ssub.s32 $0x1A300, s30  }
0x1e7: {  	[tilespmem:s1], [sflag:$0x1] =	stream.indirect_vreg.gather [hbm4b:s11+s3], $0x80, v19, vm0, $0xb8;
	[tilespmem:$0x1D000] =	vst v63  }
0x1e8: {  	v25 =	vperm.xlane v18, v12;
	s1 =	ssub.s32 $0x1A380, s30;
	v19 =	vadd.s32 v4, v24  }
0x1e9: {  	[tilespmem:s1], [sflag:$0x1] =	stream.indirect_vreg.gather [hbm4b:s11+s3], $0x80, v61, vm0, $0xb8;
	[tilespmem:$0x1D000] =	vst v63  }
0x1ea: {  	v27 =	vperm.xlane v18, v13;
	v26 =	vadd.s32 v4, v25;
	s1 =	ssub.s32 $0x1A400, s30  }
0x1eb: {  	[tilespmem:s1], [sflag:$0x1] =	stream.indirect_vreg.gather [hbm4b:s11+s3], $0x80, v63, vm0, $0xb8;
	[tilespmem:$0x1D000] =	vst v63  }
0x1ec: {  	v29 =	vperm.xlane v18, v14;
	v28 =	vadd.s32 v4, v27;
	s1 =	ssub.s32 $0x1A480, s30  }
0x1ed: {  	[tilespmem:s1], [sflag:$0x1] =	stream.indirect_vreg.gather [hbm4b:s11+s3], $0x80, v19, vm0, $0xb8;
	[tilespmem:$0x1D000] =	vst v63  }
0x1ee: {  	v30 =	vperm.xlane v18, v15;
	s1 =	ssub.s32 $0x1A500, s30;
	v19 =	vadd.s32 v4, v29  }
0x1ef: {  	[tilespmem:s1], [sflag:$0x1] =	stream.indirect_vreg.gather [hbm4b:s11+s3], $0x80, v26, vm0, $0xb8;
	[tilespmem:$0x1D000] =	vst v63  }
0x1f0: {  	v32 =	vperm.xlane v18, v16;
	v31 =	vadd.s32 v4, v30;
	s1 =	ssub.s32 $0x1A580, s30  }
0x1f1: {  	[tilespmem:s1], [sflag:$0x1] =	stream.indirect_vreg.gather [hbm4b:s11+s3], $0x80, v28, vm0, $0xb8;
	[tilespmem:$0x1D000] =	vst v63  }
0x1f2: {  	v18 =	vperm.xlane v18, v17;
	v33 =	vadd.s32 v4, v32;
	s1 =	ssub.s32 $0x1A600, s30  }
0x1f3: {  	[tilespmem:s1], [sflag:$0x1] =	stream.indirect_vreg.gather [hbm4b:s11+s3], $0x80, v19, vm0, $0xb8;
	[tilespmem:$0x1D000] =	vst v63  }
0x1f4: {  	v18 =	vadd.s32 v4, v18;
	s1 =	ssub.s32 $0x1A680, s30  }
0x1f5: {  	[tilespmem:s1], [sflag:$0x1] =	stream.indirect_vreg.gather [hbm4b:s11+s3], $0x80, v31, vm0, $0xb8;
	[tilespmem:$0x1D000] =	vst v63  }
0x1f6: {  	s1 =	ssub.s32 $0x1A700, s30  }
0x1f7: {  	[tilespmem:s1], [sflag:$0x1] =	stream.indirect_vreg.gather [hbm4b:s11+s3], $0x80, v33, vm0, $0xb8;
	[tilespmem:$0x1D000] =	vst v63  }
0x1f8: {  	s1 =	ssub.s32 $0x1A780, s30  }
0x1f9: {  	[tilespmem:s1], [sflag:$0x1] =	stream.indirect_vreg.gather [hbm4b:s11+s3], $0x80, v18, vm0, $0xb8;
	[tilespmem:$0x1D000] =	vst v63  }
0x1fa: {  	v18 =	vld [tilespmem:s31+$0x14030];
	_ =	sdelay $0x4  }
0x1fb: {  	v19 =	vshll.u32 v18, $0x1  }
0x1fc: {  	v18 =	vand.u32 $0x7, v18;
	v19 =	vand.u32 $0xFFFFFFF0, v19  }
0x1fd: {  	v18 =	vor.u32 v18, v19  }
0x1fe: {  	v19 =	vperm.xlane v18, v3;
	_ =	sdelay $0x1  }
0x1ff: {  	v34 =	vperm.xlane v18, v2;
	v19 =	vadd.s32 v4, v19;
	_ =	sdelay $0x1  }
0x200: {  	v35 =	vperm.xlane v18, v5;
	v20 =	vadd.s32 v4, v34;
	_ =	sdelay $0x1  }
0x201: {  	s1 =	ssub.s32 $0x1A800, s30;
	v36 =	vperm.xlane v18, v6;
	v21 =	vadd.s32 v4, v35  }
0x202: {  	[tilespmem:s1], [sflag:$0x1] =	stream.indirect_vreg.gather [hbm4b:s11+s3], $0x80, v19, vm0, $0xb8;
	[tilespmem:$0x1D000] =	vst v63  }
0x203: {  	v37 =	vperm.xlane v18, v7;
	s1 =	ssub.s32 $0x1A880, s30;
	v19 =	vadd.s32 v4, v36  }
0x204: {  	[tilespmem:s1], [sflag:$0x1] =	stream.indirect_vreg.gather [hbm4b:s11+s3], $0x80, v20, vm0, $0xb8;
	[tilespmem:$0x1D000] =	vst v63  }
0x205: {  	v39 =	vperm.xlane v18, v8;
	v38 =	vadd.s32 v4, v37;
	s1 =	ssub.s32 $0x1A900, s30  }
0x206: {  	[tilespmem:s1], [sflag:$0x1] =	stream.indirect_vreg.gather [hbm4b:s11+s3], $0x80, v21, vm0, $0xb8;
	[tilespmem:$0x1D000] =	vst v63  }
0x207: {  	v41 =	vperm.xlane v18, v9;
	v40 =	vadd.s32 v4, v39;
	s1 =	ssub.s32 $0x1A980, s30  }
0x208: {  	[tilespmem:s1], [sflag:$0x1] =	stream.indirect_vreg.gather [hbm4b:s11+s3], $0x80, v19, vm0, $0xb8;
	[tilespmem:$0x1D000] =	vst v63  }
0x209: {  	v42 =	vperm.xlane v18, v1;
	s1 =	ssub.s32 $0x1AA00, s30;
	v19 =	vadd.s32 v4, v41  }
0x20a: {  	[tilespmem:s1], [sflag:$0x1] =	stream.indirect_vreg.gather [hbm4b:s11+s3], $0x80, v38, vm0, $0xb8;
	[tilespmem:$0x1D000] =	vst v63  }
0x20b: {  	v44 =	vperm.xlane v18, v10;
	v43 =	vadd.s32 v4, v42;
	s1 =	ssub.s32 $0x1AA80, s30  }
0x20c: {  	[tilespmem:s1], [sflag:$0x1] =	stream.indirect_vreg.gather [hbm4b:s11+s3], $0x80, v40, vm0, $0xb8;
	[tilespmem:$0x1D000] =	vst v63  }
0x20d: {  	v46 =	vperm.xlane v18, v11;
	v45 =	vadd.s32 v4, v44;
	s1 =	ssub.s32 $0x1AB00, s30  }
0x20e: {  	[tilespmem:s1], [sflag:$0x1] =	stream.indirect_vreg.gather [hbm4b:s11+s3], $0x80, v19, vm0, $0xb8;
	[tilespmem:$0x1D000] =	vst v63  }
0x20f: {  	v47 =	vperm.xlane v18, v12;
	s1 =	ssub.s32 $0x1AB80, s30;
	v19 =	vadd.s32 v4, v46  }
0x210: {  	[tilespmem:s1], [sflag:$0x1] =	stream.indirect_vreg.gather [hbm4b:s11+s3], $0x80, v43, vm0, $0xb8;
	[tilespmem:$0x1D000] =	vst v63  }
0x211: {  	v49 =	vperm.xlane v18, v13;
	v48 =	vadd.s32 v4, v47;
	s1 =	ssub.s32 $0x1AC00, s30  }
0x212: {  	[tilespmem:s1], [sflag:$0x1] =	stream.indirect_vreg.gather [hbm4b:s11+s3], $0x80, v45, vm0, $0xb8;
	[tilespmem:$0x1D000] =	vst v63  }
0x213: {  	v51 =	vperm.xlane v18, v14;
	v50 =	vadd.s32 v4, v49;
	s1 =	ssub.s32 $0x1AC80, s30  }
0x214: {  	[tilespmem:s1], [sflag:$0x1] =	stream.indirect_vreg.gather [hbm4b:s11+s3], $0x80, v19, vm0, $0xb8;
	[tilespmem:$0x1D000] =	vst v63  }
0x215: {  	v52 =	vperm.xlane v18, v15;
	s1 =	ssub.s32 $0x1AD00, s30;
	v19 =	vadd.s32 v4, v51  }
0x216: {  	[tilespmem:s1], [sflag:$0x1] =	stream.indirect_vreg.gather [hbm4b:s11+s3], $0x80, v48, vm0, $0xb8;
	[tilespmem:$0x1D000] =	vst v63  }
0x217: {  	v54 =	vperm.xlane v18, v16;
	v53 =	vadd.s32 v4, v52;
	s1 =	ssub.s32 $0x1AD80, s30  }
0x218: {  	[tilespmem:s1], [sflag:$0x1] =	stream.indirect_vreg.gather [hbm4b:s11+s3], $0x80, v50, vm0, $0xb8;
	[tilespmem:$0x1D000] =	vst v63  }
0x219: {  	v18 =	vperm.xlane v18, v17;
	v55 =	vadd.s32 v4, v54;
	s1 =	ssub.s32 $0x1AE00, s30  }
0x21a: {  	[tilespmem:s1], [sflag:$0x1] =	stream.indirect_vreg.gather [hbm4b:s11+s3], $0x80, v19, vm0, $0xb8;
	[tilespmem:$0x1D000] =	vst v63  }
0x21b: {  	v18 =	vadd.s32 v4, v18;
	s1 =	ssub.s32 $0x1AE80, s30  }
0x21c: {  	[tilespmem:s1], [sflag:$0x1] =	stream.indirect_vreg.gather [hbm4b:s11+s3], $0x80, v53, vm0, $0xb8;
	[tilespmem:$0x1D000] =	vst v63  }
0x21d: {  	s1 =	ssub.s32 $0x1AF00, s30  }
0x21e: {  	[tilespmem:s1], [sflag:$0x1] =	stream.indirect_vreg.gather [hbm4b:s11+s3], $0x80, v55, vm0, $0xb8;
	[tilespmem:$0x1D000] =	vst v63  }
0x21f: {  	s1 =	ssub.s32 $0x1AF80, s30  }
0x220: {  	[tilespmem:s1], [sflag:$0x1] =	stream.indirect_vreg.gather [hbm4b:s11+s3], $0x80, v18, vm0, $0xb8;
	[tilespmem:$0x1D000] =	vst v63  }
0x221: {  	v18 =	vld [tilespmem:s31+$0x14040];
	_ =	sdelay $0x4  }
0x222: {  	v19 =	vshll.u32 v18, $0x1  }
0x223: {  	v18 =	vand.u32 $0x7, v18;
	v19 =	vand.u32 $0xFFFFFFF0, v19  }
0x224: {  	v18 =	vor.u32 v18, v19  }
0x225: {  	v19 =	vperm.xlane v18, v3;
	_ =	sdelay $0x1  }
0x226: {  	v56 =	vperm.xlane v18, v2;
	v19 =	vadd.s32 v4, v19;
	_ =	sdelay $0x1  }
0x227: {  	v57 =	vperm.xlane v18, v5;
	v20 =	vadd.s32 v4, v56;
	_ =	sdelay $0x1  }
0x228: {  	s1 =	ssub.s32 $0x1B000, s30;
	v58 =	vperm.xlane v18, v6;
	v21 =	vadd.s32 v4, v57  }
0x229: {  	[tilespmem:s1], [sflag:$0x1] =	stream.indirect_vreg.gather [hbm4b:s11+s3], $0x80, v19, vm0, $0xb8;
	[tilespmem:$0x1D000] =	vst v63  }
0x22a: {  	v59 =	vperm.xlane v18, v7;
	s1 =	ssub.s32 $0x1B080, s30;
	v19 =	vadd.s32 v4, v58  }
0x22b: {  	[tilespmem:s1], [sflag:$0x1] =	stream.indirect_vreg.gather [hbm4b:s11+s3], $0x80, v20, vm0, $0xb8;
	[tilespmem:$0x1D000] =	vst v63  }
0x22c: {  	v61 =	vperm.xlane v18, v8;
	v60 =	vadd.s32 v4, v59;
	s1 =	ssub.s32 $0x1B100, s30  }
0x22d: {  	[tilespmem:s1], [sflag:$0x1] =	stream.indirect_vreg.gather [hbm4b:s11+s3], $0x80, v21, vm0, $0xb8;
	[tilespmem:$0x1D000] =	vst v63  }
0x22e: {  	v63 =	vperm.xlane v18, v9;
	v62 =	vadd.s32 v4, v61;
	s1 =	ssub.s32 $0x1B180, s30  }
0x22f: {  	[tilespmem:s1], [sflag:$0x1] =	stream.indirect_vreg.gather [hbm4b:s11+s3], $0x80, v19, vm0, $0xb8;
	[tilespmem:$0x1D000] =	vst v63  }
0x230: {  	v24 =	vperm.xlane v18, v1;
	s1 =	ssub.s32 $0x1B200, s30;
	v19 =	vadd.s32 v4, v63  }
0x231: {  	[tilespmem:s1], [sflag:$0x1] =	stream.indirect_vreg.gather [hbm4b:s11+s3], $0x80, v60, vm0, $0xb8;
	[tilespmem:$0x1D000] =	vst v63  }
0x232: {  	v26 =	vperm.xlane v18, v10;
	v25 =	vadd.s32 v4, v24;
	s1 =	ssub.s32 $0x1B280, s30  }
0x233: {  	[tilespmem:s1], [sflag:$0x1] =	stream.indirect_vreg.gather [hbm4b:s11+s3], $0x80, v62, vm0, $0xb8;
	[tilespmem:$0x1D000] =	vst v63  }
0x234: {  	v28 =	vperm.xlane v18, v11;
	v27 =	vadd.s32 v4, v26;
	s1 =	ssub.s32 $0x1B300, s30  }
0x235: {  	[tilespmem:s1], [sflag:$0x1] =	stream.indirect_vreg.gather [hbm4b:s11+s3], $0x80, v19, vm0, $0xb8;
	[tilespmem:$0x1D000] =	vst v63  }
0x236: {  	v29 =	vperm.xlane v18, v12;
	s1 =	ssub.s32 $0x1B380, s30;
	v19 =	vadd.s32 v4, v28  }
0x237: {  	[tilespmem:s1], [sflag:$0x1] =	stream.indirect_vreg.gather [hbm4b:s11+s3], $0x80, v25, vm0, $0xb8;
	[tilespmem:$0x1D000] =	vst v63  }
0x238: {  	v31 =	vperm.xlane v18, v13;
	v30 =	vadd.s32 v4, v29;
	s1 =	ssub.s32 $0x1B400, s30  }
0x239: {  	[tilespmem:s1], [sflag:$0x1] =	stream.indirect_vreg.gather [hbm4b:s11+s3], $0x80, v27, vm0, $0xb8;
	[tilespmem:$0x1D000] =	vst v63  }
0x23a: {  	v33 =	vperm.xlane v18, v14;
	v32 =	vadd.s32 v4, v31;
	s1 =	ssub.s32 $0x1B480, s30  }
0x23b: {  	[tilespmem:s1], [sflag:$0x1] =	stream.indirect_vreg.gather [hbm4b:s11+s3], $0x80, v19, vm0, $0xb8;
	[tilespmem:$0x1D000] =	vst v63  }
0x23c: {  	v34 =	vperm.xlane v18, v15;
	s1 =	ssub.s32 $0x1B500, s30;
	v19 =	vadd.s32 v4, v33  }
0x23d: {  	[tilespmem:s1], [sflag:$0x1] =	stream.indirect_vreg.gather [hbm4b:s11+s3], $0x80, v30, vm0, $0xb8;
	[tilespmem:$0x1D000] =	vst v63  }
0x23e: {  	v36 =	vperm.xlane v18, v16;
	v35 =	vadd.s32 v4, v34;
	s1 =	ssub.s32 $0x1B580, s30  }
0x23f: {  	[tilespmem:s1], [sflag:$0x1] =	stream.indirect_vreg.gather [hbm4b:s11+s3], $0x80, v32, vm0, $0xb8;
	[tilespmem:$0x1D000] =	vst v63  }
0x240: {  	v18 =	vperm.xlane v18, v17;
	v37 =	vadd.s32 v4, v36;
	s1 =	ssub.s32 $0x1B600, s30  }
0x241: {  	[tilespmem:s1], [sflag:$0x1] =	stream.indirect_vreg.gather [hbm4b:s11+s3], $0x80, v19, vm0, $0xb8;
	[tilespmem:$0x1D000] =	vst v63  }
0x242: {  	v18 =	vadd.s32 v4, v18;
	s1 =	ssub.s32 $0x1B680, s30  }
0x243: {  	[tilespmem:s1], [sflag:$0x1] =	stream.indirect_vreg.gather [hbm4b:s11+s3], $0x80, v35, vm0, $0xb8;
	[tilespmem:$0x1D000] =	vst v63  }
0x244: {  	s1 =	ssub.s32 $0x1B700, s30  }
0x245: {  	[tilespmem:s1], [sflag:$0x1] =	stream.indirect_vreg.gather [hbm4b:s11+s3], $0x80, v37, vm0, $0xb8;
	[tilespmem:$0x1D000] =	vst v63  }
0x246: {  	s1 =	ssub.s32 $0x1B780, s30  }
0x247: {  	[tilespmem:s1], [sflag:$0x1] =	stream.indirect_vreg.gather [hbm4b:s11+s3], $0x80, v18, vm0, $0xb8;
	[tilespmem:$0x1D000] =	vst v63  }
0x248: {  	v18 =	vld [tilespmem:s31+$0x14050];
	_ =	sdelay $0x4  }
0x249: {  	v19 =	vshll.u32 v18, $0x1  }
0x24a: {  	v18 =	vand.u32 $0x7, v18;
	v19 =	vand.u32 $0xFFFFFFF0, v19  }
0x24b: {  	v18 =	vor.u32 v18, v19  }
0x24c: {  	v19 =	vperm.xlane v18, v3;
	_ =	sdelay $0x1  }
0x24d: {  	v38 =	vperm.xlane v18, v2;
	v19 =	vadd.s32 v4, v19;
	_ =	sdelay $0x1  }
0x24e: {  	v39 =	vperm.xlane v18, v5;
	v20 =	vadd.s32 v4, v38;
	_ =	sdelay $0x1  }
0x24f: {  	s1 =	ssub.s32 $0x1B800, s30;
	v40 =	vperm.xlane v18, v6;
	v21 =	vadd.s32 v4, v39  }
0x250: {  	[tilespmem:s1], [sflag:$0x1] =	stream.indirect_vreg.gather [hbm4b:s11+s3], $0x80, v19, vm0, $0xb8;
	[tilespmem:$0x1D000] =	vst v63  }
0x251: {  	v41 =	vperm.xlane v18, v7;
	s1 =	ssub.s32 $0x1B880, s30;
	v19 =	vadd.s32 v4, v40  }
0x252: {  	[tilespmem:s1], [sflag:$0x1] =	stream.indirect_vreg.gather [hbm4b:s11+s3], $0x80, v20, vm0, $0xb8;
	[tilespmem:$0x1D000] =	vst v63  }
0x253: {  	v43 =	vperm.xlane v18, v8;
	v42 =	vadd.s32 v4, v41;
	s1 =	ssub.s32 $0x1B900, s30  }
0x254: {  	[tilespmem:s1], [sflag:$0x1] =	stream.indirect_vreg.gather [hbm4b:s11+s3], $0x80, v21, vm0, $0xb8;
	[tilespmem:$0x1D000] =	vst v63  }
0x255: {  	v45 =	vperm.xlane v18, v9;
	v44 =	vadd.s32 v4, v43;
	s1 =	ssub.s32 $0x1B980, s30  }
0x256: {  	[tilespmem:s1], [sflag:$0x1] =	stream.indirect_vreg.gather [hbm4b:s11+s3], $0x80, v19, vm0, $0xb8;
	[tilespmem:$0x1D000] =	vst v63  }
0x257: {  	v46 =	vperm.xlane v18, v1;
	s1 =	ssub.s32 $0x1BA00, s30;
	v19 =	vadd.s32 v4, v45  }
0x258: {  	[tilespmem:s1], [sflag:$0x1] =	stream.indirect_vreg.gather [hbm4b:s11+s3], $0x80, v42, vm0, $0xb8;
	[tilespmem:$0x1D000] =	vst v63  }
0x259: {  	v48 =	vperm.xlane v18, v10;
	v47 =	vadd.s32 v4, v46;
	s1 =	ssub.s32 $0x1BA80, s30  }
0x25a: {  	[tilespmem:s1], [sflag:$0x1] =	stream.indirect_vreg.gather [hbm4b:s11+s3], $0x80, v44, vm0, $0xb8;
	[tilespmem:$0x1D000] =	vst v63  }
0x25b: {  	v50 =	vperm.xlane v18, v11;
	v49 =	vadd.s32 v4, v48;
	s1 =	ssub.s32 $0x1BB00, s30  }
0x25c: {  	[tilespmem:s1], [sflag:$0x1] =	stream.indirect_vreg.gather [hbm4b:s11+s3], $0x80, v19, vm0, $0xb8;
	[tilespmem:$0x1D000] =	vst v63  }
0x25d: {  	v51 =	vperm.xlane v18, v12;
	s1 =	ssub.s32 $0x1BB80, s30;
	v19 =	vadd.s32 v4, v50  }
0x25e: {  	[tilespmem:s1], [sflag:$0x1] =	stream.indirect_vreg.gather [hbm4b:s11+s3], $0x80, v47, vm0, $0xb8;
	[tilespmem:$0x1D000] =	vst v63  }
0x25f: {  	v53 =	vperm.xlane v18, v13;
	v52 =	vadd.s32 v4, v51;
	s1 =	ssub.s32 $0x1BC00, s30  }
0x260: {  	[tilespmem:s1], [sflag:$0x1] =	stream.indirect_vreg.gather [hbm4b:s11+s3], $0x80, v49, vm0, $0xb8;
	[tilespmem:$0x1D000] =	vst v63  }
0x261: {  	v55 =	vperm.xlane v18, v14;
	v54 =	vadd.s32 v4, v53;
	s1 =	ssub.s32 $0x1BC80, s30  }
0x262: {  	[tilespmem:s1], [sflag:$0x1] =	stream.indirect_vreg.gather [hbm4b:s11+s3], $0x80, v19, vm0, $0xb8;
	[tilespmem:$0x1D000] =	vst v63  }
0x263: {  	v56 =	vperm.xlane v18, v15;
	s1 =	ssub.s32 $0x1BD00, s30;
	v19 =	vadd.s32 v4, v55  }
0x264: {  	[tilespmem:s1], [sflag:$0x1] =	stream.indirect_vreg.gather [hbm4b:s11+s3], $0x80, v52, vm0, $0xb8;
	[tilespmem:$0x1D000] =	vst v63  }
0x265: {  	v58 =	vperm.xlane v18, v16;
	v57 =	vadd.s32 v4, v56;
	s1 =	ssub.s32 $0x1BD80, s30  }
0x266: {  	[tilespmem:s1], [sflag:$0x1] =	stream.indirect_vreg.gather [hbm4b:s11+s3], $0x80, v54, vm0, $0xb8;
	[tilespmem:$0x1D000] =	vst v63  }
0x267: {  	v18 =	vperm.xlane v18, v17;
	v59 =	vadd.s32 v4, v58;
	s1 =	ssub.s32 $0x1BE00, s30  }
0x268: {  	[tilespmem:s1], [sflag:$0x1] =	stream.indirect_vreg.gather [hbm4b:s11+s3], $0x80, v19, vm0, $0xb8;
	[tilespmem:$0x1D000] =	vst v63  }
0x269: {  	v18 =	vadd.s32 v4, v18;
	s1 =	ssub.s32 $0x1BE80, s30  }
0x26a: {  	[tilespmem:s1], [sflag:$0x1] =	stream.indirect_vreg.gather [hbm4b:s11+s3], $0x80, v57, vm0, $0xb8;
	[tilespmem:$0x1D000] =	vst v63  }
0x26b: {  	s1 =	ssub.s32 $0x1BF00, s30  }
0x26c: {  	[tilespmem:s1], [sflag:$0x1] =	stream.indirect_vreg.gather [hbm4b:s11+s3], $0x80, v59, vm0, $0xb8;
	[tilespmem:$0x1D000] =	vst v63  }
0x26d: {  	s1 =	ssub.s32 $0x1BF80, s30  }
0x26e: {  	[tilespmem:s1], [sflag:$0x1] =	stream.indirect_vreg.gather [hbm4b:s11+s3], $0x80, v18, vm0, $0xb8;
	[tilespmem:$0x1D000] =	vst v63  }
0x26f: {  	v18 =	vld [tilespmem:s31+$0x14060];
	_ =	sdelay $0x4  }
0x270: {  	v19 =	vshll.u32 v18, $0x1  }
0x271: {  	v18 =	vand.u32 $0x7, v18;
	v19 =	vand.u32 $0xFFFFFFF0, v19  }
0x272: {  	v18 =	vor.u32 v18, v19  }
0x273: {  	v19 =	vperm.xlane v18, v3;
	_ =	sdelay $0x1  }
0x274: {  	v60 =	vperm.xlane v18, v2;
	v19 =	vadd.s32 v4, v19;
	_ =	sdelay $0x1  }
0x275: {  	v61 =	vperm.xlane v18, v5;
	v20 =	vadd.s32 v4, v60;
	_ =	sdelay $0x1  }
0x276: {  	s1 =	sxor.u32 $0x1C000, s30;
	v62 =	vperm.xlane v18, v6;
	v21 =	vadd.s32 v4, v61  }
0x277: {  	[tilespmem:s1], [sflag:$0x1] =	stream.indirect_vreg.gather [hbm4b:s11+s3], $0x80, v19, vm0, $0xb8;
	[tilespmem:$0x1D000] =	vst v63  }
0x278: {  	v63 =	vperm.xlane v18, v7;
	s1 =	sxor.u32 $0x1C080, s30;
	v19 =	vadd.s32 v4, v62  }
0x279: {  	[tilespmem:s1], [sflag:$0x1] =	stream.indirect_vreg.gather [hbm4b:s11+s3], $0x80, v20, vm0, $0xb8;
	[tilespmem:$0x1D000] =	vst v63  }
0x27a: {  	v25 =	vperm.xlane v18, v8;
	v24 =	vadd.s32 v4, v63;
	s1 =	sxor.u32 $0x1C100, s30  }
0x27b: {  	[tilespmem:s1], [sflag:$0x1] =	stream.indirect_vreg.gather [hbm4b:s11+s3], $0x80, v21, vm0, $0xb8;
	[tilespmem:$0x1D000] =	vst v63  }
0x27c: {  	v27 =	vperm.xlane v18, v9;
	v26 =	vadd.s32 v4, v25;
	s1 =	sxor.u32 $0x1C180, s30  }
0x27d: {  	[tilespmem:s1], [sflag:$0x1] =	stream.indirect_vreg.gather [hbm4b:s11+s3], $0x80, v19, vm0, $0xb8;
	[tilespmem:$0x1D000] =	vst v63  }
0x27e: {  	v28 =	vperm.xlane v18, v1;
	s1 =	sxor.u32 $0x1C200, s30;
	v19 =	vadd.s32 v4, v27  }
0x27f: {  	[tilespmem:s1], [sflag:$0x1] =	stream.indirect_vreg.gather [hbm4b:s11+s3], $0x80, v24, vm0, $0xb8;
	[tilespmem:$0x1D000] =	vst v63  }
0x280: {  	v30 =	vperm.xlane v18, v10;
	v29 =	vadd.s32 v4, v28;
	s1 =	sxor.u32 $0x1C280, s30  }
0x281: {  	[tilespmem:s1], [sflag:$0x1] =	stream.indirect_vreg.gather [hbm4b:s11+s3], $0x80, v26, vm0, $0xb8;
	[tilespmem:$0x1D000] =	vst v63  }
0x282: {  	v32 =	vperm.xlane v18, v11;
	v31 =	vadd.s32 v4, v30;
	s1 =	sxor.u32 $0x1C300, s30  }
0x283: {  	[tilespmem:s1], [sflag:$0x1] =	stream.indirect_vreg.gather [hbm4b:s11+s3], $0x80, v19, vm0, $0xb8;
	[tilespmem:$0x1D000] =	vst v63  }
0x284: {  	v33 =	vperm.xlane v18, v12;
	s1 =	sxor.u32 $0x1C380, s30;
	v19 =	vadd.s32 v4, v32  }
0x285: {  	[tilespmem:s1], [sflag:$0x1] =	stream.indirect_vreg.gather [hbm4b:s11+s3], $0x80, v29, vm0, $0xb8;
	[tilespmem:$0x1D000] =	vst v63  }
0x286: {  	v35 =	vperm.xlane v18, v13;
	v34 =	vadd.s32 v4, v33;
	s1 =	sxor.u32 $0x1C400, s30  }
0x287: {  	[tilespmem:s1], [sflag:$0x1] =	stream.indirect_vreg.gather [hbm4b:s11+s3], $0x80, v31, vm0, $0xb8;
	[tilespmem:$0x1D000] =	vst v63  }
0x288: {  	v37 =	vperm.xlane v18, v14;
	v36 =	vadd.s32 v4, v35;
	s1 =	sxor.u32 $0x1C480, s30  }
0x289: {  	[tilespmem:s1], [sflag:$0x1] =	stream.indirect_vreg.gather [hbm4b:s11+s3], $0x80, v19, vm0, $0xb8;
	[tilespmem:$0x1D000] =	vst v63  }
0x28a: {  	v38 =	vperm.xlane v18, v15;
	s1 =	sxor.u32 $0x1C500, s30;
	v19 =	vadd.s32 v4, v37  }
0x28b: {  	[tilespmem:s1], [sflag:$0x1] =	stream.indirect_vreg.gather [hbm4b:s11+s3], $0x80, v34, vm0, $0xb8;
	[tilespmem:$0x1D000] =	vst v63  }
0x28c: {  	v40 =	vperm.xlane v18, v16;
	v39 =	vadd.s32 v4, v38;
	s1 =	sxor.u32 $0x1C580, s30  }
0x28d: {  	[tilespmem:s1], [sflag:$0x1] =	stream.indirect_vreg.gather [hbm4b:s11+s3], $0x80, v36, vm0, $0xb8;
	[tilespmem:$0x1D000] =	vst v63  }
0x28e: {  	v18 =	vperm.xlane v18, v17;
	v41 =	vadd.s32 v4, v40;
	s1 =	sxor.u32 $0x1C600, s30  }
0x28f: {  	[tilespmem:s1], [sflag:$0x1] =	stream.indirect_vreg.gather [hbm4b:s11+s3], $0x80, v19, vm0, $0xb8;
	[tilespmem:$0x1D000] =	vst v63  }
0x290: {  	v18 =	vadd.s32 v4, v18;
	s1 =	sxor.u32 $0x1C680, s30  }
0x291: {  	[tilespmem:s1], [sflag:$0x1] =	stream.indirect_vreg.gather [hbm4b:s11+s3], $0x80, v39, vm0, $0xb8;
	[tilespmem:$0x1D000] =	vst v63  }
0x292: {  	s1 =	sxor.u32 $0x1C700, s30  }
0x293: {  	[tilespmem:s1], [sflag:$0x1] =	stream.indirect_vreg.gather [hbm4b:s11+s3], $0x80, v41, vm0, $0xb8;
	[tilespmem:$0x1D000] =	vst v63  }
0x294: {  	s1 =	sxor.u32 $0x1C780, s30  }
0x295: {  	[tilespmem:s1], [sflag:$0x1] =	stream.indirect_vreg.gather [hbm4b:s11+s3], $0x80, v18, vm0, $0xb8;
	[tilespmem:$0x1D000] =	vst v63  }
0x296: {  	v18 =	vld [tilespmem:s31+$0x14070];
	_ =	sdelay $0x4  }
0x297: {  	v19 =	vshll.u32 v18, $0x1  }
0x298: {  	v18 =	vand.u32 $0x7, v18;
	v19 =	vand.u32 $0xFFFFFFF0, v19  }
0x299: {  	v18 =	vor.u32 v18, v19  }
0x29a: {  	v19 =	vperm.xlane v18, v3;
	_ =	sdelay $0x1  }
0x29b: {  	v42 =	vperm.xlane v18, v2;
	v19 =	vadd.s32 v4, v19;
	_ =	sdelay $0x1  }
0x29c: {  	v43 =	vperm.xlane v18, v5;
	v20 =	vadd.s32 v4, v42;
	_ =	sdelay $0x1  }
0x29d: {  	s31 =	sxor.u32 $0x1C800, s30;
	v44 =	vperm.xlane v18, v6;
	v21 =	vadd.s32 v4, v43  }
0x29e: {  	[tilespmem:s31], [sflag:$0x1] =	stream.indirect_vreg.gather [hbm4b:s11+s3], $0x80, v19, vm0, $0xb8;
	[tilespmem:$0x1D000] =	vst v63  }
0x29f: {  	v45 =	vperm.xlane v18, v7;
	s31 =	sxor.u32 $0x1C880, s30;
	v19 =	vadd.s32 v4, v44  }
0x2a0: {  	[tilespmem:s31], [sflag:$0x1] =	stream.indirect_vreg.gather [hbm4b:s11+s3], $0x80, v20, vm0, $0xb8;
	[tilespmem:$0x1D000] =	vst v63  }
0x2a1: {  	v47 =	vperm.xlane v18, v8;
	v46 =	vadd.s32 v4, v45;
	s31 =	sxor.u32 $0x1C900, s30  }
0x2a2: {  	[tilespmem:s31], [sflag:$0x1] =	stream.indirect_vreg.gather [hbm4b:s11+s3], $0x80, v21, vm0, $0xb8;
	[tilespmem:$0x1D000] =	vst v63  }
0x2a3: {  	v49 =	vperm.xlane v18, v9;
	v48 =	vadd.s32 v4, v47;
	s31 =	sxor.u32 $0x1C980, s30  }
0x2a4: {  	[tilespmem:s31], [sflag:$0x1] =	stream.indirect_vreg.gather [hbm4b:s11+s3], $0x80, v19, vm0, $0xb8;
	[tilespmem:$0x1D000] =	vst v63  }
0x2a5: {  	v50 =	vperm.xlane v18, v1;
	s31 =	sxor.u32 $0x1CA00, s30;
	v19 =	vadd.s32 v4, v49  }
0x2a6: {  	[tilespmem:s31], [sflag:$0x1] =	stream.indirect_vreg.gather [hbm4b:s11+s3], $0x80, v46, vm0, $0xb8;
	[tilespmem:$0x1D000] =	vst v63  }
0x2a7: {  	v52 =	vperm.xlane v18, v10;
	v51 =	vadd.s32 v4, v50;
	s31 =	sxor.u32 $0x1CA80, s30  }
0x2a8: {  	[tilespmem:s31], [sflag:$0x1] =	stream.indirect_vreg.gather [hbm4b:s11+s3], $0x80, v48, vm0, $0xb8;
	[tilespmem:$0x1D000] =	vst v63  }
0x2a9: {  	v54 =	vperm.xlane v18, v11;
	v53 =	vadd.s32 v4, v52;
	s31 =	sxor.u32 $0x1CB00, s30  }
0x2aa: {  	[tilespmem:s31], [sflag:$0x1] =	stream.indirect_vreg.gather [hbm4b:s11+s3], $0x80, v19, vm0, $0xb8;
	[tilespmem:$0x1D000] =	vst v63  }
0x2ab: {  	v55 =	vperm.xlane v18, v12;
	s31 =	sxor.u32 $0x1CB80, s30;
	v19 =	vadd.s32 v4, v54  }
0x2ac: {  	[tilespmem:s31], [sflag:$0x1] =	stream.indirect_vreg.gather [hbm4b:s11+s3], $0x80, v51, vm0, $0xb8;
	[tilespmem:$0x1D000] =	vst v63  }
0x2ad: {  	v57 =	vperm.xlane v18, v13;
	v56 =	vadd.s32 v4, v55;
	s31 =	sxor.u32 $0x1CC00, s30  }
0x2ae: {  	[tilespmem:s31], [sflag:$0x1] =	stream.indirect_vreg.gather [hbm4b:s11+s3], $0x80, v53, vm0, $0xb8;
	[tilespmem:$0x1D000] =	vst v63  }
0x2af: {  	v59 =	vperm.xlane v18, v14;
	v58 =	vadd.s32 v4, v57;
	s31 =	sxor.u32 $0x1CC80, s30  }
0x2b0: {  	[tilespmem:s31], [sflag:$0x1] =	stream.indirect_vreg.gather [hbm4b:s11+s3], $0x80, v19, vm0, $0xb8;
	[tilespmem:$0x1D000] =	vst v63  }
0x2b1: {  	v60 =	vperm.xlane v18, v15;
	s31 =	sxor.u32 $0x1CD00, s30;
	v19 =	vadd.s32 v4, v59  }
0x2b2: {  	[tilespmem:s31], [sflag:$0x1] =	stream.indirect_vreg.gather [hbm4b:s11+s3], $0x80, v56, vm0, $0xb8;
	[tilespmem:$0x1D000] =	vst v63  }
0x2b3: {  	v62 =	vperm.xlane v18, v16;
	v61 =	vadd.s32 v4, v60;
	s31 =	sxor.u32 $0x1CD80, s30  }
0x2b4: {  	[tilespmem:s31], [sflag:$0x1] =	stream.indirect_vreg.gather [hbm4b:s11+s3], $0x80, v58, vm0, $0xb8;
	[tilespmem:$0x1D000] =	vst v63  }
0x2b5: {  	v18 =	vperm.xlane v18, v17;
	v63 =	vadd.s32 v4, v62;
	s31 =	sxor.u32 $0x1CE00, s30  }
0x2b6: {  	[tilespmem:s31], [sflag:$0x1] =	stream.indirect_vreg.gather [hbm4b:s11+s3], $0x80, v19, vm0, $0xb8;
	[tilespmem:$0x1D000] =	vst v63  }
0x2b7: {  	v18 =	vadd.s32 v4, v18;
	s31 =	sxor.u32 $0x1CE80, s30  }
0x2b8: {  	[tilespmem:s31], [sflag:$0x1] =	stream.indirect_vreg.gather [hbm4b:s11+s3], $0x80, v61, vm0, $0xb8;
	[tilespmem:$0x1D000] =	vst v63  }
0x2b9: {  	s31 =	sxor.u32 $0x1CF00, s30  }
0x2ba: {  	[tilespmem:s31], [sflag:$0x1] =	stream.indirect_vreg.gather [hbm4b:s11+s3], $0x80, v63, vm0, $0xb8;
	[tilespmem:$0x1D000] =	vst v63  }
0x2bb: {  	s31 =	sxor.u32 $0x1CF80, s30  }
0x2bc: {  	[tilespmem:s31], [sflag:$0x1] =	stream.indirect_vreg.gather [hbm4b:s11+s3], $0x80, v18, vm0, $0xb8;
	[tilespmem:$0x1D000] =	vst v63  }
.LBB2_8:
0x2bd: {  	s24 =	sadd.s32 $0x10, s24  }
0x2be: {  	p0 =	sne.s32 s24, $0x500  }
.Ltmp4:
0x2bf: {  	_ =	swait.ge [sflag:s20], $0x4000;
	s1 =	sshll.u32 s28, $0xA;
	(pc) =	sbr.rel @!p0 .LBB2_9-.Ltmp4, $4  }
0x2c0: {  	s26 =	sshll.u32 s26, $0x7;
	s30 =	sshll.u32 s29, $0xE;
	s0 =	sadd.s32 $0x1, s0  }
0x2c1: {  	s25 =	sadd.s32 $0x200, s25;
	[sflag:s20] =	ssyncset.done $0x0;
	s1 =	sor.u32 s26, s1  }
0x2c2: {  	s31 =	sadd.s32 $0x15000, s30;
	[sflag:s20] =	ssyncadd.s32 $0xFFFFC000;
	s1 =	sor.u32 $0x14800, s1  }
0x2c3: {  	[spmem:s2] =	stream.indirect.scatter.add.f32 [tilespmem:s31], [sflag:$0x2], $0x80, s1, s21, $0xb8;
	[tilespmem:$0x1D000] =	vst v63  }
.LBB2_4:
0x2c4: {  	s26 =	sand.u32 $0x7, s0;
	p0 =	seq.s32 s24, $0x4F0  }
0x2c5: {  	s28 =	sshrl.u32 s0, $0x3;
	p1 =	sne.s32 @!p0 s26, $0x7  }
0x2c6: {  	s28 =	sand.u32 $0x1, s28;
	p1 =	por p1, p0  }
0x2c7: {  	s29 =	sshll.u32 @!p1 s28, $0xA  }
0x2c8: {  	s31 =	sadd.s32 @!p1 s24, s15;
	s1 =	simm.s32 @!p1 $0x0;
	s30 =	sxor.u32 @!p1 $0x14400, s29  }
0x2c9: {  	[tilespmem:s30], [sflag:$0x3] =	stream.linear.gather @!p1 [hbm4b:s31+s1], $0x400, $0x38;
	[tilespmem:$0x1D000] =	vst v63  }
0x2ca: {  	s30 =	simm.s32 @!p1 $0x3  }
0x2cb: {  	_ =	swait.ge @!p1 [sflag:s30], $0x400  }
0x2cc: {  	p2 =	seq.s32 s24, $0x0;
	s29 =	sxor.u32 @!p1 $0x14C00, s29;
	[sflag:s30] =	ssyncset.done @!p1 $0x0  }
.Ltmp5:
0x2cd: {  	s31 =	sadd.s32 @!p1 s24, s14;
	[sflag:s30] =	ssyncadd.s32 @!p1 $0xFFFFFC00;
	(pc) =	sbr.rel @p2 .LBB2_7-.Ltmp5, $4  }
0x2ce: {  	[tilespmem:s29], [sflag:$0x3] =	stream.linear.gather @!p1 [hbm4b:s31+s1], $0x400, $0x38;
	[tilespmem:$0x1D000] =	vst v63  }
0x2cf: {  	_ =	swait.ge @!p1 [sflag:s30], $0x400  }
0x2d0: {  	[sflag:s30] =	ssyncset.done @!p1 $0x0  }
0x2d1: {  	s29 =	sand.u32 $0x1, s0;
	[sflag:s30] =	ssyncadd.s32 @!p1 $0xFFFFFC00  }
.Ltmp6:
0x2d2: {  	(pc) =	sbr.rel @p0 .LBB2_8-.Ltmp6, $1  }
0x2d3: {  	_ =	sdelay $0x3  }
.Ltmp7:
0x2d4: {  	(pc) =	sbr.rel .LBB2_7-.Ltmp7, $4  }
0x2d5: {  	_ = 	snop  }
0x2d6: {  	_ =	swait.ge [sflag:s22], $0x4000  }
0x2d7: {  	[sflag:s22] =	ssyncset.done $0x0  }
0x2d8: {  	[sflag:s22] =	ssyncadd.s32 $0xFFFFC000  }
.LBB2_10:
0x2d9: {  	_ =	sfence.sel $0x180000  }
0x2da: {  	[bflag:$0x0] =	sbarrier.arrive $0xFFFF  }
0x2db: {  	_ =	strace $0x9000004A  }
0x2dc: {  	s0 =	stileid.u32;
	[bflag:$0x2] =	sbarrier.arrive $0xFFFF  }
0x2dd: {  	p0 =	sne.s32 s0, $0x0;
	s0 =	rddreg [dreg:$0x3]  }
0x2de: {  	s0 =	sadd.s32 @!p0 $0x100000, s0  }
0x2df: {  	[sflag:s0] =	ssyncadd.tile.s32 @!p0 $0x1;
	_ =	shalt  }
.Lfunc_end2:
_tile_overlayer_lowered:
.L_overlay_start_2:
0x2e0: {  	(tag) =	ssettag $0x2  }
0x2e1: {  	s0 =	rddreg [dreg:$0x0];
	s2 =	stileid.u32  }
0x2e2: {  	s1 =	rddreg [dreg:$0x1];
	p0 =	sne.s32 s2, $0x0  }
0x2e3: {  	s3 =	rddreg [dreg:$0x2];
	[bflag:$0x3] =	sbarrier.arrive $0xFFFF;
	s2 =	simm.s32 @!p0 $0x1C03  }
0x2e4: {  	[timem:s3], [sflag:s2] =	dma.local @!p0 [hbm:s0], s1  }
0x2e5: {  	s0 =	simm.s32 @!p0 $0x3  }
0x2e6: {  	_ =	swait.ge @!p0 [sflag:s0], s1  }
0x2e7: {  	s1 =	ssub.s32 @!p0 $0x0, s1;
	[sflag:s0] =	ssyncset.done @!p0 $0x0  }
0x2e8: {  	[sflag:s0] =	ssyncadd.s32 @!p0 s1  }
0x2e9: {  	[bflag:$0x3] =	sbarrier.arrive $0xFFFF  }
0x2ea: {  	_ =	shalt  }

// kernel: kernel.13.cloned.1.call-start
scs
__scs_entry_jumppad:
0x0: {  	(pc) =	sbr.rel $0x88, $3  }
0x1: {  	(tag) =	ssettag $0x0;
	lr =	simm.s32 $0x1  }
0x2: {  	[smem:$0x3F96] =	sst lr;
	_ =	strace $0xD0000000  }
0x3: {  	_ = 	snop  }
0x4: {  	_ = 	snop  }
0x5: {  	_ = 	snop  }
0x6: {  	_ = 	snop  }
0x7: {  	_ = 	snop  }
__scs_overlays_trampoline_lowered:
0x8: {  	[smem:$0x3FA5] =	sst s0  }
0x9: {  	[smem:$0x3FA6] =	sst s1  }
0xa: {  	[smem:$0x3FA7] =	sst s2  }
0xb: {  	[smem:$0x3FA8] =	sst s3  }
0xc: {  	[smem:$0x3FA9] =	sst s4  }
0xd: {  	[smem:$0x3FAA] =	sst s5  }
0xe: {  	[smem:$0x3FAB] =	sst s6  }
0xf: {  	[smem:$0x3FAC] =	sst s7  }
0x10: {  	[smem:$0x3FAD] =	sst s8  }
0x11: {  	[smem:$0x3FAE] =	sst s9;
	s0 =	simm.s32 @!p0 $0x0  }
0x12: {  	s1 =	sld [smem:$0x3F94];
	s0 =	simm.s32 @p0 $0x1  }
0x13: {  	[smem:$0x3FAF] =	sst s0;
	s0 =	simm.s32 @!p1 $0x0  }
0x14: {  	s2 =	sld [smem:$0x3F93];
	s0 =	simm.s32 @p1 $0x1  }
0x15: {  	[smem:$0x3FB0] =	sst s0;
	s0 =	simm.s32 @!p2 $0x0  }
0x16: {  	s3 =	sld [smem:$0x3FDB];
	s0 =	simm.s32 @p2 $0x1  }
0x17: {  	s4 =	simm.s32 $0x1BF5;
	[smem:$0x3FB2] =	sst s0  }
0x18: {  	s0 =	sld [smem:$0x3F95];
	_ =	swait.ge [sflag:s4], $0x0  }
0x19: {  	s7 =	sld [smem:$0x3F96]  }
0x1a: {  	s8 =	sadd.s32 $0xFFFFE003, lr  }
0x1b: {  	s9 =	sadd.s32 $0xFFFFFEF7, lr;
	s5 =	simm.s32 $0xFFFFFFFF;
	p2 =	slt.u32 s8, $0xFFFFF086  }
0x1c: {  	p1 =	slt.u32 s9, $0xF7A;
	s5 =	simm.s32 @!p2 $0x0  }
0x1d: {  	s5 =	simm.s32 @p1 $0x1;
	p0 =	seq.s32 s7, s2  }
0x1e: {  	s7 =	smul.u32 @!p0 $0xF7A, s2;
	p2 =	seq.s32 @!p0 s5, $0x0  }
0x1f: {  	s9 =	smul.u32 $0xF7A, s1;
	s8 =	simm.s32 @!p0 $0x1BF5;
	p2 =	por !p2, p0  }
0x20: {  	[sflag:s8] =	ssyncset.s32 @!p0 $0xFFFFF086;
	s6 =	sadd.s32 @!p0 s3, s7;
	s7 =	simm.s32 @!p0 $0x108  }
0x21: {  	s3 =	sadd.s32 s3, s9;
	s6 =	sadd.s32 @!p0 $0x88, s6;
	s7 =	simm.s32 @p2 $0x1082  }
0x22: {  	[simem:s7], [sflag:s8] =	dma.local @!p0 [hbm:s6], $0xF7A  }
0x23: {  	s9 =	sor.u32 $0xD0000000, s2;
	s6 =	simm.s32 $0x108;
	_ =	swait.ge @!p0 [sflag:s8], $0x0  }
0x24: {  	s3 =	sadd.s32 $0x88, s3;
	s6 =	simm.s32 @!p1 $0x1082;
	[sflag:s4] =	ssyncset.s32 $0xFFFFF086  }
0x25: {  	[simem:s6], [sflag:s4] =	dma.local [hbm:s3], $0xF7A  }
0x26: {  	[smem:$0x3F96] =	sst s1;
	(tag) =	ssettag s2;
	_ =	strace s9  }
0x27: {  	s1 =	sld [smem:$0x3FA6]  }
0x28: {  	s2 =	sld [smem:$0x3FA7]  }
0x29: {  	s4 =	sld [smem:$0x3FA9]  }
0x2a: {  	p0 =	seq.s32 s5, $0x0;
	s5 =	sld [smem:$0x3FAA]  }
0x2b: {  	s6 =	sld [smem:$0x3FAB]  }
0x2c: {  	s7 =	sld [smem:$0x3FAC]  }
0x2d: {  	s3 =	simm.s32 $0x108;
	s8 =	sld [smem:$0x3FAD]  }
0x2e: {  	s3 =	simm.s32 @!p0 $0x1082;
	s9 =	sld [smem:$0x3FAE]  }
0x2f: {  	lr =	sadd.s32 s0, s3;
	s0 =	sld [smem:$0x3FA5]  }
0x30: {  	s3 =	sld [smem:$0x3FA8]  }
0x31: {  	[smem:$0x3FB1] =	sst s10  }
0x32: {  	s10 =	sld [smem:$0x3FAF];
	_ =	sdelay $0x3  }
0x33: {  	p0 =	seq.s32 s10, $0x1;
	s10 =	sld [smem:$0x3FB1];
	_ =	sdelay $0x3  }
0x34: {  	[smem:$0x3FB1] =	sst s10  }
0x35: {  	s10 =	sld [smem:$0x3FB0];
	_ =	sdelay $0x3  }
0x36: {  	p1 =	seq.s32 s10, $0x1;
	s10 =	sld [smem:$0x3FB1];
	_ =	sdelay $0x3  }
0x37: {  	[smem:$0x3FB1] =	sst s10  }
0x38: {  	s10 =	sld [smem:$0x3FB2]  }
0x39: {  	_ = 	snop;
	(pc) =	sbr.ind lr, $3  }
0x3a: {  	_ = 	snop  }
0x3b: {  	_ = 	snop  }
0x3c: {  	p2 =	seq.s32 s10, $0x1;
	s10 =	sld [smem:$0x3FB1]  }
0x3d: {  	_ =	shalt  }
0x3e: {  	_ =	shalt  }
0x3f: {  	_ =	shalt  }
0x40: {  	_ =	shalt  }
0x41: {  	_ =	shalt  }
0x42: {  	_ =	shalt  }
0x43: {  	_ =	shalt  }
0x44: {  	_ =	shalt  }
0x45: {  	_ =	shalt  }
0x46: {  	_ =	shalt  }
0x47: {  	_ =	shalt  }
0x48: {  	_ =	shalt  }
0x49: {  	_ =	shalt  }
0x4a: {  	_ =	shalt  }
0x4b: {  	_ =	shalt  }
0x4c: {  	_ =	shalt  }
0x4d: {  	_ =	shalt  }
0x4e: {  	_ =	shalt  }
0x4f: {  	_ =	shalt  }
0x50: {  	_ =	shalt  }
0x51: {  	_ =	shalt  }
0x52: {  	_ =	shalt  }
0x53: {  	_ =	shalt  }
0x54: {  	_ =	shalt  }
0x55: {  	_ =	shalt  }
0x56: {  	_ =	shalt  }
0x57: {  	_ =	shalt  }
0x58: {  	_ =	shalt  }
0x59: {  	_ =	shalt  }
0x5a: {  	_ =	shalt  }
0x5b: {  	_ =	shalt  }
0x5c: {  	_ =	shalt  }
0x5d: {  	_ =	shalt  }
0x5e: {  	_ =	shalt  }
0x5f: {  	_ =	shalt  }
0x60: {  	_ =	shalt  }
0x61: {  	_ =	shalt  }
0x62: {  	_ =	shalt  }
0x63: {  	_ =	shalt  }
0x64: {  	_ =	shalt  }
0x65: {  	_ =	shalt  }
0x66: {  	_ =	shalt  }
0x67: {  	_ =	shalt  }
0x68: {  	_ =	shalt  }
0x69: {  	_ =	shalt  }
0x6a: {  	_ =	shalt  }
0x6b: {  	_ =	shalt  }
0x6c: {  	_ =	shalt  }
0x6d: {  	_ =	shalt  }
0x6e: {  	_ =	shalt  }
0x6f: {  	_ =	shalt  }
0x70: {  	_ =	shalt  }
0x71: {  	_ =	shalt  }
0x72: {  	_ =	shalt  }
0x73: {  	_ =	shalt  }
0x74: {  	_ =	shalt  }
0x75: {  	_ =	shalt  }
0x76: {  	_ =	shalt  }
0x77: {  	_ =	shalt  }
0x78: {  	_ =	shalt  }
0x79: {  	_ =	shalt  }
0x7a: {  	_ =	shalt  }
0x7b: {  	_ =	shalt  }
0x7c: {  	_ =	shalt  }
0x7d: {  	_ =	shalt  }
0x7e: {  	_ =	shalt  }
0x7f: {  	_ =	shalt  }
0x80: {  	_ =	shalt  }
0x81: {  	_ =	shalt  }
0x82: {  	_ =	shalt  }
0x83: {  	_ =	shalt  }
0x84: {  	_ =	shalt  }
0x85: {  	_ =	shalt  }
0x86: {  	_ =	shalt  }
0x87: {  	_ =	shalt  }
.Lfunc_end0:
.L_simem_size_0:
called_computation.2_lowered:
.L_overlay_start_0:
0x88: {  	s2 =	sld [smem:$0x3FD9]  }
0x89: {  	s3 =	sld [smem:$0x3FFE];
	_ =	sdelay $0x1  }
0x8a: {  	s1 =	srdreg.scid  }
0x8b: {  	s0 =	sand.u32 $0x1, s1  }
0x8c: {  	s16 =	sshll.u32 s0, $0xA;
	s2 =	sadd.s32 s3, s2  }
0x8d: {  	s2 =	sadd.s32 s2, s16  }
0x8e: {  	[smem:$0x3FBD] =	sst s2  }
0x8f: {  	_ = 	snop  }
0x90: {  	(tm) =	ssettm $0x1  }
0x91: {  	s17 =	sld [smem:$0x3FFB];
	_ =	sdelay $0x3  }
0x92: {  	_ =	strace s17  }
0x93: {  	s2 =	sld [smem:$0x3FFC];
	_ =	sdelay $0x3  }
0x94: {  	_ =	strace s2  }
0x95: {  	s2 =	sld [smem:$0x3FFD];
	_ =	sdelay $0x3  }
0x96: {  	_ =	strace s2  }
0x97: {  	_ =	strace $0x8FFFFFFF  }
0x98: {  	s18 =	sld [smem:$0x3FDB];
	_ =	sdelay $0x1  }
0x99: {  	s19 =	simm.s32 $_scs_section_size  }
0x9a: {  	s4 =	simm.s32 $_size__tile_overlayer_lowered;
	s5 =	simm.s32 $_tile_overlayer_lowered  }
0x9b: {  	s22 =	simm.s32 $0x1BFF;
	s21 =	sshll.u32 s5, $0x1;
	s2 =	sadd.s32 s19, s18  }
0x9c: {  	s6 =	simm.s32 $0x0;
	s20 =	sshll.u32 s4, $0x1;
	s4 =	sadd.s32 s21, s2  }
0x9d: {  	[timem:s6], [sflag:s22] =	dma.local [hbm:s4], s20  }
0x9e: {  	_ =	swait.ge [sflag:s22], s20  }
0x9f: {  	s3 =	ssub.s32 $0x0, s20;
	[sflag:s22] =	ssyncset.done $0x0  }
0xa0: {  	[sflag:s22] =	ssyncadd.s32 s3;
	_ =	sdelay $0x1  }
0xa1: {  	s23 =	simm.s32 $0x1B8B  }
0xa2: {  	_ =	swait.ge [sflag:s23], $0x1  }
0xa3: {  	[sflag:s23] =	ssyncset.done $0x0  }
0xa4: {  	s25 =	simm.s32 $0x1B8E;
	s24 =	sld [smem:$0x3FFE];
	[sflag:s23] =	ssyncadd.s32 $0xFFFFFFFF  }
0xa5: {  	s26 =	simm.s32 $execute0_lowered;
	[smem:$0x3FD2] =	sst s25  }
0xa6: {  	s4 =	sshll.u32 s26, $0x1;
	_ =	strace $0x8000004C;
	[dreg:$0x1] =	wrdreg $0xFFFFFFFF  }
0xa7: {  	s28 =	simm.s32 $_size_execute0_lowered;
	s2 =	sadd.s32 s2, s4;
	[dreg:$0x0] =	wrdreg $0x0  }
0xa8: {  	s4 =	sshll.u32 s28, $0x1;
	[dreg:$0x2] =	wrdreg s2  }
0xa9: {  	[dreg:$0x3] =	wrdreg s4  }
0xaa: {  	[dreg:$0x4] =	wrdreg $0xC0  }
0xab: {  	_ =	task [dreg:s6], $0x5FFFF  }
0xac: {  	[dreg:$0x1] =	wrdreg $0xFFFFFFFF  }
0xad: {  	[dreg:$0x0] =	wrdreg $0x60  }
0xae: {  	[dreg:$0x2] =	wrdreg s24  }
0xaf: {  	[dreg:$0x3] =	wrdreg $0x0  }
0xb0: {  	[dreg:$0x4] =	wrdreg $0x9  }
0xb1: {  	_ =	task.clear_ibuf [dreg:s6], $0x5FFFF;
	_ =	strace $0x9000004C  }
0xb2: {  	s29 =	simm.s32 $0x9;
	_ =	strace $0x8000004E  }
0xb3: {  	_ =	swait.ge [sflag:s29], $0x1  }
0xb4: {  	[sflag:s29] =	ssyncadd.s32 $0xFFFFFFFF  }
0xb5: {  	_ =	strace $0x9000004E  }
0xb6: {  	_ =	sfence  }
0xb7: {  	s30 =	sld [smem:$0x0];
	_ =	sdelay $0x2  }
0xb8: {  	s31 =	sshll.u32 s1, $0xD;
	s1 =	sshrl.u32 s1, $0x2  }
0xb9: {  	s3 =	sand.u32 $0x4000, s31;
	s1 =	sadd.s32 s1, s30  }
0xba: {  	s0 =	sor.u32 s3, s0;
	s1 =	sshll.u32 s1, $0x11  }
0xbb: {  	s0 =	sor.u32 s1, s0  }
0xbc: {  	s0 =	sadd.s32 $0x8F2B, s0  }
0xbd: {  	[sflag:s0] =	ssyncadd.remote.s32 $0x1  }
0xbe: {  	_ =	sfence.sel $0xFFFF  }
0xbf: {  	[dreg:$0x0] =	wrdreg $0xFFFFFFFF;
	(pc) =	sbr.abs _section_cstart, $3  }
0xc0: {  	[dreg:$0x1] =	wrdreg $0xFFFFFFFF  }
0xc1: {  	_ =	task.clear_ibuf [dreg:s6], $0x2FFFF;
	_ =	strace $0x9FFFFFFF  }
0xc2: {  	(tm) =	ssettm $0x7FFFFFFF  }
0xc3: {  	_ =	shalt  }
tec
execute0_lowered:
.L_overlay_start_1:
0x0: {  	(tag) =	ssettag $0x1  }
0x1: {  	s0 =	rddreg [dreg:$0x0]  }
0x2: {  	s2 =	rddreg [dreg:$0x1]  }
0x3: {  	s1 =	srdreg.scid;
	s10 =	stileid.u32;
	s4 =	simm.s32 $0x0  }
0x4: {  	s17 =	simm.s32 $0xB000;
	s18 =	simm.s32 $0x3;
	s19 =	simm.s32 $0xA000  }
0x5: {  	s20 =	simm.s32 $0xA800;
	s28 =	simm.s32 $0x0;
	s3 =	smul.u32 $0x1400, s10  }
0x6: {  	s1 =	sand.u32 $0x1, s1;
	[smem:$0x7FF] =	sst s4;
	s7 =	smul.u32 $0x28000, s10  }
0x7: {  	s4 =	sadd.s32 $0x2C00, s0;
	s5 =	sadd.s32 $0x5CC00, s0;
	s23 =	smul.u32 $0x500, s10  }
0x8: {  	s21 =	sshll.u32 s10, $0x1;
	s6 =	smul.u32 $0x14000, s1;
	s8 =	ssub.s32 $0x2, s1  }
0x9: {  	_ =	strace $0x8000004D;
	s7 =	sshrl.u32 s7, $0x2;
	s9 =	sshrl.u32 s8, $0x1  }
0xa: {  	s3 =	sadd.s32 s3, s6;
	s6 =	sadd.s32 $0x61C00, s0;
	s7 =	sadd.s32 s7, s2  }
0xb: {  	s8 =	ssub.s32 s8, s9;
	s0 =	sadd.s32 s3, s0;
	s22 =	sadd.s32 $0x2000, s7  }
0xc: {  	s3 =	sor.u32 s1, s21;
	s24 =	sadd.s32 $0x4000, s7;
	[dreg:$0x3] =	wrdreg s22  }
0xd: {  	s25 =	sadd.s32 $0x6000, s7;
	s1 =	smul.u32 $0x280, s1;
	[dreg:$0x4] =	wrdreg s24  }
0xe: {  	s26 =	sadd.s32 $0x8000, s7;
	s30 =	smax.u32 s8, $0x1;
	[dreg:$0x5] =	wrdreg s25  }
0xf: {  	s21 =	simm.s32 $0x80;
	s3 =	smul.u32 $0x280, s3;
	[dreg:$0x6] =	wrdreg s26  }
0x10: {  	s0 =	sadd.s32 $0x16C00, s0;
	[dreg:$0xa] =	wrdreg s30;
	s24 =	simm.s32 $0x2  }
0x11: {  	s25 =	simm.s32 $0x1;
	[dreg:$0x9] =	wrdreg s0;
	s29 =	sadd.s32 s5, s3  }
0x12: {  	s31 =	sadd.s32 s1, s23;
	s3 =	sadd.s32 s6, s3;
	[dreg:$0x7] =	wrdreg s29  }
0x13: {  	v0 =	vimm.f32 $0.0e+00;
	s23 =	simm.s32 $0xD000;
	s16 =	sor.u32 $0x20, s31;
	[dreg:$0x8] =	wrdreg s3  }
.LBB2_1:
0x14: {  	s1 =	simm.s32 $0x100;
	s0 =	simm.s32 $0x0  }
.LBB2_2:
0x15: {  	p0 =	sne.s32 s1, $0x7F00;
	[tilespmem:s0+$0xB030] =	vst v0;
	s3 =	smov.u32 s1;
	s1 =	sadd.s32 $0x100, s1  }
.Ltmp0:
0x16: {  	[tilespmem:s0+$0xB020] =	vst v0;
	(pc) =	sbr.rel @p0 .LBB2_2-.Ltmp0, $3  }
0x17: {  	[tilespmem:s0+$0xB000] =	vst v0  }
0x18: {  	[tilespmem:s0+$0xB010] =	vst v0;
	_ =	sdelay $0x1  }
0x19: {  	s0 =	sshra.s32 s3, $0x2  }
0x1a: {  	[tilespmem:s0+$0xB030] =	vst v0  }
0x1b: {  	[tilespmem:s0+$0xB020] =	vst v0  }
0x1c: {  	[tilespmem:s0+$0xB000] =	vst v0  }
0x1d: {  	[tilespmem:s0+$0xB010] =	vst v0  }
0x1e: {  	[spmem:s7] =	stream.linear.scatter [tilespmem:s17], [sflag:$0x3], $0x2000, $0x38;
	[tilespmem:$0xF000] =	vst v63  }
0x1f: {  	_ =	swait.ge [sflag:s18], $0x2000  }
0x20: {  	[sflag:s18] =	ssyncset.done $0x0  }
0x21: {  	s1 =	rddreg [dreg:$0x3];
	[sflag:s18] =	ssyncadd.s32 $0xFFFFE000  }
0x22: {  	[spmem:s1] =	stream.linear.scatter [tilespmem:s17], [sflag:$0x3], $0x2000, $0x38;
	[tilespmem:$0xF000] =	vst v63  }
0x23: {  	_ =	swait.ge [sflag:s18], $0x2000  }
0x24: {  	[sflag:s18] =	ssyncset.done $0x0  }
0x25: {  	s3 =	rddreg [dreg:$0x4];
	[sflag:s18] =	ssyncadd.s32 $0xFFFFE000  }
0x26: {  	[spmem:s3] =	stream.linear.scatter [tilespmem:s17], [sflag:$0x3], $0x2000, $0x38;
	[tilespmem:$0xF000] =	vst v63  }
0x27: {  	_ =	swait.ge [sflag:s18], $0x2000  }
0x28: {  	[sflag:s18] =	ssyncset.done $0x0  }
0x29: {  	s8 =	rddreg [dreg:$0x5];
	[sflag:s18] =	ssyncadd.s32 $0xFFFFE000  }
0x2a: {  	[spmem:s8] =	stream.linear.scatter [tilespmem:s17], [sflag:$0x3], $0x2000, $0x38;
	[tilespmem:$0xF000] =	vst v63  }
0x2b: {  	_ =	swait.ge [sflag:s18], $0x2000  }
0x2c: {  	[sflag:s18] =	ssyncset.done $0x0  }
0x2d: {  	s9 =	rddreg [dreg:$0x6];
	[sflag:s18] =	ssyncadd.s32 $0xFFFFE000  }
0x2e: {  	[spmem:s9] =	stream.linear.scatter [tilespmem:s17], [sflag:$0x3], $0x2000, $0x38;
	[tilespmem:$0xF000] =	vst v63  }
0x2f: {  	_ =	swait.ge [sflag:s18], $0x2000  }
0x30: {  	[sflag:s18] =	ssyncset.done $0x0  }
0x31: {  	[sflag:s18] =	ssyncadd.s32 $0xFFFFE000  }
0x32: {  	[bflag:$0x0] =	sbarrier.arrive $0xFFFF  }
0x33: {  	s10 =	simm.s32 $0x0;
	s1 =	rddreg [dreg:$0x7]  }
0x34: {  	[tilespmem:s19], [sflag:$0x3] =	stream.linear.gather [hbm4b:s1+s10], $0x400, $0x38;
	[tilespmem:$0xF000] =	vst v63  }
0x35: {  	_ =	swait.ge [sflag:s18], $0x400  }
0x36: {  	[sflag:s18] =	ssyncset.done $0x0  }
0x37: {  	s11 =	rddreg [dreg:$0x8];
	[sflag:s18] =	ssyncadd.s32 $0xFFFFFC00  }
0x38: {  	[tilespmem:s20], [sflag:$0x3] =	stream.linear.gather [hbm4b:s11+s10], $0x400, $0x38;
	[tilespmem:$0xF000] =	vst v63  }
0x39: {  	_ =	swait.ge [sflag:s18], $0x400  }
0x3a: {  	[sflag:s18] =	ssyncset.done $0x0  }
0x3b: {  	s13 =	simm.s32 $0x1;
	[sflag:s18] =	ssyncadd.s32 $0xFFFFFC00  }
0x3c: {  	[tilespmem:s17], [sflag:$0x1] =	stream.indirect.gather [hbm4b:s4+s21], $0x40, s19, s21, $0xb8;
	[tilespmem:$0xF000] =	vst v63  }
0x3d: {  	s12 =	simm.s32 $0xA080;
	s3 =	sand.u32 $0x7, s13  }
0x3e: {  	[tilespmem:s23], [sflag:$0x1] =	stream.indirect.gather [hbm4b:s4+s21], $0x40, s12, s21, $0xb8;
	[tilespmem:$0xF000] =	vst v63  }
0x3f: {  	s14 =	simm.s32 $0x0;
	p0 =	sne.s32 s3, $0x7;
	_ =	swait.ge [sflag:s13], $0x2000  }
0x40: {  	s0 =	sand.u32 $0x1, s14;
	s26 =	simm.s32 @!p0 $0x3;
	[sflag:s13] =	ssyncset.done $0x0  }
0x41: {  	s8 =	sshll.u32 @!p0 s0, $0xA;
	s9 =	sand.u32 @!p0 $0x1FFFFF80, s16;
	[sflag:s13] =	ssyncadd.s32 $0xFFFFE000  }
0x42: {  	[spmem:s2] =	stream.indirect.scatter.add.f32 [tilespmem:s17], [sflag:$0x2], $0x40, s20, s21, $0xb8;
	[tilespmem:$0xF000] =	vst v63  }
0x43: {  	s31 =	simm.s32 @!p0 $0x0;
	s22 =	sxor.u32 @!p0 $0xA400, s8;
	s29 =	sadd.s32 @!p0 s5, s9  }
0x44: {  	[tilespmem:s22], [sflag:$0x3] =	stream.linear.gather @!p0 [hbm4b:s29+s31], $0x400, $0x38;
	[tilespmem:$0xF000] =	vst v63  }
0x45: {  	_ =	swait.ge @!p0 [sflag:s26], $0x400  }
0x46: {  	s15 =	sshll.u32 s0, $0xA;
	s3 =	sshll.u32 s3, $0x7;
	[sflag:s26] =	ssyncset.done @!p0 $0x0  }
0x47: {  	s8 =	sxor.u32 @!p0 $0xAC00, s8;
	s9 =	sadd.s32 @!p0 s6, s9;
	[sflag:s26] =	ssyncadd.s32 @!p0 $0xFFFFFC00  }
0x48: {  	[tilespmem:s8], [sflag:$0x3] =	stream.linear.gather @!p0 [hbm4b:s9+s31], $0x400, $0x38;
	[tilespmem:$0xF000] =	vst v63  }
0x49: {  	s30 =	simm.s32 $0x600;
	s15 =	sor.u32 s3, s15;
	_ =	swait.ge @!p0 [sflag:s26], $0x400  }
0x4a: {  	s3 =	simm.s32 $0x3;
	s0 =	simm.s32 $0x800;
	[sflag:s26] =	ssyncset.done @!p0 $0x0  }
0x4b: {  	s1 =	sand.u32 $0x1, s13;
	s10 =	simm.s32 $0x400;
	[sflag:s26] =	ssyncadd.s32 @!p0 $0xFFFFFC00  }
0x4c: {  	s11 =	sand.u32 $0x1E00, s10;
	s12 =	sshll.u32 s1, $0xD;
	_ =	swait.ge [sflag:s24], $0x2000  }
0x4d: {  	s14 =	ssub.s32 $0xD000, s12;
	s13 =	sshrl.u32 s11, $0x2;
	[sflag:s24] =	ssyncset.done $0x0  }
0x4e: {  	s1 =	sor.u32 $0xA000, s13;
	s29 =	simm.s32 $0x2;
	[sflag:s24] =	ssyncadd.s32 $0xFFFFE000  }
0x4f: {  	[tilespmem:s14], [sflag:$0x1] =	stream.indirect.gather [hbm4b:s4+s21], $0x40, s1, s21, $0xb8;
	[tilespmem:$0xF000] =	vst v63  }
0x50: {  	s22 =	sand.u32 $0x7, s29;
	s31 =	simm.s32 $0x0;
	_ =	swait.ge [sflag:s25], $0x2000  }
0x51: {  	s8 =	sadd.s32 $0xB000, s12;
	s9 =	sor.u32 $0xA800, s15;
	[sflag:s25] =	ssyncset.done $0x0  }
0x52: {  	s26 =	sshll.u32 s22, $0x7;
	s1 =	sadd.s32 $0x10, s16;
	[sflag:s25] =	ssyncadd.s32 $0xFFFFE000  }
.LBB2_4:
0x53: {  	[spmem:s2] =	stream.indirect.scatter.add.f32 [tilespmem:s8], [sflag:$0x2], $0x40, s9, s21, $0xb8;
	[tilespmem:$0xF000] =	vst v63  }
0x54: {  	s8 =	smov.u32 s0;
	s9 =	smov.u32 s29;
	s29 =	smov.u32 s3  }
0x55: {  	s10 =	sand.u32 $0x1, s31;
	s31 =	sshrl.u32 s3, $0x3;
	p1 =	sne.s32 s22, $0x7  }
0x56: {  	s22 =	sshll.u32 @!p1 s10, $0xA;
	s11 =	sand.u32 @!p1 $0x1FFFFF80, s1;
	s12 =	simm.s32 @!p1 $0x3  }
0x57: {  	s15 =	simm.s32 @!p1 $0x0;
	s13 =	sxor.u32 @!p1 $0xA400, s22;
	s14 =	sadd.s32 @!p1 s5, s11  }
0x58: {  	[tilespmem:s13], [sflag:$0x3] =	stream.linear.gather @!p1 [hbm4b:s14+s15], $0x400, $0x38;
	[tilespmem:$0xF000] =	vst v63  }
0x59: {  	s11 =	sadd.s32 @!p1 s6, s11;
	s13 =	sxor.u32 @!p1 $0xAC00, s22;
	_ =	swait.ge @!p1 [sflag:s12], $0x400  }
0x5a: {  	s10 =	sshll.u32 s10, $0xA;
	s22 =	sand.u32 $0x7, s3;
	[sflag:s12] =	ssyncset.done @!p1 $0x0  }
0x5b: {  	s0 =	sadd.s32 $0x200, s0;
	s10 =	sor.u32 s26, s10;
	[sflag:s12] =	ssyncadd.s32 @!p1 $0xFFFFFC00  }
0x5c: {  	[tilespmem:s13], [sflag:$0x3] =	stream.linear.gather @!p1 [hbm4b:s11+s15], $0x400, $0x38;
	[tilespmem:$0xF000] =	vst v63  }
0x5d: {  	p0 =	sne.s32 s0, $0x5000;
	_ =	swait.ge @!p1 [sflag:s12], $0x400  }
0x5e: {  	[sflag:s12] =	ssyncset.done @!p1 $0x0  }
0x5f: {  	s11 =	sand.u32 $0x1E00, s30;
	[sflag:s12] =	ssyncadd.s32 @!p1 $0xFFFFFC00  }
0x60: {  	s9 =	sand.u32 $0x1, s9;
	s11 =	sshrl.u32 s11, $0x2;
	_ =	swait.ge [sflag:s24], $0x2000  }
0x61: {  	s9 =	sshll.u32 s9, $0xD;
	s11 =	sor.u32 $0xA000, s11;
	[sflag:s24] =	ssyncset.done $0x0  }
.Ltmp1:
0x62: {  	s12 =	ssub.s32 $0xD000, s9;
	[sflag:s24] =	ssyncadd.s32 $0xFFFFE000;
	(pc) =	sbr.rel @p0 .LBB2_4-.Ltmp1, $4  }
0x63: {  	[tilespmem:s12], [sflag:$0x1] =	stream.indirect.gather [hbm4b:s4+s21], $0x40, s11, s21, $0xb8;
	[tilespmem:$0xF000] =	vst v63  }
0x64: {  	s1 =	sadd.s32 $0x10, s1;
	s30 =	smov.u32 s8;
	_ =	swait.ge [sflag:s25], $0x2000  }
0x65: {  	s26 =	sshll.u32 s22, $0x7;
	s8 =	sadd.s32 $0xB000, s9;
	[sflag:s25] =	ssyncset.done $0x0  }
0x66: {  	s3 =	sadd.s32 $0x1, s3;
	s9 =	sor.u32 $0xA800, s10;
	[sflag:s25] =	ssyncadd.s32 $0xFFFFE000  }
0x67: {  	[spmem:s2] =	stream.indirect.scatter.add.f32 [tilespmem:s8], [sflag:$0x2], $0x40, s9, s21, $0xb8;
	[tilespmem:$0xF000] =	vst v63  }
0x68: {  	s0 =	sand.u32 $0x1, s31;
	p0 =	sne.s32 s22, $0x7  }
0x69: {  	s3 =	sshll.u32 @!p0 s0, $0xA;
	s1 =	sand.u32 @!p0 $0x1FFFFF80, s1;
	s8 =	simm.s32 @!p0 $0x3  }
0x6a: {  	s11 =	simm.s32 @!p0 $0x0;
	s9 =	sxor.u32 @!p0 $0xA400, s3;
	s10 =	sadd.s32 @!p0 s5, s1  }
0x6b: {  	[tilespmem:s9], [sflag:$0x3] =	stream.linear.gather @!p0 [hbm4b:s10+s11], $0x400, $0x38;
	[tilespmem:$0xF000] =	vst v63  }
0x6c: {  	_ =	swait.ge @!p0 [sflag:s8], $0x400  }
0x6d: {  	[sflag:s8] =	ssyncset.done @!p0 $0x0  }
0x6e: {  	s3 =	sxor.u32 @!p0 $0xAC00, s3;
	s1 =	sadd.s32 @!p0 s6, s1;
	[sflag:s8] =	ssyncadd.s32 @!p0 $0xFFFFFC00  }
0x6f: {  	[tilespmem:s3], [sflag:$0x3] =	stream.linear.gather @!p0 [hbm4b:s1+s11], $0x400, $0x38;
	[tilespmem:$0xF000] =	vst v63  }
0x70: {  	_ =	swait.ge @!p0 [sflag:s8], $0x400  }
0x71: {  	[sflag:s8] =	ssyncset.done @!p0 $0x0  }
0x72: {  	[sflag:s8] =	ssyncadd.s32 @!p0 $0xFFFFFC00  }
0x73: {  	s13 =	sand.u32 $0x1, s29;
	s14 =	sand.u32 $0x1E00, s30;
	_ =	swait.ge [sflag:s24], $0x2000  }
0x74: {  	s1 =	sshll.u32 s13, $0xD;
	s3 =	sshrl.u32 s14, $0x2;
	[sflag:s24] =	ssyncset.done $0x0  }
0x75: {  	s15 =	ssub.s32 $0xD000, s1;
	s3 =	sor.u32 $0xA000, s3;
	[sflag:s24] =	ssyncadd.s32 $0xFFFFE000  }
0x76: {  	[tilespmem:s15], [sflag:$0x1] =	stream.indirect.gather [hbm4b:s4+s21], $0x40, s3, s21, $0xb8;
	[tilespmem:$0xF000] =	vst v63  }
0x77: {  	s0 =	sshll.u32 s0, $0xA;
	_ =	swait.ge [sflag:s25], $0x2000  }
0x78: {  	s0 =	sor.u32 s26, s0;
	[sflag:s25] =	ssyncset.done $0x0  }
0x79: {  	s0 =	sor.u32 $0xA800, s0;
	s1 =	sadd.s32 $0xB000, s1;
	[sflag:s25] =	ssyncadd.s32 $0xFFFFE000  }
0x7a: {  	[spmem:s2] =	stream.indirect.scatter.add.f32 [tilespmem:s1], [sflag:$0x2], $0x40, s0, s21, $0xb8;
	[tilespmem:$0xF000] =	vst v63  }
0x7b: {  	_ =	swait.ge [sflag:s25], $0x2000  }
0x7c: {  	[sflag:s25] =	ssyncset.done $0x0  }
0x7d: {  	s22 =	simm.s32 $0xAB80;
	[sflag:s25] =	ssyncadd.s32 $0xFFFFE000  }
0x7e: {  	[spmem:s2] =	stream.indirect.scatter.add.f32 [tilespmem:s23], [sflag:$0x2], $0x40, s22, s21, $0xb8;
	[tilespmem:$0xF000] =	vst v63  }
0x7f: {  	_ =	swait.ge [sflag:s24], $0x2000  }
0x80: {  	[sflag:s24] =	ssyncset.done $0x0  }
0x81: {  	[sflag:s24] =	ssyncadd.s32 $0xFFFFE000  }
0x82: {  	_ =	swait.ge [sflag:s24], $0x2000  }
0x83: {  	[sflag:s24] =	ssyncset.done $0x0  }
0x84: {  	s26 =	stileid.u32;
	[sflag:s24] =	ssyncadd.s32 $0xFFFFE000  }
0x85: {  	s0 =	sshll.u32 s26, $0x6;
	[bflag:$0x0] =	sbarrier.arrive $0xFFFF  }
0x86: {  	s29 =	sshrl.u32 s7, $0x3;
	s0 =	sor.u32 $0x1C03, s0;
	s30 =	rddreg [dreg:$0x9]  }
0x87: {  	[hbm:s30], [sflag:s0] =	dma.local [spmem:s29], $0x1400  }
0x88: {  	_ =	swait.ge [sflag:s18], $0x1400  }
0x89: {  	s28 =	sadd.s32 $0x1, s28;
	s31 =	rddreg [dreg:$0xa]  }
0x8a: {  	p0 =	sne.s32 s28, s31  }
.Ltmp2:
0x8b: {  	_ = 	snop;
	(pc) =	sbr.rel @p0 .LBB2_1-.Ltmp2, $3  }
0x8c: {  	_ =	sdelay $0x1  }
0x8d: {  	[sflag:s18] =	ssyncset.done $0x0  }
0x8e: {  	[sflag:s18] =	ssyncadd.s32 $0xFFFFEC00  }
0x8f: {  	_ =	sfence.sel $0x180000  }
0x90: {  	[bflag:$0x0] =	sbarrier.arrive $0xFFFF  }
0x91: {  	_ =	strace $0x9000004D  }
0x92: {  	s0 =	stileid.u32;
	[bflag:$0x2] =	sbarrier.arrive $0xFFFF  }
0x93: {  	p0 =	sne.s32 s0, $0x0;
	s0 =	rddreg [dreg:$0x2]  }
0x94: {  	s0 =	sadd.s32 @!p0 $0x100000, s0  }
0x95: {  	[sflag:s0] =	ssyncadd.tile.s32 @!p0 $0x1;
	_ =	shalt  }
.Lfunc_end2:
_tile_overlayer_lowered:
.L_overlay_start_2:
0x96: {  	(tag) =	ssettag $0x2  }
0x97: {  	s0 =	rddreg [dreg:$0x0];
	s2 =	stileid.u32  }
0x98: {  	s1 =	rddreg [dreg:$0x1];
	p0 =	sne.s32 s2, $0x0  }
0x99: {  	s3 =	rddreg [dreg:$0x2];
	[bflag:$0x3] =	sbarrier.arrive $0xFFFF;
	s2 =	simm.s32 @!p0 $0x1C03  }
0x9a: {  	[timem:s3], [sflag:s2] =	dma.local @!p0 [hbm:s0], s1  }
0x9b: {  	s0 =	simm.s32 @!p0 $0x3  }
0x9c: {  	_ =	swait.ge @!p0 [sflag:s0], s1  }
0x9d: {  	s1 =	ssub.s32 @!p0 $0x0, s1;
	[sflag:s0] =	ssyncset.done @!p0 $0x0  }
0x9e: {  	[sflag:s0] =	ssyncadd.s32 @!p0 s1  }
0x9f: {  	[bflag:$0x3] =	sbarrier.arrive $0xFFFF  }
0xa0: {  	_ =	shalt  }

// kernel: kernel.7.cloned.1.call-start
scs
__scs_entry_jumppad:
0x0: {  	(pc) =	sbr.rel $0x88, $3  }
0x1: {  	(tag) =	ssettag $0x0;
	lr =	simm.s32 $0x1  }
0x2: {  	[smem:$0x3F96] =	sst lr;
	_ =	strace $0xD0000000  }
0x3: {  	_ = 	snop  }
0x4: {  	_ = 	snop  }
0x5: {  	_ = 	snop  }
0x6: {  	_ = 	snop  }
0x7: {  	_ = 	snop  }
__scs_overlays_trampoline_lowered:
0x8: {  	[smem:$0x3FA5] =	sst s0  }
0x9: {  	[smem:$0x3FA6] =	sst s1  }
0xa: {  	[smem:$0x3FA7] =	sst s2  }
0xb: {  	[smem:$0x3FA8] =	sst s3  }
0xc: {  	[smem:$0x3FA9] =	sst s4  }
0xd: {  	[smem:$0x3FAA] =	sst s5  }
0xe: {  	[smem:$0x3FAB] =	sst s6  }
0xf: {  	[smem:$0x3FAC] =	sst s7  }
0x10: {  	[smem:$0x3FAD] =	sst s8  }
0x11: {  	[smem:$0x3FAE] =	sst s9;
	s0 =	simm.s32 @!p0 $0x0  }
0x12: {  	s1 =	sld [smem:$0x3F94];
	s0 =	simm.s32 @p0 $0x1  }
0x13: {  	[smem:$0x3FAF] =	sst s0;
	s0 =	simm.s32 @!p1 $0x0  }
0x14: {  	s2 =	sld [smem:$0x3F93];
	s0 =	simm.s32 @p1 $0x1  }
0x15: {  	[smem:$0x3FB0] =	sst s0;
	s0 =	simm.s32 @!p2 $0x0  }
0x16: {  	s3 =	sld [smem:$0x3FDB];
	s0 =	simm.s32 @p2 $0x1  }
0x17: {  	s4 =	simm.s32 $0x1BF5;
	[smem:$0x3FB2] =	sst s0  }
0x18: {  	s0 =	sld [smem:$0x3F95];
	_ =	swait.ge [sflag:s4], $0x0  }
0x19: {  	s7 =	sld [smem:$0x3F96]  }
0x1a: {  	s8 =	sadd.s32 $0xFFFFE003, lr  }
0x1b: {  	s9 =	sadd.s32 $0xFFFFFEF7, lr;
	s5 =	simm.s32 $0xFFFFFFFF;
	p2 =	slt.u32 s8, $0xFFFFF086  }
0x1c: {  	p1 =	slt.u32 s9, $0xF7A;
	s5 =	simm.s32 @!p2 $0x0  }
0x1d: {  	s5 =	simm.s32 @p1 $0x1;
	p0 =	seq.s32 s7, s2  }
0x1e: {  	s7 =	smul.u32 @!p0 $0xF7A, s2;
	p2 =	seq.s32 @!p0 s5, $0x0  }
0x1f: {  	s9 =	smul.u32 $0xF7A, s1;
	s8 =	simm.s32 @!p0 $0x1BF5;
	p2 =	por !p2, p0  }
0x20: {  	[sflag:s8] =	ssyncset.s32 @!p0 $0xFFFFF086;
	s6 =	sadd.s32 @!p0 s3, s7;
	s7 =	simm.s32 @!p0 $0x108  }
0x21: {  	s3 =	sadd.s32 s3, s9;
	s6 =	sadd.s32 @!p0 $0x88, s6;
	s7 =	simm.s32 @p2 $0x1082  }
0x22: {  	[simem:s7], [sflag:s8] =	dma.local @!p0 [hbm:s6], $0xF7A  }
0x23: {  	s9 =	sor.u32 $0xD0000000, s2;
	s6 =	simm.s32 $0x108;
	_ =	swait.ge @!p0 [sflag:s8], $0x0  }
0x24: {  	s3 =	sadd.s32 $0x88, s3;
	s6 =	simm.s32 @!p1 $0x1082;
	[sflag:s4] =	ssyncset.s32 $0xFFFFF086  }
0x25: {  	[simem:s6], [sflag:s4] =	dma.local [hbm:s3], $0xF7A  }
0x26: {  	[smem:$0x3F96] =	sst s1;
	(tag) =	ssettag s2;
	_ =	strace s9  }
0x27: {  	s1 =	sld [smem:$0x3FA6]  }
0x28: {  	s2 =	sld [smem:$0x3FA7]  }
0x29: {  	s4 =	sld [smem:$0x3FA9]  }
0x2a: {  	p0 =	seq.s32 s5, $0x0;
	s5 =	sld [smem:$0x3FAA]  }
0x2b: {  	s6 =	sld [smem:$0x3FAB]  }
0x2c: {  	s7 =	sld [smem:$0x3FAC]  }
0x2d: {  	s3 =	simm.s32 $0x108;
	s8 =	sld [smem:$0x3FAD]  }
0x2e: {  	s3 =	simm.s32 @!p0 $0x1082;
	s9 =	sld [smem:$0x3FAE]  }
0x2f: {  	lr =	sadd.s32 s0, s3;
	s0 =	sld [smem:$0x3FA5]  }
0x30: {  	s3 =	sld [smem:$0x3FA8]  }
0x31: {  	[smem:$0x3FB1] =	sst s10  }
0x32: {  	s10 =	sld [smem:$0x3FAF];
	_ =	sdelay $0x3  }
0x33: {  	p0 =	seq.s32 s10, $0x1;
	s10 =	sld [smem:$0x3FB1];
	_ =	sdelay $0x3  }
0x34: {  	[smem:$0x3FB1] =	sst s10  }
0x35: {  	s10 =	sld [smem:$0x3FB0];
	_ =	sdelay $0x3  }
0x36: {  	p1 =	seq.s32 s10, $0x1;
	s10 =	sld [smem:$0x3FB1];
	_ =	sdelay $0x3  }
0x37: {  	[smem:$0x3FB1] =	sst s10  }
0x38: {  	s10 =	sld [smem:$0x3FB2]  }
0x39: {  	_ = 	snop;
	(pc) =	sbr.ind lr, $3  }
0x3a: {  	_ = 	snop  }
0x3b: {  	_ = 	snop  }
0x3c: {  	p2 =	seq.s32 s10, $0x1;
	s10 =	sld [smem:$0x3FB1]  }
0x3d: {  	_ =	shalt  }
0x3e: {  	_ =	shalt  }
0x3f: {  	_ =	shalt  }
0x40: {  	_ =	shalt  }
0x41: {  	_ =	shalt  }
0x42: {  	_ =	shalt  }
0x43: {  	_ =	shalt  }
0x44: {  	_ =	shalt  }
0x45: {  	_ =	shalt  }
0x46: {  	_ =	shalt  }
0x47: {  	_ =	shalt  }
0x48: {  	_ =	shalt  }
0x49: {  	_ =	shalt  }
0x4a: {  	_ =	shalt  }
0x4b: {  	_ =	shalt  }
0x4c: {  	_ =	shalt  }
0x4d: {  	_ =	shalt  }
0x4e: {  	_ =	shalt  }
0x4f: {  	_ =	shalt  }
0x50: {  	_ =	shalt  }
0x51: {  	_ =	shalt  }
0x52: {  	_ =	shalt  }
0x53: {  	_ =	shalt  }
0x54: {  	_ =	shalt  }
0x55: {  	_ =	shalt  }
0x56: {  	_ =	shalt  }
0x57: {  	_ =	shalt  }
0x58: {  	_ =	shalt  }
0x59: {  	_ =	shalt  }
0x5a: {  	_ =	shalt  }
0x5b: {  	_ =	shalt  }
0x5c: {  	_ =	shalt  }
0x5d: {  	_ =	shalt  }
0x5e: {  	_ =	shalt  }
0x5f: {  	_ =	shalt  }
0x60: {  	_ =	shalt  }
0x61: {  	_ =	shalt  }
0x62: {  	_ =	shalt  }
0x63: {  	_ =	shalt  }
0x64: {  	_ =	shalt  }
0x65: {  	_ =	shalt  }
0x66: {  	_ =	shalt  }
0x67: {  	_ =	shalt  }
0x68: {  	_ =	shalt  }
0x69: {  	_ =	shalt  }
0x6a: {  	_ =	shalt  }
0x6b: {  	_ =	shalt  }
0x6c: {  	_ =	shalt  }
0x6d: {  	_ =	shalt  }
0x6e: {  	_ =	shalt  }
0x6f: {  	_ =	shalt  }
0x70: {  	_ =	shalt  }
0x71: {  	_ =	shalt  }
0x72: {  	_ =	shalt  }
0x73: {  	_ =	shalt  }
0x74: {  	_ =	shalt  }
0x75: {  	_ =	shalt  }
0x76: {  	_ =	shalt  }
0x77: {  	_ =	shalt  }
0x78: {  	_ =	shalt  }
0x79: {  	_ =	shalt  }
0x7a: {  	_ =	shalt  }
0x7b: {  	_ =	shalt  }
0x7c: {  	_ =	shalt  }
0x7d: {  	_ =	shalt  }
0x7e: {  	_ =	shalt  }
0x7f: {  	_ =	shalt  }
0x80: {  	_ =	shalt  }
0x81: {  	_ =	shalt  }
0x82: {  	_ =	shalt  }
0x83: {  	_ =	shalt  }
0x84: {  	_ =	shalt  }
0x85: {  	_ =	shalt  }
0x86: {  	_ =	shalt  }
0x87: {  	_ =	shalt  }
.Lfunc_end0:
.L_simem_size_0:
called_computation_lowered:
.L_overlay_start_0:
0x88: {  	s2 =	sld [smem:$0x3FD9]  }
0x89: {  	s3 =	sld [smem:$0x3FFE];
	_ =	sdelay $0x1  }
0x8a: {  	s1 =	srdreg.scid  }
0x8b: {  	s0 =	sand.u32 $0x1, s1  }
0x8c: {  	s17 =	sshll.u32 s0, $0xA;
	s2 =	sadd.s32 s3, s2  }
0x8d: {  	s2 =	sadd.s32 s2, s17  }
0x8e: {  	[smem:$0x3FBD] =	sst s2  }
0x8f: {  	_ = 	snop  }
0x90: {  	s2 =	sld [smem:$0x3FD0];
	(tm) =	ssettm $0x1  }
0x91: {  	s18 =	sld [smem:$0x3FFB];
	_ =	sdelay $0x3  }
0x92: {  	_ =	strace s18  }
0x93: {  	s3 =	sld [smem:$0x3FFC];
	_ =	sdelay $0x3  }
0x94: {  	_ =	strace s3  }
0x95: {  	s3 =	sld [smem:$0x3FFD];
	_ =	sdelay $0x3  }
0x96: {  	_ =	strace s3  }
0x97: {  	_ =	strace $0x8FFFFFFF  }
0x98: {  	s19 =	sld [smem:$0x3FDB];
	_ =	sdelay $0x1  }
0x99: {  	s4 =	simm.s32 $_scs_section_size  }
0x9a: {  	s5 =	simm.s32 $_size__tile_overlayer_lowered;
	s6 =	simm.s32 $_tile_overlayer_lowered  }
0x9b: {  	s22 =	simm.s32 $0x1BFF;
	s21 =	sshll.u32 s6, $0x1;
	s3 =	sadd.s32 s4, s19  }
0x9c: {  	s7 =	simm.s32 $0x0;
	s20 =	sshll.u32 s5, $0x1;
	s5 =	sadd.s32 s21, s3  }
0x9d: {  	[timem:s7], [sflag:s22] =	dma.local [hbm:s5], s20  }
0x9e: {  	_ =	swait.ge [sflag:s22], s20  }
0x9f: {  	s4 =	ssub.s32 $0x0, s20;
	[sflag:s22] =	ssyncset.done $0x0  }
0xa0: {  	[sflag:s22] =	ssyncadd.s32 s4;
	_ =	sdelay $0x1  }
0xa1: {  	s23 =	simm.s32 $0x1B8B  }
0xa2: {  	_ =	swait.ge [sflag:s23], $0x1  }
0xa3: {  	[sflag:s23] =	ssyncset.done $0x0  }
0xa4: {  	s25 =	simm.s32 $0x1B8E;
	s24 =	sld [smem:$0x3FFE];
	[sflag:s23] =	ssyncadd.s32 $0xFFFFFFFF  }
0xa5: {  	s26 =	simm.s32 $execute0_lowered;
	[smem:$0x3FD2] =	sst s25  }
0xa6: {  	s5 =	sshll.u32 s26, $0x1;
	_ =	strace $0x80000046;
	[dreg:$0x1] =	wrdreg $0xFFFFFFFF  }
0xa7: {  	s28 =	simm.s32 $_size_execute0_lowered;
	s3 =	sadd.s32 s3, s5;
	[dreg:$0x0] =	wrdreg $0x0  }
0xa8: {  	s5 =	sshll.u32 s28, $0x1;
	[dreg:$0x2] =	wrdreg s3  }
0xa9: {  	[dreg:$0x3] =	wrdreg s5  }
0xaa: {  	[dreg:$0x4] =	wrdreg $0xC0  }
0xab: {  	_ =	task [dreg:s7], $0x5FFFF  }
0xac: {  	[dreg:$0x1] =	wrdreg $0xFFFFFFFF  }
0xad: {  	[dreg:$0x0] =	wrdreg $0x60  }
0xae: {  	[dreg:$0x2] =	wrdreg s24  }
0xaf: {  	[dreg:$0x3] =	wrdreg s2  }
0xb0: {  	[dreg:$0x4] =	wrdreg $0x0  }
0xb1: {  	[dreg:$0x5] =	wrdreg $0x9  }
0xb2: {  	_ =	task.clear_ibuf [dreg:s7], $0x6FFFF;
	_ =	strace $0x90000046  }
0xb3: {  	s29 =	simm.s32 $0x9;
	_ =	strace $0x80000048  }
0xb4: {  	_ =	swait.ge [sflag:s29], $0x1  }
0xb5: {  	[sflag:s29] =	ssyncadd.s32 $0xFFFFFFFF  }
0xb6: {  	_ =	strace $0x90000048  }
0xb7: {  	_ =	sfence  }
0xb8: {  	s30 =	sld [smem:$0x0];
	_ =	sdelay $0x2  }
0xb9: {  	s31 =	sshll.u32 s1, $0xD;
	s1 =	sshrl.u32 s1, $0x2  }
0xba: {  	s3 =	sand.u32 $0x4000, s31;
	s1 =	sadd.s32 s1, s30  }
0xbb: {  	s0 =	sor.u32 s3, s0;
	s1 =	sshll.u32 s1, $0x11  }
0xbc: {  	s0 =	sor.u32 s1, s0  }
0xbd: {  	s0 =	sadd.s32 $0x8F2B, s0  }
0xbe: {  	[sflag:s0] =	ssyncadd.remote.s32 $0x1  }
0xbf: {  	_ =	sfence.sel $0xFFFF  }
0xc0: {  	[dreg:$0x0] =	wrdreg $0xFFFFFFFF;
	(pc) =	sbr.abs _section_cstart, $3  }
0xc1: {  	[dreg:$0x1] =	wrdreg $0xFFFFFFFF  }
0xc2: {  	_ =	task.clear_ibuf [dreg:s7], $0x2FFFF;
	_ =	strace $0x9FFFFFFF  }
0xc3: {  	(tm) =	ssettm $0x7FFFFFFF  }
tec
execute0_lowered:
.L_overlay_start_1:
0x0: {  	(tag) =	ssettag $0x1  }
0x1: {  	s0 =	rddreg [dreg:$0x0];
	s20 =	stileid.u32  }
0x2: {  	s2 =	rddreg [dreg:$0x1];
	s22 =	smul.u32 $0xA000, s20  }
0x3: {  	s1 =	rddreg [dreg:$0x2];
	s13 =	smul.u32 $0x500, s20  }
0x4: {  	s4 =	srdreg.scid;
	s19 =	smul.u32 $0x5000, s20  }
0x5: {  	s3 =	simm.s32 $0x0;
	s15 =	sand.u32 $0x1, s4;
	s24 =	smul.u32 $0x2800, s20  }
0x6: {  	[smem:$0x7FF] =	sst s3;
	s18 =	smul.u32 $0x5000, s15  }
0x7: {  	s16 =	sadd.s32 $0x2C00, s0;
	s6 =	sshll.u32 s20, $0x1;
	s26 =	smul.u32 $0x1400, s15  }
0x8: {  	s0 =	sadd.s32 $0x61C00, s0;
	s8 =	sor.u32 s15, s6;
	s21 =	smul.u32 $0x2800, s15  }
0x9: {  	s20 =	simm.s32 $0x2;
	_ =	strace $0x80000047;
	s9 =	smul.u32 $0x2800, s8  }
0xa: {  	s5 =	ssub.s32 $0x2, s15;
	s4 =	sshrl.u32 s22, $0x2;
	s17 =	smul.u32 $0x1400, s8  }
0xb: {  	s23 =	sshrl.u32 s5, $0x1;
	s10 =	smul.u32 $0x280, s8;
	s4 =	sadd.s32 s4, s1  }
0xc: {  	s14 =	ssub.s32 s5, s23;
	s13 =	sadd.s32 s13, s18;
	s23 =	simm.s32 $0x2880  }
0xd: {  	s5 =	sadd.s32 $0x800, s4;
	s6 =	sadd.s32 $0x1000, s4;
	s7 =	sadd.s32 $0x1800, s4  }
0xe: {  	s8 =	sadd.s32 $0x2000, s4;
	s9 =	sadd.s32 s16, s9;
	s12 =	sor.u32 $0x80, s17  }
0xf: {  	s10 =	sadd.s32 s0, s10;
	s13 =	sadd.s32 s2, s13;
	s25 =	sor.u32 $0x100, s17  }
0x10: {  	s14 =	smax.u32 s14, $0x1;
	s17 =	sadd.s32 s26, s24;
	s24 =	simm.s32 $0x80  }
0x11: {  	s26 =	simm.s32 $0x0;
	s11 =	sshll.u32 s12, $0x1;
	s12 =	sshrl.u32 s12, $0x3  }
0x12: {  	s28 =	sshll.u32 s25, $0x1;
	s2 =	sshrl.u32 s25, $0x3;
	s30 =	sor.u32 $0x180, s17  }
0x13: {  	s25 =	simm.s32 $0x1;
	s11 =	sadd.s32 s16, s11;
	s12 =	sadd.s32 s0, s12  }
0x14: {  	s15 =	sadd.s32 s16, s28;
	s16 =	sadd.s32 s19, s16;
	s31 =	sshrl.u32 s30, $0x3  }
0x15: {  	s19 =	simm.s32 $0x2900;
	s29 =	sadd.s32 s21, s16;
	s16 =	sadd.s32 s0, s2  }
0x16: {  	v0 =	vimm.bf16 $0.0e+00;
	s18 =	sadd.s32 s31, s0;
	s21 =	simm.s32 $0x2800;
	s17 =	sadd.s32 $0x300, s29  }
.LBB2_1:
0x17: {  	s0 =	simm.s32 $0x40;
	s2 =	simm.s32 $0x0  }
.LBB2_2:
0x18: {  	p0 =	sne.s32 s0, $0x1FC0;
	[tilespmem:s2+$0x2900] =	vst v0;
	s2 =	smov.u32 s0;
	s0 =	sadd.s32 $0x40, s0  }
.Ltmp0:
0x19: {  	(pc) =	sbr.rel @p0 .LBB2_2-.Ltmp0, $2  }
0x1a: {  	_ =	sdelay $0x2  }
0x1b: {  	s2 =	sshra.s32 s2, $0x2  }
0x1c: {  	[tilespmem:s2+$0x2900] =	vst v0  }
0x1d: {  	[spmem:s4] =	stream.linear.scatter [tilespmem:s19], [sflag:$0x2], $0x800, $0x38;
	[tilespmem:$0x3900] =	vst v63  }
0x1e: {  	_ =	swait.ge [sflag:s20], $0x800  }
0x1f: {  	[sflag:s20] =	ssyncset.done $0x0  }
0x20: {  	[sflag:s20] =	ssyncadd.s32 $0xFFFFF800  }
0x21: {  	[spmem:s5] =	stream.linear.scatter [tilespmem:s19], [sflag:$0x2], $0x800, $0x38;
	[tilespmem:$0x3900] =	vst v63  }
0x22: {  	_ =	swait.ge [sflag:s20], $0x800  }
0x23: {  	[sflag:s20] =	ssyncset.done $0x0  }
0x24: {  	[sflag:s20] =	ssyncadd.s32 $0xFFFFF800  }
0x25: {  	[spmem:s6] =	stream.linear.scatter [tilespmem:s19], [sflag:$0x2], $0x800, $0x38;
	[tilespmem:$0x3900] =	vst v63  }
0x26: {  	_ =	swait.ge [sflag:s20], $0x800  }
0x27: {  	[sflag:s20] =	ssyncset.done $0x0  }
0x28: {  	[sflag:s20] =	ssyncadd.s32 $0xFFFFF800  }
0x29: {  	[spmem:s7] =	stream.linear.scatter [tilespmem:s19], [sflag:$0x2], $0x800, $0x38;
	[tilespmem:$0x3900] =	vst v63  }
0x2a: {  	_ =	swait.ge [sflag:s20], $0x800  }
0x2b: {  	[sflag:s20] =	ssyncset.done $0x0  }
0x2c: {  	[sflag:s20] =	ssyncadd.s32 $0xFFFFF800  }
0x2d: {  	[spmem:s8] =	stream.linear.scatter [tilespmem:s19], [sflag:$0x2], $0x800, $0x38;
	[tilespmem:$0x3900] =	vst v63  }
0x2e: {  	_ =	swait.ge [sflag:s20], $0x800  }
0x2f: {  	[sflag:s20] =	ssyncset.done $0x0  }
0x30: {  	[sflag:s20] =	ssyncadd.s32 $0xFFFFF800  }
0x31: {  	[bflag:$0x0] =	sbarrier.arrive $0xFFFF  }
0x32: {  	[tilespmem:s19], [sflag:$0x2] =	stream.linear.gather [hbm4b:s9+s3], $0x800, $0x38;
	[tilespmem:$0x3900] =	vst v63  }
0x33: {  	_ =	swait.ge [sflag:s20], $0x800  }
0x34: {  	[sflag:s20] =	ssyncset.done $0x0  }
0x35: {  	[sflag:s20] =	ssyncadd.s32 $0xFFFFF800  }
0x36: {  	[tilespmem:s21], [sflag:$0x2] =	stream.linear.gather [hbm4b:s10+s3], $0x80, $0x38;
	[tilespmem:$0x3900] =	vst v63  }
0x37: {  	_ =	swait.ge [sflag:s20], $0x80  }
0x38: {  	[sflag:s20] =	ssyncset.done $0x0  }
0x39: {  	s0 =	simm.s32 $0x3100;
	[sflag:s20] =	ssyncadd.s32 $0xFFFFFF80  }
0x3a: {  	[tilespmem:s0], [sflag:$0x1] =	stream.linear.gather [hbm4b:s11+s3], $0x800, $0x38;
	[tilespmem:$0x3900] =	vst v63  }
0x3b: {  	_ = 	snop  }
0x3c: {  	[tilespmem:s23], [sflag:$0x1] =	stream.linear.gather [hbm4b:s12+s3], $0x80, $0x38;
	[tilespmem:$0x3900] =	vst v63  }
0x3d: {  	_ = 	snop  }
0x3e: {  	[spmem:s1] =	stream.indirect.scatter.add.bf16 [tilespmem:s19], [sflag:$0x2], $0x10, s21, s24, $0xb8;
	[tilespmem:$0x3900] =	vst v63  }
0x3f: {  	_ =	swait.ge [sflag:s20], $0x800  }
0x40: {  	[sflag:s20] =	ssyncset.done $0x0  }
0x41: {  	[sflag:s20] =	ssyncadd.s32 $0xFFFFF800  }
0x42: {  	[tilespmem:s19], [sflag:$0x1] =	stream.linear.gather [hbm4b:s15+s3], $0x800, $0x38;
	[tilespmem:$0x3900] =	vst v63  }
0x43: {  	_ = 	snop  }
0x44: {  	[tilespmem:s21], [sflag:$0x1] =	stream.linear.gather [hbm4b:s16+s3], $0x80, $0x38;
	[tilespmem:$0x3900] =	vst v63  }
0x45: {  	_ =	swait.ge [sflag:s25], $0x800  }
0x46: {  	[sflag:s25] =	ssyncset.done $0x0  }
0x47: {  	s2 =	simm.s32 $0x1;
	[sflag:s25] =	ssyncadd.s32 $0xFFFFF800  }
0x48: {  	s0 =	sand.u32 $0x1, s2;
	_ =	swait.ge [sflag:s25], $0x80  }
0x49: {  	s22 =	sshll.u32 s0, $0xB;
	s0 =	sshll.u32 s0, $0x7;
	[sflag:s25] =	ssyncset.done $0x0  }
0x4a: {  	s28 =	sadd.s32 $0x2900, s22;
	s0 =	sor.u32 $0x2800, s0;
	[sflag:s25] =	ssyncadd.s32 $0xFFFFFF80  }
0x4b: {  	[spmem:s1] =	stream.indirect.scatter.add.bf16 [tilespmem:s28], [sflag:$0x2], $0x10, s0, s24, $0xb8;
	[tilespmem:$0x3900] =	vst v63  }
0x4c: {  	_ =	swait.ge [sflag:s20], $0x800  }
0x4d: {  	p1 =	por $0x0, $0x0;
	[sflag:s20] =	ssyncset.done $0x0  }
0x4e: {  	s29 =	sadd.s32 $0x100, s17;
	s2 =	simm.s32 @!p1 $0x0;
	[sflag:s20] =	ssyncadd.s32 $0xFFFFF800  }
0x4f: {  	[tilespmem:s28], [sflag:$0x1] =	stream.linear.gather @!p1 [hbm4b:s17+s2], $0x800, $0x38;
	[tilespmem:$0x3900] =	vst v63  }
0x50: {  	s30 =	sadd.s32 $0x10, s18;
	s31 =	smov.u32 s18;
	s28 =	simm.s32 $0x2  }
.LBB2_4:
0x51: {  	[tilespmem:s0], [sflag:$0x1] =	stream.linear.gather @!p1 [hbm4b:s31+s2], $0x80, $0x38;
	[tilespmem:$0x3900] =	vst v63  }
0x52: {  	s2 =	smov.u32 s28;
	s28 =	sadd.s32 $0x1, s28;
	_ =	swait.ge [sflag:s25], $0x800  }
0x53: {  	s31 =	smov.u32 s30;
	p0 =	sne.s32 s28, $0x28;
	[sflag:s25] =	ssyncset.done $0x0  }
0x54: {  	[sflag:s25] =	ssyncadd.s32 $0xFFFFF800  }
0x55: {  	s0 =	sand.u32 $0x1, s2;
	_ =	swait.ge [sflag:s25], $0x80  }
0x56: {  	s22 =	sshll.u32 s0, $0xB;
	s0 =	sshll.u32 s0, $0x7;
	[sflag:s25] =	ssyncset.done $0x0  }
0x57: {  	s22 =	sadd.s32 $0x2900, s22;
	s0 =	sor.u32 $0x2800, s0;
	[sflag:s25] =	ssyncadd.s32 $0xFFFFFF80  }
0x58: {  	[spmem:s1] =	stream.indirect.scatter.add.bf16 [tilespmem:s22], [sflag:$0x2], $0x10, s0, s24, $0xb8;
	[tilespmem:$0x3900] =	vst v63  }
.Ltmp1:
0x59: {  	_ =	swait.ge [sflag:s20], $0x800;
	(pc) =	sbr.rel @p0 .LBB2_4-.Ltmp1, $4  }
0x5a: {  	p1 =	sgt.u32 s2, $0x25;
	[sflag:s20] =	ssyncset.done $0x0  }
0x5b: {  	s2 =	simm.s32 @!p1 $0x0;
	[sflag:s20] =	ssyncadd.s32 $0xFFFFF800  }
0x5c: {  	[tilespmem:s22], [sflag:$0x1] =	stream.linear.gather @!p1 [hbm4b:s29+s2], $0x800, $0x38;
	[tilespmem:$0x3900] =	vst v63  }
0x5d: {  	s30 =	sadd.s32 $0x10, s30;
	s29 =	sadd.s32 $0x100, s29  }
0x5e: {  	[tilespmem:s0], [sflag:$0x1] =	stream.linear.gather @!p1 [hbm4b:s31+s2], $0x80, $0x38;
	[tilespmem:$0x3900] =	vst v63  }
0x5f: {  	s30 =	stileid.u32;
	s26 =	sadd.s32 $0x1, s26  }
0x60: {  	s31 =	sshrl.u32 s4, $0x3;
	s0 =	sshll.u32 s30, $0x6;
	p0 =	sne.s32 s26, s14  }
.Ltmp2:
0x61: {  	[bflag:$0x0] =	sbarrier.arrive $0xFFFF;
	s0 =	sor.u32 $0x1C02, s0;
	(pc) =	sbr.rel @p0 .LBB2_1-.Ltmp2, $4  }
0x62: {  	[hbm:s13], [sflag:s0] =	dma.local [spmem:s31], $0x500  }
0x63: {  	_ =	swait.ge [sflag:s20], $0x500  }
0x64: {  	[sflag:s20] =	ssyncset.done $0x0  }
0x65: {  	[sflag:s20] =	ssyncadd.s32 $0xFFFFFB00  }
0x66: {  	_ =	sfence.sel $0x180000  }
0x67: {  	[bflag:$0x0] =	sbarrier.arrive $0xFFFF  }
0x68: {  	_ =	strace $0x90000047  }
0x69: {  	s0 =	stileid.u32;
	[bflag:$0x2] =	sbarrier.arrive $0xFFFF  }
0x6a: {  	p0 =	sne.s32 s0, $0x0;
	s0 =	rddreg [dreg:$0x3]  }
0x6b: {  	s0 =	sadd.s32 @!p0 $0x100000, s0  }
0x6c: {  	[sflag:s0] =	ssyncadd.tile.s32 @!p0 $0x1;
	_ =	shalt  }
.Lfunc_end2:
_tile_overlayer_lowered:
.L_overlay_start_2:
0x6d: {  	(tag) =	ssettag $0x2  }
0x6e: {  	s0 =	rddreg [dreg:$0x0];
	s2 =	stileid.u32  }
0x6f: {  	s1 =	rddreg [dreg:$0x1];
	p0 =	sne.s32 s2, $0x0  }
0x70: {  	s3 =	rddreg [dreg:$0x2];
	[bflag:$0x3] =	sbarrier.arrive $0xFFFF;
	s2 =	simm.s32 @!p0 $0x1C02  }
0x71: {  	[timem:s3], [sflag:s2] =	dma.local @!p0 [hbm:s0], s1  }
0x72: {  	s0 =	simm.s32 @!p0 $0x2  }
0x73: {  	_ =	swait.ge @!p0 [sflag:s0], s1  }
0x74: {  	s1 =	ssub.s32 @!p0 $0x0, s1;
	[sflag:s0] =	ssyncset.done @!p0 $0x0  }
0x75: {  	[sflag:s0] =	ssyncadd.s32 @!p0 s1  }
0x76: {  	[bflag:$0x3] =	sbarrier.arrive $0xFFFF  }
0x77: {  	_ =	shalt  }

</sc_bundles>
